<compile_context>
chip_gen: v7x
topology: tpu7x:2x2x1
jax: 0.10.2.dev20260603
libtpu: 0.0.44.dev20260713+nightly
codegen_flags: <defaults>
</compile_context>

<pallas_src>
import dataclasses
import functools

import jax
import jax.numpy as jnp
from jax import lax
from jax.experimental import pallas as pl
from jax.experimental.pallas import tpu as pltpu
from jax.experimental.pallas import tpu_sc as plsc

F32 = jnp.float32
BN = (1.0 + 1e-5) ** -0.5

N_NODES = 10000
NE = 160000
NE_PAD = 163840
B_PAIRS = 8192
N_PAD = 10240

_mesh = plsc.VectorSubcoreMesh(core_axis_name="c", subcore_axis_name="s")

_sc_params = pltpu.CompilerParams()
if "needs_layout_passes" in pltpu.CompilerParams.__dataclass_fields__:
    _sc_params = dataclasses.replace(_sc_params, needs_layout_passes=False)


def _dot(a, b):
    return jnp.dot(a, b, preferred_element_type=F32)


def _ln(x):
    m = jnp.mean(x, axis=-1, keepdims=True)
    v = jnp.mean((x - m) ** 2, axis=-1, keepdims=True)
    return (x - m) / jnp.sqrt(v + 1e-5)


def _enc_body(x_ref, w0_ref, b0_ref, w1_ref, b1_ref, gw_ref, nodes_ref, x_out_ref):
    z = _dot(x_ref[...], w0_ref[...]) + b0_ref[...]
    a = _ln(BN * jnp.maximum(z, 0.0))
    z = _dot(a, w1_ref[...]) + b1_ref[...]
    b = _ln(BN * jnp.maximum(z, 0.0))
    node = _ln(BN * b)
    nodes_ref[...] = node
    x_out_ref[...] = _dot(node, gw_ref[...])


def _encoder(x, w0t, b0, w1t, b1, gwt, block):
    n, din = x.shape
    dmid = w0t.shape[1]
    grid = (n // block,)
    full = lambda shape: pl.BlockSpec(shape, lambda i: (0, 0))
    return pl.pallas_call(
        _enc_body,
        grid=grid,
        in_specs=[
            pl.BlockSpec((block, din), lambda i: (i, 0)),
            full((din, dmid)),
            full((1, dmid)),
            full((dmid, 256)),
            full((1, 256)),
            full((256, 256)),
        ],
        out_specs=[
            pl.BlockSpec((block, 256), lambda i: (i, 0)),
            pl.BlockSpec((block, 256), lambda i: (i, 0)),
        ],
        out_shape=[
            jax.ShapeDtypeStruct((n, 256), F32),
            jax.ShapeDtypeStruct((n, 256), F32),
        ],
    )(x, w0t, b0, w1t, b1, gwt)


def _prep_body(x_ref, da_ref, db_ref, xs0_ref, xs1_ref, dis_ref):
    deg = da_ref[...] + db_ref[...] + 1.0
    dis = lax.rsqrt(deg)
    xs = x_ref[...] * dis
    xs0_ref[...] = xs[:, :128]
    xs1_ref[...] = xs[:, 128:]
    dis_ref[...] = dis


def _prep(x, dega, degb):
    block = 1000
    grid = (N_NODES // block,)
    return pl.pallas_call(
        _prep_body,
        grid=grid,
        in_specs=[
            pl.BlockSpec((block, 256), lambda i: (i, 0)),
            pl.BlockSpec((block, 1), lambda i: (i, 0)),
            pl.BlockSpec((block, 1), lambda i: (i, 0)),
        ],
        out_specs=[
            pl.BlockSpec((block, 128), lambda i: (i, 0)),
            pl.BlockSpec((block, 128), lambda i: (i, 0)),
            pl.BlockSpec((block, 1), lambda i: (i, 0)),
        ],
        out_shape=[
            jax.ShapeDtypeStruct((N_NODES, 128), F32),
            jax.ShapeDtypeStruct((N_NODES, 128), F32),
            jax.ShapeDtypeStruct((N_NODES, 1), F32),
        ],
    )(x, dega, degb)


def _post_body(a0_ref, a1_ref, dis_ref, gb_ref, out_ref):
    agg = jnp.concatenate([a0_ref[...], a1_ref[...]], axis=1)
    agg = agg * dis_ref[...] + gb_ref[...]
    e = jnp.where(agg > 0.0, agg, jnp.exp(agg) - 1.0)
    out_ref[...] = _ln(BN * e)


def _post(acc0, acc1, dis, gb):
    block = 1000
    grid = (N_NODES // block,)
    return pl.pallas_call(
        _post_body,
        grid=grid,
        in_specs=[
            pl.BlockSpec((block, 128), lambda i: (i, 0)),
            pl.BlockSpec((block, 128), lambda i: (i, 0)),
            pl.BlockSpec((block, 1), lambda i: (i, 0)),
            pl.BlockSpec((1, 256), lambda i: (0, 0)),
        ],
        out_specs=pl.BlockSpec((block, 256), lambda i: (i, 0)),
        out_shape=jax.ShapeDtypeStruct((N_NODES, 256), F32),
    )(acc0, acc1, dis, gb)


def _ban_body(d2_ref, p2_ref, p0_ref, d0_ref, vw_ref, vb_ref, qw_ref, qb_ref,
              hm_ref, hb_ref, pool_ref, attp_ref, w0_ref, b0_ref, w1_ref,
              b1_ref, wo_ref, bo_ref, out_ref):
    v = jnp.maximum(_dot(d2_ref[...], vw_ref[...]) + vb_ref[...], 0.0)
    q = jnp.maximum(_dot(p2_ref[...], qw_ref[...]) + qb_ref[...], 0.0)
    p = v * q
    s = _dot(p, hm_ref[...]) + hb_ref[...]
    ssum = s[:, 0:1] + s[:, 1:2]
    pooled = _dot(p, pool_ref[...])
    logits = ssum * pooled
    ap = attp_ref[...]
    e = jnp.exp(ap - jnp.max(ap))
    a = e / jnp.sum(e)
    pair = (a[0:1, 0:1] * (BN * logits) + a[0:1, 1:2] * p0_ref[...]
            + a[0:1, 2:3] * d0_ref[...])
    pair = BN * jnp.maximum(_dot(pair, w0_ref[...]) + b0_ref[...], 0.0)
    pair = BN * jnp.maximum(_dot(pair, w1_ref[...]) + b1_ref[...], 0.0)
    z = _dot(pair, wo_ref[...]) + bo_ref[...]
    out_ref[...] = 1.0 / (1.0 + jnp.exp(-z))


def _ban(d2, p2, p0, d0, vwt, vb, qwt, qb, hm, hb, pool, attp, w0t, b0, w1t,
         b1, wot, bo):
    block = 1024
    grid = (B_PAIRS // block,)
    rowspec = pl.BlockSpec((block, 256), lambda i: (i, 0))
    full = lambda shape: pl.BlockSpec(shape, lambda i: (0, 0))
    return pl.pallas_call(
        _ban_body,
        grid=grid,
        in_specs=[
            rowspec, rowspec, rowspec, rowspec,
            full((256, 768)), full((1, 768)),
            full((256, 768)), full((1, 768)),
            full((768, 2)), full((1, 2)),
            full((768, 256)), full((1, 3)),
            full((256, 256)), full((1, 256)),
            full((256, 128)), full((1, 128)),
            full((128, 1)), full((1, 1)),
        ],
        out_specs=pl.BlockSpec((block, 1), lambda i: (i, 0)),
        out_shape=jax.ShapeDtypeStruct((B_PAIRS, 1), F32),
    )(d2, p2, p0, d0, vwt, vb, qwt, qb, hm, hb, pool, attp, w0t, b0, w1t, b1,
      wot, bo)


@functools.partial(
    pl.kernel,
    out_type=jax.ShapeDtypeStruct((20480, 16), F32),
    mesh=_mesh,
    scratch_types=[
        pltpu.VMEM((128,), jnp.int32),
        pltpu.VMEM((128,), jnp.int32),
        pltpu.VMEM((128, 16), F32),
        pltpu.VMEM((128, 16), F32),
        pltpu.VMEM_SHARED((10240, 16), F32),
        pltpu.SemaphoreType.DMA,
    ],
)
def _sc_deg(col_hbm, ew16_hbm, zeros_hbm, out_hbm, cv0, cv1, vv0, vv1,
            acc_sh, dsem):
    c = lax.axis_index("c")
    s = lax.axis_index("s")
    cols = (cv0, cv1)
    vals = (vv0, vv1)
    w = c * 16 + s
    pltpu.sync_copy(zeros_hbm.at[pl.ds(s * 640, 640)],
                    acc_sh.at[pl.ds(s * 640, 640)])

    def _body(i, b, do_next):
        bn = (b + 1) % 2
        if do_next:
            d1 = pltpu.async_copy(col_hbm.at[w, i + 1], cols[bn], dsem)
            d2 = pltpu.async_copy(
                ew16_hbm.at[pl.ds((w * 40 + i + 1) * 128, 128)], vals[bn],
                dsem)
        pltpu.sync_copy(vals[b], acc_sh.at[cols[b]], add=True)
        if do_next:
            d1.wait()
            d2.wait()

    pltpu.sync_copy(col_hbm.at[w, 0], cols[0])
    pltpu.sync_copy(ew16_hbm.at[pl.ds(w * 40 * 128, 128)], vals[0])
    plsc.subcore_barrier()

    @pl.loop(0, 38, step=2)
    def _(i):
        for b in range(2):
            _body(i + b, b, True)

    _body(38, 0, True)
    _body(39, 1, False)
    plsc.subcore_barrier()
    pltpu.sync_copy(acc_sh.at[pl.ds(s * 640, 640)],
                    out_hbm.at[pl.ds(c * 10240 + s * 640, 640)])


@functools.partial(
    pl.kernel,
    out_type=jax.ShapeDtypeStruct((2 * N_PAD, 128), F32),
    mesh=_mesh,
    scratch_types=[
        pltpu.VMEM((80, 128), jnp.int32),
        pltpu.VMEM((128, 128), F32),
        pltpu.VMEM((128, 128), F32),
        pltpu.VMEM((128,), jnp.int32),
        pltpu.VMEM((128,), jnp.int32),
        pltpu.VMEM((128,), jnp.int32),
        pltpu.VMEM((128,), F32),
        pltpu.VMEM_SHARED((N_PAD, 128), F32),
        pltpu.SemaphoreType.DMA,
        pltpu.SemaphoreType.DMA,
    ],
    compiler_params=_sc_params,
)
def _sc_scatter(xs_hbm, row_hbm, col_hbm, ew_hbm, out_hbm, row_v, rw0, rw1,
                rbuf0, rbuf1, cbuf, ewb, acc_sh, gsem, dsem):
    c = lax.axis_index("c")
    s = lax.axis_index("s")
    rows = (rw0, rw1)
    rbufs = (rbuf0, rbuf1)

    def _fill_rbuf(ii, b):
        for k in range(8):
            sl = pl.ds(k * 16, 16)
            rbufs[b].at[sl][...] = row_v.at[ii, sl][...]

    def _gissue(b):
        return pltpu.async_copy(xs_hbm.at[rbufs[b]], rows[b], gsem)

    pltpu.sync_copy(row_hbm.at[c, s], row_v)

    @pl.loop(0, 5)
    def _(t):
        r0 = s * 640 + t * 128
        pltpu.sync_copy(xs_hbm.at[pl.ds(c * N_PAD + r0, 128)],
                        acc_sh.at[pl.ds(r0, 128)])

    _fill_rbuf(0, 0)
    _gissue(0).wait()
    plsc.subcore_barrier()

    def _body(ii, b, do_next):
        bn = (b + 1) % 2
        de = pltpu.async_copy(ew_hbm.at[s, ii], ewb, dsem)
        dc = pltpu.async_copy(col_hbm.at[s, ii], cbuf, dsem)
        if do_next:
            _fill_rbuf(ii + 1, bn)
            d = _gissue(bn)
        de.wait()
        z16 = jnp.zeros((16,), jnp.int32)
        rowb = rows[b]

        @pl.loop(0, 128, unroll=4)
        def _(j):
            sv = plsc.load_gather(ewb, [z16 + j])
            for k in range(8):
                sl = (j, pl.ds(k * 16, 16))
                rowb.at[sl][...] = rowb.at[sl][...] * sv

        if do_next:
            d.wait()
        dc.wait()
        pltpu.sync_copy(rowb, acc_sh.at[cbuf], add=True)

    @pl.loop(0, 78, step=2)
    def _(i):
        for b in range(2):
            _body(i + b, b, True)

    _body(78, 0, True)
    _body(79, 1, False)
    plsc.subcore_barrier()

    @pl.loop(0, 5)
    def _(t):
        r0 = s * 640 + t * 128
        pltpu.sync_copy(acc_sh.at[pl.ds(r0, 128)],
                        out_hbm.at[pl.ds(c * N_PAD + r0, 128)])


@functools.partial(
    pl.kernel,
    out_type=jax.ShapeDtypeStruct((2 * B_PAIRS, 256), F32),
    mesh=_mesh,
    scratch_types=[
        pltpu.VMEM((128,), jnp.int32),
        pltpu.VMEM((128,), jnp.int32),
        pltpu.VMEM((128, 256), F32),
        pltpu.SemaphoreType.DMA,
        pltpu.SemaphoreType.DMA,
    ],
)
def _sc_gather(table_hbm, idx_hbm, out_hbm, iv0, iv1, rows_v, sem, dsem):
    c = lax.axis_index("c")
    s = lax.axis_index("s")
    ivs = (iv0, iv1)
    base = (s * 2 + c) * 512

    def _body(i, b, do_next):
        off = base + i * 128
        if do_next:
            d = pltpu.async_copy(idx_hbm.at[pl.ds(off + 128, 128)],
                                 ivs[(b + 1) % 2], dsem)
        pltpu.async_copy(table_hbm.at[ivs[b]], rows_v, sem).wait()
        pltpu.sync_copy(rows_v, out_hbm.at[pl.ds(off, 128)])
        if do_next:
            d.wait()

    pltpu.sync_copy(idx_hbm.at[pl.ds(base, 128)], ivs[0])
    _body(0, 0, True)
    _body(1, 1, True)
    _body(2, 0, True)
    _body(3, 1, False)


def kernel(Proteins, Drugs, edge_index, protein_index, drug_index, edge_weight,
           pW0, pb0, pW1, pb1, dW0, db0, dW1, db1, gW, gb, vW, vb, qW, qb,
           h_mat, h_bias, decW0, decb0, decW1, decb1, outW, outb, att_param):
    i32 = jnp.int32
    npad = NE_PAD - NE
    row = jnp.concatenate([edge_index[0], jnp.zeros((npad,), i32)])
    col = jnp.concatenate([edge_index[1], jnp.zeros((npad,), i32)])
    ew = jnp.concatenate([edge_weight, jnp.zeros((npad,), F32)])
    ew16 = jnp.broadcast_to(ew[:, None], (NE_PAD, 16))
    zeros16 = jnp.zeros((10240, 16), F32)

    deg_flat = _sc_deg(col.reshape(32, 40, 128), ew16, zeros16)
    dega = deg_flat[:N_NODES, 0:1]
    degb = deg_flat[10240:10240 + N_NODES, 0:1]

    nodes_p, x_p = _encoder(Proteins, pW0.T, pb0[None, :], pW1.T, pb1[None, :],
                            gW.T, 1000)
    nodes_d, x_d = _encoder(Drugs, dW0.T, db0[None, :], dW1.T, db1[None, :],
                            gW.T, 1000)
    nodes = jnp.concatenate([nodes_p, nodes_d], axis=0)
    x = jnp.concatenate([x_p, x_d], axis=0)

    idx_all = jnp.concatenate([protein_index, drug_index])
    g0 = _sc_gather(nodes, idx_all)
    p0, d0 = g0[:B_PAIRS], g0[B_PAIRS:]

    xs0, xs1, dis = _prep(x, dega, degb)
    zpad = jnp.zeros((N_PAD - N_NODES, 128), F32)
    xs_flat = jnp.concatenate([xs0, zpad, xs1, zpad], axis=0)
    rowp = jnp.stack([row, row + N_PAD]).reshape(2, 16, 80, 128)
    acc_flat = _sc_scatter(xs_flat, rowp, col.reshape(16, 80, 128),
                           ew.reshape(16, 80, 128))
    nodes2 = _post(acc_flat[:N_NODES], acc_flat[N_PAD:N_PAD + N_NODES], dis,
                   gb[None, :])

    g2 = _sc_gather(nodes2, idx_all)
    p2, d2 = g2[:B_PAIRS], g2[B_PAIRS:]

    hm = h_mat[0, :, 0, :].T
    hb = h_bias[0, :, 0, 0][None, :]
    pool = (jnp.arange(768)[:, None] // 3 == jnp.arange(256)[None, :]).astype(F32)
    attp = att_param[:, 0, 0][None, :]

    out = _ban(d2, p2, p0, d0, vW.T, vb[None, :], qW.T, qb[None, :], hm, hb,
               pool, attp, decW0.T, decb0[None, :], decW1.T, decb1[None, :],
               outW.T, outb[None, :])
    return out.reshape(-1)

# --- scband reference (transcript-rebuilt; emitter-appended) ---
"""Pipeline reference for scband-dti-graph-60859686584473 (READ-ONLY COPY).

The authoritative reference and input builder live on the scoring server;
editing this copy changes nothing except your own understanding.
"""

import jax, jax.numpy as jnp
import numpy as np

P_NUM, D_NUM, N_NODES = 6000, 4000, 10000
N_EDGES = 160000
B_PAIRS = 8192


def setup_inputs(seed: int = 0) -> dict:
    key = jax.random.key(seed)
    ks = jax.random.split(key, 32)
    s = 0.05
    inp = {}
    inp["Proteins"] = jax.random.normal(ks[0], (P_NUM, 1024), dtype=jnp.float32)
    inp["Drugs"] = jax.random.normal(ks[1], (D_NUM, 512), dtype=jnp.float32)
    inp["edge_index"] = jax.random.randint(ks[2], (2, N_EDGES), 0, N_NODES, dtype=jnp.int32)
    inp["protein_index"] = jax.random.randint(ks[3], (B_PAIRS,), 0, P_NUM, dtype=jnp.int32)
    inp["drug_index"] = jax.random.randint(ks[4], (B_PAIRS,), 0, N_NODES, dtype=jnp.int32)
    inp["edge_weight"] = jax.random.uniform(ks[5], (N_EDGES,), dtype=jnp.float32)
    # protein_nn: Linear(1024,512), Linear(512,256)
    inp["pW0"] = jax.random.normal(ks[6], (512, 1024), dtype=jnp.float32) * s
    inp["pb0"] = jnp.zeros((512,), dtype=jnp.float32)
    inp["pW1"] = jax.random.normal(ks[7], (256, 512), dtype=jnp.float32) * s
    inp["pb1"] = jnp.zeros((256,), dtype=jnp.float32)
    # drug_nn: Linear(512,512), Linear(512,256)
    inp["dW0"] = jax.random.normal(ks[8], (512, 512), dtype=jnp.float32) * s
    inp["db0"] = jnp.zeros((512,), dtype=jnp.float32)
    inp["dW1"] = jax.random.normal(ks[9], (256, 512), dtype=jnp.float32) * s
    inp["db1"] = jnp.zeros((256,), dtype=jnp.float32)
    # GCNConv(256,256)
    inp["gW"] = jax.random.normal(ks[10], (256, 256), dtype=jnp.float32) * s
    inp["gb"] = jnp.zeros((256,), dtype=jnp.float32)
    # BANLayer(256,256,h_dim=256,h_out=2,k=3): v_net/q_net Linear(256,768)+ReLU
    inp["vW"] = jax.random.normal(ks[11], (768, 256), dtype=jnp.float32) * s
    inp["vb"] = jnp.zeros((768,), dtype=jnp.float32)
    inp["qW"] = jax.random.normal(ks[12], (768, 256), dtype=jnp.float32) * s
    inp["qb"] = jnp.zeros((768,), dtype=jnp.float32)
    inp["h_mat"] = jax.random.normal(ks[13], (1, 2, 1, 768), dtype=jnp.float32) * s
    inp["h_bias"] = jax.random.normal(ks[14], (1, 2, 1, 1), dtype=jnp.float32) * s
    # decoder MLP: Linear(256,256), Linear(256,128), Linear(128,1)
    inp["decW0"] = jax.random.normal(ks[15], (256, 256), dtype=jnp.float32) * s
    inp["decb0"] = jnp.zeros((256,), dtype=jnp.float32)
    inp["decW1"] = jax.random.normal(ks[16], (128, 256), dtype=jnp.float32) * s
    inp["decb1"] = jnp.zeros((128,), dtype=jnp.float32)
    inp["outW"] = jax.random.normal(ks[17], (1, 128), dtype=jnp.float32) * s
    inp["outb"] = jnp.zeros((1,), dtype=jnp.float32)
    inp["att_param"] = jnp.ones((3, 1, 1), dtype=jnp.float32) / 3.0
    return inp


def _bn_eval(x):
    # BatchNorm1d in eval mode with freshly-initialized running stats (mean=0, var=1)
    return x / jnp.sqrt(1.0 + 1e-5)


def _ln(x):
    m = jnp.mean(x, axis=-1, keepdims=True)
    v = jnp.var(x, axis=-1, keepdims=True)
    return (x - m) / jnp.sqrt(v + 1e-5)


def _forward(Proteins, Drugs, edge_weight, pW0, pb0, pW1, pb1, dW0, db0, dW1, db1,
             gW, gb, vW, vb, qW, qb, h_mat, h_bias, decW0, decb0, decW1, decb1,
             outW, outb, att_param, edge_index, protein_index, drug_index):
    # NN encoders (eval: dropout off): relu(Linear) -> BN -> LN per layer
    ep = _ln(_bn_eval(jax.nn.relu(Proteins @ pW0.T + pb0)))
    ep = _ln(_bn_eval(jax.nn.relu(ep @ pW1.T + pb1)))
    ed = _ln(_bn_eval(jax.nn.relu(Drugs @ dW0.T + db0)))
    ed = _ln(_bn_eval(jax.nn.relu(ed @ dW1.T + db1)))
    nodes = jnp.concatenate([ep, ed], axis=0)
    nodes = _ln(_bn_eval(nodes))
    protein_ori = nodes[protein_index]
    drug_ori = nodes[drug_index]
    # GCNConv(256,256) with self loops + symmetric normalization (gcn_norm)
    N = nodes.shape[0]
    x = nodes @ gW.T
    loops = jnp.arange(N, dtype=edge_index.dtype)
    row = jnp.concatenate([edge_index[0], loops])
    col = jnp.concatenate([edge_index[1], loops])
    ew = jnp.concatenate([edge_weight, jnp.ones((N,), dtype=edge_weight.dtype)])
    deg = jax.ops.segment_sum(ew, col, num_segments=N)
    deg_safe = jnp.where(deg > 0, deg, 1.0)
    dis = jnp.where(deg > 0, deg_safe ** -0.5, 0.0)
    norm = dis[row] * ew * dis[col]
    agg = jnp.zeros_like(x).at[col].add(norm[:, None] * x[row]) + gb
    nodes = _ln(_bn_eval(jax.nn.elu(agg)))
    # DTI decoder with BAN layer (h_dim=256, k=3, h_out=2)
    v_ = jax.nn.relu(nodes[drug_index][:, None, :] @ vW.T + vb)      # [B,1,768]
    q_ = jax.nn.relu(nodes[protein_index][:, None, :] @ qW.T + qb)   # [B,1,768]
    att_maps = jnp.einsum('xhyk,bvk,bqk->bhvq', h_mat, v_, q_) + h_bias  # [B,2,1,1]

    def _pool(att_map):
        fl = jnp.einsum('bvk,bvq,bqk->bk', v_, att_map, q_)  # [B,768]
        # AvgPool1d(k=3, stride=3) * k  == sum over consecutive triples
        return fl.reshape(fl.shape[0], 256, 3).sum(-1)

    logits = _pool(att_maps[:, 0]) + _pool(att_maps[:, 1])
    pair = _bn_eval(logits)
    att = jax.nn.softmax(att_param, axis=0)
    pair = jnp.sum(jnp.stack([pair, protein_ori, drug_ori], axis=0) * att, axis=0)
    pair = _bn_eval(jax.nn.relu(pair @ decW0.T + decb0))
    pair = _bn_eval(jax.nn.relu(pair @ decW1.T + decb1))
    out = jax.nn.sigmoid(pair @ outW.T + outb)
    return out.reshape(-1)


def reference(Proteins, Drugs, edge_index, protein_index, drug_index, edge_weight,
              pW0, pb0, pW1, pb1, dW0, db0, dW1, db1, gW, gb, vW, vb, qW, qb,
              h_mat, h_bias, decW0, decb0, decW1, decb1, outW, outb, att_param):
    return _forward(Proteins, Drugs, edge_weight, pW0, pb0, pW1, pb1, dW0, db0,
                    dW1, db1, gW, gb, vW, vb, qW, qb, h_mat, h_bias, decW0,
                    decb0, decW1, decb1, outW, outb, att_param,
                    edge_index, protein_index, drug_index)

if __name__ == "__main__":
    import jax
    _d = setup_inputs()
    print(jax.jit(kernel)(*tuple(_d.values())))

</pallas_src>

<mosaic_0001>
#map = affine_map<(d0, d1) -> (0, 0)>
#map1 = affine_map<(d0, d1) -> (0, 0, 0, 0)>
#map2 = affine_map<(d0, d1) -> (0, 0, 0)>
module attributes {stable_mosaic.version = 14 : i64} {
  func.func @_sc_scatter(%arg0: i32, %arg1: i32, %arg2: memref<20480x128xf32, #tpu.memory_space<hbm>>, %arg3: memref<2x16x80x128xi32, #tpu.memory_space<hbm>>, %arg4: memref<16x80x128xi32, #tpu.memory_space<hbm>>, %arg5: memref<16x80x128xf32, #tpu.memory_space<hbm>>, %arg6: memref<20480x128xf32, #tpu.memory_space<hbm>>, %arg7: memref<80x128xi32, #tpu.memory_space<vmem>>, %arg8: memref<128x128xf32, #tpu.memory_space<vmem>>, %arg9: memref<128x128xf32, #tpu.memory_space<vmem>>, %arg10: memref<128xi32, #tpu.memory_space<vmem>>, %arg11: memref<128xi32, #tpu.memory_space<vmem>>, %arg12: memref<128xi32, #tpu.memory_space<vmem>>, %arg13: memref<128xf32, #tpu.memory_space<vmem>>, %arg14: memref<10240x128xf32, #tpu.memory_space<vmem_shared>>, %arg15: memref<!tpu.dma_semaphore, #tpu.memory_space<semaphore_mem>>, %arg16: memref<!tpu.dma_semaphore, #tpu.memory_space<semaphore_mem>>) attributes {dimension_semantics = [#tpu.dimension_semantics<core_parallel>, #tpu.dimension_semantics<subcore_parallel>], iteration_bounds = array<i64: 2, 16>, scalar_prefetch = 0 : i64, scratch_operands = 10 : i64, tpu.core_type = #tpu.core_type<sc_vector_subcore>, window_params = [{transform_indices = #map}, {transform_indices = #map1}, {transform_indices = #map2}, {transform_indices = #map2}, {transform_indices = #map}]} {
    "tpu.region"() ({
      %run_scoped3A = tpu.sem_alloc : memref<!tpu.dma_semaphore, #tpu.memory_space<semaphore_mem>>
      %dma_start3A_188 = arith.constant 0 : i32
      %dma_start3A_189 = arith.constant 0 : i32
      %dma_start3A_190 = tpu.memref_slice %arg3[%arg0, %arg1, %dma_start3A_188, %dma_start3A_189] : memref<2x16x80x128xi32, #tpu.memory_space<hbm>> -> memref<1x1x80x128xi32, #tpu.memory_space<hbm>>
      %dma_start3A_191 = tpu.memref_squeeze %dma_start3A_190 : memref<1x1x80x128xi32, #tpu.memory_space<hbm>> -> memref<80x128xi32, #tpu.memory_space<hbm>>
      %dma_start3A_192 = arith.constant 0 : i32
      %dma_start3A_193 = arith.constant 0 : i32
      %dma_start3A_194 = tpu.memref_slice %arg3[%arg0, %arg1, %dma_start3A_192, %dma_start3A_193] : memref<2x16x80x128xi32, #tpu.memory_space<hbm>> -> memref<1x1x80x128xi32, #tpu.memory_space<hbm>>
      %dma_start3A_195 = tpu.memref_squeeze %dma_start3A_194 : memref<1x1x80x128xi32, #tpu.memory_space<hbm>> -> memref<80x128xi32, #tpu.memory_space<hbm>>
      tpu.enqueue_dma source(%dma_start3A_195 : memref<80x128xi32, #tpu.memory_space<hbm>>) target(%arg7 : memref<80x128xi32, #tpu.memory_space<vmem>>) target_semaphore(%run_scoped3A : memref<!tpu.dma_semaphore, #tpu.memory_space<semaphore_mem>>)
      %dma_wait3A_196 = arith.constant 0 : i32
      %dma_wait3A_197 = arith.constant 0 : i32
      %dma_wait3A_198 = tpu.memref_slice %arg3[%arg0, %arg1, %dma_wait3A_196, %dma_wait3A_197] : memref<2x16x80x128xi32, #tpu.memory_space<hbm>> -> memref<1x1x80x128xi32, #tpu.memory_space<hbm>>
      %dma_wait3A_199 = tpu.memref_squeeze %dma_wait3A_198 : memref<1x1x80x128xi32, #tpu.memory_space<hbm>> -> memref<80x128xi32, #tpu.memory_space<hbm>>
      %dma_wait3A_200 = arith.constant 0 : i32
      %dma_wait3A_201 = arith.constant 0 : i32
      %dma_wait3A_202 = tpu.memref_slice %arg3[%arg0, %arg1, %dma_wait3A_200, %dma_wait3A_201] : memref<2x16x80x128xi32, #tpu.memory_space<hbm>> -> memref<1x1x80x128xi32, #tpu.memory_space<hbm>>
      %dma_wait3A_203 = tpu.memref_squeeze %dma_wait3A_202 : memref<1x1x80x128xi32, #tpu.memory_space<hbm>> -> memref<80x128xi32, #tpu.memory_space<hbm>>
      tpu.wait_dma2 semaphore(%run_scoped3A : memref<!tpu.dma_semaphore, #tpu.memory_space<semaphore_mem>>) src(%dma_wait3A_203 : memref<80x128xi32, #tpu.memory_space<hbm>>) dst(%arg7 : memref<80x128xi32, #tpu.memory_space<vmem>>)
      tpu.yield
    }) : () -> ()
    %scan3A = arith.constant 0 : i32
    %scan3A_0 = arith.constant 5 : i32
    %scan3A_1 = arith.addi %scan3A, %scan3A_0 : i32
    %scan3A_2 = arith.constant 1 : i32
    scf.for %scan3A_188 = %scan3A to %scan3A_1 step %scan3A_2  : i32 {
      %mul3A = arith.constant 1 : i32
      %mul3A_189 = arith.muli %scan3A_188, %mul3A : i32
      %add3A = arith.constant 0 : i32
      %add3A_190 = arith.addi %add3A, %mul3A_189 : i32
      %mul3A_191 = arith.constant 640 : i32
      %mul3A_192 = arith.muli %arg1, %mul3A_191 : i32
      %mul3A_193 = arith.constant 128 : i32
      %mul3A_194 = arith.muli %add3A_190, %mul3A_193 : i32
      %add3A_195 = arith.addi %mul3A_192, %mul3A_194 : i32
      %mul3A_196 = arith.constant 10240 : i32
      %mul3A_197 = arith.muli %arg0, %mul3A_196 : i32
      %add3A_198 = arith.addi %mul3A_197, %add3A_195 : i32
      "tpu.region"() ({
        %run_scoped3A = tpu.sem_alloc : memref<!tpu.dma_semaphore, #tpu.memory_space<semaphore_mem>>
        %dma_start3A_199 = arith.constant 0 : i32
        %dma_start3A_200 = tpu.memref_slice %arg14[%add3A_195, %dma_start3A_199] : memref<10240x128xf32, #tpu.memory_space<vmem_shared>> -> memref<128x128xf32, #tpu.memory_space<vmem_shared>>
        %dma_start3A_201 = arith.constant 0 : i32
        %dma_start3A_202 = tpu.memref_slice %arg2[%add3A_198, %dma_start3A_201] : memref<20480x128xf32, #tpu.memory_space<hbm>> -> memref<128x128xf32, #tpu.memory_space<hbm>>
        tpu.enqueue_dma source(%dma_start3A_202 : memref<128x128xf32, #tpu.memory_space<hbm>>) target(%dma_start3A_200 : memref<128x128xf32, #tpu.memory_space<vmem_shared>>) target_semaphore(%run_scoped3A : memref<!tpu.dma_semaphore, #tpu.memory_space<semaphore_mem>>)
        %dma_wait3A_203 = arith.constant 0 : i32
        %dma_wait3A_204 = tpu.memref_slice %arg14[%add3A_195, %dma_wait3A_203] : memref<10240x128xf32, #tpu.memory_space<vmem_shared>> -> memref<128x128xf32, #tpu.memory_space<vmem_shared>>
        %dma_wait3A_205 = arith.constant 0 : i32
        %dma_wait3A_206 = tpu.memref_slice %arg2[%add3A_198, %dma_wait3A_205] : memref<20480x128xf32, #tpu.memory_space<hbm>> -> memref<128x128xf32, #tpu.memory_space<hbm>>
        tpu.wait_dma2 semaphore(%run_scoped3A : memref<!tpu.dma_semaphore, #tpu.memory_space<semaphore_mem>>) src(%dma_wait3A_206 : memref<128x128xf32, #tpu.memory_space<hbm>>) dst(%dma_wait3A_204 : memref<128x128xf32, #tpu.memory_space<vmem_shared>>)
        tpu.yield
      }) : () -> ()
    }
    %scan3A_3 = arith.constant 5 : i32
    %get3A = arith.constant 0 : i32
    %get3A_4 = arith.index_cast %get3A : i32 to index
    %get3A_5 = arith.constant 0 : index
    %get3A_6 = tpu.vector_load %arg7[%get3A_4, %get3A_5] {strides = array<i32>} : memref<80x128xi32, #tpu.memory_space<vmem>>, vector<16xi32>,
    %swap3A = arith.constant 0 : index
    %swap3A_7 = tpu.vector_load %arg10[%swap3A] {strides = array<i32>} : memref<128xi32, #tpu.memory_space<vmem>>, vector<16xi32>,
    tpu.vector_store %arg10[%swap3A], %get3A_6 {strides = array<i32>} : memref<128xi32, #tpu.memory_space<vmem>>, vector<16xi32>,
    %get3A_8 = arith.constant 0 : i32
    %get3A_9 = arith.index_cast %get3A_8 : i32 to index
    %get3A_10 = arith.constant 16 : index
    %get3A_11 = tpu.vector_load %arg7[%get3A_9, %get3A_10] {strides = array<i32>} : memref<80x128xi32, #tpu.memory_space<vmem>>, vector<16xi32>,
    %swap3A_12 = arith.constant 16 : index
    %swap3A_13 = tpu.vector_load %arg10[%swap3A_12] {strides = array<i32>} : memref<128xi32, #tpu.memory_space<vmem>>, vector<16xi32>,
    tpu.vector_store %arg10[%swap3A_12], %get3A_11 {strides = array<i32>} : memref<128xi32, #tpu.memory_space<vmem>>, vector<16xi32>,
    %get3A_14 = arith.constant 0 : i32
    %get3A_15 = arith.index_cast %get3A_14 : i32 to index
    %get3A_16 = arith.constant 32 : index
    %get3A_17 = tpu.vector_load %arg7[%get3A_15, %get3A_16] {strides = array<i32>} : memref<80x128xi32, #tpu.memory_space<vmem>>, vector<16xi32>,
    %swap3A_18 = arith.constant 32 : index
    %swap3A_19 = tpu.vector_load %arg10[%swap3A_18] {strides = array<i32>} : memref<128xi32, #tpu.memory_space<vmem>>, vector<16xi32>,
    tpu.vector_store %arg10[%swap3A_18], %get3A_17 {strides = array<i32>} : memref<128xi32, #tpu.memory_space<vmem>>, vector<16xi32>,
    %get3A_20 = arith.constant 0 : i32
    %get3A_21 = arith.index_cast %get3A_20 : i32 to index
    %get3A_22 = arith.constant 48 : index
    %get3A_23 = tpu.vector_load %arg7[%get3A_21, %get3A_22] {strides = array<i32>} : memref<80x128xi32, #tpu.memory_space<vmem>>, vector<16xi32>,
    %swap3A_24 = arith.constant 48 : index
    %swap3A_25 = tpu.vector_load %arg10[%swap3A_24] {strides = array<i32>} : memref<128xi32, #tpu.memory_space<vmem>>, vector<16xi32>,
    tpu.vector_store %arg10[%swap3A_24], %get3A_23 {strides = array<i32>} : memref<128xi32, #tpu.memory_space<vmem>>, vector<16xi32>,
    %get3A_26 = arith.constant 0 : i32
    %get3A_27 = arith.index_cast %get3A_26 : i32 to index
    %get3A_28 = arith.constant 64 : index
    %get3A_29 = tpu.vector_load %arg7[%get3A_27, %get3A_28] {strides = array<i32>} : memref<80x128xi32, #tpu.memory_space<vmem>>, vector<16xi32>,
    %swap3A_30 = arith.constant 64 : index
    %swap3A_31 = tpu.vector_load %arg10[%swap3A_30] {strides = array<i32>} : memref<128xi32, #tpu.memory_space<vmem>>, vector<16xi32>,
    tpu.vector_store %arg10[%swap3A_30], %get3A_29 {strides = array<i32>} : memref<128xi32, #tpu.memory_space<vmem>>, vector<16xi32>,
    %get3A_32 = arith.constant 0 : i32
    %get3A_33 = arith.index_cast %get3A_32 : i32 to index
    %get3A_34 = arith.constant 80 : index
    %get3A_35 = tpu.vector_load %arg7[%get3A_33, %get3A_34] {strides = array<i32>} : memref<80x128xi32, #tpu.memory_space<vmem>>, vector<16xi32>,
    %swap3A_36 = arith.constant 80 : index
    %swap3A_37 = tpu.vector_load %arg10[%swap3A_36] {strides = array<i32>} : memref<128xi32, #tpu.memory_space<vmem>>, vector<16xi32>,
    tpu.vector_store %arg10[%swap3A_36], %get3A_35 {strides = array<i32>} : memref<128xi32, #tpu.memory_space<vmem>>, vector<16xi32>,
    %get3A_38 = arith.constant 0 : i32
    %get3A_39 = arith.index_cast %get3A_38 : i32 to index
    %get3A_40 = arith.constant 96 : index
    %get3A_41 = tpu.vector_load %arg7[%get3A_39, %get3A_40] {strides = array<i32>} : memref<80x128xi32, #tpu.memory_space<vmem>>, vector<16xi32>,
    %swap3A_42 = arith.constant 96 : index
    %swap3A_43 = tpu.vector_load %arg10[%swap3A_42] {strides = array<i32>} : memref<128xi32, #tpu.memory_space<vmem>>, vector<16xi32>,
    tpu.vector_store %arg10[%swap3A_42], %get3A_41 {strides = array<i32>} : memref<128xi32, #tpu.memory_space<vmem>>, vector<16xi32>,
    %get3A_44 = arith.constant 0 : i32
    %get3A_45 = arith.index_cast %get3A_44 : i32 to index
    %get3A_46 = arith.constant 112 : index
    %get3A_47 = tpu.vector_load %arg7[%get3A_45, %get3A_46] {strides = array<i32>} : memref<80x128xi32, #tpu.memory_space<vmem>>, vector<16xi32>,
    %swap3A_48 = arith.constant 112 : index
    %swap3A_49 = tpu.vector_load %arg10[%swap3A_48] {strides = array<i32>} : memref<128xi32, #tpu.memory_space<vmem>>, vector<16xi32>,
    tpu.vector_store %arg10[%swap3A_48], %get3A_47 {strides = array<i32>} : memref<128xi32, #tpu.memory_space<vmem>>, vector<16xi32>,
    %dma_start3A = arith.constant 0 : i32
    %dma_start3A_50 = arith.constant 0 : i32
    %dma_start3A_51 = tpu.memref_slice %arg2[%dma_start3A, %dma_start3A_50] : memref<20480x128xf32, #tpu.memory_space<hbm>> -> memref<20480x128xf32, #tpu.memory_space<hbm>>
    tpu.enqueue_indirect_dma source(%dma_start3A_51 : memref<20480x128xf32, #tpu.memory_space<hbm>>) target(%arg8 : memref<128x128xf32, #tpu.memory_space<vmem>>) offsets(%arg10 : memref<128xi32, #tpu.memory_space<vmem>>) semaphore(%arg15 : memref<!tpu.dma_semaphore, #tpu.memory_space<semaphore_mem>>)
    %dma_wait3A = arith.constant 0 : i32
    %dma_wait3A_52 = arith.constant 0 : i32
    %dma_wait3A_53 = tpu.memref_slice %arg2[%dma_wait3A, %dma_wait3A_52] : memref<20480x128xf32, #tpu.memory_space<hbm>> -> memref<20480x128xf32, #tpu.memory_space<hbm>>
    tpu.wait_indirect_dma semaphore(%arg15 : memref<!tpu.dma_semaphore, #tpu.memory_space<semaphore_mem>>) src(%dma_wait3A_53 : memref<20480x128xf32, #tpu.memory_space<hbm>>) dst(%arg8 : memref<128x128xf32, #tpu.memory_space<vmem>>)
    %barrier3A = arith.constant 0 : index
    tpu.barrier barrier_id(%barrier3A)
    %scan3A_54 = arith.constant 0 : i32
    %scan3A_55 = arith.constant 39 : i32
    %scan3A_56 = arith.addi %scan3A_54, %scan3A_55 : i32
    %scan3A_57 = arith.constant 1 : i32
    scf.for %scan3A_188 = %scan3A_54 to %scan3A_56 step %scan3A_57  : i32 {
      %mul3A = arith.constant 2 : i32
      %mul3A_189 = arith.muli %scan3A_188, %mul3A : i32
      %add3A = arith.constant 0 : i32
      %add3A_190 = arith.addi %add3A, %mul3A_189 : i32
      %add3A_191 = arith.constant 0 : i32
      %add3A_192 = arith.addi %add3A_190, %add3A_191 : i32
      %dma_start3A_193 = arith.constant 0 : i32
      %dma_start3A_194 = tpu.memref_slice %arg5[%arg1, %add3A_192, %dma_start3A_193] : memref<16x80x128xf32, #tpu.memory_space<hbm>> -> memref<1x1x128xf32, #tpu.memory_space<hbm>>
      %dma_start3A_195 = tpu.memref_squeeze %dma_start3A_194 : memref<1x1x128xf32, #tpu.memory_space<hbm>> -> memref<128xf32, #tpu.memory_space<hbm>>
      %dma_start3A_196 = arith.constant 0 : i32
      %dma_start3A_197 = tpu.memref_slice %arg5[%arg1, %add3A_192, %dma_start3A_196] : memref<16x80x128xf32, #tpu.memory_space<hbm>> -> memref<1x1x128xf32, #tpu.memory_space<hbm>>
      %dma_start3A_198 = tpu.memref_squeeze %dma_start3A_197 : memref<1x1x128xf32, #tpu.memory_space<hbm>> -> memref<128xf32, #tpu.memory_space<hbm>>
      tpu.enqueue_dma source(%dma_start3A_198 : memref<128xf32, #tpu.memory_space<hbm>>) target(%arg13 : memref<128xf32, #tpu.memory_space<vmem>>) target_semaphore(%arg16 : memref<!tpu.dma_semaphore, #tpu.memory_space<semaphore_mem>>)
      %dma_start3A_199 = arith.constant 0 : i32
      %dma_start3A_200 = tpu.memref_slice %arg4[%arg1, %add3A_192, %dma_start3A_199] : memref<16x80x128xi32, #tpu.memory_space<hbm>> -> memref<1x1x128xi32, #tpu.memory_space<hbm>>
      %dma_start3A_201 = tpu.memref_squeeze %dma_start3A_200 : memref<1x1x128xi32, #tpu.memory_space<hbm>> -> memref<128xi32, #tpu.memory_space<hbm>>
      %dma_start3A_202 = arith.constant 0 : i32
      %dma_start3A_203 = tpu.memref_slice %arg4[%arg1, %add3A_192, %dma_start3A_202] : memref<16x80x128xi32, #tpu.memory_space<hbm>> -> memref<1x1x128xi32, #tpu.memory_space<hbm>>
      %dma_start3A_204 = tpu.memref_squeeze %dma_start3A_203 : memref<1x1x128xi32, #tpu.memory_space<hbm>> -> memref<128xi32, #tpu.memory_space<hbm>>
      tpu.enqueue_dma source(%dma_start3A_204 : memref<128xi32, #tpu.memory_space<hbm>>) target(%arg12 : memref<128xi32, #tpu.memory_space<vmem>>) target_semaphore(%arg16 : memref<!tpu.dma_semaphore, #tpu.memory_space<semaphore_mem>>)
      %add3A_205 = arith.constant 1 : i32
      %add3A_206 = arith.addi %add3A_192, %add3A_205 : i32
      %get3A_207 = arith.index_cast %add3A_206 : i32 to index
      %get3A_208 = arith.constant 0 : index
      %get3A_209 = tpu.vector_load %arg7[%get3A_207, %get3A_208] {strides = array<i32>} : memref<80x128xi32, #tpu.memory_space<vmem>>, vector<16xi32>,
      %swap3A_210 = arith.constant 0 : index
      %swap3A_211 = tpu.vector_load %arg11[%swap3A_210] {strides = array<i32>} : memref<128xi32, #tpu.memory_space<vmem>>, vector<16xi32>,
      tpu.vector_store %arg11[%swap3A_210], %get3A_209 {strides = array<i32>} : memref<128xi32, #tpu.memory_space<vmem>>, vector<16xi32>,
      %get3A_212 = arith.index_cast %add3A_206 : i32 to index
      %get3A_213 = arith.constant 16 : index
      %get3A_214 = tpu.vector_load %arg7[%get3A_212, %get3A_213] {strides = array<i32>} : memref<80x128xi32, #tpu.memory_space<vmem>>, vector<16xi32>,
      %swap3A_215 = arith.constant 16 : index
      %swap3A_216 = tpu.vector_load %arg11[%swap3A_215] {strides = array<i32>} : memref<128xi32, #tpu.memory_space<vmem>>, vector<16xi32>,
      tpu.vector_store %arg11[%swap3A_215], %get3A_214 {strides = array<i32>} : memref<128xi32, #tpu.memory_space<vmem>>, vector<16xi32>,
      %get3A_217 = arith.index_cast %add3A_206 : i32 to index
      %get3A_218 = arith.constant 32 : index
      %get3A_219 = tpu.vector_load %arg7[%get3A_217, %get3A_218] {strides = array<i32>} : memref<80x128xi32, #tpu.memory_space<vmem>>, vector<16xi32>,
      %swap3A_220 = arith.constant 32 : index
      %swap3A_221 = tpu.vector_load %arg11[%swap3A_220] {strides = array<i32>} : memref<128xi32, #tpu.memory_space<vmem>>, vector<16xi32>,
      tpu.vector_store %arg11[%swap3A_220], %get3A_219 {strides = array<i32>} : memref<128xi32, #tpu.memory_space<vmem>>, vector<16xi32>,
      %get3A_222 = arith.index_cast %add3A_206 : i32 to index
      %get3A_223 = arith.constant 48 : index
      %get3A_224 = tpu.vector_load %arg7[%get3A_222, %get3A_223] {strides = array<i32>} : memref<80x128xi32, #tpu.memory_space<vmem>>, vector<16xi32>,
      %swap3A_225 = arith.constant 48 : index
      %swap3A_226 = tpu.vector_load %arg11[%swap3A_225] {strides = array<i32>} : memref<128xi32, #tpu.memory_space<vmem>>, vector<16xi32>,
      tpu.vector_store %arg11[%swap3A_225], %get3A_224 {strides = array<i32>} : memref<128xi32, #tpu.memory_space<vmem>>, vector<16xi32>,
      %get3A_227 = arith.index_cast %add3A_206 : i32 to index
      %get3A_228 = arith.constant 64 : index
      %get3A_229 = tpu.vector_load %arg7[%get3A_227, %get3A_228] {strides = array<i32>} : memref<80x128xi32, #tpu.memory_space<vmem>>, vector<16xi32>,
      %swap3A_230 = arith.constant 64 : index
      %swap3A_231 = tpu.vector_load %arg11[%swap3A_230] {strides = array<i32>} : memref<128xi32, #tpu.memory_space<vmem>>, vector<16xi32>,
      tpu.vector_store %arg11[%swap3A_230], %get3A_229 {strides = array<i32>} : memref<128xi32, #tpu.memory_space<vmem>>, vector<16xi32>,
      %get3A_232 = arith.index_cast %add3A_206 : i32 to index
      %get3A_233 = arith.constant 80 : index
      %get3A_234 = tpu.vector_load %arg7[%get3A_232, %get3A_233] {strides = array<i32>} : memref<80x128xi32, #tpu.memory_space<vmem>>, vector<16xi32>,
      %swap3A_235 = arith.constant 80 : index
      %swap3A_236 = tpu.vector_load %arg11[%swap3A_235] {strides = array<i32>} : memref<128xi32, #tpu.memory_space<vmem>>, vector<16xi32>,
      tpu.vector_store %arg11[%swap3A_235], %get3A_234 {strides = array<i32>} : memref<128xi32, #tpu.memory_space<vmem>>, vector<16xi32>,
      %get3A_237 = arith.index_cast %add3A_206 : i32 to index
      %get3A_238 = arith.constant 96 : index
      %get3A_239 = tpu.vector_load %arg7[%get3A_237, %get3A_238] {strides = array<i32>} : memref<80x128xi32, #tpu.memory_space<vmem>>, vector<16xi32>,
      %swap3A_240 = arith.constant 96 : index
      %swap3A_241 = tpu.vector_load %arg11[%swap3A_240] {strides = array<i32>} : memref<128xi32, #tpu.memory_space<vmem>>, vector<16xi32>,
      tpu.vector_store %arg11[%swap3A_240], %get3A_239 {strides = array<i32>} : memref<128xi32, #tpu.memory_space<vmem>>, vector<16xi32>,
      %get3A_242 = arith.index_cast %add3A_206 : i32 to index
      %get3A_243 = arith.constant 112 : index
      %get3A_244 = tpu.vector_load %arg7[%get3A_242, %get3A_243] {strides = array<i32>} : memref<80x128xi32, #tpu.memory_space<vmem>>, vector<16xi32>,
      %swap3A_245 = arith.constant 112 : index
      %swap3A_246 = tpu.vector_load %arg11[%swap3A_245] {strides = array<i32>} : memref<128xi32, #tpu.memory_space<vmem>>, vector<16xi32>,
      tpu.vector_store %arg11[%swap3A_245], %get3A_244 {strides = array<i32>} : memref<128xi32, #tpu.memory_space<vmem>>, vector<16xi32>,
      %dma_start3A_247 = arith.constant 0 : i32
      %dma_start3A_248 = arith.constant 0 : i32
      %dma_start3A_249 = tpu.memref_slice %arg2[%dma_start3A_247, %dma_start3A_248] : memref<20480x128xf32, #tpu.memory_space<hbm>> -> memref<20480x128xf32, #tpu.memory_space<hbm>>
      tpu.enqueue_indirect_dma source(%dma_start3A_249 : memref<20480x128xf32, #tpu.memory_space<hbm>>) target(%arg9 : memref<128x128xf32, #tpu.memory_space<vmem>>) offsets(%arg11 : memref<128xi32, #tpu.memory_space<vmem>>) semaphore(%arg15 : memref<!tpu.dma_semaphore, #tpu.memory_space<semaphore_mem>>)
      %dma_wait3A_250 = arith.constant 0 : i32
      %dma_wait3A_251 = tpu.memref_slice %arg5[%arg1, %add3A_192, %dma_wait3A_250] : memref<16x80x128xf32, #tpu.memory_space<hbm>> -> memref<1x1x128xf32, #tpu.memory_space<hbm>>
      %dma_wait3A_252 = tpu.memref_squeeze %dma_wait3A_251 : memref<1x1x128xf32, #tpu.memory_space<hbm>> -> memref<128xf32, #tpu.memory_space<hbm>>
      %dma_wait3A_253 = arith.constant 0 : i32
      %dma_wait3A_254 = tpu.memref_slice %arg5[%arg1, %add3A_192, %dma_wait3A_253] : memref<16x80x128xf32, #tpu.memory_space<hbm>> -> memref<1x1x128xf32, #tpu.memory_space<hbm>>
      %dma_wait3A_255 = tpu.memref_squeeze %dma_wait3A_254 : memref<1x1x128xf32, #tpu.memory_space<hbm>> -> memref<128xf32, #tpu.memory_space<hbm>>
      tpu.wait_dma2 semaphore(%arg16 : memref<!tpu.dma_semaphore, #tpu.memory_space<semaphore_mem>>) src(%dma_wait3A_255 : memref<128xf32, #tpu.memory_space<hbm>>) dst(%arg13 : memref<128xf32, #tpu.memory_space<vmem>>)
      %broadcast_in_dim3A_256 = arith.constant 0 : i32
      %broadcast_in_dim3A_257 = vector.broadcast %broadcast_in_dim3A_256 : i32 to vector<16xi32>
      %scan3A_258 = arith.constant 0 : i32
      %scan3A_259 = arith.constant 128 : i32
      %scan3A_260 = arith.addi %scan3A_258, %scan3A_259 : i32
      %scan3A_261 = arith.constant 4 : i32
      scf.for %scan3A_353 = %scan3A_258 to %scan3A_260 step %scan3A_261  : i32 {
        %mul3A_354 = arith.constant 1 : i32
        %mul3A_355 = arith.muli %scan3A_353, %mul3A_354 : i32
        %add3A_356 = arith.constant 0 : i32
        %add3A_357 = arith.addi %add3A_356, %mul3A_355 : i32
        %add3A_358 = vector.broadcast %add3A_357 : i32 to vector<16xi32>
        %add3A_359 = arith.addi %broadcast_in_dim3A_257, %add3A_358 : vector<16xi32>
        %gather3A = tpu.vector_load_idx %arg13[%add3A_359] : memref<128xf32, #tpu.memory_space<vmem>>[vector<16xi32>], vector<16xf32>,
        %get3A_360 = arith.index_cast %add3A_357 : i32 to index
        %get3A_361 = arith.constant 0 : index
        %get3A_362 = tpu.vector_load %arg8[%get3A_360, %get3A_361] {strides = array<i32>} : memref<128x128xf32, #tpu.memory_space<vmem>>, vector<16xf32>,
        %mul3A_363 = arith.mulf %get3A_362, %gather3A : vector<16xf32>
        %swap3A_364 = arith.index_cast %add3A_357 : i32 to index
        %swap3A_365 = arith.constant 0 : index
        %swap3A_366 = tpu.vector_load %arg8[%swap3A_364, %swap3A_365] {strides = array<i32>} : memref<128x128xf32, #tpu.memory_space<vmem>>, vector<16xf32>,
        tpu.vector_store %arg8[%swap3A_364, %swap3A_365], %mul3A_363 {strides = array<i32>} : memref<128x128xf32, #tpu.memory_space<vmem>>, vector<16xf32>,
        %get3A_367 = arith.index_cast %add3A_357 : i32 to index
        %get3A_368 = arith.constant 16 : index
        %get3A_369 = tpu.vector_load %arg8[%get3A_367, %get3A_368] {strides = array<i32>} : memref<128x128xf32, #tpu.memory_space<vmem>>, vector<16xf32>,
        %mul3A_370 = arith.mulf %get3A_369, %gather3A : vector<16xf32>
        %swap3A_371 = arith.index_cast %add3A_357 : i32 to index
        %swap3A_372 = arith.constant 16 : index
        %swap3A_373 = tpu.vector_load %arg8[%swap3A_371, %swap3A_372] {strides = array<i32>} : memref<128x128xf32, #tpu.memory_space<vmem>>, vector<16xf32>,
        tpu.vector_store %arg8[%swap3A_371, %swap3A_372], %mul3A_370 {strides = array<i32>} : memref<128x128xf32, #tpu.memory_space<vmem>>, vector<16xf32>,
        %get3A_374 = arith.index_cast %add3A_357 : i32 to index
        %get3A_375 = arith.constant 32 : index
        %get3A_376 = tpu.vector_load %arg8[%get3A_374, %get3A_375] {strides = array<i32>} : memref<128x128xf32, #tpu.memory_space<vmem>>, vector<16xf32>,
        %mul3A_377 = arith.mulf %get3A_376, %gather3A : vector<16xf32>
        %swap3A_378 = arith.index_cast %add3A_357 : i32 to index
        %swap3A_379 = arith.constant 32 : index
        %swap3A_380 = tpu.vector_load %arg8[%swap3A_378, %swap3A_379] {strides = array<i32>} : memref<128x128xf32, #tpu.memory_space<vmem>>, vector<16xf32>,
        tpu.vector_store %arg8[%swap3A_378, %swap3A_379], %mul3A_377 {strides = array<i32>} : memref<128x128xf32, #tpu.memory_space<vmem>>, vector<16xf32>,
        %get3A_381 = arith.index_cast %add3A_357 : i32 to index
        %get3A_382 = arith.constant 48 : index
        %get3A_383 = tpu.vector_load %arg8[%get3A_381, %get3A_382] {strides = array<i32>} : memref<128x128xf32, #tpu.memory_space<vmem>>, vector<16xf32>,
        %mul3A_384 = arith.mulf %get3A_383, %gather3A : vector<16xf32>
        %swap3A_385 = arith.index_cast %add3A_357 : i32 to index
        %swap3A_386 = arith.constant 48 : index
        %swap3A_387 = tpu.vector_load %arg8[%swap3A_385, %swap3A_386] {strides = array<i32>} : memref<128x128xf32, #tpu.memory_space<vmem>>, vector<16xf32>,
        tpu.vector_store %arg8[%swap3A_385, %swap3A_386], %mul3A_384 {strides = array<i32>} : memref<128x128xf32, #tpu.memory_space<vmem>>, vector<16xf32>,
        %get3A_388 = arith.index_cast %add3A_357 : i32 to index
        %get3A_389 = arith.constant 64 : index
        %get3A_390 = tpu.vector_load %arg8[%get3A_388, %get3A_389] {strides = array<i32>} : memref<128x128xf32, #tpu.memory_space<vmem>>, vector<16xf32>,
        %mul3A_391 = arith.mulf %get3A_390, %gather3A : vector<16xf32>
        %swap3A_392 = arith.index_cast %add3A_357 : i32 to index
        %swap3A_393 = arith.constant 64 : index
        %swap3A_394 = tpu.vector_load %arg8[%swap3A_392, %swap3A_393] {strides = array<i32>} : memref<128x128xf32, #tpu.memory_space<vmem>>, vector<16xf32>,
        tpu.vector_store %arg8[%swap3A_392, %swap3A_393], %mul3A_391 {strides = array<i32>} : memref<128x128xf32, #tpu.memory_space<vmem>>, vector<16xf32>,
        %get3A_395 = arith.index_cast %add3A_357 : i32 to index
        %get3A_396 = arith.constant 80 : index
        %get3A_397 = tpu.vector_load %arg8[%get3A_395, %get3A_396] {strides = array<i32>} : memref<128x128xf32, #tpu.memory_space<vmem>>, vector<16xf32>,
        %mul3A_398 = arith.mulf %get3A_397, %gather3A : vector<16xf32>
        %swap3A_399 = arith.index_cast %add3A_357 : i32 to index
        %swap3A_400 = arith.constant 80 : index
        %swap3A_401 = tpu.vector_load %arg8[%swap3A_399, %swap3A_400] {strides = array<i32>} : memref<128x128xf32, #tpu.memory_space<vmem>>, vector<16xf32>,
        tpu.vector_store %arg8[%swap3A_399, %swap3A_400], %mul3A_398 {strides = array<i32>} : memref<128x128xf32, #tpu.memory_space<vmem>>, vector<16xf32>,
        %get3A_402 = arith.index_cast %add3A_357 : i32 to index
        %get3A_403 = arith.constant 96 : index
        %get3A_404 = tpu.vector_load %arg8[%get3A_402, %get3A_403] {strides = array<i32>} : memref<128x128xf32, #tpu.memory_space<vmem>>, vector<16xf32>,
        %mul3A_405 = arith.mulf %get3A_404, %gather3A : vector<16xf32>
        %swap3A_406 = arith.index_cast %add3A_357 : i32 to index
        %swap3A_407 = arith.constant 96 : index
        %swap3A_408 = tpu.vector_load %arg8[%swap3A_406, %swap3A_407] {strides = array<i32>} : memref<128x128xf32, #tpu.memory_space<vmem>>, vector<16xf32>,
        tpu.vector_store %arg8[%swap3A_406, %swap3A_407], %mul3A_405 {strides = array<i32>} : memref<128x128xf32, #tpu.memory_space<vmem>>, vector<16xf32>,
        %get3A_409 = arith.index_cast %add3A_357 : i32 to index
        %get3A_410 = arith.constant 112 : index
        %get3A_411 = tpu.vector_load %arg8[%get3A_409, %get3A_410] {strides = array<i32>} : memref<128x128xf32, #tpu.memory_space<vmem>>, vector<16xf32>,
        %mul3A_412 = arith.mulf %get3A_411, %gather3A : vector<16xf32>
        %swap3A_413 = arith.index_cast %add3A_357 : i32 to index
        %swap3A_414 = arith.constant 112 : index
        %swap3A_415 = tpu.vector_load %arg8[%swap3A_413, %swap3A_414] {strides = array<i32>} : memref<128x128xf32, #tpu.memory_space<vmem>>, vector<16xf32>,
        tpu.vector_store %arg8[%swap3A_413, %swap3A_414], %mul3A_412 {strides = array<i32>} : memref<128x128xf32, #tpu.memory_space<vmem>>, vector<16xf32>,
        %scan3A_416 = arith.constant 1 : i32
        %scan3A_417 = arith.addi %scan3A_353, %scan3A_416 : i32
        %mul3A_418 = arith.constant 1 : i32
        %mul3A_419 = arith.muli %scan3A_417, %mul3A_418 : i32
        %add3A_420 = arith.constant 0 : i32
        %add3A_421 = arith.addi %add3A_420, %mul3A_419 : i32
        %add3A_422 = vector.broadcast %add3A_421 : i32 to vector<16xi32>
        %add3A_423 = arith.addi %broadcast_in_dim3A_257, %add3A_422 : vector<16xi32>
        %gather3A_424 = tpu.vector_load_idx %arg13[%add3A_423] : memref<128xf32, #tpu.memory_space<vmem>>[vector<16xi32>], vector<16xf32>,
        %get3A_425 = arith.index_cast %add3A_421 : i32 to index
        %get3A_426 = arith.constant 0 : index
        %get3A_427 = tpu.vector_load %arg8[%get3A_425, %get3A_426] {strides = array<i32>} : memref<128x128xf32, #tpu.memory_space<vmem>>, vector<16xf32>,
        %mul3A_428 = arith.mulf %get3A_427, %gather3A_424 : vector<16xf32>
        %swap3A_429 = arith.index_cast %add3A_421 : i32 to index
        %swap3A_430 = arith.constant 0 : index
        %swap3A_431 = tpu.vector_load %arg8[%swap3A_429, %swap3A_430] {strides = array<i32>} : memref<128x128xf32, #tpu.memory_space<vmem>>, vector<16xf32>,
        tpu.vector_store %arg8[%swap3A_429, %swap3A_430], %mul3A_428 {strides = array<i32>} : memref<128x128xf32, #tpu.memory_space<vmem>>, vector<16xf32>,
        %get3A_432 = arith.index_cast %add3A_421 : i32 to index
        %get3A_433 = arith.constant 16 : index
        %get3A_434 = tpu.vector_load %arg8[%get3A_432, %get3A_433] {strides = array<i32>} : memref<128x128xf32, #tpu.memory_space<vmem>>, vector<16xf32>,
        %mul3A_435 = arith.mulf %get3A_434, %gather3A_424 : vector<16xf32>
        %swap3A_436 = arith.index_cast %add3A_421 : i32 to index
        %swap3A_437 = arith.constant 16 : index
        %swap3A_438 = tpu.vector_load %arg8[%swap3A_436, %swap3A_437] {strides = array<i32>} : memref<128x128xf32, #tpu.memory_space<vmem>>, vector<16xf32>,
        tpu.vector_store %arg8[%swap3A_436, %swap3A_437], %mul3A_435 {strides = array<i32>} : memref<128x128xf32, #tpu.memory_space<vmem>>, vector<16xf32>,
        %get3A_439 = arith.index_cast %add3A_421 : i32 to index
        %get3A_440 = arith.constant 32 : index
        %get3A_441 = tpu.vector_load %arg8[%get3A_439, %get3A_440] {strides = array<i32>} : memref<128x128xf32, #tpu.memory_space<vmem>>, vector<16xf32>,
        %mul3A_442 = arith.mulf %get3A_441, %gather3A_424 : vector<16xf32>
        %swap3A_443 = arith.index_cast %add3A_421 : i32 to index
        %swap3A_444 = arith.constant 32 : index
        %swap3A_445 = tpu.vector_load %arg8[%swap3A_443, %swap3A_444] {strides = array<i32>} : memref<128x128xf32, #tpu.memory_space<vmem>>, vector<16xf32>,
        tpu.vector_store %arg8[%swap3A_443, %swap3A_444], %mul3A_442 {strides = array<i32>} : memref<128x128xf32, #tpu.memory_space<vmem>>, vector<16xf32>,
        %get3A_446 = arith.index_cast %add3A_421 : i32 to index
        %get3A_447 = arith.constant 48 : index
        %get3A_448 = tpu.vector_load %arg8[%get3A_446, %get3A_447] {strides = array<i32>} : memref<128x128xf32, #tpu.memory_space<vmem>>, vector<16xf32>,
        %mul3A_449 = arith.mulf %get3A_448, %gather3A_424 : vector<16xf32>
        %swap3A_450 = arith.index_cast %add3A_421 : i32 to index
        %swap3A_451 = arith.constant 48 : index
        %swap3A_452 = tpu.vector_load %arg8[%swap3A_450, %swap3A_451] {strides = array<i32>} : memref<128x128xf32, #tpu.memory_space<vmem>>, vector<16xf32>,
        tpu.vector_store %arg8[%swap3A_450, %swap3A_451], %mul3A_449 {strides = array<i32>} : memref<128x128xf32, #tpu.memory_space<vmem>>, vector<16xf32>,
        %get3A_453 = arith.index_cast %add3A_421 : i32 to index
        %get3A_454 = arith.constant 64 : index
        %get3A_455 = tpu.vector_load %arg8[%get3A_453, %get3A_454] {strides = array<i32>} : memref<128x128xf32, #tpu.memory_space<vmem>>, vector<16xf32>,
        %mul3A_456 = arith.mulf %get3A_455, %gather3A_424 : vector<16xf32>
        %swap3A_457 = arith.index_cast %add3A_421 : i32 to index
        %swap3A_458 = arith.constant 64 : index
        %swap3A_459 = tpu.vector_load %arg8[%swap3A_457, %swap3A_458] {strides = array<i32>} : memref<128x128xf32, #tpu.memory_space<vmem>>, vector<16xf32>,
        tpu.vector_store %arg8[%swap3A_457, %swap3A_458], %mul3A_456 {strides = array<i32>} : memref<128x128xf32, #tpu.memory_space<vmem>>, vector<16xf32>,
        %get3A_460 = arith.index_cast %add3A_421 : i32 to index
        %get3A_461 = arith.constant 80 : index
        %get3A_462 = tpu.vector_load %arg8[%get3A_460, %get3A_461] {strides = array<i32>} : memref<128x128xf32, #tpu.memory_space<vmem>>, vector<16xf32>,
        %mul3A_463 = arith.mulf %get3A_462, %gather3A_424 : vector<16xf32>
        %swap3A_464 = arith.index_cast %add3A_421 : i32 to index
        %swap3A_465 = arith.constant 80 : index
        %swap3A_466 = tpu.vector_load %arg8[%swap3A_464, %swap3A_465] {strides = array<i32>} : memref<128x128xf32, #tpu.memory_space<vmem>>, vector<16xf32>,
        tpu.vector_store %arg8[%swap3A_464, %swap3A_465], %mul3A_463 {strides = array<i32>} : memref<128x128xf32, #tpu.memory_space<vmem>>, vector<16xf32>,
        %get3A_467 = arith.index_cast %add3A_421 : i32 to index
        %get3A_468 = arith.constant 96 : index
        %get3A_469 = tpu.vector_load %arg8[%get3A_467, %get3A_468] {strides = array<i32>} : memref<128x128xf32, #tpu.memory_space<vmem>>, vector<16xf32>,
        %mul3A_470 = arith.mulf %get3A_469, %gather3A_424 : vector<16xf32>
        %swap3A_471 = arith.index_cast %add3A_421 : i32 to index
        %swap3A_472 = arith.constant 96 : index
        %swap3A_473 = tpu.vector_load %arg8[%swap3A_471, %swap3A_472] {strides = array<i32>} : memref<128x128xf32, #tpu.memory_space<vmem>>, vector<16xf32>,
        tpu.vector_store %arg8[%swap3A_471, %swap3A_472], %mul3A_470 {strides = array<i32>} : memref<128x128xf32, #tpu.memory_space<vmem>>, vector<16xf32>,
        %get3A_474 = arith.index_cast %add3A_421 : i32 to index
        %get3A_475 = arith.constant 112 : index
        %get3A_476 = tpu.vector_load %arg8[%get3A_474, %get3A_475] {strides = array<i32>} : memref<128x128xf32, #tpu.memory_space<vmem>>, vector<16xf32>,
        %mul3A_477 = arith.mulf %get3A_476, %gather3A_424 : vector<16xf32>
        %swap3A_478 = arith.index_cast %add3A_421 : i32 to index
        %swap3A_479 = arith.constant 112 : index
        %swap3A_480 = tpu.vector_load %arg8[%swap3A_478, %swap3A_479] {strides = array<i32>} : memref<128x128xf32, #tpu.memory_space<vmem>>, vector<16xf32>,
        tpu.vector_store %arg8[%swap3A_478, %swap3A_479], %mul3A_477 {strides = array<i32>} : memref<128x128xf32, #tpu.memory_space<vmem>>, vector<16xf32>,
        %scan3A_481 = arith.constant 2 : i32
        %scan3A_482 = arith.addi %scan3A_353, %scan3A_481 : i32
        %mul3A_483 = arith.constant 1 : i32
        %mul3A_484 = arith.muli %scan3A_482, %mul3A_483 : i32
        %add3A_485 = arith.constant 0 : i32
        %add3A_486 = arith.addi %add3A_485, %mul3A_484 : i32
        %add3A_487 = vector.broadcast %add3A_486 : i32 to vector<16xi32>
        %add3A_488 = arith.addi %broadcast_in_dim3A_257, %add3A_487 : vector<16xi32>
        %gather3A_489 = tpu.vector_load_idx %arg13[%add3A_488] : memref<128xf32, #tpu.memory_space<vmem>>[vector<16xi32>], vector<16xf32>,
        %get3A_490 = arith.index_cast %add3A_486 : i32 to index
        %get3A_491 = arith.constant 0 : index
        %get3A_492 = tpu.vector_load %arg8[%get3A_490, %get3A_491] {strides = array<i32>} : memref<128x128xf32, #tpu.memory_space<vmem>>, vector<16xf32>,
        %mul3A_493 = arith.mulf %get3A_492, %gather3A_489 : vector<16xf32>
        %swap3A_494 = arith.index_cast %add3A_486 : i32 to index
        %swap3A_495 = arith.constant 0 : index
        %swap3A_496 = tpu.vector_load %arg8[%swap3A_494, %swap3A_495] {strides = array<i32>} : memref<128x128xf32, #tpu.memory_space<vmem>>, vector<16xf32>,
        tpu.vector_store %arg8[%swap3A_494, %swap3A_495], %mul3A_493 {strides = array<i32>} : memref<128x128xf32, #tpu.memory_space<vmem>>, vector<16xf32>,
        %get3A_497 = arith.index_cast %add3A_486 : i32 to index
        %get3A_498 = arith.constant 16 : index
        %get3A_499 = tpu.vector_load %arg8[%get3A_497, %get3A_498] {strides = array<i32>} : memref<128x128xf32, #tpu.memory_space<vmem>>, vector<16xf32>,
        %mul3A_500 = arith.mulf %get3A_499, %gather3A_489 : vector<16xf32>
        %swap3A_501 = arith.index_cast %add3A_486 : i32 to index
        %swap3A_502 = arith.constant 16 : index
        %swap3A_503 = tpu.vector_load %arg8[%swap3A_501, %swap3A_502] {strides = array<i32>} : memref<128x128xf32, #tpu.memory_space<vmem>>, vector<16xf32>,
        tpu.vector_store %arg8[%swap3A_501, %swap3A_502], %mul3A_500 {strides = array<i32>} : memref<128x128xf32, #tpu.memory_space<vmem>>, vector<16xf32>,
        %get3A_504 = arith.index_cast %add3A_486 : i32 to index
        %get3A_505 = arith.constant 32 : index
        %get3A_506 = tpu.vector_load %arg8[%get3A_504, %get3A_505] {strides = array<i32>} : memref<128x128xf32, #tpu.memory_space<vmem>>, vector<16xf32>,
        %mul3A_507 = arith.mulf %get3A_506, %gather3A_489 : vector<16xf32>
        %swap3A_508 = arith.index_cast %add3A_486 : i32 to index
        %swap3A_509 = arith.constant 32 : index
        %swap3A_510 = tpu.vector_load %arg8[%swap3A_508, %swap3A_509] {strides = array<i32>} : memref<128x128xf32, #tpu.memory_space<vmem>>, vector<16xf32>,
        tpu.vector_store %arg8[%swap3A_508, %swap3A_509], %mul3A_507 {strides = array<i32>} : memref<128x128xf32, #tpu.memory_space<vmem>>, vector<16xf32>,
        %get3A_511 = arith.index_cast %add3A_486 : i32 to index
        %get3A_512 = arith.constant 48 : index
        %get3A_513 = tpu.vector_load %arg8[%get3A_511, %get3A_512] {strides = array<i32>} : memref<128x128xf32, #tpu.memory_space<vmem>>, vector<16xf32>,
        %mul3A_514 = arith.mulf %get3A_513, %gather3A_489 : vector<16xf32>
        %swap3A_515 = arith.index_cast %add3A_486 : i32 to index
        %swap3A_516 = arith.constant 48 : index
        %swap3A_517 = tpu.vector_load %arg8[%swap3A_515, %swap3A_516] {strides = array<i32>} : memref<128x128xf32, #tpu.memory_space<vmem>>, vector<16xf32>,
        tpu.vector_store %arg8[%swap3A_515, %swap3A_516], %mul3A_514 {strides = array<i32>} : memref<128x128xf32, #tpu.memory_space<vmem>>, vector<16xf32>,
        %get3A_518 = arith.index_cast %add3A_486 : i32 to index
        %get3A_519 = arith.constant 64 : index
        %get3A_520 = tpu.vector_load %arg8[%get3A_518, %get3A_519] {strides = array<i32>} : memref<128x128xf32, #tpu.memory_space<vmem>>, vector<16xf32>,
        %mul3A_521 = arith.mulf %get3A_520, %gather3A_489 : vector<16xf32>
        %swap3A_522 = arith.index_cast %add3A_486 : i32 to index
        %swap3A_523 = arith.constant 64 : index
        %swap3A_524 = tpu.vector_load %arg8[%swap3A_522, %swap3A_523] {strides = array<i32>} : memref<128x128xf32, #tpu.memory_space<vmem>>, vector<16xf32>,
        tpu.vector_store %arg8[%swap3A_522, %swap3A_523], %mul3A_521 {strides = array<i32>} : memref<128x128xf32, #tpu.memory_space<vmem>>, vector<16xf32>,
        %get3A_525 = arith.index_cast %add3A_486 : i32 to index
        %get3A_526 = arith.constant 80 : index
        %get3A_527 = tpu.vector_load %arg8[%get3A_525, %get3A_526] {strides = array<i32>} : memref<128x128xf32, #tpu.memory_space<vmem>>, vector<16xf32>,
        %mul3A_528 = arith.mulf %get3A_527, %gather3A_489 : vector<16xf32>
        %swap3A_529 = arith.index_cast %add3A_486 : i32 to index
        %swap3A_530 = arith.constant 80 : index
        %swap3A_531 = tpu.vector_load %arg8[%swap3A_529, %swap3A_530] {strides = array<i32>} : memref<128x128xf32, #tpu.memory_space<vmem>>, vector<16xf32>,
        tpu.vector_store %arg8[%swap3A_529, %swap3A_530], %mul3A_528 {strides = array<i32>} : memref<128x128xf32, #tpu.memory_space<vmem>>, vector<16xf32>,
        %get3A_532 = arith.index_cast %add3A_486 : i32 to index
        %get3A_533 = arith.constant 96 : index
        %get3A_534 = tpu.vector_load %arg8[%get3A_532, %get3A_533] {strides = array<i32>} : memref<128x128xf32, #tpu.memory_space<vmem>>, vector<16xf32>,
        %mul3A_535 = arith.mulf %get3A_534, %gather3A_489 : vector<16xf32>
        %swap3A_536 = arith.index_cast %add3A_486 : i32 to index
        %swap3A_537 = arith.constant 96 : index
        %swap3A_538 = tpu.vector_load %arg8[%swap3A_536, %swap3A_537] {strides = array<i32>} : memref<128x128xf32, #tpu.memory_space<vmem>>, vector<16xf32>,
        tpu.vector_store %arg8[%swap3A_536, %swap3A_537], %mul3A_535 {strides = array<i32>} : memref<128x128xf32, #tpu.memory_space<vmem>>, vector<16xf32>,
        %get3A_539 = arith.index_cast %add3A_486 : i32 to index
        %get3A_540 = arith.constant 112 : index
        %get3A_541 = tpu.vector_load %arg8[%get3A_539, %get3A_540] {strides = array<i32>} : memref<128x128xf32, #tpu.memory_space<vmem>>, vector<16xf32>,
        %mul3A_542 = arith.mulf %get3A_541, %gather3A_489 : vector<16xf32>
        %swap3A_543 = arith.index_cast %add3A_486 : i32 to index
        %swap3A_544 = arith.constant 112 : index
        %swap3A_545 = tpu.vector_load %arg8[%swap3A_543, %swap3A_544] {strides = array<i32>} : memref<128x128xf32, #tpu.memory_space<vmem>>, vector<16xf32>,
        tpu.vector_store %arg8[%swap3A_543, %swap3A_544], %mul3A_542 {strides = array<i32>} : memref<128x128xf32, #tpu.memory_space<vmem>>, vector<16xf32>,
        %scan3A_546 = arith.constant 3 : i32
        %scan3A_547 = arith.addi %scan3A_353, %scan3A_546 : i32
        %mul3A_548 = arith.constant 1 : i32
        %mul3A_549 = arith.muli %scan3A_547, %mul3A_548 : i32
        %add3A_550 = arith.constant 0 : i32
        %add3A_551 = arith.addi %add3A_550, %mul3A_549 : i32
        %add3A_552 = vector.broadcast %add3A_551 : i32 to vector<16xi32>
        %add3A_553 = arith.addi %broadcast_in_dim3A_257, %add3A_552 : vector<16xi32>
        %gather3A_554 = tpu.vector_load_idx %arg13[%add3A_553] : memref<128xf32, #tpu.memory_space<vmem>>[vector<16xi32>], vector<16xf32>,
        %get3A_555 = arith.index_cast %add3A_551 : i32 to index
        %get3A_556 = arith.constant 0 : index
        %get3A_557 = tpu.vector_load %arg8[%get3A_555, %get3A_556] {strides = array<i32>} : memref<128x128xf32, #tpu.memory_space<vmem>>, vector<16xf32>,
        %mul3A_558 = arith.mulf %get3A_557, %gather3A_554 : vector<16xf32>
        %swap3A_559 = arith.index_cast %add3A_551 : i32 to index
        %swap3A_560 = arith.constant 0 : index
        %swap3A_561 = tpu.vector_load %arg8[%swap3A_559, %swap3A_560] {strides = array<i32>} : memref<128x128xf32, #tpu.memory_space<vmem>>, vector<16xf32>,
        tpu.vector_store %arg8[%swap3A_559, %swap3A_560], %mul3A_558 {strides = array<i32>} : memref<128x128xf32, #tpu.memory_space<vmem>>, vector<16xf32>,
        %get3A_562 = arith.index_cast %add3A_551 : i32 to index
        %get3A_563 = arith.constant 16 : index
        %get3A_564 = tpu.vector_load %arg8[%get3A_562, %get3A_563] {strides = array<i32>} : memref<128x128xf32, #tpu.memory_space<vmem>>, vector<16xf32>,
        %mul3A_565 = arith.mulf %get3A_564, %gather3A_554 : vector<16xf32>
        %swap3A_566 = arith.index_cast %add3A_551 : i32 to index
        %swap3A_567 = arith.constant 16 : index
        %swap3A_568 = tpu.vector_load %arg8[%swap3A_566, %swap3A_567] {strides = array<i32>} : memref<128x128xf32, #tpu.memory_space<vmem>>, vector<16xf32>,
        tpu.vector_store %arg8[%swap3A_566, %swap3A_567], %mul3A_565 {strides = array<i32>} : memref<128x128xf32, #tpu.memory_space<vmem>>, vector<16xf32>,
        %get3A_569 = arith.index_cast %add3A_551 : i32 to index
        %get3A_570 = arith.constant 32 : index
        %get3A_571 = tpu.vector_load %arg8[%get3A_569, %get3A_570] {strides = array<i32>} : memref<128x128xf32, #tpu.memory_space<vmem>>, vector<16xf32>,
        %mul3A_572 = arith.mulf %get3A_571, %gather3A_554 : vector<16xf32>
        %swap3A_573 = arith.index_cast %add3A_551 : i32 to index
        %swap3A_574 = arith.constant 32 : index
        %swap3A_575 = tpu.vector_load %arg8[%swap3A_573, %swap3A_574] {strides = array<i32>} : memref<128x128xf32, #tpu.memory_space<vmem>>, vector<16xf32>,
        tpu.vector_store %arg8[%swap3A_573, %swap3A_574], %mul3A_572 {strides = array<i32>} : memref<128x128xf32, #tpu.memory_space<vmem>>, vector<16xf32>,
        %get3A_576 = arith.index_cast %add3A_551 : i32 to index
        %get3A_577 = arith.constant 48 : index
        %get3A_578 = tpu.vector_load %arg8[%get3A_576, %get3A_577] {strides = array<i32>} : memref<128x128xf32, #tpu.memory_space<vmem>>, vector<16xf32>,
        %mul3A_579 = arith.mulf %get3A_578, %gather3A_554 : vector<16xf32>
        %swap3A_580 = arith.index_cast %add3A_551 : i32 to index
        %swap3A_581 = arith.constant 48 : index
        %swap3A_582 = tpu.vector_load %arg8[%swap3A_580, %swap3A_581] {strides = array<i32>} : memref<128x128xf32, #tpu.memory_space<vmem>>, vector<16xf32>,
        tpu.vector_store %arg8[%swap3A_580, %swap3A_581], %mul3A_579 {strides = array<i32>} : memref<128x128xf32, #tpu.memory_space<vmem>>, vector<16xf32>,
        %get3A_583 = arith.index_cast %add3A_551 : i32 to index
        %get3A_584 = arith.constant 64 : index
        %get3A_585 = tpu.vector_load %arg8[%get3A_583, %get3A_584] {strides = array<i32>} : memref<128x128xf32, #tpu.memory_space<vmem>>, vector<16xf32>,
        %mul3A_586 = arith.mulf %get3A_585, %gather3A_554 : vector<16xf32>
        %swap3A_587 = arith.index_cast %add3A_551 : i32 to index
        %swap3A_588 = arith.constant 64 : index
        %swap3A_589 = tpu.vector_load %arg8[%swap3A_587, %swap3A_588] {strides = array<i32>} : memref<128x128xf32, #tpu.memory_space<vmem>>, vector<16xf32>,
        tpu.vector_store %arg8[%swap3A_587, %swap3A_588], %mul3A_586 {strides = array<i32>} : memref<128x128xf32, #tpu.memory_space<vmem>>, vector<16xf32>,
        %get3A_590 = arith.index_cast %add3A_551 : i32 to index
        %get3A_591 = arith.constant 80 : index
        %get3A_592 = tpu.vector_load %arg8[%get3A_590, %get3A_591] {strides = array<i32>} : memref<128x128xf32, #tpu.memory_space<vmem>>, vector<16xf32>,
        %mul3A_593 = arith.mulf %get3A_592, %gather3A_554 : vector<16xf32>
        %swap3A_594 = arith.index_cast %add3A_551 : i32 to index
        %swap3A_595 = arith.constant 80 : index
        %swap3A_596 = tpu.vector_load %arg8[%swap3A_594, %swap3A_595] {strides = array<i32>} : memref<128x128xf32, #tpu.memory_space<vmem>>, vector<16xf32>,
        tpu.vector_store %arg8[%swap3A_594, %swap3A_595], %mul3A_593 {strides = array<i32>} : memref<128x128xf32, #tpu.memory_space<vmem>>, vector<16xf32>,
        %get3A_597 = arith.index_cast %add3A_551 : i32 to index
        %get3A_598 = arith.constant 96 : index
        %get3A_599 = tpu.vector_load %arg8[%get3A_597, %get3A_598] {strides = array<i32>} : memref<128x128xf32, #tpu.memory_space<vmem>>, vector<16xf32>,
        %mul3A_600 = arith.mulf %get3A_599, %gather3A_554 : vector<16xf32>
        %swap3A_601 = arith.index_cast %add3A_551 : i32 to index
        %swap3A_602 = arith.constant 96 : index
        %swap3A_603 = tpu.vector_load %arg8[%swap3A_601, %swap3A_602] {strides = array<i32>} : memref<128x128xf32, #tpu.memory_space<vmem>>, vector<16xf32>,
        tpu.vector_store %arg8[%swap3A_601, %swap3A_602], %mul3A_600 {strides = array<i32>} : memref<128x128xf32, #tpu.memory_space<vmem>>, vector<16xf32>,
        %get3A_604 = arith.index_cast %add3A_551 : i32 to index
        %get3A_605 = arith.constant 112 : index
        %get3A_606 = tpu.vector_load %arg8[%get3A_604, %get3A_605] {strides = array<i32>} : memref<128x128xf32, #tpu.memory_space<vmem>>, vector<16xf32>,
        %mul3A_607 = arith.mulf %get3A_606, %gather3A_554 : vector<16xf32>
        %swap3A_608 = arith.index_cast %add3A_551 : i32 to index
        %swap3A_609 = arith.constant 112 : index
        %swap3A_610 = tpu.vector_load %arg8[%swap3A_608, %swap3A_609] {strides = array<i32>} : memref<128x128xf32, #tpu.memory_space<vmem>>, vector<16xf32>,
        tpu.vector_store %arg8[%swap3A_608, %swap3A_609], %mul3A_607 {strides = array<i32>} : memref<128x128xf32, #tpu.memory_space<vmem>>, vector<16xf32>,
      }
      %scan3A_262 = arith.constant 128 : i32
      %dma_wait3A_263 = arith.constant 0 : i32
      %dma_wait3A_264 = arith.constant 0 : i32
      %dma_wait3A_265 = tpu.memref_slice %arg2[%dma_wait3A_263, %dma_wait3A_264] : memref<20480x128xf32, #tpu.memory_space<hbm>> -> memref<20480x128xf32, #tpu.memory_space<hbm>>
      tpu.wait_indirect_dma semaphore(%arg15 : memref<!tpu.dma_semaphore, #tpu.memory_space<semaphore_mem>>) src(%dma_wait3A_265 : memref<20480x128xf32, #tpu.memory_space<hbm>>) dst(%arg9 : memref<128x128xf32, #tpu.memory_space<vmem>>)
      %dma_wait3A_266 = arith.constant 0 : i32
      %dma_wait3A_267 = tpu.memref_slice %arg4[%arg1, %add3A_192, %dma_wait3A_266] : memref<16x80x128xi32, #tpu.memory_space<hbm>> -> memref<1x1x128xi32, #tpu.memory_space<hbm>>
      %dma_wait3A_268 = tpu.memref_squeeze %dma_wait3A_267 : memref<1x1x128xi32, #tpu.memory_space<hbm>> -> memref<128xi32, #tpu.memory_space<hbm>>
      %dma_wait3A_269 = arith.constant 0 : i32
      %dma_wait3A_270 = tpu.memref_slice %arg4[%arg1, %add3A_192, %dma_wait3A_269] : memref<16x80x128xi32, #tpu.memory_space<hbm>> -> memref<1x1x128xi32, #tpu.memory_space<hbm>>
      %dma_wait3A_271 = tpu.memref_squeeze %dma_wait3A_270 : memref<1x1x128xi32, #tpu.memory_space<hbm>> -> memref<128xi32, #tpu.memory_space<hbm>>
      tpu.wait_dma2 semaphore(%arg16 : memref<!tpu.dma_semaphore, #tpu.memory_space<semaphore_mem>>) src(%dma_wait3A_271 : memref<128xi32, #tpu.memory_space<hbm>>) dst(%arg12 : memref<128xi32, #tpu.memory_space<vmem>>)
      "tpu.region"() ({
        %run_scoped3A = tpu.sem_alloc : memref<!tpu.dma_semaphore, #tpu.memory_space<semaphore_mem>>
        %dma_start3A_353 = arith.constant 0 : i32
        %dma_start3A_354 = arith.constant 0 : i32
        %dma_start3A_355 = tpu.memref_slice %arg14[%dma_start3A_353, %dma_start3A_354] : memref<10240x128xf32, #tpu.memory_space<vmem_shared>> -> memref<10240x128xf32, #tpu.memory_space<vmem_shared>>
        tpu.enqueue_indirect_dma source(%arg8 : memref<128x128xf32, #tpu.memory_space<vmem>>) target(%dma_start3A_355 : memref<10240x128xf32, #tpu.memory_space<vmem_shared>>) offsets(%arg12 : memref<128xi32, #tpu.memory_space<vmem>>) semaphore(%run_scoped3A : memref<!tpu.dma_semaphore, #tpu.memory_space<semaphore_mem>>) {add = true}
        %dma_wait3A_356 = arith.constant 0 : i32
        %dma_wait3A_357 = arith.constant 0 : i32
        %dma_wait3A_358 = tpu.memref_slice %arg14[%dma_wait3A_356, %dma_wait3A_357] : memref<10240x128xf32, #tpu.memory_space<vmem_shared>> -> memref<10240x128xf32, #tpu.memory_space<vmem_shared>>
        tpu.wait_indirect_dma semaphore(%run_scoped3A : memref<!tpu.dma_semaphore, #tpu.memory_space<semaphore_mem>>) src(%arg8 : memref<128x128xf32, #tpu.memory_space<vmem>>) dst(%dma_wait3A_358 : memref<10240x128xf32, #tpu.memory_space<vmem_shared>>)
        tpu.yield
      }) : () -> ()
      %add3A_272 = arith.constant 1 : i32
      %add3A_273 = arith.addi %add3A_190, %add3A_272 : i32
      %dma_start3A_274 = arith.constant 0 : i32
      %dma_start3A_275 = tpu.memref_slice %arg5[%arg1, %add3A_273, %dma_start3A_274] : memref<16x80x128xf32, #tpu.memory_space<hbm>> -> memref<1x1x128xf32, #tpu.memory_space<hbm>>
      %dma_start3A_276 = tpu.memref_squeeze %dma_start3A_275 : memref<1x1x128xf32, #tpu.memory_space<hbm>> -> memref<128xf32, #tpu.memory_space<hbm>>
      %dma_start3A_277 = arith.constant 0 : i32
      %dma_start3A_278 = tpu.memref_slice %arg5[%arg1, %add3A_273, %dma_start3A_277] : memref<16x80x128xf32, #tpu.memory_space<hbm>> -> memref<1x1x128xf32, #tpu.memory_space<hbm>>
      %dma_start3A_279 = tpu.memref_squeeze %dma_start3A_278 : memref<1x1x128xf32, #tpu.memory_space<hbm>> -> memref<128xf32, #tpu.memory_space<hbm>>
      tpu.enqueue_dma source(%dma_start3A_279 : memref<128xf32, #tpu.memory_space<hbm>>) target(%arg13 : memref<128xf32, #tpu.memory_space<vmem>>) target_semaphore(%arg16 : memref<!tpu.dma_semaphore, #tpu.memory_space<semaphore_mem>>)
      %dma_start3A_280 = arith.constant 0 : i32
      %dma_start3A_281 = tpu.memref_slice %arg4[%arg1, %add3A_273, %dma_start3A_280] : memref<16x80x128xi32, #tpu.memory_space<hbm>> -> memref<1x1x128xi32, #tpu.memory_space<hbm>>
      %dma_start3A_282 = tpu.memref_squeeze %dma_start3A_281 : memref<1x1x128xi32, #tpu.memory_space<hbm>> -> memref<128xi32, #tpu.memory_space<hbm>>
      %dma_start3A_283 = arith.constant 0 : i32
      %dma_start3A_284 = tpu.memref_slice %arg4[%arg1, %add3A_273, %dma_start3A_283] : memref<16x80x128xi32, #tpu.memory_space<hbm>> -> memref<1x1x128xi32, #tpu.memory_space<hbm>>
      %dma_start3A_285 = tpu.memref_squeeze %dma_start3A_284 : memref<1x1x128xi32, #tpu.memory_space<hbm>> -> memref<128xi32, #tpu.memory_space<hbm>>
      tpu.enqueue_dma source(%dma_start3A_285 : memref<128xi32, #tpu.memory_space<hbm>>) target(%arg12 : memref<128xi32, #tpu.memory_space<vmem>>) target_semaphore(%arg16 : memref<!tpu.dma_semaphore, #tpu.memory_space<semaphore_mem>>)
      %add3A_286 = arith.constant 1 : i32
      %add3A_287 = arith.addi %add3A_273, %add3A_286 : i32
      %get3A_288 = arith.index_cast %add3A_287 : i32 to index
      %get3A_289 = arith.constant 0 : index
      %get3A_290 = tpu.vector_load %arg7[%get3A_288, %get3A_289] {strides = array<i32>} : memref<80x128xi32, #tpu.memory_space<vmem>>, vector<16xi32>,
      %swap3A_291 = arith.constant 0 : index
      %swap3A_292 = tpu.vector_load %arg10[%swap3A_291] {strides = array<i32>} : memref<128xi32, #tpu.memory_space<vmem>>, vector<16xi32>,
      tpu.vector_store %arg10[%swap3A_291], %get3A_290 {strides = array<i32>} : memref<128xi32, #tpu.memory_space<vmem>>, vector<16xi32>,
      %get3A_293 = arith.index_cast %add3A_287 : i32 to index
      %get3A_294 = arith.constant 16 : index
      %get3A_295 = tpu.vector_load %arg7[%get3A_293, %get3A_294] {strides = array<i32>} : memref<80x128xi32, #tpu.memory_space<vmem>>, vector<16xi32>,
      %swap3A_296 = arith.constant 16 : index
      %swap3A_297 = tpu.vector_load %arg10[%swap3A_296] {strides = array<i32>} : memref<128xi32, #tpu.memory_space<vmem>>, vector<16xi32>,
      tpu.vector_store %arg10[%swap3A_296], %get3A_295 {strides = array<i32>} : memref<128xi32, #tpu.memory_space<vmem>>, vector<16xi32>,
      %get3A_298 = arith.index_cast %add3A_287 : i32 to index
      %get3A_299 = arith.constant 32 : index
      %get3A_300 = tpu.vector_load %arg7[%get3A_298, %get3A_299] {strides = array<i32>} : memref<80x128xi32, #tpu.memory_space<vmem>>, vector<16xi32>,
      %swap3A_301 = arith.constant 32 : index
      %swap3A_302 = tpu.vector_load %arg10[%swap3A_301] {strides = array<i32>} : memref<128xi32, #tpu.memory_space<vmem>>, vector<16xi32>,
      tpu.vector_store %arg10[%swap3A_301], %get3A_300 {strides = array<i32>} : memref<128xi32, #tpu.memory_space<vmem>>, vector<16xi32>,
      %get3A_303 = arith.index_cast %add3A_287 : i32 to index
      %get3A_304 = arith.constant 48 : index
      %get3A_305 = tpu.vector_load %arg7[%get3A_303, %get3A_304] {strides = array<i32>} : memref<80x128xi32, #tpu.memory_space<vmem>>, vector<16xi32>,
      %swap3A_306 = arith.constant 48 : index
      %swap3A_307 = tpu.vector_load %arg10[%swap3A_306] {strides = array<i32>} : memref<128xi32, #tpu.memory_space<vmem>>, vector<16xi32>,
      tpu.vector_store %arg10[%swap3A_306], %get3A_305 {strides = array<i32>} : memref<128xi32, #tpu.memory_space<vmem>>, vector<16xi32>,
      %get3A_308 = arith.index_cast %add3A_287 : i32 to index
      %get3A_309 = arith.constant 64 : index
      %get3A_310 = tpu.vector_load %arg7[%get3A_308, %get3A_309] {strides = array<i32>} : memref<80x128xi32, #tpu.memory_space<vmem>>, vector<16xi32>,
      %swap3A_311 = arith.constant 64 : index
      %swap3A_312 = tpu.vector_load %arg10[%swap3A_311] {strides = array<i32>} : memref<128xi32, #tpu.memory_space<vmem>>, vector<16xi32>,
      tpu.vector_store %arg10[%swap3A_311], %get3A_310 {strides = array<i32>} : memref<128xi32, #tpu.memory_space<vmem>>, vector<16xi32>,
      %get3A_313 = arith.index_cast %add3A_287 : i32 to index
      %get3A_314 = arith.constant 80 : index
      %get3A_315 = tpu.vector_load %arg7[%get3A_313, %get3A_314] {strides = array<i32>} : memref<80x128xi32, #tpu.memory_space<vmem>>, vector<16xi32>,
      %swap3A_316 = arith.constant 80 : index
      %swap3A_317 = tpu.vector_load %arg10[%swap3A_316] {strides = array<i32>} : memref<128xi32, #tpu.memory_space<vmem>>, vector<16xi32>,
      tpu.vector_store %arg10[%swap3A_316], %get3A_315 {strides = array<i32>} : memref<128xi32, #tpu.memory_space<vmem>>, vector<16xi32>,
      %get3A_318 = arith.index_cast %add3A_287 : i32 to index
      %get3A_319 = arith.constant 96 : index
      %get3A_320 = tpu.vector_load %arg7[%get3A_318, %get3A_319] {strides = array<i32>} : memref<80x128xi32, #tpu.memory_space<vmem>>, vector<16xi32>,
      %swap3A_321 = arith.constant 96 : index
      %swap3A_322 = tpu.vector_load %arg10[%swap3A_321] {strides = array<i32>} : memref<128xi32, #tpu.memory_space<vmem>>, vector<16xi32>,
      tpu.vector_store %arg10[%swap3A_321], %get3A_320 {strides = array<i32>} : memref<128xi32, #tpu.memory_space<vmem>>, vector<16xi32>,
      %get3A_323 = arith.index_cast %add3A_287 : i32 to index
      %get3A_324 = arith.constant 112 : index
      %get3A_325 = tpu.vector_load %arg7[%get3A_323, %get3A_324] {strides = array<i32>} : memref<80x128xi32, #tpu.memory_space<vmem>>, vector<16xi32>,
      %swap3A_326 = arith.constant 112 : index
      %swap3A_327 = tpu.vector_load %arg10[%swap3A_326] {strides = array<i32>} : memref<128xi32, #tpu.memory_space<vmem>>, vector<16xi32>,
      tpu.vector_store %arg10[%swap3A_326], %get3A_325 {strides = array<i32>} : memref<128xi32, #tpu.memory_space<vmem>>, vector<16xi32>,
      %dma_start3A_328 = arith.constant 0 : i32
      %dma_start3A_329 = arith.constant 0 : i32
      %dma_start3A_330 = tpu.memref_slice %arg2[%dma_start3A_328, %dma_start3A_329] : memref<20480x128xf32, #tpu.memory_space<hbm>> -> memref<20480x128xf32, #tpu.memory_space<hbm>>
      tpu.enqueue_indirect_dma source(%dma_start3A_330 : memref<20480x128xf32, #tpu.memory_space<hbm>>) target(%arg8 : memref<128x128xf32, #tpu.memory_space<vmem>>) offsets(%arg10 : memref<128xi32, #tpu.memory_space<vmem>>) semaphore(%arg15 : memref<!tpu.dma_semaphore, #tpu.memory_space<semaphore_mem>>)
      %dma_wait3A_331 = arith.constant 0 : i32
      %dma_wait3A_332 = tpu.memref_slice %arg5[%arg1, %add3A_273, %dma_wait3A_331] : memref<16x80x128xf32, #tpu.memory_space<hbm>> -> memref<1x1x128xf32, #tpu.memory_space<hbm>>
      %dma_wait3A_333 = tpu.memref_squeeze %dma_wait3A_332 : memref<1x1x128xf32, #tpu.memory_space<hbm>> -> memref<128xf32, #tpu.memory_space<hbm>>
      %dma_wait3A_334 = arith.constant 0 : i32
      %dma_wait3A_335 = tpu.memref_slice %arg5[%arg1, %add3A_273, %dma_wait3A_334] : memref<16x80x128xf32, #tpu.memory_space<hbm>> -> memref<1x1x128xf32, #tpu.memory_space<hbm>>
      %dma_wait3A_336 = tpu.memref_squeeze %dma_wait3A_335 : memref<1x1x128xf32, #tpu.memory_space<hbm>> -> memref<128xf32, #tpu.memory_space<hbm>>
      tpu.wait_dma2 semaphore(%arg16 : memref<!tpu.dma_semaphore, #tpu.memory_space<semaphore_mem>>) src(%dma_wait3A_336 : memref<128xf32, #tpu.memory_space<hbm>>) dst(%arg13 : memref<128xf32, #tpu.memory_space<vmem>>)
      %broadcast_in_dim3A_337 = arith.constant 0 : i32
      %broadcast_in_dim3A_338 = vector.broadcast %broadcast_in_dim3A_337 : i32 to vector<16xi32>
      %scan3A_339 = arith.constant 0 : i32
      %scan3A_340 = arith.constant 128 : i32
      %scan3A_341 = arith.addi %scan3A_339, %scan3A_340 : i32
      %scan3A_342 = arith.constant 4 : i32
      scf.for %scan3A_353 = %scan3A_339 to %scan3A_341 step %scan3A_342  : i32 {
        %mul3A_354 = arith.constant 1 : i32
        %mul3A_355 = arith.muli %scan3A_353, %mul3A_354 : i32
        %add3A_356 = arith.constant 0 : i32
        %add3A_357 = arith.addi %add3A_356, %mul3A_355 : i32
        %add3A_358 = vector.broadcast %add3A_357 : i32 to vector<16xi32>
        %add3A_359 = arith.addi %broadcast_in_dim3A_338, %add3A_358 : vector<16xi32>
        %gather3A = tpu.vector_load_idx %arg13[%add3A_359] : memref<128xf32, #tpu.memory_space<vmem>>[vector<16xi32>], vector<16xf32>,
        %get3A_360 = arith.index_cast %add3A_357 : i32 to index
        %get3A_361 = arith.constant 0 : index
        %get3A_362 = tpu.vector_load %arg9[%get3A_360, %get3A_361] {strides = array<i32>} : memref<128x128xf32, #tpu.memory_space<vmem>>, vector<16xf32>,
        %mul3A_363 = arith.mulf %get3A_362, %gather3A : vector<16xf32>
        %swap3A_364 = arith.index_cast %add3A_357 : i32 to index
        %swap3A_365 = arith.constant 0 : index
        %swap3A_366 = tpu.vector_load %arg9[%swap3A_364, %swap3A_365] {strides = array<i32>} : memref<128x128xf32, #tpu.memory_space<vmem>>, vector<16xf32>,
        tpu.vector_store %arg9[%swap3A_364, %swap3A_365], %mul3A_363 {strides = array<i32>} : memref<128x128xf32, #tpu.memory_space<vmem>>, vector<16xf32>,
        %get3A_367 = arith.index_cast %add3A_357 : i32 to index
        %get3A_368 = arith.constant 16 : index
        %get3A_369 = tpu.vector_load %arg9[%get3A_367, %get3A_368] {strides = array<i32>} : memref<128x128xf32, #tpu.memory_space<vmem>>, vector<16xf32>,
        %mul3A_370 = arith.mulf %get3A_369, %gather3A : vector<16xf32>
        %swap3A_371 = arith.index_cast %add3A_357 : i32 to index
        %swap3A_372 = arith.constant 16 : index
        %swap3A_373 = tpu.vector_load %arg9[%swap3A_371, %swap3A_372] {strides = array<i32>} : memref<128x128xf32, #tpu.memory_space<vmem>>, vector<16xf32>,
        tpu.vector_store %arg9[%swap3A_371, %swap3A_372], %mul3A_370 {strides = array<i32>} : memref<128x128xf32, #tpu.memory_space<vmem>>, vector<16xf32>,
        %get3A_374 = arith.index_cast %add3A_357 : i32 to index
        %get3A_375 = arith.constant 32 : index
        %get3A_376 = tpu.vector_load %arg9[%get3A_374, %get3A_375] {strides = array<i32>} : memref<128x128xf32, #tpu.memory_space<vmem>>, vector<16xf32>,
        %mul3A_377 = arith.mulf %get3A_376, %gather3A : vector<16xf32>
        %swap3A_378 = arith.index_cast %add3A_357 : i32 to index
        %swap3A_379 = arith.constant 32 : index
        %swap3A_380 = tpu.vector_load %arg9[%swap3A_378, %swap3A_379] {strides = array<i32>} : memref<128x128xf32, #tpu.memory_space<vmem>>, vector<16xf32>,
        tpu.vector_store %arg9[%swap3A_378, %swap3A_379], %mul3A_377 {strides = array<i32>} : memref<128x128xf32, #tpu.memory_space<vmem>>, vector<16xf32>,
        %get3A_381 = arith.index_cast %add3A_357 : i32 to index
        %get3A_382 = arith.constant 48 : index
        %get3A_383 = tpu.vector_load %arg9[%get3A_381, %get3A_382] {strides = array<i32>} : memref<128x128xf32, #tpu.memory_space<vmem>>, vector<16xf32>,
        %mul3A_384 = arith.mulf %get3A_383, %gather3A : vector<16xf32>
        %swap3A_385 = arith.index_cast %add3A_357 : i32 to index
        %swap3A_386 = arith.constant 48 : index
        %swap3A_387 = tpu.vector_load %arg9[%swap3A_385, %swap3A_386] {strides = array<i32>} : memref<128x128xf32, #tpu.memory_space<vmem>>, vector<16xf32>,
        tpu.vector_store %arg9[%swap3A_385, %swap3A_386], %mul3A_384 {strides = array<i32>} : memref<128x128xf32, #tpu.memory_space<vmem>>, vector<16xf32>,
        %get3A_388 = arith.index_cast %add3A_357 : i32 to index
        %get3A_389 = arith.constant 64 : index
        %get3A_390 = tpu.vector_load %arg9[%get3A_388, %get3A_389] {strides = array<i32>} : memref<128x128xf32, #tpu.memory_space<vmem>>, vector<16xf32>,
        %mul3A_391 = arith.mulf %get3A_390, %gather3A : vector<16xf32>
        %swap3A_392 = arith.index_cast %add3A_357 : i32 to index
        %swap3A_393 = arith.constant 64 : index
        %swap3A_394 = tpu.vector_load %arg9[%swap3A_392, %swap3A_393] {strides = array<i32>} : memref<128x128xf32, #tpu.memory_space<vmem>>, vector<16xf32>,
        tpu.vector_store %arg9[%swap3A_392, %swap3A_393], %mul3A_391 {strides = array<i32>} : memref<128x128xf32, #tpu.memory_space<vmem>>, vector<16xf32>,
        %get3A_395 = arith.index_cast %add3A_357 : i32 to index
        %get3A_396 = arith.constant 80 : index
        %get3A_397 = tpu.vector_load %arg9[%get3A_395, %get3A_396] {strides = array<i32>} : memref<128x128xf32, #tpu.memory_space<vmem>>, vector<16xf32>,
        %mul3A_398 = arith.mulf %get3A_397, %gather3A : vector<16xf32>
        %swap3A_399 = arith.index_cast %add3A_357 : i32 to index
        %swap3A_400 = arith.constant 80 : index
        %swap3A_401 = tpu.vector_load %arg9[%swap3A_399, %swap3A_400] {strides = array<i32>} : memref<128x128xf32, #tpu.memory_space<vmem>>, vector<16xf32>,
        tpu.vector_store %arg9[%swap3A_399, %swap3A_400], %mul3A_398 {strides = array<i32>} : memref<128x128xf32, #tpu.memory_space<vmem>>, vector<16xf32>,
        %get3A_402 = arith.index_cast %add3A_357 : i32 to index
        %get3A_403 = arith.constant 96 : index
        %get3A_404 = tpu.vector_load %arg9[%get3A_402, %get3A_403] {strides = array<i32>} : memref<128x128xf32, #tpu.memory_space<vmem>>, vector<16xf32>,
        %mul3A_405 = arith.mulf %get3A_404, %gather3A : vector<16xf32>
        %swap3A_406 = arith.index_cast %add3A_357 : i32 to index
        %swap3A_407 = arith.constant 96 : index
        %swap3A_408 = tpu.vector_load %arg9[%swap3A_406, %swap3A_407] {strides = array<i32>} : memref<128x128xf32, #tpu.memory_space<vmem>>, vector<16xf32>,
        tpu.vector_store %arg9[%swap3A_406, %swap3A_407], %mul3A_405 {strides = array<i32>} : memref<128x128xf32, #tpu.memory_space<vmem>>, vector<16xf32>,
        %get3A_409 = arith.index_cast %add3A_357 : i32 to index
        %get3A_410 = arith.constant 112 : index
        %get3A_411 = tpu.vector_load %arg9[%get3A_409, %get3A_410] {strides = array<i32>} : memref<128x128xf32, #tpu.memory_space<vmem>>, vector<16xf32>,
        %mul3A_412 = arith.mulf %get3A_411, %gather3A : vector<16xf32>
        %swap3A_413 = arith.index_cast %add3A_357 : i32 to index
        %swap3A_414 = arith.constant 112 : index
        %swap3A_415 = tpu.vector_load %arg9[%swap3A_413, %swap3A_414] {strides = array<i32>} : memref<128x128xf32, #tpu.memory_space<vmem>>, vector<16xf32>,
        tpu.vector_store %arg9[%swap3A_413, %swap3A_414], %mul3A_412 {strides = array<i32>} : memref<128x128xf32, #tpu.memory_space<vmem>>, vector<16xf32>,
        %scan3A_416 = arith.constant 1 : i32
        %scan3A_417 = arith.addi %scan3A_353, %scan3A_416 : i32
        %mul3A_418 = arith.constant 1 : i32
        %mul3A_419 = arith.muli %scan3A_417, %mul3A_418 : i32
        %add3A_420 = arith.constant 0 : i32
        %add3A_421 = arith.addi %add3A_420, %mul3A_419 : i32
        %add3A_422 = vector.broadcast %add3A_421 : i32 to vector<16xi32>
        %add3A_423 = arith.addi %broadcast_in_dim3A_338, %add3A_422 : vector<16xi32>
        %gather3A_424 = tpu.vector_load_idx %arg13[%add3A_423] : memref<128xf32, #tpu.memory_space<vmem>>[vector<16xi32>], vector<16xf32>,
        %get3A_425 = arith.index_cast %add3A_421 : i32 to index
        %get3A_426 = arith.constant 0 : index
        %get3A_427 = tpu.vector_load %arg9[%get3A_425, %get3A_426] {strides = array<i32>} : memref<128x128xf32, #tpu.memory_space<vmem>>, vector<16xf32>,
        %mul3A_428 = arith.mulf %get3A_427, %gather3A_424 : vector<16xf32>
        %swap3A_429 = arith.index_cast %add3A_421 : i32 to index
        %swap3A_430 = arith.constant 0 : index
        %swap3A_431 = tpu.vector_load %arg9[%swap3A_429, %swap3A_430] {strides = array<i32>} : memref<128x128xf32, #tpu.memory_space<vmem>>, vector<16xf32>,
        tpu.vector_store %arg9[%swap3A_429, %swap3A_430], %mul3A_428 {strides = array<i32>} : memref<128x128xf32, #tpu.memory_space<vmem>>, vector<16xf32>,
        %get3A_432 = arith.index_cast %add3A_421 : i32 to index
        %get3A_433 = arith.constant 16 : index
        %get3A_434 = tpu.vector_load %arg9[%get3A_432, %get3A_433] {strides = array<i32>} : memref<128x128xf32, #tpu.memory_space<vmem>>, vector<16xf32>,
        %mul3A_435 = arith.mulf %get3A_434, %gather3A_424 : vector<16xf32>
        %swap3A_436 = arith.index_cast %add3A_421 : i32 to index
        %swap3A_437 = arith.constant 16 : index
        %swap3A_438 = tpu.vector_load %arg9[%swap3A_436, %swap3A_437] {strides = array<i32>} : memref<128x128xf32, #tpu.memory_space<vmem>>, vector<16xf32>,
        tpu.vector_store %arg9[%swap3A_436, %swap3A_437], %mul3A_435 {strides = array<i32>} : memref<128x128xf32, #tpu.memory_space<vmem>>, vector<16xf32>,
        %get3A_439 = arith.index_cast %add3A_421 : i32 to index
        %get3A_440 = arith.constant 32 : index
        %get3A_441 = tpu.vector_load %arg9[%get3A_439, %get3A_440] {strides = array<i32>} : memref<128x128xf32, #tpu.memory_space<vmem>>, vector<16xf32>,
        %mul3A_442 = arith.mulf %get3A_441, %gather3A_424 : vector<16xf32>
        %swap3A_443 = arith.index_cast %add3A_421 : i32 to index
        %swap3A_444 = arith.constant 32 : index
        %swap3A_445 = tpu.vector_load %arg9[%swap3A_443, %swap3A_444] {strides = array<i32>} : memref<128x128xf32, #tpu.memory_space<vmem>>, vector<16xf32>,
        tpu.vector_store %arg9[%swap3A_443, %swap3A_444], %mul3A_442 {strides = array<i32>} : memref<128x128xf32, #tpu.memory_space<vmem>>, vector<16xf32>,
        %get3A_446 = arith.index_cast %add3A_421 : i32 to index
        %get3A_447 = arith.constant 48 : index
        %get3A_448 = tpu.vector_load %arg9[%get3A_446, %get3A_447] {strides = array<i32>} : memref<128x128xf32, #tpu.memory_space<vmem>>, vector<16xf32>,
        %mul3A_449 = arith.mulf %get3A_448, %gather3A_424 : vector<16xf32>
        %swap3A_450 = arith.index_cast %add3A_421 : i32 to index
        %swap3A_451 = arith.constant 48 : index
        %swap3A_452 = tpu.vector_load %arg9[%swap3A_450, %swap3A_451] {strides = array<i32>} : memref<128x128xf32, #tpu.memory_space<vmem>>, vector<16xf32>,
        tpu.vector_store %arg9[%swap3A_450, %swap3A_451], %mul3A_449 {strides = array<i32>} : memref<128x128xf32, #tpu.memory_space<vmem>>, vector<16xf32>,
        %get3A_453 = arith.index_cast %add3A_421 : i32 to index
        %get3A_454 = arith.constant 64 : index
        %get3A_455 = tpu.vector_load %arg9[%get3A_453, %get3A_454] {strides = array<i32>} : memref<128x128xf32, #tpu.memory_space<vmem>>, vector<16xf32>,
        %mul3A_456 = arith.mulf %get3A_455, %gather3A_424 : vector<16xf32>
        %swap3A_457 = arith.index_cast %add3A_421 : i32 to index
        %swap3A_458 = arith.constant 64 : index
        %swap3A_459 = tpu.vector_load %arg9[%swap3A_457, %swap3A_458] {strides = array<i32>} : memref<128x128xf32, #tpu.memory_space<vmem>>, vector<16xf32>,
        tpu.vector_store %arg9[%swap3A_457, %swap3A_458], %mul3A_456 {strides = array<i32>} : memref<128x128xf32, #tpu.memory_space<vmem>>, vector<16xf32>,
        %get3A_460 = arith.index_cast %add3A_421 : i32 to index
        %get3A_461 = arith.constant 80 : index
        %get3A_462 = tpu.vector_load %arg9[%get3A_460, %get3A_461] {strides = array<i32>} : memref<128x128xf32, #tpu.memory_space<vmem>>, vector<16xf32>,
        %mul3A_463 = arith.mulf %get3A_462, %gather3A_424 : vector<16xf32>
        %swap3A_464 = arith.index_cast %add3A_421 : i32 to index
        %swap3A_465 = arith.constant 80 : index
        %swap3A_466 = tpu.vector_load %arg9[%swap3A_464, %swap3A_465] {strides = array<i32>} : memref<128x128xf32, #tpu.memory_space<vmem>>, vector<16xf32>,
        tpu.vector_store %arg9[%swap3A_464, %swap3A_465], %mul3A_463 {strides = array<i32>} : memref<128x128xf32, #tpu.memory_space<vmem>>, vector<16xf32>,
        %get3A_467 = arith.index_cast %add3A_421 : i32 to index
        %get3A_468 = arith.constant 96 : index
        %get3A_469 = tpu.vector_load %arg9[%get3A_467, %get3A_468] {strides = array<i32>} : memref<128x128xf32, #tpu.memory_space<vmem>>, vector<16xf32>,
        %mul3A_470 = arith.mulf %get3A_469, %gather3A_424 : vector<16xf32>
        %swap3A_471 = arith.index_cast %add3A_421 : i32 to index
        %swap3A_472 = arith.constant 96 : index
        %swap3A_473 = tpu.vector_load %arg9[%swap3A_471, %swap3A_472] {strides = array<i32>} : memref<128x128xf32, #tpu.memory_space<vmem>>, vector<16xf32>,
        tpu.vector_store %arg9[%swap3A_471, %swap3A_472], %mul3A_470 {strides = array<i32>} : memref<128x128xf32, #tpu.memory_space<vmem>>, vector<16xf32>,
        %get3A_474 = arith.index_cast %add3A_421 : i32 to index
        %get3A_475 = arith.constant 112 : index
        %get3A_476 = tpu.vector_load %arg9[%get3A_474, %get3A_475] {strides = array<i32>} : memref<128x128xf32, #tpu.memory_space<vmem>>, vector<16xf32>,
        %mul3A_477 = arith.mulf %get3A_476, %gather3A_424 : vector<16xf32>
        %swap3A_478 = arith.index_cast %add3A_421 : i32 to index
        %swap3A_479 = arith.constant 112 : index
        %swap3A_480 = tpu.vector_load %arg9[%swap3A_478, %swap3A_479] {strides = array<i32>} : memref<128x128xf32, #tpu.memory_space<vmem>>, vector<16xf32>,
        tpu.vector_store %arg9[%swap3A_478, %swap3A_479], %mul3A_477 {strides = array<i32>} : memref<128x128xf32, #tpu.memory_space<vmem>>, vector<16xf32>,
        %scan3A_481 = arith.constant 2 : i32
        %scan3A_482 = arith.addi %scan3A_353, %scan3A_481 : i32
        %mul3A_483 = arith.constant 1 : i32
        %mul3A_484 = arith.muli %scan3A_482, %mul3A_483 : i32
        %add3A_485 = arith.constant 0 : i32
        %add3A_486 = arith.addi %add3A_485, %mul3A_484 : i32
        %add3A_487 = vector.broadcast %add3A_486 : i32 to vector<16xi32>
        %add3A_488 = arith.addi %broadcast_in_dim3A_338, %add3A_487 : vector<16xi32>
        %gather3A_489 = tpu.vector_load_idx %arg13[%add3A_488] : memref<128xf32, #tpu.memory_space<vmem>>[vector<16xi32>], vector<16xf32>,
        %get3A_490 = arith.index_cast %add3A_486 : i32 to index
        %get3A_491 = arith.constant 0 : index
        %get3A_492 = tpu.vector_load %arg9[%get3A_490, %get3A_491] {strides = array<i32>} : memref<128x128xf32, #tpu.memory_space<vmem>>, vector<16xf32>,
        %mul3A_493 = arith.mulf %get3A_492, %gather3A_489 : vector<16xf32>
        %swap3A_494 = arith.index_cast %add3A_486 : i32 to index
        %swap3A_495 = arith.constant 0 : index
        %swap3A_496 = tpu.vector_load %arg9[%swap3A_494, %swap3A_495] {strides = array<i32>} : memref<128x128xf32, #tpu.memory_space<vmem>>, vector<16xf32>,
        tpu.vector_store %arg9[%swap3A_494, %swap3A_495], %mul3A_493 {strides = array<i32>} : memref<128x128xf32, #tpu.memory_space<vmem>>, vector<16xf32>,
        %get3A_497 = arith.index_cast %add3A_486 : i32 to index
        %get3A_498 = arith.constant 16 : index
        %get3A_499 = tpu.vector_load %arg9[%get3A_497, %get3A_498] {strides = array<i32>} : memref<128x128xf32, #tpu.memory_space<vmem>>, vector<16xf32>,
        %mul3A_500 = arith.mulf %get3A_499, %gather3A_489 : vector<16xf32>
        %swap3A_501 = arith.index_cast %add3A_486 : i32 to index
        %swap3A_502 = arith.constant 16 : index
        %swap3A_503 = tpu.vector_load %arg9[%swap3A_501, %swap3A_502] {strides = array<i32>} : memref<128x128xf32, #tpu.memory_space<vmem>>, vector<16xf32>,
        tpu.vector_store %arg9[%swap3A_501, %swap3A_502], %mul3A_500 {strides = array<i32>} : memref<128x128xf32, #tpu.memory_space<vmem>>, vector<16xf32>,
        %get3A_504 = arith.index_cast %add3A_486 : i32 to index
        %get3A_505 = arith.constant 32 : index
        %get3A_506 = tpu.vector_load %arg9[%get3A_504, %get3A_505] {strides = array<i32>} : memref<128x128xf32, #tpu.memory_space<vmem>>, vector<16xf32>,
        %mul3A_507 = arith.mulf %get3A_506, %gather3A_489 : vector<16xf32>
        %swap3A_508 = arith.index_cast %add3A_486 : i32 to index
        %swap3A_509 = arith.constant 32 : index
        %swap3A_510 = tpu.vector_load %arg9[%swap3A_508, %swap3A_509] {strides = array<i32>} : memref<128x128xf32, #tpu.memory_space<vmem>>, vector<16xf32>,
        tpu.vector_store %arg9[%swap3A_508, %swap3A_509], %mul3A_507 {strides = array<i32>} : memref<128x128xf32, #tpu.memory_space<vmem>>, vector<16xf32>,
        %get3A_511 = arith.index_cast %add3A_486 : i32 to index
        %get3A_512 = arith.constant 48 : index
        %get3A_513 = tpu.vector_load %arg9[%get3A_511, %get3A_512] {strides = array<i32>} : memref<128x128xf32, #tpu.memory_space<vmem>>, vector<16xf32>,
        %mul3A_514 = arith.mulf %get3A_513, %gather3A_489 : vector<16xf32>
        %swap3A_515 = arith.index_cast %add3A_486 : i32 to index
        %swap3A_516 = arith.constant 48 : index
        %swap3A_517 = tpu.vector_load %arg9[%swap3A_515, %swap3A_516] {strides = array<i32>} : memref<128x128xf32, #tpu.memory_space<vmem>>, vector<16xf32>,
        tpu.vector_store %arg9[%swap3A_515, %swap3A_516], %mul3A_514 {strides = array<i32>} : memref<128x128xf32, #tpu.memory_space<vmem>>, vector<16xf32>,
        %get3A_518 = arith.index_cast %add3A_486 : i32 to index
        %get3A_519 = arith.constant 64 : index
        %get3A_520 = tpu.vector_load %arg9[%get3A_518, %get3A_519] {strides = array<i32>} : memref<128x128xf32, #tpu.memory_space<vmem>>, vector<16xf32>,
        %mul3A_521 = arith.mulf %get3A_520, %gather3A_489 : vector<16xf32>
        %swap3A_522 = arith.index_cast %add3A_486 : i32 to index
        %swap3A_523 = arith.constant 64 : index
        %swap3A_524 = tpu.vector_load %arg9[%swap3A_522, %swap3A_523] {strides = array<i32>} : memref<128x128xf32, #tpu.memory_space<vmem>>, vector<16xf32>,
        tpu.vector_store %arg9[%swap3A_522, %swap3A_523], %mul3A_521 {strides = array<i32>} : memref<128x128xf32, #tpu.memory_space<vmem>>, vector<16xf32>,
        %get3A_525 = arith.index_cast %add3A_486 : i32 to index
        %get3A_526 = arith.constant 80 : index
        %get3A_527 = tpu.vector_load %arg9[%get3A_525, %get3A_526] {strides = array<i32>} : memref<128x128xf32, #tpu.memory_space<vmem>>, vector<16xf32>,
        %mul3A_528 = arith.mulf %get3A_527, %gather3A_489 : vector<16xf32>
        %swap3A_529 = arith.index_cast %add3A_486 : i32 to index
        %swap3A_530 = arith.constant 80 : index
        %swap3A_531 = tpu.vector_load %arg9[%swap3A_529, %swap3A_530] {strides = array<i32>} : memref<128x128xf32, #tpu.memory_space<vmem>>, vector<16xf32>,
        tpu.vector_store %arg9[%swap3A_529, %swap3A_530], %mul3A_528 {strides = array<i32>} : memref<128x128xf32, #tpu.memory_space<vmem>>, vector<16xf32>,
        %get3A_532 = arith.index_cast %add3A_486 : i32 to index
        %get3A_533 = arith.constant 96 : index
        %get3A_534 = tpu.vector_load %arg9[%get3A_532, %get3A_533] {strides = array<i32>} : memref<128x128xf32, #tpu.memory_space<vmem>>, vector<16xf32>,
        %mul3A_535 = arith.mulf %get3A_534, %gather3A_489 : vector<16xf32>
        %swap3A_536 = arith.index_cast %add3A_486 : i32 to index
        %swap3A_537 = arith.constant 96 : index
        %swap3A_538 = tpu.vector_load %arg9[%swap3A_536, %swap3A_537] {strides = array<i32>} : memref<128x128xf32, #tpu.memory_space<vmem>>, vector<16xf32>,
        tpu.vector_store %arg9[%swap3A_536, %swap3A_537], %mul3A_535 {strides = array<i32>} : memref<128x128xf32, #tpu.memory_space<vmem>>, vector<16xf32>,
        %get3A_539 = arith.index_cast %add3A_486 : i32 to index
        %get3A_540 = arith.constant 112 : index
        %get3A_541 = tpu.vector_load %arg9[%get3A_539, %get3A_540] {strides = array<i32>} : memref<128x128xf32, #tpu.memory_space<vmem>>, vector<16xf32>,
        %mul3A_542 = arith.mulf %get3A_541, %gather3A_489 : vector<16xf32>
        %swap3A_543 = arith.index_cast %add3A_486 : i32 to index
        %swap3A_544 = arith.constant 112 : index
        %swap3A_545 = tpu.vector_load %arg9[%swap3A_543, %swap3A_544] {strides = array<i32>} : memref<128x128xf32, #tpu.memory_space<vmem>>, vector<16xf32>,
        tpu.vector_store %arg9[%swap3A_543, %swap3A_544], %mul3A_542 {strides = array<i32>} : memref<128x128xf32, #tpu.memory_space<vmem>>, vector<16xf32>,
        %scan3A_546 = arith.constant 3 : i32
        %scan3A_547 = arith.addi %scan3A_353, %scan3A_546 : i32
        %mul3A_548 = arith.constant 1 : i32
        %mul3A_549 = arith.muli %scan3A_547, %mul3A_548 : i32
        %add3A_550 = arith.constant 0 : i32
        %add3A_551 = arith.addi %add3A_550, %mul3A_549 : i32
        %add3A_552 = vector.broadcast %add3A_551 : i32 to vector<16xi32>
        %add3A_553 = arith.addi %broadcast_in_dim3A_338, %add3A_552 : vector<16xi32>
        %gather3A_554 = tpu.vector_load_idx %arg13[%add3A_553] : memref<128xf32, #tpu.memory_space<vmem>>[vector<16xi32>], vector<16xf32>,
        %get3A_555 = arith.index_cast %add3A_551 : i32 to index
        %get3A_556 = arith.constant 0 : index
        %get3A_557 = tpu.vector_load %arg9[%get3A_555, %get3A_556] {strides = array<i32>} : memref<128x128xf32, #tpu.memory_space<vmem>>, vector<16xf32>,
        %mul3A_558 = arith.mulf %get3A_557, %gather3A_554 : vector<16xf32>
        %swap3A_559 = arith.index_cast %add3A_551 : i32 to index
        %swap3A_560 = arith.constant 0 : index
        %swap3A_561 = tpu.vector_load %arg9[%swap3A_559, %swap3A_560] {strides = array<i32>} : memref<128x128xf32, #tpu.memory_space<vmem>>, vector<16xf32>,
        tpu.vector_store %arg9[%swap3A_559, %swap3A_560], %mul3A_558 {strides = array<i32>} : memref<128x128xf32, #tpu.memory_space<vmem>>, vector<16xf32>,
        %get3A_562 = arith.index_cast %add3A_551 : i32 to index
        %get3A_563 = arith.constant 16 : index
        %get3A_564 = tpu.vector_load %arg9[%get3A_562, %get3A_563] {strides = array<i32>} : memref<128x128xf32, #tpu.memory_space<vmem>>, vector<16xf32>,
        %mul3A_565 = arith.mulf %get3A_564, %gather3A_554 : vector<16xf32>
        %swap3A_566 = arith.index_cast %add3A_551 : i32 to index
        %swap3A_567 = arith.constant 16 : index
        %swap3A_568 = tpu.vector_load %arg9[%swap3A_566, %swap3A_567] {strides = array<i32>} : memref<128x128xf32, #tpu.memory_space<vmem>>, vector<16xf32>,
        tpu.vector_store %arg9[%swap3A_566, %swap3A_567], %mul3A_565 {strides = array<i32>} : memref<128x128xf32, #tpu.memory_space<vmem>>, vector<16xf32>,
        %get3A_569 = arith.index_cast %add3A_551 : i32 to index
        %get3A_570 = arith.constant 32 : index
        %get3A_571 = tpu.vector_load %arg9[%get3A_569, %get3A_570] {strides = array<i32>} : memref<128x128xf32, #tpu.memory_space<vmem>>, vector<16xf32>,
        %mul3A_572 = arith.mulf %get3A_571, %gather3A_554 : vector<16xf32>
        %swap3A_573 = arith.index_cast %add3A_551 : i32 to index
        %swap3A_574 = arith.constant 32 : index
        %swap3A_575 = tpu.vector_load %arg9[%swap3A_573, %swap3A_574] {strides = array<i32>} : memref<128x128xf32, #tpu.memory_space<vmem>>, vector<16xf32>,
        tpu.vector_store %arg9[%swap3A_573, %swap3A_574], %mul3A_572 {strides = array<i32>} : memref<128x128xf32, #tpu.memory_space<vmem>>, vector<16xf32>,
        %get3A_576 = arith.index_cast %add3A_551 : i32 to index
        %get3A_577 = arith.constant 48 : index
        %get3A_578 = tpu.vector_load %arg9[%get3A_576, %get3A_577] {strides = array<i32>} : memref<128x128xf32, #tpu.memory_space<vmem>>, vector<16xf32>,
        %mul3A_579 = arith.mulf %get3A_578, %gather3A_554 : vector<16xf32>
        %swap3A_580 = arith.index_cast %add3A_551 : i32 to index
        %swap3A_581 = arith.constant 48 : index
        %swap3A_582 = tpu.vector_load %arg9[%swap3A_580, %swap3A_581] {strides = array<i32>} : memref<128x128xf32, #tpu.memory_space<vmem>>, vector<16xf32>,
        tpu.vector_store %arg9[%swap3A_580, %swap3A_581], %mul3A_579 {strides = array<i32>} : memref<128x128xf32, #tpu.memory_space<vmem>>, vector<16xf32>,
        %get3A_583 = arith.index_cast %add3A_551 : i32 to index
        %get3A_584 = arith.constant 64 : index
        %get3A_585 = tpu.vector_load %arg9[%get3A_583, %get3A_584] {strides = array<i32>} : memref<128x128xf32, #tpu.memory_space<vmem>>, vector<16xf32>,
        %mul3A_586 = arith.mulf %get3A_585, %gather3A_554 : vector<16xf32>
        %swap3A_587 = arith.index_cast %add3A_551 : i32 to index
        %swap3A_588 = arith.constant 64 : index
        %swap3A_589 = tpu.vector_load %arg9[%swap3A_587, %swap3A_588] {strides = array<i32>} : memref<128x128xf32, #tpu.memory_space<vmem>>, vector<16xf32>,
        tpu.vector_store %arg9[%swap3A_587, %swap3A_588], %mul3A_586 {strides = array<i32>} : memref<128x128xf32, #tpu.memory_space<vmem>>, vector<16xf32>,
        %get3A_590 = arith.index_cast %add3A_551 : i32 to index
        %get3A_591 = arith.constant 80 : index
        %get3A_592 = tpu.vector_load %arg9[%get3A_590, %get3A_591] {strides = array<i32>} : memref<128x128xf32, #tpu.memory_space<vmem>>, vector<16xf32>,
        %mul3A_593 = arith.mulf %get3A_592, %gather3A_554 : vector<16xf32>
        %swap3A_594 = arith.index_cast %add3A_551 : i32 to index
        %swap3A_595 = arith.constant 80 : index
        %swap3A_596 = tpu.vector_load %arg9[%swap3A_594, %swap3A_595] {strides = array<i32>} : memref<128x128xf32, #tpu.memory_space<vmem>>, vector<16xf32>,
        tpu.vector_store %arg9[%swap3A_594, %swap3A_595], %mul3A_593 {strides = array<i32>} : memref<128x128xf32, #tpu.memory_space<vmem>>, vector<16xf32>,
        %get3A_597 = arith.index_cast %add3A_551 : i32 to index
        %get3A_598 = arith.constant 96 : index
        %get3A_599 = tpu.vector_load %arg9[%get3A_597, %get3A_598] {strides = array<i32>} : memref<128x128xf32, #tpu.memory_space<vmem>>, vector<16xf32>,
        %mul3A_600 = arith.mulf %get3A_599, %gather3A_554 : vector<16xf32>
        %swap3A_601 = arith.index_cast %add3A_551 : i32 to index
        %swap3A_602 = arith.constant 96 : index
        %swap3A_603 = tpu.vector_load %arg9[%swap3A_601, %swap3A_602] {strides = array<i32>} : memref<128x128xf32, #tpu.memory_space<vmem>>, vector<16xf32>,
        tpu.vector_store %arg9[%swap3A_601, %swap3A_602], %mul3A_600 {strides = array<i32>} : memref<128x128xf32, #tpu.memory_space<vmem>>, vector<16xf32>,
        %get3A_604 = arith.index_cast %add3A_551 : i32 to index
        %get3A_605 = arith.constant 112 : index
        %get3A_606 = tpu.vector_load %arg9[%get3A_604, %get3A_605] {strides = array<i32>} : memref<128x128xf32, #tpu.memory_space<vmem>>, vector<16xf32>,
        %mul3A_607 = arith.mulf %get3A_606, %gather3A_554 : vector<16xf32>
        %swap3A_608 = arith.index_cast %add3A_551 : i32 to index
        %swap3A_609 = arith.constant 112 : index
        %swap3A_610 = tpu.vector_load %arg9[%swap3A_608, %swap3A_609] {strides = array<i32>} : memref<128x128xf32, #tpu.memory_space<vmem>>, vector<16xf32>,
        tpu.vector_store %arg9[%swap3A_608, %swap3A_609], %mul3A_607 {strides = array<i32>} : memref<128x128xf32, #tpu.memory_space<vmem>>, vector<16xf32>,
      }
      %scan3A_343 = arith.constant 128 : i32
      %dma_wait3A_344 = arith.constant 0 : i32
      %dma_wait3A_345 = arith.constant 0 : i32
      %dma_wait3A_346 = tpu.memref_slice %arg2[%dma_wait3A_344, %dma_wait3A_345] : memref<20480x128xf32, #tpu.memory_space<hbm>> -> memref<20480x128xf32, #tpu.memory_space<hbm>>
      tpu.wait_indirect_dma semaphore(%arg15 : memref<!tpu.dma_semaphore, #tpu.memory_space<semaphore_mem>>) src(%dma_wait3A_346 : memref<20480x128xf32, #tpu.memory_space<hbm>>) dst(%arg8 : memref<128x128xf32, #tpu.memory_space<vmem>>)
      %dma_wait3A_347 = arith.constant 0 : i32
      %dma_wait3A_348 = tpu.memref_slice %arg4[%arg1, %add3A_273, %dma_wait3A_347] : memref<16x80x128xi32, #tpu.memory_space<hbm>> -> memref<1x1x128xi32, #tpu.memory_space<hbm>>
      %dma_wait3A_349 = tpu.memref_squeeze %dma_wait3A_348 : memref<1x1x128xi32, #tpu.memory_space<hbm>> -> memref<128xi32, #tpu.memory_space<hbm>>
      %dma_wait3A_350 = arith.constant 0 : i32
      %dma_wait3A_351 = tpu.memref_slice %arg4[%arg1, %add3A_273, %dma_wait3A_350] : memref<16x80x128xi32, #tpu.memory_space<hbm>> -> memref<1x1x128xi32, #tpu.memory_space<hbm>>
      %dma_wait3A_352 = tpu.memref_squeeze %dma_wait3A_351 : memref<1x1x128xi32, #tpu.memory_space<hbm>> -> memref<128xi32, #tpu.memory_space<hbm>>
      tpu.wait_dma2 semaphore(%arg16 : memref<!tpu.dma_semaphore, #tpu.memory_space<semaphore_mem>>) src(%dma_wait3A_352 : memref<128xi32, #tpu.memory_space<hbm>>) dst(%arg12 : memref<128xi32, #tpu.memory_space<vmem>>)
      "tpu.region"() ({
        %run_scoped3A = tpu.sem_alloc : memref<!tpu.dma_semaphore, #tpu.memory_space<semaphore_mem>>
        %dma_start3A_353 = arith.constant 0 : i32
        %dma_start3A_354 = arith.constant 0 : i32
        %dma_start3A_355 = tpu.memref_slice %arg14[%dma_start3A_353, %dma_start3A_354] : memref<10240x128xf32, #tpu.memory_space<vmem_shared>> -> memref<10240x128xf32, #tpu.memory_space<vmem_shared>>
        tpu.enqueue_indirect_dma source(%arg9 : memref<128x128xf32, #tpu.memory_space<vmem>>) target(%dma_start3A_355 : memref<10240x128xf32, #tpu.memory_space<vmem_shared>>) offsets(%arg12 : memref<128xi32, #tpu.memory_space<vmem>>) semaphore(%run_scoped3A : memref<!tpu.dma_semaphore, #tpu.memory_space<semaphore_mem>>) {add = true}
        %dma_wait3A_356 = arith.constant 0 : i32
        %dma_wait3A_357 = arith.constant 0 : i32
        %dma_wait3A_358 = tpu.memref_slice %arg14[%dma_wait3A_356, %dma_wait3A_357] : memref<10240x128xf32, #tpu.memory_space<vmem_shared>> -> memref<10240x128xf32, #tpu.memory_space<vmem_shared>>
        tpu.wait_indirect_dma semaphore(%run_scoped3A : memref<!tpu.dma_semaphore, #tpu.memory_space<semaphore_mem>>) src(%arg9 : memref<128x128xf32, #tpu.memory_space<vmem>>) dst(%dma_wait3A_358 : memref<10240x128xf32, #tpu.memory_space<vmem_shared>>)
        tpu.yield
      }) : () -> ()
    }
    %scan3A_58 = arith.constant 39 : i32
    %dma_start3A_59 = arith.constant 78 : i32
    %dma_start3A_60 = arith.constant 0 : i32
    %dma_start3A_61 = tpu.memref_slice %arg5[%arg1, %dma_start3A_59, %dma_start3A_60] : memref<16x80x128xf32, #tpu.memory_space<hbm>> -> memref<1x1x128xf32, #tpu.memory_space<hbm>>
    %dma_start3A_62 = tpu.memref_squeeze %dma_start3A_61 : memref<1x1x128xf32, #tpu.memory_space<hbm>> -> memref<128xf32, #tpu.memory_space<hbm>>
    %dma_start3A_63 = arith.constant 0 : i32
    %dma_start3A_64 = tpu.memref_slice %arg5[%arg1, %dma_start3A_59, %dma_start3A_63] : memref<16x80x128xf32, #tpu.memory_space<hbm>> -> memref<1x1x128xf32, #tpu.memory_space<hbm>>
    %dma_start3A_65 = tpu.memref_squeeze %dma_start3A_64 : memref<1x1x128xf32, #tpu.memory_space<hbm>> -> memref<128xf32, #tpu.memory_space<hbm>>
    tpu.enqueue_dma source(%dma_start3A_65 : memref<128xf32, #tpu.memory_space<hbm>>) target(%arg13 : memref<128xf32, #tpu.memory_space<vmem>>) target_semaphore(%arg16 : memref<!tpu.dma_semaphore, #tpu.memory_space<semaphore_mem>>)
    %dma_start3A_66 = arith.constant 78 : i32
    %dma_start3A_67 = arith.constant 0 : i32
    %dma_start3A_68 = tpu.memref_slice %arg4[%arg1, %dma_start3A_66, %dma_start3A_67] : memref<16x80x128xi32, #tpu.memory_space<hbm>> -> memref<1x1x128xi32, #tpu.memory_space<hbm>>
    %dma_start3A_69 = tpu.memref_squeeze %dma_start3A_68 : memref<1x1x128xi32, #tpu.memory_space<hbm>> -> memref<128xi32, #tpu.memory_space<hbm>>
    %dma_start3A_70 = arith.constant 0 : i32
    %dma_start3A_71 = tpu.memref_slice %arg4[%arg1, %dma_start3A_66, %dma_start3A_70] : memref<16x80x128xi32, #tpu.memory_space<hbm>> -> memref<1x1x128xi32, #tpu.memory_space<hbm>>
    %dma_start3A_72 = tpu.memref_squeeze %dma_start3A_71 : memref<1x1x128xi32, #tpu.memory_space<hbm>> -> memref<128xi32, #tpu.memory_space<hbm>>
    tpu.enqueue_dma source(%dma_start3A_72 : memref<128xi32, #tpu.memory_space<hbm>>) target(%arg12 : memref<128xi32, #tpu.memory_space<vmem>>) target_semaphore(%arg16 : memref<!tpu.dma_semaphore, #tpu.memory_space<semaphore_mem>>)
    %get3A_73 = arith.constant 79 : i32
    %get3A_74 = arith.index_cast %get3A_73 : i32 to index
    %get3A_75 = arith.constant 0 : index
    %get3A_76 = tpu.vector_load %arg7[%get3A_74, %get3A_75] {strides = array<i32>} : memref<80x128xi32, #tpu.memory_space<vmem>>, vector<16xi32>,
    %swap3A_77 = arith.constant 0 : index
    %swap3A_78 = tpu.vector_load %arg11[%swap3A_77] {strides = array<i32>} : memref<128xi32, #tpu.memory_space<vmem>>, vector<16xi32>,
    tpu.vector_store %arg11[%swap3A_77], %get3A_76 {strides = array<i32>} : memref<128xi32, #tpu.memory_space<vmem>>, vector<16xi32>,
    %get3A_79 = arith.constant 79 : i32
    %get3A_80 = arith.index_cast %get3A_79 : i32 to index
    %get3A_81 = arith.constant 16 : index
    %get3A_82 = tpu.vector_load %arg7[%get3A_80, %get3A_81] {strides = array<i32>} : memref<80x128xi32, #tpu.memory_space<vmem>>, vector<16xi32>,
    %swap3A_83 = arith.constant 16 : index
    %swap3A_84 = tpu.vector_load %arg11[%swap3A_83] {strides = array<i32>} : memref<128xi32, #tpu.memory_space<vmem>>, vector<16xi32>,
    tpu.vector_store %arg11[%swap3A_83], %get3A_82 {strides = array<i32>} : memref<128xi32, #tpu.memory_space<vmem>>, vector<16xi32>,
    %get3A_85 = arith.constant 79 : i32
    %get3A_86 = arith.index_cast %get3A_85 : i32 to index
    %get3A_87 = arith.constant 32 : index
    %get3A_88 = tpu.vector_load %arg7[%get3A_86, %get3A_87] {strides = array<i32>} : memref<80x128xi32, #tpu.memory_space<vmem>>, vector<16xi32>,
    %swap3A_89 = arith.constant 32 : index
    %swap3A_90 = tpu.vector_load %arg11[%swap3A_89] {strides = array<i32>} : memref<128xi32, #tpu.memory_space<vmem>>, vector<16xi32>,
    tpu.vector_store %arg11[%swap3A_89], %get3A_88 {strides = array<i32>} : memref<128xi32, #tpu.memory_space<vmem>>, vector<16xi32>,
    %get3A_91 = arith.constant 79 : i32
    %get3A_92 = arith.index_cast %get3A_91 : i32 to index
    %get3A_93 = arith.constant 48 : index
    %get3A_94 = tpu.vector_load %arg7[%get3A_92, %get3A_93] {strides = array<i32>} : memref<80x128xi32, #tpu.memory_space<vmem>>, vector<16xi32>,
    %swap3A_95 = arith.constant 48 : index
    %swap3A_96 = tpu.vector_load %arg11[%swap3A_95] {strides = array<i32>} : memref<128xi32, #tpu.memory_space<vmem>>, vector<16xi32>,
    tpu.vector_store %arg11[%swap3A_95], %get3A_94 {strides = array<i32>} : memref<128xi32, #tpu.memory_space<vmem>>, vector<16xi32>,
    %get3A_97 = arith.constant 79 : i32
    %get3A_98 = arith.index_cast %get3A_97 : i32 to index
    %get3A_99 = arith.constant 64 : index
    %get3A_100 = tpu.vector_load %arg7[%get3A_98, %get3A_99] {strides = array<i32>} : memref<80x128xi32, #tpu.memory_space<vmem>>, vector<16xi32>,
    %swap3A_101 = arith.constant 64 : index
    %swap3A_102 = tpu.vector_load %arg11[%swap3A_101] {strides = array<i32>} : memref<128xi32, #tpu.memory_space<vmem>>, vector<16xi32>,
    tpu.vector_store %arg11[%swap3A_101], %get3A_100 {strides = array<i32>} : memref<128xi32, #tpu.memory_space<vmem>>, vector<16xi32>,
    %get3A_103 = arith.constant 79 : i32
    %get3A_104 = arith.index_cast %get3A_103 : i32 to index
    %get3A_105 = arith.constant 80 : index
    %get3A_106 = tpu.vector_load %arg7[%get3A_104, %get3A_105] {strides = array<i32>} : memref<80x128xi32, #tpu.memory_space<vmem>>, vector<16xi32>,
    %swap3A_107 = arith.constant 80 : index
    %swap3A_108 = tpu.vector_load %arg11[%swap3A_107] {strides = array<i32>} : memref<128xi32, #tpu.memory_space<vmem>>, vector<16xi32>,
    tpu.vector_store %arg11[%swap3A_107], %get3A_106 {strides = array<i32>} : memref<128xi32, #tpu.memory_space<vmem>>, vector<16xi32>,
    %get3A_109 = arith.constant 79 : i32
    %get3A_110 = arith.index_cast %get3A_109 : i32 to index
    %get3A_111 = arith.constant 96 : index
    %get3A_112 = tpu.vector_load %arg7[%get3A_110, %get3A_111] {strides = array<i32>} : memref<80x128xi32, #tpu.memory_space<vmem>>, vector<16xi32>,
    %swap3A_113 = arith.constant 96 : index
    %swap3A_114 = tpu.vector_load %arg11[%swap3A_113] {strides = array<i32>} : memref<128xi32, #tpu.memory_space<vmem>>, vector<16xi32>,
    tpu.vector_store %arg11[%swap3A_113], %get3A_112 {strides = array<i32>} : memref<128xi32, #tpu.memory_space<vmem>>, vector<16xi32>,
    %get3A_115 = arith.constant 79 : i32
    %get3A_116 = arith.index_cast %get3A_115 : i32 to index
    %get3A_117 = arith.constant 112 : index
    %get3A_118 = tpu.vector_load %arg7[%get3A_116, %get3A_117] {strides = array<i32>} : memref<80x128xi32, #tpu.memory_space<vmem>>, vector<16xi32>,
    %swap3A_119 = arith.constant 112 : index
    %swap3A_120 = tpu.vector_load %arg11[%swap3A_119] {strides = array<i32>} : memref<128xi32, #tpu.memory_space<vmem>>, vector<16xi32>,
    tpu.vector_store %arg11[%swap3A_119], %get3A_118 {strides = array<i32>} : memref<128xi32, #tpu.memory_space<vmem>>, vector<16xi32>,
    %dma_start3A_121 = arith.constant 0 : i32
    %dma_start3A_122 = arith.constant 0 : i32
    %dma_start3A_123 = tpu.memref_slice %arg2[%dma_start3A_121, %dma_start3A_122] : memref<20480x128xf32, #tpu.memory_space<hbm>> -> memref<20480x128xf32, #tpu.memory_space<hbm>>
    tpu.enqueue_indirect_dma source(%dma_start3A_123 : memref<20480x128xf32, #tpu.memory_space<hbm>>) target(%arg9 : memref<128x128xf32, #tpu.memory_space<vmem>>) offsets(%arg11 : memref<128xi32, #tpu.memory_space<vmem>>) semaphore(%arg15 : memref<!tpu.dma_semaphore, #tpu.memory_space<semaphore_mem>>)
    %dma_wait3A_124 = arith.constant 78 : i32
    %dma_wait3A_125 = arith.constant 0 : i32
    %dma_wait3A_126 = tpu.memref_slice %arg5[%arg1, %dma_wait3A_124, %dma_wait3A_125] : memref<16x80x128xf32, #tpu.memory_space<hbm>> -> memref<1x1x128xf32, #tpu.memory_space<hbm>>
    %dma_wait3A_127 = tpu.memref_squeeze %dma_wait3A_126 : memref<1x1x128xf32, #tpu.memory_space<hbm>> -> memref<128xf32, #tpu.memory_space<hbm>>
    %dma_wait3A_128 = arith.constant 0 : i32
    %dma_wait3A_129 = tpu.memref_slice %arg5[%arg1, %dma_wait3A_124, %dma_wait3A_128] : memref<16x80x128xf32, #tpu.memory_space<hbm>> -> memref<1x1x128xf32, #tpu.memory_space<hbm>>
    %dma_wait3A_130 = tpu.memref_squeeze %dma_wait3A_129 : memref<1x1x128xf32, #tpu.memory_space<hbm>> -> memref<128xf32, #tpu.memory_space<hbm>>
    tpu.wait_dma2 semaphore(%arg16 : memref<!tpu.dma_semaphore, #tpu.memory_space<semaphore_mem>>) src(%dma_wait3A_130 : memref<128xf32, #tpu.memory_space<hbm>>) dst(%arg13 : memref<128xf32, #tpu.memory_space<vmem>>)
    %broadcast_in_dim3A = arith.constant 0 : i32
    %broadcast_in_dim3A_131 = vector.broadcast %broadcast_in_dim3A : i32 to vector<16xi32>
    %scan3A_132 = arith.constant 0 : i32
    %scan3A_133 = arith.constant 128 : i32
    %scan3A_134 = arith.addi %scan3A_132, %scan3A_133 : i32
    %scan3A_135 = arith.constant 4 : i32
    scf.for %scan3A_188 = %scan3A_132 to %scan3A_134 step %scan3A_135  : i32 {
      %mul3A = arith.constant 1 : i32
      %mul3A_189 = arith.muli %scan3A_188, %mul3A : i32
      %add3A = arith.constant 0 : i32
      %add3A_190 = arith.addi %add3A, %mul3A_189 : i32
      %add3A_191 = vector.broadcast %add3A_190 : i32 to vector<16xi32>
      %add3A_192 = arith.addi %broadcast_in_dim3A_131, %add3A_191 : vector<16xi32>
      %gather3A = tpu.vector_load_idx %arg13[%add3A_192] : memref<128xf32, #tpu.memory_space<vmem>>[vector<16xi32>], vector<16xf32>,
      %get3A_193 = arith.index_cast %add3A_190 : i32 to index
      %get3A_194 = arith.constant 0 : index
      %get3A_195 = tpu.vector_load %arg8[%get3A_193, %get3A_194] {strides = array<i32>} : memref<128x128xf32, #tpu.memory_space<vmem>>, vector<16xf32>,
      %mul3A_196 = arith.mulf %get3A_195, %gather3A : vector<16xf32>
      %swap3A_197 = arith.index_cast %add3A_190 : i32 to index
      %swap3A_198 = arith.constant 0 : index
      %swap3A_199 = tpu.vector_load %arg8[%swap3A_197, %swap3A_198] {strides = array<i32>} : memref<128x128xf32, #tpu.memory_space<vmem>>, vector<16xf32>,
      tpu.vector_store %arg8[%swap3A_197, %swap3A_198], %mul3A_196 {strides = array<i32>} : memref<128x128xf32, #tpu.memory_space<vmem>>, vector<16xf32>,
      %get3A_200 = arith.index_cast %add3A_190 : i32 to index
      %get3A_201 = arith.constant 16 : index
      %get3A_202 = tpu.vector_load %arg8[%get3A_200, %get3A_201] {strides = array<i32>} : memref<128x128xf32, #tpu.memory_space<vmem>>, vector<16xf32>,
      %mul3A_203 = arith.mulf %get3A_202, %gather3A : vector<16xf32>
      %swap3A_204 = arith.index_cast %add3A_190 : i32 to index
      %swap3A_205 = arith.constant 16 : index
      %swap3A_206 = tpu.vector_load %arg8[%swap3A_204, %swap3A_205] {strides = array<i32>} : memref<128x128xf32, #tpu.memory_space<vmem>>, vector<16xf32>,
      tpu.vector_store %arg8[%swap3A_204, %swap3A_205], %mul3A_203 {strides = array<i32>} : memref<128x128xf32, #tpu.memory_space<vmem>>, vector<16xf32>,
      %get3A_207 = arith.index_cast %add3A_190 : i32 to index
      %get3A_208 = arith.constant 32 : index
      %get3A_209 = tpu.vector_load %arg8[%get3A_207, %get3A_208] {strides = array<i32>} : memref<128x128xf32, #tpu.memory_space<vmem>>, vector<16xf32>,
      %mul3A_210 = arith.mulf %get3A_209, %gather3A : vector<16xf32>
      %swap3A_211 = arith.index_cast %add3A_190 : i32 to index
      %swap3A_212 = arith.constant 32 : index
      %swap3A_213 = tpu.vector_load %arg8[%swap3A_211, %swap3A_212] {strides = array<i32>} : memref<128x128xf32, #tpu.memory_space<vmem>>, vector<16xf32>,
      tpu.vector_store %arg8[%swap3A_211, %swap3A_212], %mul3A_210 {strides = array<i32>} : memref<128x128xf32, #tpu.memory_space<vmem>>, vector<16xf32>,
      %get3A_214 = arith.index_cast %add3A_190 : i32 to index
      %get3A_215 = arith.constant 48 : index
      %get3A_216 = tpu.vector_load %arg8[%get3A_214, %get3A_215] {strides = array<i32>} : memref<128x128xf32, #tpu.memory_space<vmem>>, vector<16xf32>,
      %mul3A_217 = arith.mulf %get3A_216, %gather3A : vector<16xf32>
      %swap3A_218 = arith.index_cast %add3A_190 : i32 to index
      %swap3A_219 = arith.constant 48 : index
      %swap3A_220 = tpu.vector_load %arg8[%swap3A_218, %swap3A_219] {strides = array<i32>} : memref<128x128xf32, #tpu.memory_space<vmem>>, vector<16xf32>,
      tpu.vector_store %arg8[%swap3A_218, %swap3A_219], %mul3A_217 {strides = array<i32>} : memref<128x128xf32, #tpu.memory_space<vmem>>, vector<16xf32>,
      %get3A_221 = arith.index_cast %add3A_190 : i32 to index
      %get3A_222 = arith.constant 64 : index
      %get3A_223 = tpu.vector_load %arg8[%get3A_221, %get3A_222] {strides = array<i32>} : memref<128x128xf32, #tpu.memory_space<vmem>>, vector<16xf32>,
      %mul3A_224 = arith.mulf %get3A_223, %gather3A : vector<16xf32>
      %swap3A_225 = arith.index_cast %add3A_190 : i32 to index
      %swap3A_226 = arith.constant 64 : index
      %swap3A_227 = tpu.vector_load %arg8[%swap3A_225, %swap3A_226] {strides = array<i32>} : memref<128x128xf32, #tpu.memory_space<vmem>>, vector<16xf32>,
      tpu.vector_store %arg8[%swap3A_225, %swap3A_226], %mul3A_224 {strides = array<i32>} : memref<128x128xf32, #tpu.memory_space<vmem>>, vector<16xf32>,
      %get3A_228 = arith.index_cast %add3A_190 : i32 to index
      %get3A_229 = arith.constant 80 : index
      %get3A_230 = tpu.vector_load %arg8[%get3A_228, %get3A_229] {strides = array<i32>} : memref<128x128xf32, #tpu.memory_space<vmem>>, vector<16xf32>,
      %mul3A_231 = arith.mulf %get3A_230, %gather3A : vector<16xf32>
      %swap3A_232 = arith.index_cast %add3A_190 : i32 to index
      %swap3A_233 = arith.constant 80 : index
      %swap3A_234 = tpu.vector_load %arg8[%swap3A_232, %swap3A_233] {strides = array<i32>} : memref<128x128xf32, #tpu.memory_space<vmem>>, vector<16xf32>,
      tpu.vector_store %arg8[%swap3A_232, %swap3A_233], %mul3A_231 {strides = array<i32>} : memref<128x128xf32, #tpu.memory_space<vmem>>, vector<16xf32>,
      %get3A_235 = arith.index_cast %add3A_190 : i32 to index
      %get3A_236 = arith.constant 96 : index
      %get3A_237 = tpu.vector_load %arg8[%get3A_235, %get3A_236] {strides = array<i32>} : memref<128x128xf32, #tpu.memory_space<vmem>>, vector<16xf32>,
      %mul3A_238 = arith.mulf %get3A_237, %gather3A : vector<16xf32>
      %swap3A_239 = arith.index_cast %add3A_190 : i32 to index
      %swap3A_240 = arith.constant 96 : index
      %swap3A_241 = tpu.vector_load %arg8[%swap3A_239, %swap3A_240] {strides = array<i32>} : memref<128x128xf32, #tpu.memory_space<vmem>>, vector<16xf32>,
      tpu.vector_store %arg8[%swap3A_239, %swap3A_240], %mul3A_238 {strides = array<i32>} : memref<128x128xf32, #tpu.memory_space<vmem>>, vector<16xf32>,
      %get3A_242 = arith.index_cast %add3A_190 : i32 to index
      %get3A_243 = arith.constant 112 : index
      %get3A_244 = tpu.vector_load %arg8[%get3A_242, %get3A_243] {strides = array<i32>} : memref<128x128xf32, #tpu.memory_space<vmem>>, vector<16xf32>,
      %mul3A_245 = arith.mulf %get3A_244, %gather3A : vector<16xf32>
      %swap3A_246 = arith.index_cast %add3A_190 : i32 to index
      %swap3A_247 = arith.constant 112 : index
      %swap3A_248 = tpu.vector_load %arg8[%swap3A_246, %swap3A_247] {strides = array<i32>} : memref<128x128xf32, #tpu.memory_space<vmem>>, vector<16xf32>,
      tpu.vector_store %arg8[%swap3A_246, %swap3A_247], %mul3A_245 {strides = array<i32>} : memref<128x128xf32, #tpu.memory_space<vmem>>, vector<16xf32>,
      %scan3A_249 = arith.constant 1 : i32
      %scan3A_250 = arith.addi %scan3A_188, %scan3A_249 : i32
      %mul3A_251 = arith.constant 1 : i32
      %mul3A_252 = arith.muli %scan3A_250, %mul3A_251 : i32
      %add3A_253 = arith.constant 0 : i32
      %add3A_254 = arith.addi %add3A_253, %mul3A_252 : i32
      %add3A_255 = vector.broadcast %add3A_254 : i32 to vector<16xi32>
      %add3A_256 = arith.addi %broadcast_in_dim3A_131, %add3A_255 : vector<16xi32>
      %gather3A_257 = tpu.vector_load_idx %arg13[%add3A_256] : memref<128xf32, #tpu.memory_space<vmem>>[vector<16xi32>], vector<16xf32>,
      %get3A_258 = arith.index_cast %add3A_254 : i32 to index
      %get3A_259 = arith.constant 0 : index
      %get3A_260 = tpu.vector_load %arg8[%get3A_258, %get3A_259] {strides = array<i32>} : memref<128x128xf32, #tpu.memory_space<vmem>>, vector<16xf32>,
      %mul3A_261 = arith.mulf %get3A_260, %gather3A_257 : vector<16xf32>
      %swap3A_262 = arith.index_cast %add3A_254 : i32 to index
      %swap3A_263 = arith.constant 0 : index
      %swap3A_264 = tpu.vector_load %arg8[%swap3A_262, %swap3A_263] {strides = array<i32>} : memref<128x128xf32, #tpu.memory_space<vmem>>, vector<16xf32>,
      tpu.vector_store %arg8[%swap3A_262, %swap3A_263], %mul3A_261 {strides = array<i32>} : memref<128x128xf32, #tpu.memory_space<vmem>>, vector<16xf32>,
      %get3A_265 = arith.index_cast %add3A_254 : i32 to index
      %get3A_266 = arith.constant 16 : index
      %get3A_267 = tpu.vector_load %arg8[%get3A_265, %get3A_266] {strides = array<i32>} : memref<128x128xf32, #tpu.memory_space<vmem>>, vector<16xf32>,
      %mul3A_268 = arith.mulf %get3A_267, %gather3A_257 : vector<16xf32>
      %swap3A_269 = arith.index_cast %add3A_254 : i32 to index
      %swap3A_270 = arith.constant 16 : index
      %swap3A_271 = tpu.vector_load %arg8[%swap3A_269, %swap3A_270] {strides = array<i32>} : memref<128x128xf32, #tpu.memory_space<vmem>>, vector<16xf32>,
      tpu.vector_store %arg8[%swap3A_269, %swap3A_270], %mul3A_268 {strides = array<i32>} : memref<128x128xf32, #tpu.memory_space<vmem>>, vector<16xf32>,
      %get3A_272 = arith.index_cast %add3A_254 : i32 to index
      %get3A_273 = arith.constant 32 : index
      %get3A_274 = tpu.vector_load %arg8[%get3A_272, %get3A_273] {strides = array<i32>} : memref<128x128xf32, #tpu.memory_space<vmem>>, vector<16xf32>,
      %mul3A_275 = arith.mulf %get3A_274, %gather3A_257 : vector<16xf32>
      %swap3A_276 = arith.index_cast %add3A_254 : i32 to index
      %swap3A_277 = arith.constant 32 : index
      %swap3A_278 = tpu.vector_load %arg8[%swap3A_276, %swap3A_277] {strides = array<i32>} : memref<128x128xf32, #tpu.memory_space<vmem>>, vector<16xf32>,
      tpu.vector_store %arg8[%swap3A_276, %swap3A_277], %mul3A_275 {strides = array<i32>} : memref<128x128xf32, #tpu.memory_space<vmem>>, vector<16xf32>,
      %get3A_279 = arith.index_cast %add3A_254 : i32 to index
      %get3A_280 = arith.constant 48 : index
      %get3A_281 = tpu.vector_load %arg8[%get3A_279, %get3A_280] {strides = array<i32>} : memref<128x128xf32, #tpu.memory_space<vmem>>, vector<16xf32>,
      %mul3A_282 = arith.mulf %get3A_281, %gather3A_257 : vector<16xf32>
      %swap3A_283 = arith.index_cast %add3A_254 : i32 to index
      %swap3A_284 = arith.constant 48 : index
      %swap3A_285 = tpu.vector_load %arg8[%swap3A_283, %swap3A_284] {strides = array<i32>} : memref<128x128xf32, #tpu.memory_space<vmem>>, vector<16xf32>,
      tpu.vector_store %arg8[%swap3A_283, %swap3A_284], %mul3A_282 {strides = array<i32>} : memref<128x128xf32, #tpu.memory_space<vmem>>, vector<16xf32>,
      %get3A_286 = arith.index_cast %add3A_254 : i32 to index
      %get3A_287 = arith.constant 64 : index
      %get3A_288 = tpu.vector_load %arg8[%get3A_286, %get3A_287] {strides = array<i32>} : memref<128x128xf32, #tpu.memory_space<vmem>>, vector<16xf32>,
      %mul3A_289 = arith.mulf %get3A_288, %gather3A_257 : vector<16xf32>
      %swap3A_290 = arith.index_cast %add3A_254 : i32 to index
      %swap3A_291 = arith.constant 64 : index
      %swap3A_292 = tpu.vector_load %arg8[%swap3A_290, %swap3A_291] {strides = array<i32>} : memref<128x128xf32, #tpu.memory_space<vmem>>, vector<16xf32>,
      tpu.vector_store %arg8[%swap3A_290, %swap3A_291], %mul3A_289 {strides = array<i32>} : memref<128x128xf32, #tpu.memory_space<vmem>>, vector<16xf32>,
      %get3A_293 = arith.index_cast %add3A_254 : i32 to index
      %get3A_294 = arith.constant 80 : index
      %get3A_295 = tpu.vector_load %arg8[%get3A_293, %get3A_294] {strides = array<i32>} : memref<128x128xf32, #tpu.memory_space<vmem>>, vector<16xf32>,
      %mul3A_296 = arith.mulf %get3A_295, %gather3A_257 : vector<16xf32>
      %swap3A_297 = arith.index_cast %add3A_254 : i32 to index
      %swap3A_298 = arith.constant 80 : index
      %swap3A_299 = tpu.vector_load %arg8[%swap3A_297, %swap3A_298] {strides = array<i32>} : memref<128x128xf32, #tpu.memory_space<vmem>>, vector<16xf32>,
      tpu.vector_store %arg8[%swap3A_297, %swap3A_298], %mul3A_296 {strides = array<i32>} : memref<128x128xf32, #tpu.memory_space<vmem>>, vector<16xf32>,
      %get3A_300 = arith.index_cast %add3A_254 : i32 to index
      %get3A_301 = arith.constant 96 : index
      %get3A_302 = tpu.vector_load %arg8[%get3A_300, %get3A_301] {strides = array<i32>} : memref<128x128xf32, #tpu.memory_space<vmem>>, vector<16xf32>,
      %mul3A_303 = arith.mulf %get3A_302, %gather3A_257 : vector<16xf32>
      %swap3A_304 = arith.index_cast %add3A_254 : i32 to index
      %swap3A_305 = arith.constant 96 : index
      %swap3A_306 = tpu.vector_load %arg8[%swap3A_304, %swap3A_305] {strides = array<i32>} : memref<128x128xf32, #tpu.memory_space<vmem>>, vector<16xf32>,
      tpu.vector_store %arg8[%swap3A_304, %swap3A_305], %mul3A_303 {strides = array<i32>} : memref<128x128xf32, #tpu.memory_space<vmem>>, vector<16xf32>,
      %get3A_307 = arith.index_cast %add3A_254 : i32 to index
      %get3A_308 = arith.constant 112 : index
      %get3A_309 = tpu.vector_load %arg8[%get3A_307, %get3A_308] {strides = array<i32>} : memref<128x128xf32, #tpu.memory_space<vmem>>, vector<16xf32>,
      %mul3A_310 = arith.mulf %get3A_309, %gather3A_257 : vector<16xf32>
      %swap3A_311 = arith.index_cast %add3A_254 : i32 to index
      %swap3A_312 = arith.constant 112 : index
      %swap3A_313 = tpu.vector_load %arg8[%swap3A_311, %swap3A_312] {strides = array<i32>} : memref<128x128xf32, #tpu.memory_space<vmem>>, vector<16xf32>,
      tpu.vector_store %arg8[%swap3A_311, %swap3A_312], %mul3A_310 {strides = array<i32>} : memref<128x128xf32, #tpu.memory_space<vmem>>, vector<16xf32>,
      %scan3A_314 = arith.constant 2 : i32
      %scan3A_315 = arith.addi %scan3A_188, %scan3A_314 : i32
      %mul3A_316 = arith.constant 1 : i32
      %mul3A_317 = arith.muli %scan3A_315, %mul3A_316 : i32
      %add3A_318 = arith.constant 0 : i32
      %add3A_319 = arith.addi %add3A_318, %mul3A_317 : i32
      %add3A_320 = vector.broadcast %add3A_319 : i32 to vector<16xi32>
      %add3A_321 = arith.addi %broadcast_in_dim3A_131, %add3A_320 : vector<16xi32>
      %gather3A_322 = tpu.vector_load_idx %arg13[%add3A_321] : memref<128xf32, #tpu.memory_space<vmem>>[vector<16xi32>], vector<16xf32>,
      %get3A_323 = arith.index_cast %add3A_319 : i32 to index
      %get3A_324 = arith.constant 0 : index
      %get3A_325 = tpu.vector_load %arg8[%get3A_323, %get3A_324] {strides = array<i32>} : memref<128x128xf32, #tpu.memory_space<vmem>>, vector<16xf32>,
      %mul3A_326 = arith.mulf %get3A_325, %gather3A_322 : vector<16xf32>
      %swap3A_327 = arith.index_cast %add3A_319 : i32 to index
      %swap3A_328 = arith.constant 0 : index
      %swap3A_329 = tpu.vector_load %arg8[%swap3A_327, %swap3A_328] {strides = array<i32>} : memref<128x128xf32, #tpu.memory_space<vmem>>, vector<16xf32>,
      tpu.vector_store %arg8[%swap3A_327, %swap3A_328], %mul3A_326 {strides = array<i32>} : memref<128x128xf32, #tpu.memory_space<vmem>>, vector<16xf32>,
      %get3A_330 = arith.index_cast %add3A_319 : i32 to index
      %get3A_331 = arith.constant 16 : index
      %get3A_332 = tpu.vector_load %arg8[%get3A_330, %get3A_331] {strides = array<i32>} : memref<128x128xf32, #tpu.memory_space<vmem>>, vector<16xf32>,
      %mul3A_333 = arith.mulf %get3A_332, %gather3A_322 : vector<16xf32>
      %swap3A_334 = arith.index_cast %add3A_319 : i32 to index
      %swap3A_335 = arith.constant 16 : index
      %swap3A_336 = tpu.vector_load %arg8[%swap3A_334, %swap3A_335] {strides = array<i32>} : memref<128x128xf32, #tpu.memory_space<vmem>>, vector<16xf32>,
      tpu.vector_store %arg8[%swap3A_334, %swap3A_335], %mul3A_333 {strides = array<i32>} : memref<128x128xf32, #tpu.memory_space<vmem>>, vector<16xf32>,
      %get3A_337 = arith.index_cast %add3A_319 : i32 to index
      %get3A_338 = arith.constant 32 : index
      %get3A_339 = tpu.vector_load %arg8[%get3A_337, %get3A_338] {strides = array<i32>} : memref<128x128xf32, #tpu.memory_space<vmem>>, vector<16xf32>,
      %mul3A_340 = arith.mulf %get3A_339, %gather3A_322 : vector<16xf32>
      %swap3A_341 = arith.index_cast %add3A_319 : i32 to index
      %swap3A_342 = arith.constant 32 : index
      %swap3A_343 = tpu.vector_load %arg8[%swap3A_341, %swap3A_342] {strides = array<i32>} : memref<128x128xf32, #tpu.memory_space<vmem>>, vector<16xf32>,
      tpu.vector_store %arg8[%swap3A_341, %swap3A_342], %mul3A_340 {strides = array<i32>} : memref<128x128xf32, #tpu.memory_space<vmem>>, vector<16xf32>,
      %get3A_344 = arith.index_cast %add3A_319 : i32 to index
      %get3A_345 = arith.constant 48 : index
      %get3A_346 = tpu.vector_load %arg8[%get3A_344, %get3A_345] {strides = array<i32>} : memref<128x128xf32, #tpu.memory_space<vmem>>, vector<16xf32>,
      %mul3A_347 = arith.mulf %get3A_346, %gather3A_322 : vector<16xf32>
      %swap3A_348 = arith.index_cast %add3A_319 : i32 to index
      %swap3A_349 = arith.constant 48 : index
      %swap3A_350 = tpu.vector_load %arg8[%swap3A_348, %swap3A_349] {strides = array<i32>} : memref<128x128xf32, #tpu.memory_space<vmem>>, vector<16xf32>,
      tpu.vector_store %arg8[%swap3A_348, %swap3A_349], %mul3A_347 {strides = array<i32>} : memref<128x128xf32, #tpu.memory_space<vmem>>, vector<16xf32>,
      %get3A_351 = arith.index_cast %add3A_319 : i32 to index
      %get3A_352 = arith.constant 64 : index
      %get3A_353 = tpu.vector_load %arg8[%get3A_351, %get3A_352] {strides = array<i32>} : memref<128x128xf32, #tpu.memory_space<vmem>>, vector<16xf32>,
      %mul3A_354 = arith.mulf %get3A_353, %gather3A_322 : vector<16xf32>
      %swap3A_355 = arith.index_cast %add3A_319 : i32 to index
      %swap3A_356 = arith.constant 64 : index
      %swap3A_357 = tpu.vector_load %arg8[%swap3A_355, %swap3A_356] {strides = array<i32>} : memref<128x128xf32, #tpu.memory_space<vmem>>, vector<16xf32>,
      tpu.vector_store %arg8[%swap3A_355, %swap3A_356], %mul3A_354 {strides = array<i32>} : memref<128x128xf32, #tpu.memory_space<vmem>>, vector<16xf32>,
      %get3A_358 = arith.index_cast %add3A_319 : i32 to index
      %get3A_359 = arith.constant 80 : index
      %get3A_360 = tpu.vector_load %arg8[%get3A_358, %get3A_359] {strides = array<i32>} : memref<128x128xf32, #tpu.memory_space<vmem>>, vector<16xf32>,
      %mul3A_361 = arith.mulf %get3A_360, %gather3A_322 : vector<16xf32>
      %swap3A_362 = arith.index_cast %add3A_319 : i32 to index
      %swap3A_363 = arith.constant 80 : index
      %swap3A_364 = tpu.vector_load %arg8[%swap3A_362, %swap3A_363] {strides = array<i32>} : memref<128x128xf32, #tpu.memory_space<vmem>>, vector<16xf32>,
      tpu.vector_store %arg8[%swap3A_362, %swap3A_363], %mul3A_361 {strides = array<i32>} : memref<128x128xf32, #tpu.memory_space<vmem>>, vector<16xf32>,
      %get3A_365 = arith.index_cast %add3A_319 : i32 to index
      %get3A_366 = arith.constant 96 : index
      %get3A_367 = tpu.vector_load %arg8[%get3A_365, %get3A_366] {strides = array<i32>} : memref<128x128xf32, #tpu.memory_space<vmem>>, vector<16xf32>,
      %mul3A_368 = arith.mulf %get3A_367, %gather3A_322 : vector<16xf32>
      %swap3A_369 = arith.index_cast %add3A_319 : i32 to index
      %swap3A_370 = arith.constant 96 : index
      %swap3A_371 = tpu.vector_load %arg8[%swap3A_369, %swap3A_370] {strides = array<i32>} : memref<128x128xf32, #tpu.memory_space<vmem>>, vector<16xf32>,
      tpu.vector_store %arg8[%swap3A_369, %swap3A_370], %mul3A_368 {strides = array<i32>} : memref<128x128xf32, #tpu.memory_space<vmem>>, vector<16xf32>,
      %get3A_372 = arith.index_cast %add3A_319 : i32 to index
      %get3A_373 = arith.constant 112 : index
      %get3A_374 = tpu.vector_load %arg8[%get3A_372, %get3A_373] {strides = array<i32>} : memref<128x128xf32, #tpu.memory_space<vmem>>, vector<16xf32>,
      %mul3A_375 = arith.mulf %get3A_374, %gather3A_322 : vector<16xf32>
      %swap3A_376 = arith.index_cast %add3A_319 : i32 to index
      %swap3A_377 = arith.constant 112 : index
      %swap3A_378 = tpu.vector_load %arg8[%swap3A_376, %swap3A_377] {strides = array<i32>} : memref<128x128xf32, #tpu.memory_space<vmem>>, vector<16xf32>,
      tpu.vector_store %arg8[%swap3A_376, %swap3A_377], %mul3A_375 {strides = array<i32>} : memref<128x128xf32, #tpu.memory_space<vmem>>, vector<16xf32>,
      %scan3A_379 = arith.constant 3 : i32
      %scan3A_380 = arith.addi %scan3A_188, %scan3A_379 : i32
      %mul3A_381 = arith.constant 1 : i32
      %mul3A_382 = arith.muli %scan3A_380, %mul3A_381 : i32
      %add3A_383 = arith.constant 0 : i32
      %add3A_384 = arith.addi %add3A_383, %mul3A_382 : i32
      %add3A_385 = vector.broadcast %add3A_384 : i32 to vector<16xi32>
      %add3A_386 = arith.addi %broadcast_in_dim3A_131, %add3A_385 : vector<16xi32>
      %gather3A_387 = tpu.vector_load_idx %arg13[%add3A_386] : memref<128xf32, #tpu.memory_space<vmem>>[vector<16xi32>], vector<16xf32>,
      %get3A_388 = arith.index_cast %add3A_384 : i32 to index
      %get3A_389 = arith.constant 0 : index
      %get3A_390 = tpu.vector_load %arg8[%get3A_388, %get3A_389] {strides = array<i32>} : memref<128x128xf32, #tpu.memory_space<vmem>>, vector<16xf32>,
      %mul3A_391 = arith.mulf %get3A_390, %gather3A_387 : vector<16xf32>
      %swap3A_392 = arith.index_cast %add3A_384 : i32 to index
      %swap3A_393 = arith.constant 0 : index
      %swap3A_394 = tpu.vector_load %arg8[%swap3A_392, %swap3A_393] {strides = array<i32>} : memref<128x128xf32, #tpu.memory_space<vmem>>, vector<16xf32>,
      tpu.vector_store %arg8[%swap3A_392, %swap3A_393], %mul3A_391 {strides = array<i32>} : memref<128x128xf32, #tpu.memory_space<vmem>>, vector<16xf32>,
      %get3A_395 = arith.index_cast %add3A_384 : i32 to index
      %get3A_396 = arith.constant 16 : index
      %get3A_397 = tpu.vector_load %arg8[%get3A_395, %get3A_396] {strides = array<i32>} : memref<128x128xf32, #tpu.memory_space<vmem>>, vector<16xf32>,
      %mul3A_398 = arith.mulf %get3A_397, %gather3A_387 : vector<16xf32>
      %swap3A_399 = arith.index_cast %add3A_384 : i32 to index
      %swap3A_400 = arith.constant 16 : index
      %swap3A_401 = tpu.vector_load %arg8[%swap3A_399, %swap3A_400] {strides = array<i32>} : memref<128x128xf32, #tpu.memory_space<vmem>>, vector<16xf32>,
      tpu.vector_store %arg8[%swap3A_399, %swap3A_400], %mul3A_398 {strides = array<i32>} : memref<128x128xf32, #tpu.memory_space<vmem>>, vector<16xf32>,
      %get3A_402 = arith.index_cast %add3A_384 : i32 to index
      %get3A_403 = arith.constant 32 : index
      %get3A_404 = tpu.vector_load %arg8[%get3A_402, %get3A_403] {strides = array<i32>} : memref<128x128xf32, #tpu.memory_space<vmem>>, vector<16xf32>,
      %mul3A_405 = arith.mulf %get3A_404, %gather3A_387 : vector<16xf32>
      %swap3A_406 = arith.index_cast %add3A_384 : i32 to index
      %swap3A_407 = arith.constant 32 : index
      %swap3A_408 = tpu.vector_load %arg8[%swap3A_406, %swap3A_407] {strides = array<i32>} : memref<128x128xf32, #tpu.memory_space<vmem>>, vector<16xf32>,
      tpu.vector_store %arg8[%swap3A_406, %swap3A_407], %mul3A_405 {strides = array<i32>} : memref<128x128xf32, #tpu.memory_space<vmem>>, vector<16xf32>,
      %get3A_409 = arith.index_cast %add3A_384 : i32 to index
      %get3A_410 = arith.constant 48 : index
      %get3A_411 = tpu.vector_load %arg8[%get3A_409, %get3A_410] {strides = array<i32>} : memref<128x128xf32, #tpu.memory_space<vmem>>, vector<16xf32>,
      %mul3A_412 = arith.mulf %get3A_411, %gather3A_387 : vector<16xf32>
      %swap3A_413 = arith.index_cast %add3A_384 : i32 to index
      %swap3A_414 = arith.constant 48 : index
      %swap3A_415 = tpu.vector_load %arg8[%swap3A_413, %swap3A_414] {strides = array<i32>} : memref<128x128xf32, #tpu.memory_space<vmem>>, vector<16xf32>,
      tpu.vector_store %arg8[%swap3A_413, %swap3A_414], %mul3A_412 {strides = array<i32>} : memref<128x128xf32, #tpu.memory_space<vmem>>, vector<16xf32>,
      %get3A_416 = arith.index_cast %add3A_384 : i32 to index
      %get3A_417 = arith.constant 64 : index
      %get3A_418 = tpu.vector_load %arg8[%get3A_416, %get3A_417] {strides = array<i32>} : memref<128x128xf32, #tpu.memory_space<vmem>>, vector<16xf32>,
      %mul3A_419 = arith.mulf %get3A_418, %gather3A_387 : vector<16xf32>
      %swap3A_420 = arith.index_cast %add3A_384 : i32 to index
      %swap3A_421 = arith.constant 64 : index
      %swap3A_422 = tpu.vector_load %arg8[%swap3A_420, %swap3A_421] {strides = array<i32>} : memref<128x128xf32, #tpu.memory_space<vmem>>, vector<16xf32>,
      tpu.vector_store %arg8[%swap3A_420, %swap3A_421], %mul3A_419 {strides = array<i32>} : memref<128x128xf32, #tpu.memory_space<vmem>>, vector<16xf32>,
      %get3A_423 = arith.index_cast %add3A_384 : i32 to index
      %get3A_424 = arith.constant 80 : index
      %get3A_425 = tpu.vector_load %arg8[%get3A_423, %get3A_424] {strides = array<i32>} : memref<128x128xf32, #tpu.memory_space<vmem>>, vector<16xf32>,
      %mul3A_426 = arith.mulf %get3A_425, %gather3A_387 : vector<16xf32>
      %swap3A_427 = arith.index_cast %add3A_384 : i32 to index
      %swap3A_428 = arith.constant 80 : index
      %swap3A_429 = tpu.vector_load %arg8[%swap3A_427, %swap3A_428] {strides = array<i32>} : memref<128x128xf32, #tpu.memory_space<vmem>>, vector<16xf32>,
      tpu.vector_store %arg8[%swap3A_427, %swap3A_428], %mul3A_426 {strides = array<i32>} : memref<128x128xf32, #tpu.memory_space<vmem>>, vector<16xf32>,
      %get3A_430 = arith.index_cast %add3A_384 : i32 to index
      %get3A_431 = arith.constant 96 : index
      %get3A_432 = tpu.vector_load %arg8[%get3A_430, %get3A_431] {strides = array<i32>} : memref<128x128xf32, #tpu.memory_space<vmem>>, vector<16xf32>,
      %mul3A_433 = arith.mulf %get3A_432, %gather3A_387 : vector<16xf32>
      %swap3A_434 = arith.index_cast %add3A_384 : i32 to index
      %swap3A_435 = arith.constant 96 : index
      %swap3A_436 = tpu.vector_load %arg8[%swap3A_434, %swap3A_435] {strides = array<i32>} : memref<128x128xf32, #tpu.memory_space<vmem>>, vector<16xf32>,
      tpu.vector_store %arg8[%swap3A_434, %swap3A_435], %mul3A_433 {strides = array<i32>} : memref<128x128xf32, #tpu.memory_space<vmem>>, vector<16xf32>,
      %get3A_437 = arith.index_cast %add3A_384 : i32 to index
      %get3A_438 = arith.constant 112 : index
      %get3A_439 = tpu.vector_load %arg8[%get3A_437, %get3A_438] {strides = array<i32>} : memref<128x128xf32, #tpu.memory_space<vmem>>, vector<16xf32>,
      %mul3A_440 = arith.mulf %get3A_439, %gather3A_387 : vector<16xf32>
      %swap3A_441 = arith.index_cast %add3A_384 : i32 to index
      %swap3A_442 = arith.constant 112 : index
      %swap3A_443 = tpu.vector_load %arg8[%swap3A_441, %swap3A_442] {strides = array<i32>} : memref<128x128xf32, #tpu.memory_space<vmem>>, vector<16xf32>,
      tpu.vector_store %arg8[%swap3A_441, %swap3A_442], %mul3A_440 {strides = array<i32>} : memref<128x128xf32, #tpu.memory_space<vmem>>, vector<16xf32>,
    }
    %scan3A_136 = arith.constant 128 : i32
    %dma_wait3A_137 = arith.constant 0 : i32
    %dma_wait3A_138 = arith.constant 0 : i32
    %dma_wait3A_139 = tpu.memref_slice %arg2[%dma_wait3A_137, %dma_wait3A_138] : memref<20480x128xf32, #tpu.memory_space<hbm>> -> memref<20480x128xf32, #tpu.memory_space<hbm>>
    tpu.wait_indirect_dma semaphore(%arg15 : memref<!tpu.dma_semaphore, #tpu.memory_space<semaphore_mem>>) src(%dma_wait3A_139 : memref<20480x128xf32, #tpu.memory_space<hbm>>) dst(%arg9 : memref<128x128xf32, #tpu.memory_space<vmem>>)
    %dma_wait3A_140 = arith.constant 78 : i32
    %dma_wait3A_141 = arith.constant 0 : i32
    %dma_wait3A_142 = tpu.memref_slice %arg4[%arg1, %dma_wait3A_140, %dma_wait3A_141] : memref<16x80x128xi32, #tpu.memory_space<hbm>> -> memref<1x1x128xi32, #tpu.memory_space<hbm>>
    %dma_wait3A_143 = tpu.memref_squeeze %dma_wait3A_142 : memref<1x1x128xi32, #tpu.memory_space<hbm>> -> memref<128xi32, #tpu.memory_space<hbm>>
    %dma_wait3A_144 = arith.constant 0 : i32
    %dma_wait3A_145 = tpu.memref_slice %arg4[%arg1, %dma_wait3A_140, %dma_wait3A_144] : memref<16x80x128xi32, #tpu.memory_space<hbm>> -> memref<1x1x128xi32, #tpu.memory_space<hbm>>
    %dma_wait3A_146 = tpu.memref_squeeze %dma_wait3A_145 : memref<1x1x128xi32, #tpu.memory_space<hbm>> -> memref<128xi32, #tpu.memory_space<hbm>>
    tpu.wait_dma2 semaphore(%arg16 : memref<!tpu.dma_semaphore, #tpu.memory_space<semaphore_mem>>) src(%dma_wait3A_146 : memref<128xi32, #tpu.memory_space<hbm>>) dst(%arg12 : memref<128xi32, #tpu.memory_space<vmem>>)
    "tpu.region"() ({
      %run_scoped3A = tpu.sem_alloc : memref<!tpu.dma_semaphore, #tpu.memory_space<semaphore_mem>>
      %dma_start3A_188 = arith.constant 0 : i32
      %dma_start3A_189 = arith.constant 0 : i32
      %dma_start3A_190 = tpu.memref_slice %arg14[%dma_start3A_188, %dma_start3A_189] : memref<10240x128xf32, #tpu.memory_space<vmem_shared>> -> memref<10240x128xf32, #tpu.memory_space<vmem_shared>>
      tpu.enqueue_indirect_dma source(%arg8 : memref<128x128xf32, #tpu.memory_space<vmem>>) target(%dma_start3A_190 : memref<10240x128xf32, #tpu.memory_space<vmem_shared>>) offsets(%arg12 : memref<128xi32, #tpu.memory_space<vmem>>) semaphore(%run_scoped3A : memref<!tpu.dma_semaphore, #tpu.memory_space<semaphore_mem>>) {add = true}
      %dma_wait3A_191 = arith.constant 0 : i32
      %dma_wait3A_192 = arith.constant 0 : i32
      %dma_wait3A_193 = tpu.memref_slice %arg14[%dma_wait3A_191, %dma_wait3A_192] : memref<10240x128xf32, #tpu.memory_space<vmem_shared>> -> memref<10240x128xf32, #tpu.memory_space<vmem_shared>>
      tpu.wait_indirect_dma semaphore(%run_scoped3A : memref<!tpu.dma_semaphore, #tpu.memory_space<semaphore_mem>>) src(%arg8 : memref<128x128xf32, #tpu.memory_space<vmem>>) dst(%dma_wait3A_193 : memref<10240x128xf32, #tpu.memory_space<vmem_shared>>)
      tpu.yield
    }) : () -> ()
    %dma_start3A_147 = arith.constant 79 : i32
    %dma_start3A_148 = arith.constant 0 : i32
    %dma_start3A_149 = tpu.memref_slice %arg5[%arg1, %dma_start3A_147, %dma_start3A_148] : memref<16x80x128xf32, #tpu.memory_space<hbm>> -> memref<1x1x128xf32, #tpu.memory_space<hbm>>
    %dma_start3A_150 = tpu.memref_squeeze %dma_start3A_149 : memref<1x1x128xf32, #tpu.memory_space<hbm>> -> memref<128xf32, #tpu.memory_space<hbm>>
    %dma_start3A_151 = arith.constant 0 : i32
    %dma_start3A_152 = tpu.memref_slice %arg5[%arg1, %dma_start3A_147, %dma_start3A_151] : memref<16x80x128xf32, #tpu.memory_space<hbm>> -> memref<1x1x128xf32, #tpu.memory_space<hbm>>
    %dma_start3A_153 = tpu.memref_squeeze %dma_start3A_152 : memref<1x1x128xf32, #tpu.memory_space<hbm>> -> memref<128xf32, #tpu.memory_space<hbm>>
    tpu.enqueue_dma source(%dma_start3A_153 : memref<128xf32, #tpu.memory_space<hbm>>) target(%arg13 : memref<128xf32, #tpu.memory_space<vmem>>) target_semaphore(%arg16 : memref<!tpu.dma_semaphore, #tpu.memory_space<semaphore_mem>>)
    %dma_start3A_154 = arith.constant 79 : i32
    %dma_start3A_155 = arith.constant 0 : i32
    %dma_start3A_156 = tpu.memref_slice %arg4[%arg1, %dma_start3A_154, %dma_start3A_155] : memref<16x80x128xi32, #tpu.memory_space<hbm>> -> memref<1x1x128xi32, #tpu.memory_space<hbm>>
    %dma_start3A_157 = tpu.memref_squeeze %dma_start3A_156 : memref<1x1x128xi32, #tpu.memory_space<hbm>> -> memref<128xi32, #tpu.memory_space<hbm>>
    %dma_start3A_158 = arith.constant 0 : i32
    %dma_start3A_159 = tpu.memref_slice %arg4[%arg1, %dma_start3A_154, %dma_start3A_158] : memref<16x80x128xi32, #tpu.memory_space<hbm>> -> memref<1x1x128xi32, #tpu.memory_space<hbm>>
    %dma_start3A_160 = tpu.memref_squeeze %dma_start3A_159 : memref<1x1x128xi32, #tpu.memory_space<hbm>> -> memref<128xi32, #tpu.memory_space<hbm>>
    tpu.enqueue_dma source(%dma_start3A_160 : memref<128xi32, #tpu.memory_space<hbm>>) target(%arg12 : memref<128xi32, #tpu.memory_space<vmem>>) target_semaphore(%arg16 : memref<!tpu.dma_semaphore, #tpu.memory_space<semaphore_mem>>)
    %dma_wait3A_161 = arith.constant 79 : i32
    %dma_wait3A_162 = arith.constant 0 : i32
    %dma_wait3A_163 = tpu.memref_slice %arg5[%arg1, %dma_wait3A_161, %dma_wait3A_162] : memref<16x80x128xf32, #tpu.memory_space<hbm>> -> memref<1x1x128xf32, #tpu.memory_space<hbm>>
    %dma_wait3A_164 = tpu.memref_squeeze %dma_wait3A_163 : memref<1x1x128xf32, #tpu.memory_space<hbm>> -> memref<128xf32, #tpu.memory_space<hbm>>
    %dma_wait3A_165 = arith.constant 0 : i32
    %dma_wait3A_166 = tpu.memref_slice %arg5[%arg1, %dma_wait3A_161, %dma_wait3A_165] : memref<16x80x128xf32, #tpu.memory_space<hbm>> -> memref<1x1x128xf32, #tpu.memory_space<hbm>>
    %dma_wait3A_167 = tpu.memref_squeeze %dma_wait3A_166 : memref<1x1x128xf32, #tpu.memory_space<hbm>> -> memref<128xf32, #tpu.memory_space<hbm>>
    tpu.wait_dma2 semaphore(%arg16 : memref<!tpu.dma_semaphore, #tpu.memory_space<semaphore_mem>>) src(%dma_wait3A_167 : memref<128xf32, #tpu.memory_space<hbm>>) dst(%arg13 : memref<128xf32, #tpu.memory_space<vmem>>)
    %broadcast_in_dim3A_168 = arith.constant 0 : i32
    %broadcast_in_dim3A_169 = vector.broadcast %broadcast_in_dim3A_168 : i32 to vector<16xi32>
    %scan3A_170 = arith.constant 0 : i32
    %scan3A_171 = arith.constant 128 : i32
    %scan3A_172 = arith.addi %scan3A_170, %scan3A_171 : i32
    %scan3A_173 = arith.constant 4 : i32
    scf.for %scan3A_188 = %scan3A_170 to %scan3A_172 step %scan3A_173  : i32 {
      %mul3A = arith.constant 1 : i32
      %mul3A_189 = arith.muli %scan3A_188, %mul3A : i32
      %add3A = arith.constant 0 : i32
      %add3A_190 = arith.addi %add3A, %mul3A_189 : i32
      %add3A_191 = vector.broadcast %add3A_190 : i32 to vector<16xi32>
      %add3A_192 = arith.addi %broadcast_in_dim3A_169, %add3A_191 : vector<16xi32>
      %gather3A = tpu.vector_load_idx %arg13[%add3A_192] : memref<128xf32, #tpu.memory_space<vmem>>[vector<16xi32>], vector<16xf32>,
      %get3A_193 = arith.index_cast %add3A_190 : i32 to index
      %get3A_194 = arith.constant 0 : index
      %get3A_195 = tpu.vector_load %arg9[%get3A_193, %get3A_194] {strides = array<i32>} : memref<128x128xf32, #tpu.memory_space<vmem>>, vector<16xf32>,
      %mul3A_196 = arith.mulf %get3A_195, %gather3A : vector<16xf32>
      %swap3A_197 = arith.index_cast %add3A_190 : i32 to index
      %swap3A_198 = arith.constant 0 : index
      %swap3A_199 = tpu.vector_load %arg9[%swap3A_197, %swap3A_198] {strides = array<i32>} : memref<128x128xf32, #tpu.memory_space<vmem>>, vector<16xf32>,
      tpu.vector_store %arg9[%swap3A_197, %swap3A_198], %mul3A_196 {strides = array<i32>} : memref<128x128xf32, #tpu.memory_space<vmem>>, vector<16xf32>,
      %get3A_200 = arith.index_cast %add3A_190 : i32 to index
      %get3A_201 = arith.constant 16 : index
      %get3A_202 = tpu.vector_load %arg9[%get3A_200, %get3A_201] {strides = array<i32>} : memref<128x128xf32, #tpu.memory_space<vmem>>, vector<16xf32>,
      %mul3A_203 = arith.mulf %get3A_202, %gather3A : vector<16xf32>
      %swap3A_204 = arith.index_cast %add3A_190 : i32 to index
      %swap3A_205 = arith.constant 16 : index
      %swap3A_206 = tpu.vector_load %arg9[%swap3A_204, %swap3A_205] {strides = array<i32>} : memref<128x128xf32, #tpu.memory_space<vmem>>, vector<16xf32>,
      tpu.vector_store %arg9[%swap3A_204, %swap3A_205], %mul3A_203 {strides = array<i32>} : memref<128x128xf32, #tpu.memory_space<vmem>>, vector<16xf32>,
      %get3A_207 = arith.index_cast %add3A_190 : i32 to index
      %get3A_208 = arith.constant 32 : index
      %get3A_209 = tpu.vector_load %arg9[%get3A_207, %get3A_208] {strides = array<i32>} : memref<128x128xf32, #tpu.memory_space<vmem>>, vector<16xf32>,
      %mul3A_210 = arith.mulf %get3A_209, %gather3A : vector<16xf32>
      %swap3A_211 = arith.index_cast %add3A_190 : i32 to index
      %swap3A_212 = arith.constant 32 : index
      %swap3A_213 = tpu.vector_load %arg9[%swap3A_211, %swap3A_212] {strides = array<i32>} : memref<128x128xf32, #tpu.memory_space<vmem>>, vector<16xf32>,
      tpu.vector_store %arg9[%swap3A_211, %swap3A_212], %mul3A_210 {strides = array<i32>} : memref<128x128xf32, #tpu.memory_space<vmem>>, vector<16xf32>,
      %get3A_214 = arith.index_cast %add3A_190 : i32 to index
      %get3A_215 = arith.constant 48 : index
      %get3A_216 = tpu.vector_load %arg9[%get3A_214, %get3A_215] {strides = array<i32>} : memref<128x128xf32, #tpu.memory_space<vmem>>, vector<16xf32>,
      %mul3A_217 = arith.mulf %get3A_216, %gather3A : vector<16xf32>
      %swap3A_218 = arith.index_cast %add3A_190 : i32 to index
      %swap3A_219 = arith.constant 48 : index
      %swap3A_220 = tpu.vector_load %arg9[%swap3A_218, %swap3A_219] {strides = array<i32>} : memref<128x128xf32, #tpu.memory_space<vmem>>, vector<16xf32>,
      tpu.vector_store %arg9[%swap3A_218, %swap3A_219], %mul3A_217 {strides = array<i32>} : memref<128x128xf32, #tpu.memory_space<vmem>>, vector<16xf32>,
      %get3A_221 = arith.index_cast %add3A_190 : i32 to index
      %get3A_222 = arith.constant 64 : index
      %get3A_223 = tpu.vector_load %arg9[%get3A_221, %get3A_222] {strides = array<i32>} : memref<128x128xf32, #tpu.memory_space<vmem>>, vector<16xf32>,
      %mul3A_224 = arith.mulf %get3A_223, %gather3A : vector<16xf32>
      %swap3A_225 = arith.index_cast %add3A_190 : i32 to index
      %swap3A_226 = arith.constant 64 : index
      %swap3A_227 = tpu.vector_load %arg9[%swap3A_225, %swap3A_226] {strides = array<i32>} : memref<128x128xf32, #tpu.memory_space<vmem>>, vector<16xf32>,
      tpu.vector_store %arg9[%swap3A_225, %swap3A_226], %mul3A_224 {strides = array<i32>} : memref<128x128xf32, #tpu.memory_space<vmem>>, vector<16xf32>,
      %get3A_228 = arith.index_cast %add3A_190 : i32 to index
      %get3A_229 = arith.constant 80 : index
      %get3A_230 = tpu.vector_load %arg9[%get3A_228, %get3A_229] {strides = array<i32>} : memref<128x128xf32, #tpu.memory_space<vmem>>, vector<16xf32>,
      %mul3A_231 = arith.mulf %get3A_230, %gather3A : vector<16xf32>
      %swap3A_232 = arith.index_cast %add3A_190 : i32 to index
      %swap3A_233 = arith.constant 80 : index
      %swap3A_234 = tpu.vector_load %arg9[%swap3A_232, %swap3A_233] {strides = array<i32>} : memref<128x128xf32, #tpu.memory_space<vmem>>, vector<16xf32>,
      tpu.vector_store %arg9[%swap3A_232, %swap3A_233], %mul3A_231 {strides = array<i32>} : memref<128x128xf32, #tpu.memory_space<vmem>>, vector<16xf32>,
      %get3A_235 = arith.index_cast %add3A_190 : i32 to index
      %get3A_236 = arith.constant 96 : index
      %get3A_237 = tpu.vector_load %arg9[%get3A_235, %get3A_236] {strides = array<i32>} : memref<128x128xf32, #tpu.memory_space<vmem>>, vector<16xf32>,
      %mul3A_238 = arith.mulf %get3A_237, %gather3A : vector<16xf32>
      %swap3A_239 = arith.index_cast %add3A_190 : i32 to index
      %swap3A_240 = arith.constant 96 : index
      %swap3A_241 = tpu.vector_load %arg9[%swap3A_239, %swap3A_240] {strides = array<i32>} : memref<128x128xf32, #tpu.memory_space<vmem>>, vector<16xf32>,
      tpu.vector_store %arg9[%swap3A_239, %swap3A_240], %mul3A_238 {strides = array<i32>} : memref<128x128xf32, #tpu.memory_space<vmem>>, vector<16xf32>,
      %get3A_242 = arith.index_cast %add3A_190 : i32 to index
      %get3A_243 = arith.constant 112 : index
      %get3A_244 = tpu.vector_load %arg9[%get3A_242, %get3A_243] {strides = array<i32>} : memref<128x128xf32, #tpu.memory_space<vmem>>, vector<16xf32>,
      %mul3A_245 = arith.mulf %get3A_244, %gather3A : vector<16xf32>
      %swap3A_246 = arith.index_cast %add3A_190 : i32 to index
      %swap3A_247 = arith.constant 112 : index
      %swap3A_248 = tpu.vector_load %arg9[%swap3A_246, %swap3A_247] {strides = array<i32>} : memref<128x128xf32, #tpu.memory_space<vmem>>, vector<16xf32>,
      tpu.vector_store %arg9[%swap3A_246, %swap3A_247], %mul3A_245 {strides = array<i32>} : memref<128x128xf32, #tpu.memory_space<vmem>>, vector<16xf32>,
      %scan3A_249 = arith.constant 1 : i32
      %scan3A_250 = arith.addi %scan3A_188, %scan3A_249 : i32
      %mul3A_251 = arith.constant 1 : i32
      %mul3A_252 = arith.muli %scan3A_250, %mul3A_251 : i32
      %add3A_253 = arith.constant 0 : i32
      %add3A_254 = arith.addi %add3A_253, %mul3A_252 : i32
      %add3A_255 = vector.broadcast %add3A_254 : i32 to vector<16xi32>
      %add3A_256 = arith.addi %broadcast_in_dim3A_169, %add3A_255 : vector<16xi32>
      %gather3A_257 = tpu.vector_load_idx %arg13[%add3A_256] : memref<128xf32, #tpu.memory_space<vmem>>[vector<16xi32>], vector<16xf32>,
      %get3A_258 = arith.index_cast %add3A_254 : i32 to index
      %get3A_259 = arith.constant 0 : index
      %get3A_260 = tpu.vector_load %arg9[%get3A_258, %get3A_259] {strides = array<i32>} : memref<128x128xf32, #tpu.memory_space<vmem>>, vector<16xf32>,
      %mul3A_261 = arith.mulf %get3A_260, %gather3A_257 : vector<16xf32>
      %swap3A_262 = arith.index_cast %add3A_254 : i32 to index
      %swap3A_263 = arith.constant 0 : index
      %swap3A_264 = tpu.vector_load %arg9[%swap3A_262, %swap3A_263] {strides = array<i32>} : memref<128x128xf32, #tpu.memory_space<vmem>>, vector<16xf32>,
      tpu.vector_store %arg9[%swap3A_262, %swap3A_263], %mul3A_261 {strides = array<i32>} : memref<128x128xf32, #tpu.memory_space<vmem>>, vector<16xf32>,
      %get3A_265 = arith.index_cast %add3A_254 : i32 to index
      %get3A_266 = arith.constant 16 : index
      %get3A_267 = tpu.vector_load %arg9[%get3A_265, %get3A_266] {strides = array<i32>} : memref<128x128xf32, #tpu.memory_space<vmem>>, vector<16xf32>,
      %mul3A_268 = arith.mulf %get3A_267, %gather3A_257 : vector<16xf32>
      %swap3A_269 = arith.index_cast %add3A_254 : i32 to index
      %swap3A_270 = arith.constant 16 : index
      %swap3A_271 = tpu.vector_load %arg9[%swap3A_269, %swap3A_270] {strides = array<i32>} : memref<128x128xf32, #tpu.memory_space<vmem>>, vector<16xf32>,
      tpu.vector_store %arg9[%swap3A_269, %swap3A_270], %mul3A_268 {strides = array<i32>} : memref<128x128xf32, #tpu.memory_space<vmem>>, vector<16xf32>,
      %get3A_272 = arith.index_cast %add3A_254 : i32 to index
      %get3A_273 = arith.constant 32 : index
      %get3A_274 = tpu.vector_load %arg9[%get3A_272, %get3A_273] {strides = array<i32>} : memref<128x128xf32, #tpu.memory_space<vmem>>, vector<16xf32>,
      %mul3A_275 = arith.mulf %get3A_274, %gather3A_257 : vector<16xf32>
      %swap3A_276 = arith.index_cast %add3A_254 : i32 to index
      %swap3A_277 = arith.constant 32 : index
      %swap3A_278 = tpu.vector_load %arg9[%swap3A_276, %swap3A_277] {strides = array<i32>} : memref<128x128xf32, #tpu.memory_space<vmem>>, vector<16xf32>,
      tpu.vector_store %arg9[%swap3A_276, %swap3A_277], %mul3A_275 {strides = array<i32>} : memref<128x128xf32, #tpu.memory_space<vmem>>, vector<16xf32>,
      %get3A_279 = arith.index_cast %add3A_254 : i32 to index
      %get3A_280 = arith.constant 48 : index
      %get3A_281 = tpu.vector_load %arg9[%get3A_279, %get3A_280] {strides = array<i32>} : memref<128x128xf32, #tpu.memory_space<vmem>>, vector<16xf32>,
      %mul3A_282 = arith.mulf %get3A_281, %gather3A_257 : vector<16xf32>
      %swap3A_283 = arith.index_cast %add3A_254 : i32 to index
      %swap3A_284 = arith.constant 48 : index
      %swap3A_285 = tpu.vector_load %arg9[%swap3A_283, %swap3A_284] {strides = array<i32>} : memref<128x128xf32, #tpu.memory_space<vmem>>, vector<16xf32>,
      tpu.vector_store %arg9[%swap3A_283, %swap3A_284], %mul3A_282 {strides = array<i32>} : memref<128x128xf32, #tpu.memory_space<vmem>>, vector<16xf32>,
      %get3A_286 = arith.index_cast %add3A_254 : i32 to index
      %get3A_287 = arith.constant 64 : index
      %get3A_288 = tpu.vector_load %arg9[%get3A_286, %get3A_287] {strides = array<i32>} : memref<128x128xf32, #tpu.memory_space<vmem>>, vector<16xf32>,
      %mul3A_289 = arith.mulf %get3A_288, %gather3A_257 : vector<16xf32>
      %swap3A_290 = arith.index_cast %add3A_254 : i32 to index
      %swap3A_291 = arith.constant 64 : index
      %swap3A_292 = tpu.vector_load %arg9[%swap3A_290, %swap3A_291] {strides = array<i32>} : memref<128x128xf32, #tpu.memory_space<vmem>>, vector<16xf32>,
      tpu.vector_store %arg9[%swap3A_290, %swap3A_291], %mul3A_289 {strides = array<i32>} : memref<128x128xf32, #tpu.memory_space<vmem>>, vector<16xf32>,
      %get3A_293 = arith.index_cast %add3A_254 : i32 to index
      %get3A_294 = arith.constant 80 : index
      %get3A_295 = tpu.vector_load %arg9[%get3A_293, %get3A_294] {strides = array<i32>} : memref<128x128xf32, #tpu.memory_space<vmem>>, vector<16xf32>,
      %mul3A_296 = arith.mulf %get3A_295, %gather3A_257 : vector<16xf32>
      %swap3A_297 = arith.index_cast %add3A_254 : i32 to index
      %swap3A_298 = arith.constant 80 : index
      %swap3A_299 = tpu.vector_load %arg9[%swap3A_297, %swap3A_298] {strides = array<i32>} : memref<128x128xf32, #tpu.memory_space<vmem>>, vector<16xf32>,
      tpu.vector_store %arg9[%swap3A_297, %swap3A_298], %mul3A_296 {strides = array<i32>} : memref<128x128xf32, #tpu.memory_space<vmem>>, vector<16xf32>,
      %get3A_300 = arith.index_cast %add3A_254 : i32 to index
      %get3A_301 = arith.constant 96 : index
      %get3A_302 = tpu.vector_load %arg9[%get3A_300, %get3A_301] {strides = array<i32>} : memref<128x128xf32, #tpu.memory_space<vmem>>, vector<16xf32>,
      %mul3A_303 = arith.mulf %get3A_302, %gather3A_257 : vector<16xf32>
      %swap3A_304 = arith.index_cast %add3A_254 : i32 to index
      %swap3A_305 = arith.constant 96 : index
      %swap3A_306 = tpu.vector_load %arg9[%swap3A_304, %swap3A_305] {strides = array<i32>} : memref<128x128xf32, #tpu.memory_space<vmem>>, vector<16xf32>,
      tpu.vector_store %arg9[%swap3A_304, %swap3A_305], %mul3A_303 {strides = array<i32>} : memref<128x128xf32, #tpu.memory_space<vmem>>, vector<16xf32>,
      %get3A_307 = arith.index_cast %add3A_254 : i32 to index
      %get3A_308 = arith.constant 112 : index
      %get3A_309 = tpu.vector_load %arg9[%get3A_307, %get3A_308] {strides = array<i32>} : memref<128x128xf32, #tpu.memory_space<vmem>>, vector<16xf32>,
      %mul3A_310 = arith.mulf %get3A_309, %gather3A_257 : vector<16xf32>
      %swap3A_311 = arith.index_cast %add3A_254 : i32 to index
      %swap3A_312 = arith.constant 112 : index
      %swap3A_313 = tpu.vector_load %arg9[%swap3A_311, %swap3A_312] {strides = array<i32>} : memref<128x128xf32, #tpu.memory_space<vmem>>, vector<16xf32>,
      tpu.vector_store %arg9[%swap3A_311, %swap3A_312], %mul3A_310 {strides = array<i32>} : memref<128x128xf32, #tpu.memory_space<vmem>>, vector<16xf32>,
      %scan3A_314 = arith.constant 2 : i32
      %scan3A_315 = arith.addi %scan3A_188, %scan3A_314 : i32
      %mul3A_316 = arith.constant 1 : i32
      %mul3A_317 = arith.muli %scan3A_315, %mul3A_316 : i32
      %add3A_318 = arith.constant 0 : i32
      %add3A_319 = arith.addi %add3A_318, %mul3A_317 : i32
      %add3A_320 = vector.broadcast %add3A_319 : i32 to vector<16xi32>
      %add3A_321 = arith.addi %broadcast_in_dim3A_169, %add3A_320 : vector<16xi32>
      %gather3A_322 = tpu.vector_load_idx %arg13[%add3A_321] : memref<128xf32, #tpu.memory_space<vmem>>[vector<16xi32>], vector<16xf32>,
      %get3A_323 = arith.index_cast %add3A_319 : i32 to index
      %get3A_324 = arith.constant 0 : index
      %get3A_325 = tpu.vector_load %arg9[%get3A_323, %get3A_324] {strides = array<i32>} : memref<128x128xf32, #tpu.memory_space<vmem>>, vector<16xf32>,
      %mul3A_326 = arith.mulf %get3A_325, %gather3A_322 : vector<16xf32>
      %swap3A_327 = arith.index_cast %add3A_319 : i32 to index
      %swap3A_328 = arith.constant 0 : index
      %swap3A_329 = tpu.vector_load %arg9[%swap3A_327, %swap3A_328] {strides = array<i32>} : memref<128x128xf32, #tpu.memory_space<vmem>>, vector<16xf32>,
      tpu.vector_store %arg9[%swap3A_327, %swap3A_328], %mul3A_326 {strides = array<i32>} : memref<128x128xf32, #tpu.memory_space<vmem>>, vector<16xf32>,
      %get3A_330 = arith.index_cast %add3A_319 : i32 to index
      %get3A_331 = arith.constant 16 : index
      %get3A_332 = tpu.vector_load %arg9[%get3A_330, %get3A_331] {strides = array<i32>} : memref<128x128xf32, #tpu.memory_space<vmem>>, vector<16xf32>,
      %mul3A_333 = arith.mulf %get3A_332, %gather3A_322 : vector<16xf32>
      %swap3A_334 = arith.index_cast %add3A_319 : i32 to index
      %swap3A_335 = arith.constant 16 : index
      %swap3A_336 = tpu.vector_load %arg9[%swap3A_334, %swap3A_335] {strides = array<i32>} : memref<128x128xf32, #tpu.memory_space<vmem>>, vector<16xf32>,
      tpu.vector_store %arg9[%swap3A_334, %swap3A_335], %mul3A_333 {strides = array<i32>} : memref<128x128xf32, #tpu.memory_space<vmem>>, vector<16xf32>,
      %get3A_337 = arith.index_cast %add3A_319 : i32 to index
      %get3A_338 = arith.constant 32 : index
      %get3A_339 = tpu.vector_load %arg9[%get3A_337, %get3A_338] {strides = array<i32>} : memref<128x128xf32, #tpu.memory_space<vmem>>, vector<16xf32>,
      %mul3A_340 = arith.mulf %get3A_339, %gather3A_322 : vector<16xf32>
      %swap3A_341 = arith.index_cast %add3A_319 : i32 to index
      %swap3A_342 = arith.constant 32 : index
      %swap3A_343 = tpu.vector_load %arg9[%swap3A_341, %swap3A_342] {strides = array<i32>} : memref<128x128xf32, #tpu.memory_space<vmem>>, vector<16xf32>,
      tpu.vector_store %arg9[%swap3A_341, %swap3A_342], %mul3A_340 {strides = array<i32>} : memref<128x128xf32, #tpu.memory_space<vmem>>, vector<16xf32>,
      %get3A_344 = arith.index_cast %add3A_319 : i32 to index
      %get3A_345 = arith.constant 48 : index
      %get3A_346 = tpu.vector_load %arg9[%get3A_344, %get3A_345] {strides = array<i32>} : memref<128x128xf32, #tpu.memory_space<vmem>>, vector<16xf32>,
      %mul3A_347 = arith.mulf %get3A_346, %gather3A_322 : vector<16xf32>
      %swap3A_348 = arith.index_cast %add3A_319 : i32 to index
      %swap3A_349 = arith.constant 48 : index
      %swap3A_350 = tpu.vector_load %arg9[%swap3A_348, %swap3A_349] {strides = array<i32>} : memref<128x128xf32, #tpu.memory_space<vmem>>, vector<16xf32>,
      tpu.vector_store %arg9[%swap3A_348, %swap3A_349], %mul3A_347 {strides = array<i32>} : memref<128x128xf32, #tpu.memory_space<vmem>>, vector<16xf32>,
      %get3A_351 = arith.index_cast %add3A_319 : i32 to index
      %get3A_352 = arith.constant 64 : index
      %get3A_353 = tpu.vector_load %arg9[%get3A_351, %get3A_352] {strides = array<i32>} : memref<128x128xf32, #tpu.memory_space<vmem>>, vector<16xf32>,
      %mul3A_354 = arith.mulf %get3A_353, %gather3A_322 : vector<16xf32>
      %swap3A_355 = arith.index_cast %add3A_319 : i32 to index
      %swap3A_356 = arith.constant 64 : index
      %swap3A_357 = tpu.vector_load %arg9[%swap3A_355, %swap3A_356] {strides = array<i32>} : memref<128x128xf32, #tpu.memory_space<vmem>>, vector<16xf32>,
      tpu.vector_store %arg9[%swap3A_355, %swap3A_356], %mul3A_354 {strides = array<i32>} : memref<128x128xf32, #tpu.memory_space<vmem>>, vector<16xf32>,
      %get3A_358 = arith.index_cast %add3A_319 : i32 to index
      %get3A_359 = arith.constant 80 : index
      %get3A_360 = tpu.vector_load %arg9[%get3A_358, %get3A_359] {strides = array<i32>} : memref<128x128xf32, #tpu.memory_space<vmem>>, vector<16xf32>,
      %mul3A_361 = arith.mulf %get3A_360, %gather3A_322 : vector<16xf32>
      %swap3A_362 = arith.index_cast %add3A_319 : i32 to index
      %swap3A_363 = arith.constant 80 : index
      %swap3A_364 = tpu.vector_load %arg9[%swap3A_362, %swap3A_363] {strides = array<i32>} : memref<128x128xf32, #tpu.memory_space<vmem>>, vector<16xf32>,
      tpu.vector_store %arg9[%swap3A_362, %swap3A_363], %mul3A_361 {strides = array<i32>} : memref<128x128xf32, #tpu.memory_space<vmem>>, vector<16xf32>,
      %get3A_365 = arith.index_cast %add3A_319 : i32 to index
      %get3A_366 = arith.constant 96 : index
      %get3A_367 = tpu.vector_load %arg9[%get3A_365, %get3A_366] {strides = array<i32>} : memref<128x128xf32, #tpu.memory_space<vmem>>, vector<16xf32>,
      %mul3A_368 = arith.mulf %get3A_367, %gather3A_322 : vector<16xf32>
      %swap3A_369 = arith.index_cast %add3A_319 : i32 to index
      %swap3A_370 = arith.constant 96 : index
      %swap3A_371 = tpu.vector_load %arg9[%swap3A_369, %swap3A_370] {strides = array<i32>} : memref<128x128xf32, #tpu.memory_space<vmem>>, vector<16xf32>,
      tpu.vector_store %arg9[%swap3A_369, %swap3A_370], %mul3A_368 {strides = array<i32>} : memref<128x128xf32, #tpu.memory_space<vmem>>, vector<16xf32>,
      %get3A_372 = arith.index_cast %add3A_319 : i32 to index
      %get3A_373 = arith.constant 112 : index
      %get3A_374 = tpu.vector_load %arg9[%get3A_372, %get3A_373] {strides = array<i32>} : memref<128x128xf32, #tpu.memory_space<vmem>>, vector<16xf32>,
      %mul3A_375 = arith.mulf %get3A_374, %gather3A_322 : vector<16xf32>
      %swap3A_376 = arith.index_cast %add3A_319 : i32 to index
      %swap3A_377 = arith.constant 112 : index
      %swap3A_378 = tpu.vector_load %arg9[%swap3A_376, %swap3A_377] {strides = array<i32>} : memref<128x128xf32, #tpu.memory_space<vmem>>, vector<16xf32>,
      tpu.vector_store %arg9[%swap3A_376, %swap3A_377], %mul3A_375 {strides = array<i32>} : memref<128x128xf32, #tpu.memory_space<vmem>>, vector<16xf32>,
      %scan3A_379 = arith.constant 3 : i32
      %scan3A_380 = arith.addi %scan3A_188, %scan3A_379 : i32
      %mul3A_381 = arith.constant 1 : i32
      %mul3A_382 = arith.muli %scan3A_380, %mul3A_381 : i32
      %add3A_383 = arith.constant 0 : i32
      %add3A_384 = arith.addi %add3A_383, %mul3A_382 : i32
      %add3A_385 = vector.broadcast %add3A_384 : i32 to vector<16xi32>
      %add3A_386 = arith.addi %broadcast_in_dim3A_169, %add3A_385 : vector<16xi32>
      %gather3A_387 = tpu.vector_load_idx %arg13[%add3A_386] : memref<128xf32, #tpu.memory_space<vmem>>[vector<16xi32>], vector<16xf32>,
      %get3A_388 = arith.index_cast %add3A_384 : i32 to index
      %get3A_389 = arith.constant 0 : index
      %get3A_390 = tpu.vector_load %arg9[%get3A_388, %get3A_389] {strides = array<i32>} : memref<128x128xf32, #tpu.memory_space<vmem>>, vector<16xf32>,
      %mul3A_391 = arith.mulf %get3A_390, %gather3A_387 : vector<16xf32>
      %swap3A_392 = arith.index_cast %add3A_384 : i32 to index
      %swap3A_393 = arith.constant 0 : index
      %swap3A_394 = tpu.vector_load %arg9[%swap3A_392, %swap3A_393] {strides = array<i32>} : memref<128x128xf32, #tpu.memory_space<vmem>>, vector<16xf32>,
      tpu.vector_store %arg9[%swap3A_392, %swap3A_393], %mul3A_391 {strides = array<i32>} : memref<128x128xf32, #tpu.memory_space<vmem>>, vector<16xf32>,
      %get3A_395 = arith.index_cast %add3A_384 : i32 to index
      %get3A_396 = arith.constant 16 : index
      %get3A_397 = tpu.vector_load %arg9[%get3A_395, %get3A_396] {strides = array<i32>} : memref<128x128xf32, #tpu.memory_space<vmem>>, vector<16xf32>,
      %mul3A_398 = arith.mulf %get3A_397, %gather3A_387 : vector<16xf32>
      %swap3A_399 = arith.index_cast %add3A_384 : i32 to index
      %swap3A_400 = arith.constant 16 : index
      %swap3A_401 = tpu.vector_load %arg9[%swap3A_399, %swap3A_400] {strides = array<i32>} : memref<128x128xf32, #tpu.memory_space<vmem>>, vector<16xf32>,
      tpu.vector_store %arg9[%swap3A_399, %swap3A_400], %mul3A_398 {strides = array<i32>} : memref<128x128xf32, #tpu.memory_space<vmem>>, vector<16xf32>,
      %get3A_402 = arith.index_cast %add3A_384 : i32 to index
      %get3A_403 = arith.constant 32 : index
      %get3A_404 = tpu.vector_load %arg9[%get3A_402, %get3A_403] {strides = array<i32>} : memref<128x128xf32, #tpu.memory_space<vmem>>, vector<16xf32>,
      %mul3A_405 = arith.mulf %get3A_404, %gather3A_387 : vector<16xf32>
      %swap3A_406 = arith.index_cast %add3A_384 : i32 to index
      %swap3A_407 = arith.constant 32 : index
      %swap3A_408 = tpu.vector_load %arg9[%swap3A_406, %swap3A_407] {strides = array<i32>} : memref<128x128xf32, #tpu.memory_space<vmem>>, vector<16xf32>,
      tpu.vector_store %arg9[%swap3A_406, %swap3A_407], %mul3A_405 {strides = array<i32>} : memref<128x128xf32, #tpu.memory_space<vmem>>, vector<16xf32>,
      %get3A_409 = arith.index_cast %add3A_384 : i32 to index
      %get3A_410 = arith.constant 48 : index
      %get3A_411 = tpu.vector_load %arg9[%get3A_409, %get3A_410] {strides = array<i32>} : memref<128x128xf32, #tpu.memory_space<vmem>>, vector<16xf32>,
      %mul3A_412 = arith.mulf %get3A_411, %gather3A_387 : vector<16xf32>
      %swap3A_413 = arith.index_cast %add3A_384 : i32 to index
      %swap3A_414 = arith.constant 48 : index
      %swap3A_415 = tpu.vector_load %arg9[%swap3A_413, %swap3A_414] {strides = array<i32>} : memref<128x128xf32, #tpu.memory_space<vmem>>, vector<16xf32>,
      tpu.vector_store %arg9[%swap3A_413, %swap3A_414], %mul3A_412 {strides = array<i32>} : memref<128x128xf32, #tpu.memory_space<vmem>>, vector<16xf32>,
      %get3A_416 = arith.index_cast %add3A_384 : i32 to index
      %get3A_417 = arith.constant 64 : index
      %get3A_418 = tpu.vector_load %arg9[%get3A_416, %get3A_417] {strides = array<i32>} : memref<128x128xf32, #tpu.memory_space<vmem>>, vector<16xf32>,
      %mul3A_419 = arith.mulf %get3A_418, %gather3A_387 : vector<16xf32>
      %swap3A_420 = arith.index_cast %add3A_384 : i32 to index
      %swap3A_421 = arith.constant 64 : index
      %swap3A_422 = tpu.vector_load %arg9[%swap3A_420, %swap3A_421] {strides = array<i32>} : memref<128x128xf32, #tpu.memory_space<vmem>>, vector<16xf32>,
      tpu.vector_store %arg9[%swap3A_420, %swap3A_421], %mul3A_419 {strides = array<i32>} : memref<128x128xf32, #tpu.memory_space<vmem>>, vector<16xf32>,
      %get3A_423 = arith.index_cast %add3A_384 : i32 to index
      %get3A_424 = arith.constant 80 : index
      %get3A_425 = tpu.vector_load %arg9[%get3A_423, %get3A_424] {strides = array<i32>} : memref<128x128xf32, #tpu.memory_space<vmem>>, vector<16xf32>,
      %mul3A_426 = arith.mulf %get3A_425, %gather3A_387 : vector<16xf32>
      %swap3A_427 = arith.index_cast %add3A_384 : i32 to index
      %swap3A_428 = arith.constant 80 : index
      %swap3A_429 = tpu.vector_load %arg9[%swap3A_427, %swap3A_428] {strides = array<i32>} : memref<128x128xf32, #tpu.memory_space<vmem>>, vector<16xf32>,
      tpu.vector_store %arg9[%swap3A_427, %swap3A_428], %mul3A_426 {strides = array<i32>} : memref<128x128xf32, #tpu.memory_space<vmem>>, vector<16xf32>,
      %get3A_430 = arith.index_cast %add3A_384 : i32 to index
      %get3A_431 = arith.constant 96 : index
      %get3A_432 = tpu.vector_load %arg9[%get3A_430, %get3A_431] {strides = array<i32>} : memref<128x128xf32, #tpu.memory_space<vmem>>, vector<16xf32>,
      %mul3A_433 = arith.mulf %get3A_432, %gather3A_387 : vector<16xf32>
      %swap3A_434 = arith.index_cast %add3A_384 : i32 to index
      %swap3A_435 = arith.constant 96 : index
      %swap3A_436 = tpu.vector_load %arg9[%swap3A_434, %swap3A_435] {strides = array<i32>} : memref<128x128xf32, #tpu.memory_space<vmem>>, vector<16xf32>,
      tpu.vector_store %arg9[%swap3A_434, %swap3A_435], %mul3A_433 {strides = array<i32>} : memref<128x128xf32, #tpu.memory_space<vmem>>, vector<16xf32>,
      %get3A_437 = arith.index_cast %add3A_384 : i32 to index
      %get3A_438 = arith.constant 112 : index
      %get3A_439 = tpu.vector_load %arg9[%get3A_437, %get3A_438] {strides = array<i32>} : memref<128x128xf32, #tpu.memory_space<vmem>>, vector<16xf32>,
      %mul3A_440 = arith.mulf %get3A_439, %gather3A_387 : vector<16xf32>
      %swap3A_441 = arith.index_cast %add3A_384 : i32 to index
      %swap3A_442 = arith.constant 112 : index
      %swap3A_443 = tpu.vector_load %arg9[%swap3A_441, %swap3A_442] {strides = array<i32>} : memref<128x128xf32, #tpu.memory_space<vmem>>, vector<16xf32>,
      tpu.vector_store %arg9[%swap3A_441, %swap3A_442], %mul3A_440 {strides = array<i32>} : memref<128x128xf32, #tpu.memory_space<vmem>>, vector<16xf32>,
    }
    %scan3A_174 = arith.constant 128 : i32
    %dma_wait3A_175 = arith.constant 79 : i32
    %dma_wait3A_176 = arith.constant 0 : i32
    %dma_wait3A_177 = tpu.memref_slice %arg4[%arg1, %dma_wait3A_175, %dma_wait3A_176] : memref<16x80x128xi32, #tpu.memory_space<hbm>> -> memref<1x1x128xi32, #tpu.memory_space<hbm>>
    %dma_wait3A_178 = tpu.memref_squeeze %dma_wait3A_177 : memref<1x1x128xi32, #tpu.memory_space<hbm>> -> memref<128xi32, #tpu.memory_space<hbm>>
    %dma_wait3A_179 = arith.constant 0 : i32
    %dma_wait3A_180 = tpu.memref_slice %arg4[%arg1, %dma_wait3A_175, %dma_wait3A_179] : memref<16x80x128xi32, #tpu.memory_space<hbm>> -> memref<1x1x128xi32, #tpu.memory_space<hbm>>
    %dma_wait3A_181 = tpu.memref_squeeze %dma_wait3A_180 : memref<1x1x128xi32, #tpu.memory_space<hbm>> -> memref<128xi32, #tpu.memory_space<hbm>>
    tpu.wait_dma2 semaphore(%arg16 : memref<!tpu.dma_semaphore, #tpu.memory_space<semaphore_mem>>) src(%dma_wait3A_181 : memref<128xi32, #tpu.memory_space<hbm>>) dst(%arg12 : memref<128xi32, #tpu.memory_space<vmem>>)
    "tpu.region"() ({
      %run_scoped3A = tpu.sem_alloc : memref<!tpu.dma_semaphore, #tpu.memory_space<semaphore_mem>>
      %dma_start3A_188 = arith.constant 0 : i32
      %dma_start3A_189 = arith.constant 0 : i32
      %dma_start3A_190 = tpu.memref_slice %arg14[%dma_start3A_188, %dma_start3A_189] : memref<10240x128xf32, #tpu.memory_space<vmem_shared>> -> memref<10240x128xf32, #tpu.memory_space<vmem_shared>>
      tpu.enqueue_indirect_dma source(%arg9 : memref<128x128xf32, #tpu.memory_space<vmem>>) target(%dma_start3A_190 : memref<10240x128xf32, #tpu.memory_space<vmem_shared>>) offsets(%arg12 : memref<128xi32, #tpu.memory_space<vmem>>) semaphore(%run_scoped3A : memref<!tpu.dma_semaphore, #tpu.memory_space<semaphore_mem>>) {add = true}
      %dma_wait3A_191 = arith.constant 0 : i32
      %dma_wait3A_192 = arith.constant 0 : i32
      %dma_wait3A_193 = tpu.memref_slice %arg14[%dma_wait3A_191, %dma_wait3A_192] : memref<10240x128xf32, #tpu.memory_space<vmem_shared>> -> memref<10240x128xf32, #tpu.memory_space<vmem_shared>>
      tpu.wait_indirect_dma semaphore(%run_scoped3A : memref<!tpu.dma_semaphore, #tpu.memory_space<semaphore_mem>>) src(%arg9 : memref<128x128xf32, #tpu.memory_space<vmem>>) dst(%dma_wait3A_193 : memref<10240x128xf32, #tpu.memory_space<vmem_shared>>)
      tpu.yield
    }) : () -> ()
    %barrier3A_182 = arith.constant 0 : index
    tpu.barrier barrier_id(%barrier3A_182)
    %scan3A_183 = arith.constant 0 : i32
    %scan3A_184 = arith.constant 5 : i32
    %scan3A_185 = arith.addi %scan3A_183, %scan3A_184 : i32
    %scan3A_186 = arith.constant 1 : i32
    scf.for %scan3A_188 = %scan3A_183 to %scan3A_185 step %scan3A_186  : i32 {
      %mul3A = arith.constant 1 : i32
      %mul3A_189 = arith.muli %scan3A_188, %mul3A : i32
      %add3A = arith.constant 0 : i32
      %add3A_190 = arith.addi %add3A, %mul3A_189 : i32
      %mul3A_191 = arith.constant 640 : i32
      %mul3A_192 = arith.muli %arg1, %mul3A_191 : i32
      %mul3A_193 = arith.constant 128 : i32
      %mul3A_194 = arith.muli %add3A_190, %mul3A_193 : i32
      %add3A_195 = arith.addi %mul3A_192, %mul3A_194 : i32
      %mul3A_196 = arith.constant 10240 : i32
      %mul3A_197 = arith.muli %arg0, %mul3A_196 : i32
      %add3A_198 = arith.addi %mul3A_197, %add3A_195 : i32
      "tpu.region"() ({
        %run_scoped3A = tpu.sem_alloc : memref<!tpu.dma_semaphore, #tpu.memory_space<semaphore_mem>>
        %dma_start3A_199 = arith.constant 0 : i32
        %dma_start3A_200 = tpu.memref_slice %arg6[%add3A_198, %dma_start3A_199] : memref<20480x128xf32, #tpu.memory_space<hbm>> -> memref<128x128xf32, #tpu.memory_space<hbm>>
        %dma_start3A_201 = arith.constant 0 : i32
        %dma_start3A_202 = tpu.memref_slice %arg14[%add3A_195, %dma_start3A_201] : memref<10240x128xf32, #tpu.memory_space<vmem_shared>> -> memref<128x128xf32, #tpu.memory_space<vmem_shared>>
        tpu.enqueue_dma source(%dma_start3A_202 : memref<128x128xf32, #tpu.memory_space<vmem_shared>>) target(%dma_start3A_200 : memref<128x128xf32, #tpu.memory_space<hbm>>) target_semaphore(%run_scoped3A : memref<!tpu.dma_semaphore, #tpu.memory_space<semaphore_mem>>)
        %dma_wait3A_203 = arith.constant 0 : i32
        %dma_wait3A_204 = tpu.memref_slice %arg6[%add3A_198, %dma_wait3A_203] : memref<20480x128xf32, #tpu.memory_space<hbm>> -> memref<128x128xf32, #tpu.memory_space<hbm>>
        %dma_wait3A_205 = arith.constant 0 : i32
        %dma_wait3A_206 = tpu.memref_slice %arg14[%add3A_195, %dma_wait3A_205] : memref<10240x128xf32, #tpu.memory_space<vmem_shared>> -> memref<128x128xf32, #tpu.memory_space<vmem_shared>>
        tpu.wait_dma2 semaphore(%run_scoped3A : memref<!tpu.dma_semaphore, #tpu.memory_space<semaphore_mem>>) src(%dma_wait3A_206 : memref<128x128xf32, #tpu.memory_space<vmem_shared>>) dst(%dma_wait3A_204 : memref<128x128xf32, #tpu.memory_space<hbm>>)
        tpu.yield
      }) : () -> ()
    }
    %scan3A_187 = arith.constant 5 : i32
    return
  }
}

#map = affine_map<(d0, d1) -> (0, 0, 0)>
#map1 = affine_map<(d0, d1) -> (0, 0)>
module attributes {stable_mosaic.version = 14 : i64} {
  func.func @_sc_deg(%arg0: i32, %arg1: i32, %arg2: memref<32x40x128xi32, #tpu.memory_space<hbm>>, %arg3: memref<163840x16xf32, #tpu.memory_space<hbm>>, %arg4: memref<10240x16xf32, #tpu.memory_space<hbm>>, %arg5: memref<20480x16xf32, #tpu.memory_space<hbm>>, %arg6: memref<128xi32, #tpu.memory_space<vmem>>, %arg7: memref<128xi32, #tpu.memory_space<vmem>>, %arg8: memref<128x16xf32, #tpu.memory_space<vmem>>, %arg9: memref<128x16xf32, #tpu.memory_space<vmem>>, %arg10: memref<10240x16xf32, #tpu.memory_space<vmem_shared>>, %arg11: memref<!tpu.dma_semaphore, #tpu.memory_space<semaphore_mem>>) attributes {dimension_semantics = [#tpu.dimension_semantics<core_parallel>, #tpu.dimension_semantics<subcore_parallel>], iteration_bounds = array<i64: 2, 16>, scalar_prefetch = 0 : i64, scratch_operands = 6 : i64, tpu.core_type = #tpu.core_type<sc_vector_subcore>, window_params = [{transform_indices = #map}, {transform_indices = #map1}, {transform_indices = #map1}, {transform_indices = #map1}]} {
    %mul3A = arith.constant 16 : i32
    %mul3A_0 = arith.muli %arg0, %mul3A : i32
    %add3A = arith.addi %mul3A_0, %arg1 : i32
    %mul3A_1 = arith.constant 640 : i32
    %mul3A_2 = arith.muli %arg1, %mul3A_1 : i32
    %mul3A_3 = arith.constant 640 : i32
    %mul3A_4 = arith.muli %arg1, %mul3A_3 : i32
    "tpu.region"() ({
      %run_scoped3A_49 = tpu.sem_alloc : memref<!tpu.dma_semaphore, #tpu.memory_space<semaphore_mem>>
      %dma_start3A_50 = arith.constant 0 : i32
      %dma_start3A_51 = tpu.memref_slice %arg10[%mul3A_4, %dma_start3A_50] : memref<10240x16xf32, #tpu.memory_space<vmem_shared>> -> memref<640x16xf32, #tpu.memory_space<vmem_shared>>
      %dma_start3A_52 = arith.constant 0 : i32
      %dma_start3A_53 = tpu.memref_slice %arg4[%mul3A_2, %dma_start3A_52] : memref<10240x16xf32, #tpu.memory_space<hbm>> -> memref<640x16xf32, #tpu.memory_space<hbm>>
      tpu.enqueue_dma source(%dma_start3A_53 : memref<640x16xf32, #tpu.memory_space<hbm>>) target(%dma_start3A_51 : memref<640x16xf32, #tpu.memory_space<vmem_shared>>) target_semaphore(%run_scoped3A_49 : memref<!tpu.dma_semaphore, #tpu.memory_space<semaphore_mem>>)
      %dma_wait3A_54 = arith.constant 0 : i32
      %dma_wait3A_55 = tpu.memref_slice %arg10[%mul3A_4, %dma_wait3A_54] : memref<10240x16xf32, #tpu.memory_space<vmem_shared>> -> memref<640x16xf32, #tpu.memory_space<vmem_shared>>
      %dma_wait3A_56 = arith.constant 0 : i32
      %dma_wait3A_57 = tpu.memref_slice %arg4[%mul3A_2, %dma_wait3A_56] : memref<10240x16xf32, #tpu.memory_space<hbm>> -> memref<640x16xf32, #tpu.memory_space<hbm>>
      tpu.wait_dma2 semaphore(%run_scoped3A_49 : memref<!tpu.dma_semaphore, #tpu.memory_space<semaphore_mem>>) src(%dma_wait3A_57 : memref<640x16xf32, #tpu.memory_space<hbm>>) dst(%dma_wait3A_55 : memref<640x16xf32, #tpu.memory_space<vmem_shared>>)
      tpu.yield
    }) : () -> ()
    %run_scoped3A = arith.constant 0 : i32
    "tpu.region"() ({
      %run_scoped3A_49 = tpu.sem_alloc : memref<!tpu.dma_semaphore, #tpu.memory_space<semaphore_mem>>
      %dma_start3A_50 = arith.constant 0 : i32
      %dma_start3A_51 = tpu.memref_slice %arg2[%add3A, %run_scoped3A, %dma_start3A_50] : memref<32x40x128xi32, #tpu.memory_space<hbm>> -> memref<1x1x128xi32, #tpu.memory_space<hbm>>
      %dma_start3A_52 = tpu.memref_squeeze %dma_start3A_51 : memref<1x1x128xi32, #tpu.memory_space<hbm>> -> memref<128xi32, #tpu.memory_space<hbm>>
      %dma_start3A_53 = arith.constant 0 : i32
      %dma_start3A_54 = tpu.memref_slice %arg2[%add3A, %run_scoped3A, %dma_start3A_53] : memref<32x40x128xi32, #tpu.memory_space<hbm>> -> memref<1x1x128xi32, #tpu.memory_space<hbm>>
      %dma_start3A_55 = tpu.memref_squeeze %dma_start3A_54 : memref<1x1x128xi32, #tpu.memory_space<hbm>> -> memref<128xi32, #tpu.memory_space<hbm>>
      tpu.enqueue_dma source(%dma_start3A_55 : memref<128xi32, #tpu.memory_space<hbm>>) target(%arg6 : memref<128xi32, #tpu.memory_space<vmem>>) target_semaphore(%run_scoped3A_49 : memref<!tpu.dma_semaphore, #tpu.memory_space<semaphore_mem>>)
      %dma_wait3A_56 = arith.constant 0 : i32
      %dma_wait3A_57 = tpu.memref_slice %arg2[%add3A, %run_scoped3A, %dma_wait3A_56] : memref<32x40x128xi32, #tpu.memory_space<hbm>> -> memref<1x1x128xi32, #tpu.memory_space<hbm>>
      %dma_wait3A_58 = tpu.memref_squeeze %dma_wait3A_57 : memref<1x1x128xi32, #tpu.memory_space<hbm>> -> memref<128xi32, #tpu.memory_space<hbm>>
      %dma_wait3A_59 = arith.constant 0 : i32
      %dma_wait3A_60 = tpu.memref_slice %arg2[%add3A, %run_scoped3A, %dma_wait3A_59] : memref<32x40x128xi32, #tpu.memory_space<hbm>> -> memref<1x1x128xi32, #tpu.memory_space<hbm>>
      %dma_wait3A_61 = tpu.memref_squeeze %dma_wait3A_60 : memref<1x1x128xi32, #tpu.memory_space<hbm>> -> memref<128xi32, #tpu.memory_space<hbm>>
      tpu.wait_dma2 semaphore(%run_scoped3A_49 : memref<!tpu.dma_semaphore, #tpu.memory_space<semaphore_mem>>) src(%dma_wait3A_61 : memref<128xi32, #tpu.memory_space<hbm>>) dst(%arg6 : memref<128xi32, #tpu.memory_space<vmem>>)
      tpu.yield
    }) : () -> ()
    %mul3A_5 = arith.constant 40 : i32
    %mul3A_6 = arith.muli %add3A, %mul3A_5 : i32
    %mul3A_7 = arith.constant 128 : i32
    %mul3A_8 = arith.muli %mul3A_6, %mul3A_7 : i32
    "tpu.region"() ({
      %run_scoped3A_49 = tpu.sem_alloc : memref<!tpu.dma_semaphore, #tpu.memory_space<semaphore_mem>>
      %dma_start3A_50 = arith.constant 0 : i32
      %dma_start3A_51 = tpu.memref_slice %arg3[%mul3A_8, %dma_start3A_50] : memref<163840x16xf32, #tpu.memory_space<hbm>> -> memref<128x16xf32, #tpu.memory_space<hbm>>
      %dma_start3A_52 = arith.constant 0 : i32
      %dma_start3A_53 = tpu.memref_slice %arg3[%mul3A_8, %dma_start3A_52] : memref<163840x16xf32, #tpu.memory_space<hbm>> -> memref<128x16xf32, #tpu.memory_space<hbm>>
      tpu.enqueue_dma source(%dma_start3A_53 : memref<128x16xf32, #tpu.memory_space<hbm>>) target(%arg8 : memref<128x16xf32, #tpu.memory_space<vmem>>) target_semaphore(%run_scoped3A_49 : memref<!tpu.dma_semaphore, #tpu.memory_space<semaphore_mem>>)
      %dma_wait3A_54 = arith.constant 0 : i32
      %dma_wait3A_55 = tpu.memref_slice %arg3[%mul3A_8, %dma_wait3A_54] : memref<163840x16xf32, #tpu.memory_space<hbm>> -> memref<128x16xf32, #tpu.memory_space<hbm>>
      %dma_wait3A_56 = arith.constant 0 : i32
      %dma_wait3A_57 = tpu.memref_slice %arg3[%mul3A_8, %dma_wait3A_56] : memref<163840x16xf32, #tpu.memory_space<hbm>> -> memref<128x16xf32, #tpu.memory_space<hbm>>
      tpu.wait_dma2 semaphore(%run_scoped3A_49 : memref<!tpu.dma_semaphore, #tpu.memory_space<semaphore_mem>>) src(%dma_wait3A_57 : memref<128x16xf32, #tpu.memory_space<hbm>>) dst(%arg8 : memref<128x16xf32, #tpu.memory_space<vmem>>)
      tpu.yield
    }) : () -> ()
    %barrier3A = arith.constant 0 : index
    tpu.barrier barrier_id(%barrier3A)
    %scan3A = arith.constant 0 : i32
    %scan3A_9 = arith.constant 19 : i32
    %scan3A_10 = arith.addi %scan3A, %scan3A_9 : i32
    %scan3A_11 = arith.constant 1 : i32
    scf.for %scan3A_49 = %scan3A to %scan3A_10 step %scan3A_11  : i32 {
      %mul3A_50 = arith.constant 2 : i32
      %mul3A_51 = arith.muli %scan3A_49, %mul3A_50 : i32
      %add3A_52 = arith.constant 0 : i32
      %add3A_53 = arith.addi %add3A_52, %mul3A_51 : i32
      %add3A_54 = arith.constant 0 : i32
      %add3A_55 = arith.addi %add3A_53, %add3A_54 : i32
      %add3A_56 = arith.constant 1 : i32
      %add3A_57 = arith.addi %add3A_55, %add3A_56 : i32
      %dma_start3A_58 = arith.constant 0 : i32
      %dma_start3A_59 = tpu.memref_slice %arg2[%add3A, %add3A_57, %dma_start3A_58] : memref<32x40x128xi32, #tpu.memory_space<hbm>> -> memref<1x1x128xi32, #tpu.memory_space<hbm>>
      %dma_start3A_60 = tpu.memref_squeeze %dma_start3A_59 : memref<1x1x128xi32, #tpu.memory_space<hbm>> -> memref<128xi32, #tpu.memory_space<hbm>>
      %dma_start3A_61 = arith.constant 0 : i32
      %dma_start3A_62 = tpu.memref_slice %arg2[%add3A, %add3A_57, %dma_start3A_61] : memref<32x40x128xi32, #tpu.memory_space<hbm>> -> memref<1x1x128xi32, #tpu.memory_space<hbm>>
      %dma_start3A_63 = tpu.memref_squeeze %dma_start3A_62 : memref<1x1x128xi32, #tpu.memory_space<hbm>> -> memref<128xi32, #tpu.memory_space<hbm>>
      tpu.enqueue_dma source(%dma_start3A_63 : memref<128xi32, #tpu.memory_space<hbm>>) target(%arg7 : memref<128xi32, #tpu.memory_space<vmem>>) target_semaphore(%arg11 : memref<!tpu.dma_semaphore, #tpu.memory_space<semaphore_mem>>)
      %mul3A_64 = arith.constant 40 : i32
      %mul3A_65 = arith.muli %add3A, %mul3A_64 : i32
      %add3A_66 = arith.addi %mul3A_65, %add3A_55 : i32
      %add3A_67 = arith.constant 1 : i32
      %add3A_68 = arith.addi %add3A_66, %add3A_67 : i32
      %mul3A_69 = arith.constant 128 : i32
      %mul3A_70 = arith.muli %add3A_68, %mul3A_69 : i32
      %dma_start3A_71 = arith.constant 0 : i32
      %dma_start3A_72 = tpu.memref_slice %arg3[%mul3A_70, %dma_start3A_71] : memref<163840x16xf32, #tpu.memory_space<hbm>> -> memref<128x16xf32, #tpu.memory_space<hbm>>
      %dma_start3A_73 = arith.constant 0 : i32
      %dma_start3A_74 = tpu.memref_slice %arg3[%mul3A_70, %dma_start3A_73] : memref<163840x16xf32, #tpu.memory_space<hbm>> -> memref<128x16xf32, #tpu.memory_space<hbm>>
      tpu.enqueue_dma source(%dma_start3A_74 : memref<128x16xf32, #tpu.memory_space<hbm>>) target(%arg9 : memref<128x16xf32, #tpu.memory_space<vmem>>) target_semaphore(%arg11 : memref<!tpu.dma_semaphore, #tpu.memory_space<semaphore_mem>>)
      "tpu.region"() ({
        %run_scoped3A_116 = tpu.sem_alloc : memref<!tpu.dma_semaphore, #tpu.memory_space<semaphore_mem>>
        %dma_start3A_117 = arith.constant 0 : i32
        %dma_start3A_118 = arith.constant 0 : i32
        %dma_start3A_119 = tpu.memref_slice %arg10[%dma_start3A_117, %dma_start3A_118] : memref<10240x16xf32, #tpu.memory_space<vmem_shared>> -> memref<10240x16xf32, #tpu.memory_space<vmem_shared>>
        tpu.enqueue_indirect_dma source(%arg8 : memref<128x16xf32, #tpu.memory_space<vmem>>) target(%dma_start3A_119 : memref<10240x16xf32, #tpu.memory_space<vmem_shared>>) offsets(%arg6 : memref<128xi32, #tpu.memory_space<vmem>>) semaphore(%run_scoped3A_116 : memref<!tpu.dma_semaphore, #tpu.memory_space<semaphore_mem>>) {add = true}
        %dma_wait3A_120 = arith.constant 0 : i32
        %dma_wait3A_121 = arith.constant 0 : i32
        %dma_wait3A_122 = tpu.memref_slice %arg10[%dma_wait3A_120, %dma_wait3A_121] : memref<10240x16xf32, #tpu.memory_space<vmem_shared>> -> memref<10240x16xf32, #tpu.memory_space<vmem_shared>>
        tpu.wait_indirect_dma semaphore(%run_scoped3A_116 : memref<!tpu.dma_semaphore, #tpu.memory_space<semaphore_mem>>) src(%arg8 : memref<128x16xf32, #tpu.memory_space<vmem>>) dst(%dma_wait3A_122 : memref<10240x16xf32, #tpu.memory_space<vmem_shared>>)
        tpu.yield
      }) : () -> ()
      %dma_wait3A_75 = arith.constant 0 : i32
      %dma_wait3A_76 = tpu.memref_slice %arg2[%add3A, %add3A_57, %dma_wait3A_75] : memref<32x40x128xi32, #tpu.memory_space<hbm>> -> memref<1x1x128xi32, #tpu.memory_space<hbm>>
      %dma_wait3A_77 = tpu.memref_squeeze %dma_wait3A_76 : memref<1x1x128xi32, #tpu.memory_space<hbm>> -> memref<128xi32, #tpu.memory_space<hbm>>
      %dma_wait3A_78 = arith.constant 0 : i32
      %dma_wait3A_79 = tpu.memref_slice %arg2[%add3A, %add3A_57, %dma_wait3A_78] : memref<32x40x128xi32, #tpu.memory_space<hbm>> -> memref<1x1x128xi32, #tpu.memory_space<hbm>>
      %dma_wait3A_80 = tpu.memref_squeeze %dma_wait3A_79 : memref<1x1x128xi32, #tpu.memory_space<hbm>> -> memref<128xi32, #tpu.memory_space<hbm>>
      tpu.wait_dma2 semaphore(%arg11 : memref<!tpu.dma_semaphore, #tpu.memory_space<semaphore_mem>>) src(%dma_wait3A_80 : memref<128xi32, #tpu.memory_space<hbm>>) dst(%arg7 : memref<128xi32, #tpu.memory_space<vmem>>)
      %dma_wait3A_81 = arith.constant 0 : i32
      %dma_wait3A_82 = tpu.memref_slice %arg3[%mul3A_70, %dma_wait3A_81] : memref<163840x16xf32, #tpu.memory_space<hbm>> -> memref<128x16xf32, #tpu.memory_space<hbm>>
      %dma_wait3A_83 = arith.constant 0 : i32
      %dma_wait3A_84 = tpu.memref_slice %arg3[%mul3A_70, %dma_wait3A_83] : memref<163840x16xf32, #tpu.memory_space<hbm>> -> memref<128x16xf32, #tpu.memory_space<hbm>>
      tpu.wait_dma2 semaphore(%arg11 : memref<!tpu.dma_semaphore, #tpu.memory_space<semaphore_mem>>) src(%dma_wait3A_84 : memref<128x16xf32, #tpu.memory_space<hbm>>) dst(%arg9 : memref<128x16xf32, #tpu.memory_space<vmem>>)
      %add3A_85 = arith.constant 1 : i32
      %add3A_86 = arith.addi %add3A_53, %add3A_85 : i32
      %add3A_87 = arith.constant 1 : i32
      %add3A_88 = arith.addi %add3A_86, %add3A_87 : i32
      %dma_start3A_89 = arith.constant 0 : i32
      %dma_start3A_90 = tpu.memref_slice %arg2[%add3A, %add3A_88, %dma_start3A_89] : memref<32x40x128xi32, #tpu.memory_space<hbm>> -> memref<1x1x128xi32, #tpu.memory_space<hbm>>
      %dma_start3A_91 = tpu.memref_squeeze %dma_start3A_90 : memref<1x1x128xi32, #tpu.memory_space<hbm>> -> memref<128xi32, #tpu.memory_space<hbm>>
      %dma_start3A_92 = arith.constant 0 : i32
      %dma_start3A_93 = tpu.memref_slice %arg2[%add3A, %add3A_88, %dma_start3A_92] : memref<32x40x128xi32, #tpu.memory_space<hbm>> -> memref<1x1x128xi32, #tpu.memory_space<hbm>>
      %dma_start3A_94 = tpu.memref_squeeze %dma_start3A_93 : memref<1x1x128xi32, #tpu.memory_space<hbm>> -> memref<128xi32, #tpu.memory_space<hbm>>
      tpu.enqueue_dma source(%dma_start3A_94 : memref<128xi32, #tpu.memory_space<hbm>>) target(%arg6 : memref<128xi32, #tpu.memory_space<vmem>>) target_semaphore(%arg11 : memref<!tpu.dma_semaphore, #tpu.memory_space<semaphore_mem>>)
      %mul3A_95 = arith.constant 40 : i32
      %mul3A_96 = arith.muli %add3A, %mul3A_95 : i32
      %add3A_97 = arith.addi %mul3A_96, %add3A_86 : i32
      %add3A_98 = arith.constant 1 : i32
      %add3A_99 = arith.addi %add3A_97, %add3A_98 : i32
      %mul3A_100 = arith.constant 128 : i32
      %mul3A_101 = arith.muli %add3A_99, %mul3A_100 : i32
      %dma_start3A_102 = arith.constant 0 : i32
      %dma_start3A_103 = tpu.memref_slice %arg3[%mul3A_101, %dma_start3A_102] : memref<163840x16xf32, #tpu.memory_space<hbm>> -> memref<128x16xf32, #tpu.memory_space<hbm>>
      %dma_start3A_104 = arith.constant 0 : i32
      %dma_start3A_105 = tpu.memref_slice %arg3[%mul3A_101, %dma_start3A_104] : memref<163840x16xf32, #tpu.memory_space<hbm>> -> memref<128x16xf32, #tpu.memory_space<hbm>>
      tpu.enqueue_dma source(%dma_start3A_105 : memref<128x16xf32, #tpu.memory_space<hbm>>) target(%arg8 : memref<128x16xf32, #tpu.memory_space<vmem>>) target_semaphore(%arg11 : memref<!tpu.dma_semaphore, #tpu.memory_space<semaphore_mem>>)
      "tpu.region"() ({
        %run_scoped3A_116 = tpu.sem_alloc : memref<!tpu.dma_semaphore, #tpu.memory_space<semaphore_mem>>
        %dma_start3A_117 = arith.constant 0 : i32
        %dma_start3A_118 = arith.constant 0 : i32
        %dma_start3A_119 = tpu.memref_slice %arg10[%dma_start3A_117, %dma_start3A_118] : memref<10240x16xf32, #tpu.memory_space<vmem_shared>> -> memref<10240x16xf32, #tpu.memory_space<vmem_shared>>
        tpu.enqueue_indirect_dma source(%arg9 : memref<128x16xf32, #tpu.memory_space<vmem>>) target(%dma_start3A_119 : memref<10240x16xf32, #tpu.memory_space<vmem_shared>>) offsets(%arg7 : memref<128xi32, #tpu.memory_space<vmem>>) semaphore(%run_scoped3A_116 : memref<!tpu.dma_semaphore, #tpu.memory_space<semaphore_mem>>) {add = true}
        %dma_wait3A_120 = arith.constant 0 : i32
        %dma_wait3A_121 = arith.constant 0 : i32
        %dma_wait3A_122 = tpu.memref_slice %arg10[%dma_wait3A_120, %dma_wait3A_121] : memref<10240x16xf32, #tpu.memory_space<vmem_shared>> -> memref<10240x16xf32, #tpu.memory_space<vmem_shared>>
        tpu.wait_indirect_dma semaphore(%run_scoped3A_116 : memref<!tpu.dma_semaphore, #tpu.memory_space<semaphore_mem>>) src(%arg9 : memref<128x16xf32, #tpu.memory_space<vmem>>) dst(%dma_wait3A_122 : memref<10240x16xf32, #tpu.memory_space<vmem_shared>>)
        tpu.yield
      }) : () -> ()
      %dma_wait3A_106 = arith.constant 0 : i32
      %dma_wait3A_107 = tpu.memref_slice %arg2[%add3A, %add3A_88, %dma_wait3A_106] : memref<32x40x128xi32, #tpu.memory_space<hbm>> -> memref<1x1x128xi32, #tpu.memory_space<hbm>>
      %dma_wait3A_108 = tpu.memref_squeeze %dma_wait3A_107 : memref<1x1x128xi32, #tpu.memory_space<hbm>> -> memref<128xi32, #tpu.memory_space<hbm>>
      %dma_wait3A_109 = arith.constant 0 : i32
      %dma_wait3A_110 = tpu.memref_slice %arg2[%add3A, %add3A_88, %dma_wait3A_109] : memref<32x40x128xi32, #tpu.memory_space<hbm>> -> memref<1x1x128xi32, #tpu.memory_space<hbm>>
      %dma_wait3A_111 = tpu.memref_squeeze %dma_wait3A_110 : memref<1x1x128xi32, #tpu.memory_space<hbm>> -> memref<128xi32, #tpu.memory_space<hbm>>
      tpu.wait_dma2 semaphore(%arg11 : memref<!tpu.dma_semaphore, #tpu.memory_space<semaphore_mem>>) src(%dma_wait3A_111 : memref<128xi32, #tpu.memory_space<hbm>>) dst(%arg6 : memref<128xi32, #tpu.memory_space<vmem>>)
      %dma_wait3A_112 = arith.constant 0 : i32
      %dma_wait3A_113 = tpu.memref_slice %arg3[%mul3A_101, %dma_wait3A_112] : memref<163840x16xf32, #tpu.memory_space<hbm>> -> memref<128x16xf32, #tpu.memory_space<hbm>>
      %dma_wait3A_114 = arith.constant 0 : i32
      %dma_wait3A_115 = tpu.memref_slice %arg3[%mul3A_101, %dma_wait3A_114] : memref<163840x16xf32, #tpu.memory_space<hbm>> -> memref<128x16xf32, #tpu.memory_space<hbm>>
      tpu.wait_dma2 semaphore(%arg11 : memref<!tpu.dma_semaphore, #tpu.memory_space<semaphore_mem>>) src(%dma_wait3A_115 : memref<128x16xf32, #tpu.memory_space<hbm>>) dst(%arg8 : memref<128x16xf32, #tpu.memory_space<vmem>>)
    }
    %scan3A_12 = arith.constant 19 : i32
    %dma_start3A = arith.constant 39 : i32
    %dma_start3A_13 = arith.constant 0 : i32
    %dma_start3A_14 = tpu.memref_slice %arg2[%add3A, %dma_start3A, %dma_start3A_13] : memref<32x40x128xi32, #tpu.memory_space<hbm>> -> memref<1x1x128xi32, #tpu.memory_space<hbm>>
    %dma_start3A_15 = tpu.memref_squeeze %dma_start3A_14 : memref<1x1x128xi32, #tpu.memory_space<hbm>> -> memref<128xi32, #tpu.memory_space<hbm>>
    %dma_start3A_16 = arith.constant 0 : i32
    %dma_start3A_17 = tpu.memref_slice %arg2[%add3A, %dma_start3A, %dma_start3A_16] : memref<32x40x128xi32, #tpu.memory_space<hbm>> -> memref<1x1x128xi32, #tpu.memory_space<hbm>>
    %dma_start3A_18 = tpu.memref_squeeze %dma_start3A_17 : memref<1x1x128xi32, #tpu.memory_space<hbm>> -> memref<128xi32, #tpu.memory_space<hbm>>
    tpu.enqueue_dma source(%dma_start3A_18 : memref<128xi32, #tpu.memory_space<hbm>>) target(%arg7 : memref<128xi32, #tpu.memory_space<vmem>>) target_semaphore(%arg11 : memref<!tpu.dma_semaphore, #tpu.memory_space<semaphore_mem>>)
    %mul3A_19 = arith.constant 40 : i32
    %mul3A_20 = arith.muli %add3A, %mul3A_19 : i32
    %add3A_21 = arith.constant 38 : i32
    %add3A_22 = arith.addi %mul3A_20, %add3A_21 : i32
    %add3A_23 = arith.constant 1 : i32
    %add3A_24 = arith.addi %add3A_22, %add3A_23 : i32
    %mul3A_25 = arith.constant 128 : i32
    %mul3A_26 = arith.muli %add3A_24, %mul3A_25 : i32
    %dma_start3A_27 = arith.constant 0 : i32
    %dma_start3A_28 = tpu.memref_slice %arg3[%mul3A_26, %dma_start3A_27] : memref<163840x16xf32, #tpu.memory_space<hbm>> -> memref<128x16xf32, #tpu.memory_space<hbm>>
    %dma_start3A_29 = arith.constant 0 : i32
    %dma_start3A_30 = tpu.memref_slice %arg3[%mul3A_26, %dma_start3A_29] : memref<163840x16xf32, #tpu.memory_space<hbm>> -> memref<128x16xf32, #tpu.memory_space<hbm>>
    tpu.enqueue_dma source(%dma_start3A_30 : memref<128x16xf32, #tpu.memory_space<hbm>>) target(%arg9 : memref<128x16xf32, #tpu.memory_space<vmem>>) target_semaphore(%arg11 : memref<!tpu.dma_semaphore, #tpu.memory_space<semaphore_mem>>)
    "tpu.region"() ({
      %run_scoped3A_49 = tpu.sem_alloc : memref<!tpu.dma_semaphore, #tpu.memory_space<semaphore_mem>>
      %dma_start3A_50 = arith.constant 0 : i32
      %dma_start3A_51 = arith.constant 0 : i32
      %dma_start3A_52 = tpu.memref_slice %arg10[%dma_start3A_50, %dma_start3A_51] : memref<10240x16xf32, #tpu.memory_space<vmem_shared>> -> memref<10240x16xf32, #tpu.memory_space<vmem_shared>>
      tpu.enqueue_indirect_dma source(%arg8 : memref<128x16xf32, #tpu.memory_space<vmem>>) target(%dma_start3A_52 : memref<10240x16xf32, #tpu.memory_space<vmem_shared>>) offsets(%arg6 : memref<128xi32, #tpu.memory_space<vmem>>) semaphore(%run_scoped3A_49 : memref<!tpu.dma_semaphore, #tpu.memory_space<semaphore_mem>>) {add = true}
      %dma_wait3A_53 = arith.constant 0 : i32
      %dma_wait3A_54 = arith.constant 0 : i32
      %dma_wait3A_55 = tpu.memref_slice %arg10[%dma_wait3A_53, %dma_wait3A_54] : memref<10240x16xf32, #tpu.memory_space<vmem_shared>> -> memref<10240x16xf32, #tpu.memory_space<vmem_shared>>
      tpu.wait_indirect_dma semaphore(%run_scoped3A_49 : memref<!tpu.dma_semaphore, #tpu.memory_space<semaphore_mem>>) src(%arg8 : memref<128x16xf32, #tpu.memory_space<vmem>>) dst(%dma_wait3A_55 : memref<10240x16xf32, #tpu.memory_space<vmem_shared>>)
      tpu.yield
    }) : () -> ()
    %dma_wait3A = arith.constant 39 : i32
    %dma_wait3A_31 = arith.constant 0 : i32
    %dma_wait3A_32 = tpu.memref_slice %arg2[%add3A, %dma_wait3A, %dma_wait3A_31] : memref<32x40x128xi32, #tpu.memory_space<hbm>> -> memref<1x1x128xi32, #tpu.memory_space<hbm>>
    %dma_wait3A_33 = tpu.memref_squeeze %dma_wait3A_32 : memref<1x1x128xi32, #tpu.memory_space<hbm>> -> memref<128xi32, #tpu.memory_space<hbm>>
    %dma_wait3A_34 = arith.constant 0 : i32
    %dma_wait3A_35 = tpu.memref_slice %arg2[%add3A, %dma_wait3A, %dma_wait3A_34] : memref<32x40x128xi32, #tpu.memory_space<hbm>> -> memref<1x1x128xi32, #tpu.memory_space<hbm>>
    %dma_wait3A_36 = tpu.memref_squeeze %dma_wait3A_35 : memref<1x1x128xi32, #tpu.memory_space<hbm>> -> memref<128xi32, #tpu.memory_space<hbm>>
    tpu.wait_dma2 semaphore(%arg11 : memref<!tpu.dma_semaphore, #tpu.memory_space<semaphore_mem>>) src(%dma_wait3A_36 : memref<128xi32, #tpu.memory_space<hbm>>) dst(%arg7 : memref<128xi32, #tpu.memory_space<vmem>>)
    %dma_wait3A_37 = arith.constant 0 : i32
    %dma_wait3A_38 = tpu.memref_slice %arg3[%mul3A_26, %dma_wait3A_37] : memref<163840x16xf32, #tpu.memory_space<hbm>> -> memref<128x16xf32, #tpu.memory_space<hbm>>
    %dma_wait3A_39 = arith.constant 0 : i32
    %dma_wait3A_40 = tpu.memref_slice %arg3[%mul3A_26, %dma_wait3A_39] : memref<163840x16xf32, #tpu.memory_space<hbm>> -> memref<128x16xf32, #tpu.memory_space<hbm>>
    tpu.wait_dma2 semaphore(%arg11 : memref<!tpu.dma_semaphore, #tpu.memory_space<semaphore_mem>>) src(%dma_wait3A_40 : memref<128x16xf32, #tpu.memory_space<hbm>>) dst(%arg9 : memref<128x16xf32, #tpu.memory_space<vmem>>)
    "tpu.region"() ({
      %run_scoped3A_49 = tpu.sem_alloc : memref<!tpu.dma_semaphore, #tpu.memory_space<semaphore_mem>>
      %dma_start3A_50 = arith.constant 0 : i32
      %dma_start3A_51 = arith.constant 0 : i32
      %dma_start3A_52 = tpu.memref_slice %arg10[%dma_start3A_50, %dma_start3A_51] : memref<10240x16xf32, #tpu.memory_space<vmem_shared>> -> memref<10240x16xf32, #tpu.memory_space<vmem_shared>>
      tpu.enqueue_indirect_dma source(%arg9 : memref<128x16xf32, #tpu.memory_space<vmem>>) target(%dma_start3A_52 : memref<10240x16xf32, #tpu.memory_space<vmem_shared>>) offsets(%arg7 : memref<128xi32, #tpu.memory_space<vmem>>) semaphore(%run_scoped3A_49 : memref<!tpu.dma_semaphore, #tpu.memory_space<semaphore_mem>>) {add = true}
      %dma_wait3A_53 = arith.constant 0 : i32
      %dma_wait3A_54 = arith.constant 0 : i32
      %dma_wait3A_55 = tpu.memref_slice %arg10[%dma_wait3A_53, %dma_wait3A_54] : memref<10240x16xf32, #tpu.memory_space<vmem_shared>> -> memref<10240x16xf32, #tpu.memory_space<vmem_shared>>
      tpu.wait_indirect_dma semaphore(%run_scoped3A_49 : memref<!tpu.dma_semaphore, #tpu.memory_space<semaphore_mem>>) src(%arg9 : memref<128x16xf32, #tpu.memory_space<vmem>>) dst(%dma_wait3A_55 : memref<10240x16xf32, #tpu.memory_space<vmem_shared>>)
      tpu.yield
    }) : () -> ()
    %barrier3A_41 = arith.constant 0 : index
    tpu.barrier barrier_id(%barrier3A_41)
    %mul3A_42 = arith.constant 640 : i32
    %mul3A_43 = arith.muli %arg1, %mul3A_42 : i32
    %mul3A_44 = arith.constant 10240 : i32
    %mul3A_45 = arith.muli %arg0, %mul3A_44 : i32
    %mul3A_46 = arith.constant 640 : i32
    %mul3A_47 = arith.muli %arg1, %mul3A_46 : i32
    %add3A_48 = arith.addi %mul3A_45, %mul3A_47 : i32
    "tpu.region"() ({
      %run_scoped3A_49 = tpu.sem_alloc : memref<!tpu.dma_semaphore, #tpu.memory_space<semaphore_mem>>
      %dma_start3A_50 = arith.constant 0 : i32
      %dma_start3A_51 = tpu.memref_slice %arg5[%add3A_48, %dma_start3A_50] : memref<20480x16xf32, #tpu.memory_space<hbm>> -> memref<640x16xf32, #tpu.memory_space<hbm>>
      %dma_start3A_52 = arith.constant 0 : i32
      %dma_start3A_53 = tpu.memref_slice %arg10[%mul3A_43, %dma_start3A_52] : memref<10240x16xf32, #tpu.memory_space<vmem_shared>> -> memref<640x16xf32, #tpu.memory_space<vmem_shared>>
      tpu.enqueue_dma source(%dma_start3A_53 : memref<640x16xf32, #tpu.memory_space<vmem_shared>>) target(%dma_start3A_51 : memref<640x16xf32, #tpu.memory_space<hbm>>) target_semaphore(%run_scoped3A_49 : memref<!tpu.dma_semaphore, #tpu.memory_space<semaphore_mem>>)
      %dma_wait3A_54 = arith.constant 0 : i32
      %dma_wait3A_55 = tpu.memref_slice %arg5[%add3A_48, %dma_wait3A_54] : memref<20480x16xf32, #tpu.memory_space<hbm>> -> memref<640x16xf32, #tpu.memory_space<hbm>>
      %dma_wait3A_56 = arith.constant 0 : i32
      %dma_wait3A_57 = tpu.memref_slice %arg10[%mul3A_43, %dma_wait3A_56] : memref<10240x16xf32, #tpu.memory_space<vmem_shared>> -> memref<640x16xf32, #tpu.memory_space<vmem_shared>>
      tpu.wait_dma2 semaphore(%run_scoped3A_49 : memref<!tpu.dma_semaphore, #tpu.memory_space<semaphore_mem>>) src(%dma_wait3A_57 : memref<640x16xf32, #tpu.memory_space<vmem_shared>>) dst(%dma_wait3A_55 : memref<640x16xf32, #tpu.memory_space<hbm>>)
      tpu.yield
    }) : () -> ()
    return
  }
}

#map = affine_map<(d0, d1) -> (0, 0)>
#map1 = affine_map<(d0, d1) -> (0)>
module attributes {stable_mosaic.version = 14 : i64} {
  func.func @_sc_gather(%arg0: i32, %arg1: i32, %arg2: memref<10000x256xf32, #tpu.memory_space<hbm>>, %arg3: memref<16384xi32, #tpu.memory_space<hbm>>, %arg4: memref<16384x256xf32, #tpu.memory_space<hbm>>, %arg5: memref<128xi32, #tpu.memory_space<vmem>>, %arg6: memref<128xi32, #tpu.memory_space<vmem>>, %arg7: memref<128x256xf32, #tpu.memory_space<vmem>>, %arg8: memref<!tpu.dma_semaphore, #tpu.memory_space<semaphore_mem>>, %arg9: memref<!tpu.dma_semaphore, #tpu.memory_space<semaphore_mem>>) attributes {dimension_semantics = [#tpu.dimension_semantics<core_parallel>, #tpu.dimension_semantics<subcore_parallel>], iteration_bounds = array<i64: 2, 16>, scalar_prefetch = 0 : i64, scratch_operands = 5 : i64, tpu.core_type = #tpu.core_type<sc_vector_subcore>, window_params = [{transform_indices = #map}, {transform_indices = #map1}, {transform_indices = #map}]} {
    %mul3A = arith.constant 2 : i32
    %mul3A_0 = arith.muli %arg1, %mul3A : i32
    %add3A = arith.addi %mul3A_0, %arg0 : i32
    %mul3A_1 = arith.constant 512 : i32
    %mul3A_2 = arith.muli %add3A, %mul3A_1 : i32
    "tpu.region"() ({
      %run_scoped3A = tpu.sem_alloc : memref<!tpu.dma_semaphore, #tpu.memory_space<semaphore_mem>>
      %dma_start3A_51 = tpu.memref_slice %arg3[%mul3A_2] : memref<16384xi32, #tpu.memory_space<hbm>> -> memref<128xi32, #tpu.memory_space<hbm>>
      %dma_start3A_52 = tpu.memref_slice %arg3[%mul3A_2] : memref<16384xi32, #tpu.memory_space<hbm>> -> memref<128xi32, #tpu.memory_space<hbm>>
      tpu.enqueue_dma source(%dma_start3A_52 : memref<128xi32, #tpu.memory_space<hbm>>) target(%arg5 : memref<128xi32, #tpu.memory_space<vmem>>) target_semaphore(%run_scoped3A : memref<!tpu.dma_semaphore, #tpu.memory_space<semaphore_mem>>)
      %dma_wait3A_53 = tpu.memref_slice %arg3[%mul3A_2] : memref<16384xi32, #tpu.memory_space<hbm>> -> memref<128xi32, #tpu.memory_space<hbm>>
      %dma_wait3A_54 = tpu.memref_slice %arg3[%mul3A_2] : memref<16384xi32, #tpu.memory_space<hbm>> -> memref<128xi32, #tpu.memory_space<hbm>>
      tpu.wait_dma2 semaphore(%run_scoped3A : memref<!tpu.dma_semaphore, #tpu.memory_space<semaphore_mem>>) src(%dma_wait3A_54 : memref<128xi32, #tpu.memory_space<hbm>>) dst(%arg5 : memref<128xi32, #tpu.memory_space<vmem>>)
      tpu.yield
    }) : () -> ()
    %add3A_3 = arith.constant 0 : i32
    %add3A_4 = arith.addi %mul3A_2, %add3A_3 : i32
    %add3A_5 = arith.constant 128 : i32
    %add3A_6 = arith.addi %add3A_4, %add3A_5 : i32
    %dma_start3A = tpu.memref_slice %arg3[%add3A_6] : memref<16384xi32, #tpu.memory_space<hbm>> -> memref<128xi32, #tpu.memory_space<hbm>>
    %dma_start3A_7 = tpu.memref_slice %arg3[%add3A_6] : memref<16384xi32, #tpu.memory_space<hbm>> -> memref<128xi32, #tpu.memory_space<hbm>>
    tpu.enqueue_dma source(%dma_start3A_7 : memref<128xi32, #tpu.memory_space<hbm>>) target(%arg6 : memref<128xi32, #tpu.memory_space<vmem>>) target_semaphore(%arg9 : memref<!tpu.dma_semaphore, #tpu.memory_space<semaphore_mem>>)
    %dma_start3A_8 = arith.constant 0 : i32
    %dma_start3A_9 = arith.constant 0 : i32
    %dma_start3A_10 = tpu.memref_slice %arg2[%dma_start3A_8, %dma_start3A_9] : memref<10000x256xf32, #tpu.memory_space<hbm>> -> memref<10000x256xf32, #tpu.memory_space<hbm>>
    tpu.enqueue_indirect_dma source(%dma_start3A_10 : memref<10000x256xf32, #tpu.memory_space<hbm>>) target(%arg7 : memref<128x256xf32, #tpu.memory_space<vmem>>) offsets(%arg5 : memref<128xi32, #tpu.memory_space<vmem>>) semaphore(%arg8 : memref<!tpu.dma_semaphore, #tpu.memory_space<semaphore_mem>>)
    %dma_wait3A = arith.constant 0 : i32
    %dma_wait3A_11 = arith.constant 0 : i32
    %dma_wait3A_12 = tpu.memref_slice %arg2[%dma_wait3A, %dma_wait3A_11] : memref<10000x256xf32, #tpu.memory_space<hbm>> -> memref<10000x256xf32, #tpu.memory_space<hbm>>
    tpu.wait_indirect_dma semaphore(%arg8 : memref<!tpu.dma_semaphore, #tpu.memory_space<semaphore_mem>>) src(%dma_wait3A_12 : memref<10000x256xf32, #tpu.memory_space<hbm>>) dst(%arg7 : memref<128x256xf32, #tpu.memory_space<vmem>>)
    "tpu.region"() ({
      %run_scoped3A = tpu.sem_alloc : memref<!tpu.dma_semaphore, #tpu.memory_space<semaphore_mem>>
      %dma_start3A_51 = arith.constant 0 : i32
      %dma_start3A_52 = tpu.memref_slice %arg4[%add3A_4, %dma_start3A_51] : memref<16384x256xf32, #tpu.memory_space<hbm>> -> memref<128x256xf32, #tpu.memory_space<hbm>>
      %dma_start3A_53 = arith.constant 0 : i32
      %dma_start3A_54 = tpu.memref_slice %arg4[%add3A_4, %dma_start3A_53] : memref<16384x256xf32, #tpu.memory_space<hbm>> -> memref<128x256xf32, #tpu.memory_space<hbm>>
      tpu.enqueue_dma source(%arg7 : memref<128x256xf32, #tpu.memory_space<vmem>>) target(%dma_start3A_54 : memref<128x256xf32, #tpu.memory_space<hbm>>) target_semaphore(%run_scoped3A : memref<!tpu.dma_semaphore, #tpu.memory_space<semaphore_mem>>)
      %dma_wait3A_55 = arith.constant 0 : i32
      %dma_wait3A_56 = tpu.memref_slice %arg4[%add3A_4, %dma_wait3A_55] : memref<16384x256xf32, #tpu.memory_space<hbm>> -> memref<128x256xf32, #tpu.memory_space<hbm>>
      %dma_wait3A_57 = arith.constant 0 : i32
      %dma_wait3A_58 = tpu.memref_slice %arg4[%add3A_4, %dma_wait3A_57] : memref<16384x256xf32, #tpu.memory_space<hbm>> -> memref<128x256xf32, #tpu.memory_space<hbm>>
      tpu.wait_dma2 semaphore(%run_scoped3A : memref<!tpu.dma_semaphore, #tpu.memory_space<semaphore_mem>>) src(%arg7 : memref<128x256xf32, #tpu.memory_space<vmem>>) dst(%dma_wait3A_58 : memref<128x256xf32, #tpu.memory_space<hbm>>)
      tpu.yield
    }) : () -> ()
    %dma_wait3A_13 = tpu.memref_slice %arg3[%add3A_6] : memref<16384xi32, #tpu.memory_space<hbm>> -> memref<128xi32, #tpu.memory_space<hbm>>
    %dma_wait3A_14 = tpu.memref_slice %arg3[%add3A_6] : memref<16384xi32, #tpu.memory_space<hbm>> -> memref<128xi32, #tpu.memory_space<hbm>>
    tpu.wait_dma2 semaphore(%arg9 : memref<!tpu.dma_semaphore, #tpu.memory_space<semaphore_mem>>) src(%dma_wait3A_14 : memref<128xi32, #tpu.memory_space<hbm>>) dst(%arg6 : memref<128xi32, #tpu.memory_space<vmem>>)
    %add3A_15 = arith.constant 128 : i32
    %add3A_16 = arith.addi %mul3A_2, %add3A_15 : i32
    %add3A_17 = arith.constant 128 : i32
    %add3A_18 = arith.addi %add3A_16, %add3A_17 : i32
    %dma_start3A_19 = tpu.memref_slice %arg3[%add3A_18] : memref<16384xi32, #tpu.memory_space<hbm>> -> memref<128xi32, #tpu.memory_space<hbm>>
    %dma_start3A_20 = tpu.memref_slice %arg3[%add3A_18] : memref<16384xi32, #tpu.memory_space<hbm>> -> memref<128xi32, #tpu.memory_space<hbm>>
    tpu.enqueue_dma source(%dma_start3A_20 : memref<128xi32, #tpu.memory_space<hbm>>) target(%arg5 : memref<128xi32, #tpu.memory_space<vmem>>) target_semaphore(%arg9 : memref<!tpu.dma_semaphore, #tpu.memory_space<semaphore_mem>>)
    %dma_start3A_21 = arith.constant 0 : i32
    %dma_start3A_22 = arith.constant 0 : i32
    %dma_start3A_23 = tpu.memref_slice %arg2[%dma_start3A_21, %dma_start3A_22] : memref<10000x256xf32, #tpu.memory_space<hbm>> -> memref<10000x256xf32, #tpu.memory_space<hbm>>
    tpu.enqueue_indirect_dma source(%dma_start3A_23 : memref<10000x256xf32, #tpu.memory_space<hbm>>) target(%arg7 : memref<128x256xf32, #tpu.memory_space<vmem>>) offsets(%arg6 : memref<128xi32, #tpu.memory_space<vmem>>) semaphore(%arg8 : memref<!tpu.dma_semaphore, #tpu.memory_space<semaphore_mem>>)
    %dma_wait3A_24 = arith.constant 0 : i32
    %dma_wait3A_25 = arith.constant 0 : i32
    %dma_wait3A_26 = tpu.memref_slice %arg2[%dma_wait3A_24, %dma_wait3A_25] : memref<10000x256xf32, #tpu.memory_space<hbm>> -> memref<10000x256xf32, #tpu.memory_space<hbm>>
    tpu.wait_indirect_dma semaphore(%arg8 : memref<!tpu.dma_semaphore, #tpu.memory_space<semaphore_mem>>) src(%dma_wait3A_26 : memref<10000x256xf32, #tpu.memory_space<hbm>>) dst(%arg7 : memref<128x256xf32, #tpu.memory_space<vmem>>)
    "tpu.region"() ({
      %run_scoped3A = tpu.sem_alloc : memref<!tpu.dma_semaphore, #tpu.memory_space<semaphore_mem>>
      %dma_start3A_51 = arith.constant 0 : i32
      %dma_start3A_52 = tpu.memref_slice %arg4[%add3A_16, %dma_start3A_51] : memref<16384x256xf32, #tpu.memory_space<hbm>> -> memref<128x256xf32, #tpu.memory_space<hbm>>
      %dma_start3A_53 = arith.constant 0 : i32
      %dma_start3A_54 = tpu.memref_slice %arg4[%add3A_16, %dma_start3A_53] : memref<16384x256xf32, #tpu.memory_space<hbm>> -> memref<128x256xf32, #tpu.memory_space<hbm>>
      tpu.enqueue_dma source(%arg7 : memref<128x256xf32, #tpu.memory_space<vmem>>) target(%dma_start3A_54 : memref<128x256xf32, #tpu.memory_space<hbm>>) target_semaphore(%run_scoped3A : memref<!tpu.dma_semaphore, #tpu.memory_space<semaphore_mem>>)
      %dma_wait3A_55 = arith.constant 0 : i32
      %dma_wait3A_56 = tpu.memref_slice %arg4[%add3A_16, %dma_wait3A_55] : memref<16384x256xf32, #tpu.memory_space<hbm>> -> memref<128x256xf32, #tpu.memory_space<hbm>>
      %dma_wait3A_57 = arith.constant 0 : i32
      %dma_wait3A_58 = tpu.memref_slice %arg4[%add3A_16, %dma_wait3A_57] : memref<16384x256xf32, #tpu.memory_space<hbm>> -> memref<128x256xf32, #tpu.memory_space<hbm>>
      tpu.wait_dma2 semaphore(%run_scoped3A : memref<!tpu.dma_semaphore, #tpu.memory_space<semaphore_mem>>) src(%arg7 : memref<128x256xf32, #tpu.memory_space<vmem>>) dst(%dma_wait3A_58 : memref<128x256xf32, #tpu.memory_space<hbm>>)
      tpu.yield
    }) : () -> ()
    %dma_wait3A_27 = tpu.memref_slice %arg3[%add3A_18] : memref<16384xi32, #tpu.memory_space<hbm>> -> memref<128xi32, #tpu.memory_space<hbm>>
    %dma_wait3A_28 = tpu.memref_slice %arg3[%add3A_18] : memref<16384xi32, #tpu.memory_space<hbm>> -> memref<128xi32, #tpu.memory_space<hbm>>
    tpu.wait_dma2 semaphore(%arg9 : memref<!tpu.dma_semaphore, #tpu.memory_space<semaphore_mem>>) src(%dma_wait3A_28 : memref<128xi32, #tpu.memory_space<hbm>>) dst(%arg5 : memref<128xi32, #tpu.memory_space<vmem>>)
    %add3A_29 = arith.constant 256 : i32
    %add3A_30 = arith.addi %mul3A_2, %add3A_29 : i32
    %add3A_31 = arith.constant 128 : i32
    %add3A_32 = arith.addi %add3A_30, %add3A_31 : i32
    %dma_start3A_33 = tpu.memref_slice %arg3[%add3A_32] : memref<16384xi32, #tpu.memory_space<hbm>> -> memref<128xi32, #tpu.memory_space<hbm>>
    %dma_start3A_34 = tpu.memref_slice %arg3[%add3A_32] : memref<16384xi32, #tpu.memory_space<hbm>> -> memref<128xi32, #tpu.memory_space<hbm>>
    tpu.enqueue_dma source(%dma_start3A_34 : memref<128xi32, #tpu.memory_space<hbm>>) target(%arg6 : memref<128xi32, #tpu.memory_space<vmem>>) target_semaphore(%arg9 : memref<!tpu.dma_semaphore, #tpu.memory_space<semaphore_mem>>)
    %dma_start3A_35 = arith.constant 0 : i32
    %dma_start3A_36 = arith.constant 0 : i32
    %dma_start3A_37 = tpu.memref_slice %arg2[%dma_start3A_35, %dma_start3A_36] : memref<10000x256xf32, #tpu.memory_space<hbm>> -> memref<10000x256xf32, #tpu.memory_space<hbm>>
    tpu.enqueue_indirect_dma source(%dma_start3A_37 : memref<10000x256xf32, #tpu.memory_space<hbm>>) target(%arg7 : memref<128x256xf32, #tpu.memory_space<vmem>>) offsets(%arg5 : memref<128xi32, #tpu.memory_space<vmem>>) semaphore(%arg8 : memref<!tpu.dma_semaphore, #tpu.memory_space<semaphore_mem>>)
    %dma_wait3A_38 = arith.constant 0 : i32
    %dma_wait3A_39 = arith.constant 0 : i32
    %dma_wait3A_40 = tpu.memref_slice %arg2[%dma_wait3A_38, %dma_wait3A_39] : memref<10000x256xf32, #tpu.memory_space<hbm>> -> memref<10000x256xf32, #tpu.memory_space<hbm>>
    tpu.wait_indirect_dma semaphore(%arg8 : memref<!tpu.dma_semaphore, #tpu.memory_space<semaphore_mem>>) src(%dma_wait3A_40 : memref<10000x256xf32, #tpu.memory_space<hbm>>) dst(%arg7 : memref<128x256xf32, #tpu.memory_space<vmem>>)
    "tpu.region"() ({
      %run_scoped3A = tpu.sem_alloc : memref<!tpu.dma_semaphore, #tpu.memory_space<semaphore_mem>>
      %dma_start3A_51 = arith.constant 0 : i32
      %dma_start3A_52 = tpu.memref_slice %arg4[%add3A_30, %dma_start3A_51] : memref<16384x256xf32, #tpu.memory_space<hbm>> -> memref<128x256xf32, #tpu.memory_space<hbm>>
      %dma_start3A_53 = arith.constant 0 : i32
      %dma_start3A_54 = tpu.memref_slice %arg4[%add3A_30, %dma_start3A_53] : memref<16384x256xf32, #tpu.memory_space<hbm>> -> memref<128x256xf32, #tpu.memory_space<hbm>>
      tpu.enqueue_dma source(%arg7 : memref<128x256xf32, #tpu.memory_space<vmem>>) target(%dma_start3A_54 : memref<128x256xf32, #tpu.memory_space<hbm>>) target_semaphore(%run_scoped3A : memref<!tpu.dma_semaphore, #tpu.memory_space<semaphore_mem>>)
      %dma_wait3A_55 = arith.constant 0 : i32
      %dma_wait3A_56 = tpu.memref_slice %arg4[%add3A_30, %dma_wait3A_55] : memref<16384x256xf32, #tpu.memory_space<hbm>> -> memref<128x256xf32, #tpu.memory_space<hbm>>
      %dma_wait3A_57 = arith.constant 0 : i32
      %dma_wait3A_58 = tpu.memref_slice %arg4[%add3A_30, %dma_wait3A_57] : memref<16384x256xf32, #tpu.memory_space<hbm>> -> memref<128x256xf32, #tpu.memory_space<hbm>>
      tpu.wait_dma2 semaphore(%run_scoped3A : memref<!tpu.dma_semaphore, #tpu.memory_space<semaphore_mem>>) src(%arg7 : memref<128x256xf32, #tpu.memory_space<vmem>>) dst(%dma_wait3A_58 : memref<128x256xf32, #tpu.memory_space<hbm>>)
      tpu.yield
    }) : () -> ()
    %dma_wait3A_41 = tpu.memref_slice %arg3[%add3A_32] : memref<16384xi32, #tpu.memory_space<hbm>> -> memref<128xi32, #tpu.memory_space<hbm>>
    %dma_wait3A_42 = tpu.memref_slice %arg3[%add3A_32] : memref<16384xi32, #tpu.memory_space<hbm>> -> memref<128xi32, #tpu.memory_space<hbm>>
    tpu.wait_dma2 semaphore(%arg9 : memref<!tpu.dma_semaphore, #tpu.memory_space<semaphore_mem>>) src(%dma_wait3A_42 : memref<128xi32, #tpu.memory_space<hbm>>) dst(%arg6 : memref<128xi32, #tpu.memory_space<vmem>>)
    %add3A_43 = arith.constant 384 : i32
    %add3A_44 = arith.addi %mul3A_2, %add3A_43 : i32
    %dma_start3A_45 = arith.constant 0 : i32
    %dma_start3A_46 = arith.constant 0 : i32
    %dma_start3A_47 = tpu.memref_slice %arg2[%dma_start3A_45, %dma_start3A_46] : memref<10000x256xf32, #tpu.memory_space<hbm>> -> memref<10000x256xf32, #tpu.memory_space<hbm>>
    tpu.enqueue_indirect_dma source(%dma_start3A_47 : memref<10000x256xf32, #tpu.memory_space<hbm>>) target(%arg7 : memref<128x256xf32, #tpu.memory_space<vmem>>) offsets(%arg6 : memref<128xi32, #tpu.memory_space<vmem>>) semaphore(%arg8 : memref<!tpu.dma_semaphore, #tpu.memory_space<semaphore_mem>>)
    %dma_wait3A_48 = arith.constant 0 : i32
    %dma_wait3A_49 = arith.constant 0 : i32
    %dma_wait3A_50 = tpu.memref_slice %arg2[%dma_wait3A_48, %dma_wait3A_49] : memref<10000x256xf32, #tpu.memory_space<hbm>> -> memref<10000x256xf32, #tpu.memory_space<hbm>>
    tpu.wait_indirect_dma semaphore(%arg8 : memref<!tpu.dma_semaphore, #tpu.memory_space<semaphore_mem>>) src(%dma_wait3A_50 : memref<10000x256xf32, #tpu.memory_space<hbm>>) dst(%arg7 : memref<128x256xf32, #tpu.memory_space<vmem>>)
    "tpu.region"() ({
      %run_scoped3A = tpu.sem_alloc : memref<!tpu.dma_semaphore, #tpu.memory_space<semaphore_mem>>
      %dma_start3A_51 = arith.constant 0 : i32
      %dma_start3A_52 = tpu.memref_slice %arg4[%add3A_44, %dma_start3A_51] : memref<16384x256xf32, #tpu.memory_space<hbm>> -> memref<128x256xf32, #tpu.memory_space<hbm>>
      %dma_start3A_53 = arith.constant 0 : i32
      %dma_start3A_54 = tpu.memref_slice %arg4[%add3A_44, %dma_start3A_53] : memref<16384x256xf32, #tpu.memory_space<hbm>> -> memref<128x256xf32, #tpu.memory_space<hbm>>
      tpu.enqueue_dma source(%arg7 : memref<128x256xf32, #tpu.memory_space<vmem>>) target(%dma_start3A_54 : memref<128x256xf32, #tpu.memory_space<hbm>>) target_semaphore(%run_scoped3A : memref<!tpu.dma_semaphore, #tpu.memory_space<semaphore_mem>>)
      %dma_wait3A_55 = arith.constant 0 : i32
      %dma_wait3A_56 = tpu.memref_slice %arg4[%add3A_44, %dma_wait3A_55] : memref<16384x256xf32, #tpu.memory_space<hbm>> -> memref<128x256xf32, #tpu.memory_space<hbm>>
      %dma_wait3A_57 = arith.constant 0 : i32
      %dma_wait3A_58 = tpu.memref_slice %arg4[%add3A_44, %dma_wait3A_57] : memref<16384x256xf32, #tpu.memory_space<hbm>> -> memref<128x256xf32, #tpu.memory_space<hbm>>
      tpu.wait_dma2 semaphore(%run_scoped3A : memref<!tpu.dma_semaphore, #tpu.memory_space<semaphore_mem>>) src(%arg7 : memref<128x256xf32, #tpu.memory_space<vmem>>) dst(%dma_wait3A_58 : memref<128x256xf32, #tpu.memory_space<hbm>>)
      tpu.yield
    }) : () -> ()
    return
  }
}

#map = affine_map<(d0, d1) -> (0, 0)>
#map1 = affine_map<(d0, d1) -> (0)>
module attributes {stable_mosaic.version = 14 : i64} {
  func.func @_sc_gather(%arg0: i32, %arg1: i32, %arg2: memref<10000x256xf32, #tpu.memory_space<hbm>>, %arg3: memref<16384xi32, #tpu.memory_space<hbm>>, %arg4: memref<16384x256xf32, #tpu.memory_space<hbm>>, %arg5: memref<128xi32, #tpu.memory_space<vmem>>, %arg6: memref<128xi32, #tpu.memory_space<vmem>>, %arg7: memref<128x256xf32, #tpu.memory_space<vmem>>, %arg8: memref<!tpu.dma_semaphore, #tpu.memory_space<semaphore_mem>>, %arg9: memref<!tpu.dma_semaphore, #tpu.memory_space<semaphore_mem>>) attributes {dimension_semantics = [#tpu.dimension_semantics<core_parallel>, #tpu.dimension_semantics<subcore_parallel>], iteration_bounds = array<i64: 2, 16>, scalar_prefetch = 0 : i64, scratch_operands = 5 : i64, tpu.core_type = #tpu.core_type<sc_vector_subcore>, window_params = [{transform_indices = #map}, {transform_indices = #map1}, {transform_indices = #map}]} {
    %mul3A = arith.constant 2 : i32
    %mul3A_0 = arith.muli %arg1, %mul3A : i32
    %add3A = arith.addi %mul3A_0, %arg0 : i32
    %mul3A_1 = arith.constant 512 : i32
    %mul3A_2 = arith.muli %add3A, %mul3A_1 : i32
    "tpu.region"() ({
      %run_scoped3A = tpu.sem_alloc : memref<!tpu.dma_semaphore, #tpu.memory_space<semaphore_mem>>
      %dma_start3A_51 = tpu.memref_slice %arg3[%mul3A_2] : memref<16384xi32, #tpu.memory_space<hbm>> -> memref<128xi32, #tpu.memory_space<hbm>>
      %dma_start3A_52 = tpu.memref_slice %arg3[%mul3A_2] : memref<16384xi32, #tpu.memory_space<hbm>> -> memref<128xi32, #tpu.memory_space<hbm>>
      tpu.enqueue_dma source(%dma_start3A_52 : memref<128xi32, #tpu.memory_space<hbm>>) target(%arg5 : memref<128xi32, #tpu.memory_space<vmem>>) target_semaphore(%run_scoped3A : memref<!tpu.dma_semaphore, #tpu.memory_space<semaphore_mem>>)
      %dma_wait3A_53 = tpu.memref_slice %arg3[%mul3A_2] : memref<16384xi32, #tpu.memory_space<hbm>> -> memref<128xi32, #tpu.memory_space<hbm>>
      %dma_wait3A_54 = tpu.memref_slice %arg3[%mul3A_2] : memref<16384xi32, #tpu.memory_space<hbm>> -> memref<128xi32, #tpu.memory_space<hbm>>
      tpu.wait_dma2 semaphore(%run_scoped3A : memref<!tpu.dma_semaphore, #tpu.memory_space<semaphore_mem>>) src(%dma_wait3A_54 : memref<128xi32, #tpu.memory_space<hbm>>) dst(%arg5 : memref<128xi32, #tpu.memory_space<vmem>>)
      tpu.yield
    }) : () -> ()
    %add3A_3 = arith.constant 0 : i32
    %add3A_4 = arith.addi %mul3A_2, %add3A_3 : i32
    %add3A_5 = arith.constant 128 : i32
    %add3A_6 = arith.addi %add3A_4, %add3A_5 : i32
    %dma_start3A = tpu.memref_slice %arg3[%add3A_6] : memref<16384xi32, #tpu.memory_space<hbm>> -> memref<128xi32, #tpu.memory_space<hbm>>
    %dma_start3A_7 = tpu.memref_slice %arg3[%add3A_6] : memref<16384xi32, #tpu.memory_space<hbm>> -> memref<128xi32, #tpu.memory_space<hbm>>
    tpu.enqueue_dma source(%dma_start3A_7 : memref<128xi32, #tpu.memory_space<hbm>>) target(%arg6 : memref<128xi32, #tpu.memory_space<vmem>>) target_semaphore(%arg9 : memref<!tpu.dma_semaphore, #tpu.memory_space<semaphore_mem>>)
    %dma_start3A_8 = arith.constant 0 : i32
    %dma_start3A_9 = arith.constant 0 : i32
    %dma_start3A_10 = tpu.memref_slice %arg2[%dma_start3A_8, %dma_start3A_9] : memref<10000x256xf32, #tpu.memory_space<hbm>> -> memref<10000x256xf32, #tpu.memory_space<hbm>>
    tpu.enqueue_indirect_dma source(%dma_start3A_10 : memref<10000x256xf32, #tpu.memory_space<hbm>>) target(%arg7 : memref<128x256xf32, #tpu.memory_space<vmem>>) offsets(%arg5 : memref<128xi32, #tpu.memory_space<vmem>>) semaphore(%arg8 : memref<!tpu.dma_semaphore, #tpu.memory_space<semaphore_mem>>)
    %dma_wait3A = arith.constant 0 : i32
    %dma_wait3A_11 = arith.constant 0 : i32
    %dma_wait3A_12 = tpu.memref_slice %arg2[%dma_wait3A, %dma_wait3A_11] : memref<10000x256xf32, #tpu.memory_space<hbm>> -> memref<10000x256xf32, #tpu.memory_space<hbm>>
    tpu.wait_indirect_dma semaphore(%arg8 : memref<!tpu.dma_semaphore, #tpu.memory_space<semaphore_mem>>) src(%dma_wait3A_12 : memref<10000x256xf32, #tpu.memory_space<hbm>>) dst(%arg7 : memref<128x256xf32, #tpu.memory_space<vmem>>)
    "tpu.region"() ({
      %run_scoped3A = tpu.sem_alloc : memref<!tpu.dma_semaphore, #tpu.memory_space<semaphore_mem>>
      %dma_start3A_51 = arith.constant 0 : i32
      %dma_start3A_52 = tpu.memref_slice %arg4[%add3A_4, %dma_start3A_51] : memref<16384x256xf32, #tpu.memory_space<hbm>> -> memref<128x256xf32, #tpu.memory_space<hbm>>
      %dma_start3A_53 = arith.constant 0 : i32
      %dma_start3A_54 = tpu.memref_slice %arg4[%add3A_4, %dma_start3A_53] : memref<16384x256xf32, #tpu.memory_space<hbm>> -> memref<128x256xf32, #tpu.memory_space<hbm>>
      tpu.enqueue_dma source(%arg7 : memref<128x256xf32, #tpu.memory_space<vmem>>) target(%dma_start3A_54 : memref<128x256xf32, #tpu.memory_space<hbm>>) target_semaphore(%run_scoped3A : memref<!tpu.dma_semaphore, #tpu.memory_space<semaphore_mem>>)
      %dma_wait3A_55 = arith.constant 0 : i32
      %dma_wait3A_56 = tpu.memref_slice %arg4[%add3A_4, %dma_wait3A_55] : memref<16384x256xf32, #tpu.memory_space<hbm>> -> memref<128x256xf32, #tpu.memory_space<hbm>>
      %dma_wait3A_57 = arith.constant 0 : i32
      %dma_wait3A_58 = tpu.memref_slice %arg4[%add3A_4, %dma_wait3A_57] : memref<16384x256xf32, #tpu.memory_space<hbm>> -> memref<128x256xf32, #tpu.memory_space<hbm>>
      tpu.wait_dma2 semaphore(%run_scoped3A : memref<!tpu.dma_semaphore, #tpu.memory_space<semaphore_mem>>) src(%arg7 : memref<128x256xf32, #tpu.memory_space<vmem>>) dst(%dma_wait3A_58 : memref<128x256xf32, #tpu.memory_space<hbm>>)
      tpu.yield
    }) : () -> ()
    %dma_wait3A_13 = tpu.memref_slice %arg3[%add3A_6] : memref<16384xi32, #tpu.memory_space<hbm>> -> memref<128xi32, #tpu.memory_space<hbm>>
    %dma_wait3A_14 = tpu.memref_slice %arg3[%add3A_6] : memref<16384xi32, #tpu.memory_space<hbm>> -> memref<128xi32, #tpu.memory_space<hbm>>
    tpu.wait_dma2 semaphore(%arg9 : memref<!tpu.dma_semaphore, #tpu.memory_space<semaphore_mem>>) src(%dma_wait3A_14 : memref<128xi32, #tpu.memory_space<hbm>>) dst(%arg6 : memref<128xi32, #tpu.memory_space<vmem>>)
    %add3A_15 = arith.constant 128 : i32
    %add3A_16 = arith.addi %mul3A_2, %add3A_15 : i32
    %add3A_17 = arith.constant 128 : i32
    %add3A_18 = arith.addi %add3A_16, %add3A_17 : i32
    %dma_start3A_19 = tpu.memref_slice %arg3[%add3A_18] : memref<16384xi32, #tpu.memory_space<hbm>> -> memref<128xi32, #tpu.memory_space<hbm>>
    %dma_start3A_20 = tpu.memref_slice %arg3[%add3A_18] : memref<16384xi32, #tpu.memory_space<hbm>> -> memref<128xi32, #tpu.memory_space<hbm>>
    tpu.enqueue_dma source(%dma_start3A_20 : memref<128xi32, #tpu.memory_space<hbm>>) target(%arg5 : memref<128xi32, #tpu.memory_space<vmem>>) target_semaphore(%arg9 : memref<!tpu.dma_semaphore, #tpu.memory_space<semaphore_mem>>)
    %dma_start3A_21 = arith.constant 0 : i32
    %dma_start3A_22 = arith.constant 0 : i32
    %dma_start3A_23 = tpu.memref_slice %arg2[%dma_start3A_21, %dma_start3A_22] : memref<10000x256xf32, #tpu.memory_space<hbm>> -> memref<10000x256xf32, #tpu.memory_space<hbm>>
    tpu.enqueue_indirect_dma source(%dma_start3A_23 : memref<10000x256xf32, #tpu.memory_space<hbm>>) target(%arg7 : memref<128x256xf32, #tpu.memory_space<vmem>>) offsets(%arg6 : memref<128xi32, #tpu.memory_space<vmem>>) semaphore(%arg8 : memref<!tpu.dma_semaphore, #tpu.memory_space<semaphore_mem>>)
    %dma_wait3A_24 = arith.constant 0 : i32
    %dma_wait3A_25 = arith.constant 0 : i32
    %dma_wait3A_26 = tpu.memref_slice %arg2[%dma_wait3A_24, %dma_wait3A_25] : memref<10000x256xf32, #tpu.memory_space<hbm>> -> memref<10000x256xf32, #tpu.memory_space<hbm>>
    tpu.wait_indirect_dma semaphore(%arg8 : memref<!tpu.dma_semaphore, #tpu.memory_space<semaphore_mem>>) src(%dma_wait3A_26 : memref<10000x256xf32, #tpu.memory_space<hbm>>) dst(%arg7 : memref<128x256xf32, #tpu.memory_space<vmem>>)
    "tpu.region"() ({
      %run_scoped3A = tpu.sem_alloc : memref<!tpu.dma_semaphore, #tpu.memory_space<semaphore_mem>>
      %dma_start3A_51 = arith.constant 0 : i32
      %dma_start3A_52 = tpu.memref_slice %arg4[%add3A_16, %dma_start3A_51] : memref<16384x256xf32, #tpu.memory_space<hbm>> -> memref<128x256xf32, #tpu.memory_space<hbm>>
      %dma_start3A_53 = arith.constant 0 : i32
      %dma_start3A_54 = tpu.memref_slice %arg4[%add3A_16, %dma_start3A_53] : memref<16384x256xf32, #tpu.memory_space<hbm>> -> memref<128x256xf32, #tpu.memory_space<hbm>>
      tpu.enqueue_dma source(%arg7 : memref<128x256xf32, #tpu.memory_space<vmem>>) target(%dma_start3A_54 : memref<128x256xf32, #tpu.memory_space<hbm>>) target_semaphore(%run_scoped3A : memref<!tpu.dma_semaphore, #tpu.memory_space<semaphore_mem>>)
      %dma_wait3A_55 = arith.constant 0 : i32
      %dma_wait3A_56 = tpu.memref_slice %arg4[%add3A_16, %dma_wait3A_55] : memref<16384x256xf32, #tpu.memory_space<hbm>> -> memref<128x256xf32, #tpu.memory_space<hbm>>
      %dma_wait3A_57 = arith.constant 0 : i32
      %dma_wait3A_58 = tpu.memref_slice %arg4[%add3A_16, %dma_wait3A_57] : memref<16384x256xf32, #tpu.memory_space<hbm>> -> memref<128x256xf32, #tpu.memory_space<hbm>>
      tpu.wait_dma2 semaphore(%run_scoped3A : memref<!tpu.dma_semaphore, #tpu.memory_space<semaphore_mem>>) src(%arg7 : memref<128x256xf32, #tpu.memory_space<vmem>>) dst(%dma_wait3A_58 : memref<128x256xf32, #tpu.memory_space<hbm>>)
      tpu.yield
    }) : () -> ()
    %dma_wait3A_27 = tpu.memref_slice %arg3[%add3A_18] : memref<16384xi32, #tpu.memory_space<hbm>> -> memref<128xi32, #tpu.memory_space<hbm>>
    %dma_wait3A_28 = tpu.memref_slice %arg3[%add3A_18] : memref<16384xi32, #tpu.memory_space<hbm>> -> memref<128xi32, #tpu.memory_space<hbm>>
    tpu.wait_dma2 semaphore(%arg9 : memref<!tpu.dma_semaphore, #tpu.memory_space<semaphore_mem>>) src(%dma_wait3A_28 : memref<128xi32, #tpu.memory_space<hbm>>) dst(%arg5 : memref<128xi32, #tpu.memory_space<vmem>>)
    %add3A_29 = arith.constant 256 : i32
    %add3A_30 = arith.addi %mul3A_2, %add3A_29 : i32
    %add3A_31 = arith.constant 128 : i32
    %add3A_32 = arith.addi %add3A_30, %add3A_31 : i32
    %dma_start3A_33 = tpu.memref_slice %arg3[%add3A_32] : memref<16384xi32, #tpu.memory_space<hbm>> -> memref<128xi32, #tpu.memory_space<hbm>>
    %dma_start3A_34 = tpu.memref_slice %arg3[%add3A_32] : memref<16384xi32, #tpu.memory_space<hbm>> -> memref<128xi32, #tpu.memory_space<hbm>>
    tpu.enqueue_dma source(%dma_start3A_34 : memref<128xi32, #tpu.memory_space<hbm>>) target(%arg6 : memref<128xi32, #tpu.memory_space<vmem>>) target_semaphore(%arg9 : memref<!tpu.dma_semaphore, #tpu.memory_space<semaphore_mem>>)
    %dma_start3A_35 = arith.constant 0 : i32
    %dma_start3A_36 = arith.constant 0 : i32
    %dma_start3A_37 = tpu.memref_slice %arg2[%dma_start3A_35, %dma_start3A_36] : memref<10000x256xf32, #tpu.memory_space<hbm>> -> memref<10000x256xf32, #tpu.memory_space<hbm>>
    tpu.enqueue_indirect_dma source(%dma_start3A_37 : memref<10000x256xf32, #tpu.memory_space<hbm>>) target(%arg7 : memref<128x256xf32, #tpu.memory_space<vmem>>) offsets(%arg5 : memref<128xi32, #tpu.memory_space<vmem>>) semaphore(%arg8 : memref<!tpu.dma_semaphore, #tpu.memory_space<semaphore_mem>>)
    %dma_wait3A_38 = arith.constant 0 : i32
    %dma_wait3A_39 = arith.constant 0 : i32
    %dma_wait3A_40 = tpu.memref_slice %arg2[%dma_wait3A_38, %dma_wait3A_39] : memref<10000x256xf32, #tpu.memory_space<hbm>> -> memref<10000x256xf32, #tpu.memory_space<hbm>>
    tpu.wait_indirect_dma semaphore(%arg8 : memref<!tpu.dma_semaphore, #tpu.memory_space<semaphore_mem>>) src(%dma_wait3A_40 : memref<10000x256xf32, #tpu.memory_space<hbm>>) dst(%arg7 : memref<128x256xf32, #tpu.memory_space<vmem>>)
    "tpu.region"() ({
      %run_scoped3A = tpu.sem_alloc : memref<!tpu.dma_semaphore, #tpu.memory_space<semaphore_mem>>
      %dma_start3A_51 = arith.constant 0 : i32
      %dma_start3A_52 = tpu.memref_slice %arg4[%add3A_30, %dma_start3A_51] : memref<16384x256xf32, #tpu.memory_space<hbm>> -> memref<128x256xf32, #tpu.memory_space<hbm>>
      %dma_start3A_53 = arith.constant 0 : i32
      %dma_start3A_54 = tpu.memref_slice %arg4[%add3A_30, %dma_start3A_53] : memref<16384x256xf32, #tpu.memory_space<hbm>> -> memref<128x256xf32, #tpu.memory_space<hbm>>
      tpu.enqueue_dma source(%arg7 : memref<128x256xf32, #tpu.memory_space<vmem>>) target(%dma_start3A_54 : memref<128x256xf32, #tpu.memory_space<hbm>>) target_semaphore(%run_scoped3A : memref<!tpu.dma_semaphore, #tpu.memory_space<semaphore_mem>>)
      %dma_wait3A_55 = arith.constant 0 : i32
      %dma_wait3A_56 = tpu.memref_slice %arg4[%add3A_30, %dma_wait3A_55] : memref<16384x256xf32, #tpu.memory_space<hbm>> -> memref<128x256xf32, #tpu.memory_space<hbm>>
      %dma_wait3A_57 = arith.constant 0 : i32
      %dma_wait3A_58 = tpu.memref_slice %arg4[%add3A_30, %dma_wait3A_57] : memref<16384x256xf32, #tpu.memory_space<hbm>> -> memref<128x256xf32, #tpu.memory_space<hbm>>
      tpu.wait_dma2 semaphore(%run_scoped3A : memref<!tpu.dma_semaphore, #tpu.memory_space<semaphore_mem>>) src(%arg7 : memref<128x256xf32, #tpu.memory_space<vmem>>) dst(%dma_wait3A_58 : memref<128x256xf32, #tpu.memory_space<hbm>>)
      tpu.yield
    }) : () -> ()
    %dma_wait3A_41 = tpu.memref_slice %arg3[%add3A_32] : memref<16384xi32, #tpu.memory_space<hbm>> -> memref<128xi32, #tpu.memory_space<hbm>>
    %dma_wait3A_42 = tpu.memref_slice %arg3[%add3A_32] : memref<16384xi32, #tpu.memory_space<hbm>> -> memref<128xi32, #tpu.memory_space<hbm>>
    tpu.wait_dma2 semaphore(%arg9 : memref<!tpu.dma_semaphore, #tpu.memory_space<semaphore_mem>>) src(%dma_wait3A_42 : memref<128xi32, #tpu.memory_space<hbm>>) dst(%arg6 : memref<128xi32, #tpu.memory_space<vmem>>)
    %add3A_43 = arith.constant 384 : i32
    %add3A_44 = arith.addi %mul3A_2, %add3A_43 : i32
    %dma_start3A_45 = arith.constant 0 : i32
    %dma_start3A_46 = arith.constant 0 : i32
    %dma_start3A_47 = tpu.memref_slice %arg2[%dma_start3A_45, %dma_start3A_46] : memref<10000x256xf32, #tpu.memory_space<hbm>> -> memref<10000x256xf32, #tpu.memory_space<hbm>>
    tpu.enqueue_indirect_dma source(%dma_start3A_47 : memref<10000x256xf32, #tpu.memory_space<hbm>>) target(%arg7 : memref<128x256xf32, #tpu.memory_space<vmem>>) offsets(%arg6 : memref<128xi32, #tpu.memory_space<vmem>>) semaphore(%arg8 : memref<!tpu.dma_semaphore, #tpu.memory_space<semaphore_mem>>)
    %dma_wait3A_48 = arith.constant 0 : i32
    %dma_wait3A_49 = arith.constant 0 : i32
    %dma_wait3A_50 = tpu.memref_slice %arg2[%dma_wait3A_48, %dma_wait3A_49] : memref<10000x256xf32, #tpu.memory_space<hbm>> -> memref<10000x256xf32, #tpu.memory_space<hbm>>
    tpu.wait_indirect_dma semaphore(%arg8 : memref<!tpu.dma_semaphore, #tpu.memory_space<semaphore_mem>>) src(%dma_wait3A_50 : memref<10000x256xf32, #tpu.memory_space<hbm>>) dst(%arg7 : memref<128x256xf32, #tpu.memory_space<vmem>>)
    "tpu.region"() ({
      %run_scoped3A = tpu.sem_alloc : memref<!tpu.dma_semaphore, #tpu.memory_space<semaphore_mem>>
      %dma_start3A_51 = arith.constant 0 : i32
      %dma_start3A_52 = tpu.memref_slice %arg4[%add3A_44, %dma_start3A_51] : memref<16384x256xf32, #tpu.memory_space<hbm>> -> memref<128x256xf32, #tpu.memory_space<hbm>>
      %dma_start3A_53 = arith.constant 0 : i32
      %dma_start3A_54 = tpu.memref_slice %arg4[%add3A_44, %dma_start3A_53] : memref<16384x256xf32, #tpu.memory_space<hbm>> -> memref<128x256xf32, #tpu.memory_space<hbm>>
      tpu.enqueue_dma source(%arg7 : memref<128x256xf32, #tpu.memory_space<vmem>>) target(%dma_start3A_54 : memref<128x256xf32, #tpu.memory_space<hbm>>) target_semaphore(%run_scoped3A : memref<!tpu.dma_semaphore, #tpu.memory_space<semaphore_mem>>)
      %dma_wait3A_55 = arith.constant 0 : i32
      %dma_wait3A_56 = tpu.memref_slice %arg4[%add3A_44, %dma_wait3A_55] : memref<16384x256xf32, #tpu.memory_space<hbm>> -> memref<128x256xf32, #tpu.memory_space<hbm>>
      %dma_wait3A_57 = arith.constant 0 : i32
      %dma_wait3A_58 = tpu.memref_slice %arg4[%add3A_44, %dma_wait3A_57] : memref<16384x256xf32, #tpu.memory_space<hbm>> -> memref<128x256xf32, #tpu.memory_space<hbm>>
      tpu.wait_dma2 semaphore(%run_scoped3A : memref<!tpu.dma_semaphore, #tpu.memory_space<semaphore_mem>>) src(%arg7 : memref<128x256xf32, #tpu.memory_space<vmem>>) dst(%dma_wait3A_58 : memref<128x256xf32, #tpu.memory_space<hbm>>)
      tpu.yield
    }) : () -> ()
    return
  }
}

module attributes {stable_mosaic.version = 14 : i64} {
  func.func @_enc_body(%arg0: i32, %arg1: memref<1000x1024xf32, #tpu.memory_space<vmem>>, %arg2: memref<1024x512xf32, #tpu.memory_space<vmem>>, %arg3: memref<1x512xf32, #tpu.memory_space<vmem>>, %arg4: memref<512x256xf32, #tpu.memory_space<vmem>>, %arg5: memref<1x256xf32, #tpu.memory_space<vmem>>, %arg6: memref<256x256xf32, #tpu.memory_space<vmem>>, %arg7: memref<1000x256xf32, #tpu.memory_space<vmem>>, %arg8: memref<1000x256xf32, #tpu.memory_space<vmem>>) attributes {dimension_semantics = [#tpu.dimension_semantics<arbitrary>], iteration_bounds = array<i64: 6>, scalar_prefetch = 0 : i64, scratch_operands = 0 : i64, tpu.core_type = #tpu.core_type<tc>, window_params = [{transform_indices = @transform_0, window_bounds = array<i64: 1000, 1024>}, {pipeline_mode = #tpu.pipeline_mode<synchronous>, transform_indices = @transform_1, window_bounds = array<i64: 1024, 512>}, {pipeline_mode = #tpu.pipeline_mode<synchronous>, transform_indices = @transform_2, window_bounds = array<i64: 1, 512>}, {pipeline_mode = #tpu.pipeline_mode<synchronous>, transform_indices = @transform_3, window_bounds = array<i64: 512, 256>}, {pipeline_mode = #tpu.pipeline_mode<synchronous>, transform_indices = @transform_4, window_bounds = array<i64: 1, 256>}, {pipeline_mode = #tpu.pipeline_mode<synchronous>, transform_indices = @transform_5, window_bounds = array<i64: 256, 256>}, {transform_indices = @transform_6, window_bounds = array<i64: 1000, 256>}, {transform_indices = @transform_7, window_bounds = array<i64: 1000, 256>}]} {
    %get3A = arith.constant 0 : index
    %get3A_0 = arith.constant 0 : index
    %get3A_1 = vector.load %arg1[%get3A, %get3A_0] : memref<1000x1024xf32, #tpu.memory_space<vmem>>, vector<1000x1024xf32>
    %get3A_2 = arith.constant 0 : index
    %get3A_3 = arith.constant 0 : index
    %get3A_4 = vector.load %arg2[%get3A_2, %get3A_3] : memref<1024x512xf32, #tpu.memory_space<vmem>>, vector<1024x512xf32>
    %dot_general3A = arith.constant dense<0.000000e+00> : vector<1000x512xf32>
    %dot_general3A_5 = tpu.matmul %get3A_1, %get3A_4, %dot_general3A {dimension_numbers = #tpu.dot_dimension_numbers<[1], [0], [0], [1], [0, 0, 1, 1], [], []>, transpose_lhs_hint = false} : vector<1000x1024xf32>, vector<1024x512xf32>, vector<1000x512xf32> -> vector<1000x512xf32>
    %get3A_6 = arith.constant 0 : index
    %get3A_7 = arith.constant 0 : index
    %get3A_8 = vector.load %arg3[%get3A_6, %get3A_7] : memref<1x512xf32, #tpu.memory_space<vmem>>, vector<1x512xf32>
    %add3A = vector.broadcast %get3A_8 : vector<1x512xf32> to vector<1000x512xf32>
    %add3A_9 = arith.addf %dot_general3A_5, %add3A : vector<1000x512xf32>
    %max3A = arith.constant 0.000000e+00 : f32
    %max3A_10 = vector.broadcast %max3A : f32 to vector<1000x512xf32>
    %max3A_11 = arith.maximumf %add3A_9, %max3A_10 : vector<1000x512xf32>
    %mul3A = arith.constant 0.999994993 : f32
    %mul3A_12 = vector.broadcast %mul3A : f32 to vector<1000x512xf32>
    %mul3A_13 = arith.mulf %mul3A_12, %max3A_11 : vector<1000x512xf32>
    %reduce_sum3A = arith.constant dense<0.000000e+00> : vector<1000xf32>
    %reduce_sum3A_14 = vector.multi_reduction <add>, %mul3A_13, %reduce_sum3A [1] : vector<1000x512xf32> to vector<1000xf32>
    %broadcast_in_dim3A = vector.shape_cast %reduce_sum3A_14 : vector<1000xf32> to vector<1000x1xf32>
    %div3A = arith.constant 5.120000e+02 : f32
    %div3A_15 = vector.broadcast %div3A : f32 to vector<1000x1xf32>
    %div3A_16 = arith.divf %broadcast_in_dim3A, %div3A_15 : vector<1000x1xf32>
    %jit3A = arith.constant 0 : i32
    %reduce_sum3A_17 = arith.constant dense<0.000000e+00> : vector<1000xf32>
    %reduce_sum3A_18 = vector.multi_reduction <add>, %mul3A_13, %reduce_sum3A_17 [1] : vector<1000x512xf32> to vector<1000xf32>
    %broadcast_in_dim3A_19 = vector.shape_cast %reduce_sum3A_18 : vector<1000xf32> to vector<1000x1xf32>
    %div3A_20 = arith.constant 5.120000e+02 : f32
    %div3A_21 = vector.broadcast %div3A_20 : f32 to vector<1000x1xf32>
    %div3A_22 = arith.divf %broadcast_in_dim3A_19, %div3A_21 : vector<1000x1xf32>
    %sub3A = vector.broadcast %div3A_22 : vector<1000x1xf32> to vector<1000x512xf32>
    %sub3A_23 = arith.subf %mul3A_13, %sub3A : vector<1000x512xf32>
    %square3A = arith.mulf %sub3A_23, %sub3A_23 : vector<1000x512xf32>
    %convert_element_type3A = arith.sitofp %jit3A : i32 to f32
    %sub3A_24 = arith.constant 5.120000e+02 : f32
    %sub3A_25 = arith.subf %sub3A_24, %convert_element_type3A : f32
    %reduce_sum3A_26 = arith.constant dense<0.000000e+00> : vector<1000xf32>
    %reduce_sum3A_27 = vector.multi_reduction <add>, %square3A, %reduce_sum3A_26 [1] : vector<1000x512xf32> to vector<1000xf32>
    %broadcast_in_dim3A_28 = vector.shape_cast %reduce_sum3A_27 : vector<1000xf32> to vector<1000x1xf32>
    %div3A_29 = vector.broadcast %sub3A_25 : f32 to vector<1000x1xf32>
    %div3A_30 = arith.divf %broadcast_in_dim3A_28, %div3A_29 : vector<1000x1xf32>
    %gt3A = arith.constant 0.000000e+00 : f32
    %gt3A_31 = arith.cmpf ogt, %sub3A_25, %gt3A : f32
    %jit3A_32 = arith.constant 0x7FC00000 : f32
    %broadcast_in_dim3A_33 = vector.broadcast %jit3A_32 : f32 to vector<1000x1xf32>
    %select_n3A = arith.select %gt3A_31, %div3A_30, %broadcast_in_dim3A_33 : vector<1000x1xf32>
    %sub3A_34 = vector.broadcast %div3A_16 : vector<1000x1xf32> to vector<1000x512xf32>
    %sub3A_35 = arith.subf %mul3A_13, %sub3A_34 : vector<1000x512xf32>
    %add3A_36 = arith.constant 9.99999974E-6 : f32
    %add3A_37 = vector.broadcast %add3A_36 : f32 to vector<1000x1xf32>
    %add3A_38 = arith.addf %select_n3A, %add3A_37 : vector<1000x1xf32>
    %sqrt3A = math.sqrt %add3A_38 : vector<1000x1xf32>
    %div3A_39 = vector.broadcast %sqrt3A : vector<1000x1xf32> to vector<1000x512xf32>
    %div3A_40 = arith.divf %sub3A_35, %div3A_39 : vector<1000x512xf32>
    %get3A_41 = arith.constant 0 : index
    %get3A_42 = arith.constant 0 : index
    %get3A_43 = vector.load %arg4[%get3A_41, %get3A_42] : memref<512x256xf32, #tpu.memory_space<vmem>>, vector<512x256xf32>
    %dot_general3A_44 = arith.constant dense<0.000000e+00> : vector<1000x256xf32>
    %dot_general3A_45 = tpu.matmul %div3A_40, %get3A_43, %dot_general3A_44 {dimension_numbers = #tpu.dot_dimension_numbers<[1], [0], [0], [1], [0, 0, 1, 1], [], []>, transpose_lhs_hint = false} : vector<1000x512xf32>, vector<512x256xf32>, vector<1000x256xf32> -> vector<1000x256xf32>
    %get3A_46 = arith.constant 0 : index
    %get3A_47 = arith.constant 0 : index
    %get3A_48 = vector.load %arg5[%get3A_46, %get3A_47] : memref<1x256xf32, #tpu.memory_space<vmem>>, vector<1x256xf32>
    %add3A_49 = vector.broadcast %get3A_48 : vector<1x256xf32> to vector<1000x256xf32>
    %add3A_50 = arith.addf %dot_general3A_45, %add3A_49 : vector<1000x256xf32>
    %max3A_51 = arith.constant 0.000000e+00 : f32
    %max3A_52 = vector.broadcast %max3A_51 : f32 to vector<1000x256xf32>
    %max3A_53 = arith.maximumf %add3A_50, %max3A_52 : vector<1000x256xf32>
    %mul3A_54 = arith.constant 0.999994993 : f32
    %mul3A_55 = vector.broadcast %mul3A_54 : f32 to vector<1000x256xf32>
    %mul3A_56 = arith.mulf %mul3A_55, %max3A_53 : vector<1000x256xf32>
    %reduce_sum3A_57 = arith.constant dense<0.000000e+00> : vector<1000xf32>
    %reduce_sum3A_58 = vector.multi_reduction <add>, %mul3A_56, %reduce_sum3A_57 [1] : vector<1000x256xf32> to vector<1000xf32>
    %broadcast_in_dim3A_59 = vector.shape_cast %reduce_sum3A_58 : vector<1000xf32> to vector<1000x1xf32>
    %div3A_60 = arith.constant 2.560000e+02 : f32
    %div3A_61 = vector.broadcast %div3A_60 : f32 to vector<1000x1xf32>
    %div3A_62 = arith.divf %broadcast_in_dim3A_59, %div3A_61 : vector<1000x1xf32>
    %jit3A_63 = arith.constant 0 : i32
    %reduce_sum3A_64 = arith.constant dense<0.000000e+00> : vector<1000xf32>
    %reduce_sum3A_65 = vector.multi_reduction <add>, %mul3A_56, %reduce_sum3A_64 [1] : vector<1000x256xf32> to vector<1000xf32>
    %broadcast_in_dim3A_66 = vector.shape_cast %reduce_sum3A_65 : vector<1000xf32> to vector<1000x1xf32>
    %div3A_67 = arith.constant 2.560000e+02 : f32
    %div3A_68 = vector.broadcast %div3A_67 : f32 to vector<1000x1xf32>
    %div3A_69 = arith.divf %broadcast_in_dim3A_66, %div3A_68 : vector<1000x1xf32>
    %sub3A_70 = vector.broadcast %div3A_69 : vector<1000x1xf32> to vector<1000x256xf32>
    %sub3A_71 = arith.subf %mul3A_56, %sub3A_70 : vector<1000x256xf32>
    %square3A_72 = arith.mulf %sub3A_71, %sub3A_71 : vector<1000x256xf32>
    %convert_element_type3A_73 = arith.sitofp %jit3A_63 : i32 to f32
    %sub3A_74 = arith.constant 2.560000e+02 : f32
    %sub3A_75 = arith.subf %sub3A_74, %convert_element_type3A_73 : f32
    %reduce_sum3A_76 = arith.constant dense<0.000000e+00> : vector<1000xf32>
    %reduce_sum3A_77 = vector.multi_reduction <add>, %square3A_72, %reduce_sum3A_76 [1] : vector<1000x256xf32> to vector<1000xf32>
    %broadcast_in_dim3A_78 = vector.shape_cast %reduce_sum3A_77 : vector<1000xf32> to vector<1000x1xf32>
    %div3A_79 = vector.broadcast %sub3A_75 : f32 to vector<1000x1xf32>
    %div3A_80 = arith.divf %broadcast_in_dim3A_78, %div3A_79 : vector<1000x1xf32>
    %gt3A_81 = arith.constant 0.000000e+00 : f32
    %gt3A_82 = arith.cmpf ogt, %sub3A_75, %gt3A_81 : f32
    %jit3A_83 = arith.constant 0x7FC00000 : f32
    %broadcast_in_dim3A_84 = vector.broadcast %jit3A_83 : f32 to vector<1000x1xf32>
    %select_n3A_85 = arith.select %gt3A_82, %div3A_80, %broadcast_in_dim3A_84 : vector<1000x1xf32>
    %sub3A_86 = vector.broadcast %div3A_62 : vector<1000x1xf32> to vector<1000x256xf32>
    %sub3A_87 = arith.subf %mul3A_56, %sub3A_86 : vector<1000x256xf32>
    %add3A_88 = arith.constant 9.99999974E-6 : f32
    %add3A_89 = vector.broadcast %add3A_88 : f32 to vector<1000x1xf32>
    %add3A_90 = arith.addf %select_n3A_85, %add3A_89 : vector<1000x1xf32>
    %sqrt3A_91 = math.sqrt %add3A_90 : vector<1000x1xf32>
    %div3A_92 = vector.broadcast %sqrt3A_91 : vector<1000x1xf32> to vector<1000x256xf32>
    %div3A_93 = arith.divf %sub3A_87, %div3A_92 : vector<1000x256xf32>
    %mul3A_94 = arith.constant 0.999994993 : f32
    %mul3A_95 = vector.broadcast %mul3A_94 : f32 to vector<1000x256xf32>
    %mul3A_96 = arith.mulf %mul3A_95, %div3A_93 : vector<1000x256xf32>
    %reduce_sum3A_97 = arith.constant dense<0.000000e+00> : vector<1000xf32>
    %reduce_sum3A_98 = vector.multi_reduction <add>, %mul3A_96, %reduce_sum3A_97 [1] : vector<1000x256xf32> to vector<1000xf32>
    %broadcast_in_dim3A_99 = vector.shape_cast %reduce_sum3A_98 : vector<1000xf32> to vector<1000x1xf32>
    %div3A_100 = arith.constant 2.560000e+02 : f32
    %div3A_101 = vector.broadcast %div3A_100 : f32 to vector<1000x1xf32>
    %div3A_102 = arith.divf %broadcast_in_dim3A_99, %div3A_101 : vector<1000x1xf32>
    %jit3A_103 = arith.constant 0 : i32
    %reduce_sum3A_104 = arith.constant dense<0.000000e+00> : vector<1000xf32>
    %reduce_sum3A_105 = vector.multi_reduction <add>, %mul3A_96, %reduce_sum3A_104 [1] : vector<1000x256xf32> to vector<1000xf32>
    %broadcast_in_dim3A_106 = vector.shape_cast %reduce_sum3A_105 : vector<1000xf32> to vector<1000x1xf32>
    %div3A_107 = arith.constant 2.560000e+02 : f32
    %div3A_108 = vector.broadcast %div3A_107 : f32 to vector<1000x1xf32>
    %div3A_109 = arith.divf %broadcast_in_dim3A_106, %div3A_108 : vector<1000x1xf32>
    %sub3A_110 = vector.broadcast %div3A_109 : vector<1000x1xf32> to vector<1000x256xf32>
    %sub3A_111 = arith.subf %mul3A_96, %sub3A_110 : vector<1000x256xf32>
    %square3A_112 = arith.mulf %sub3A_111, %sub3A_111 : vector<1000x256xf32>
    %convert_element_type3A_113 = arith.sitofp %jit3A_103 : i32 to f32
    %sub3A_114 = arith.constant 2.560000e+02 : f32
    %sub3A_115 = arith.subf %sub3A_114, %convert_element_type3A_113 : f32
    %reduce_sum3A_116 = arith.constant dense<0.000000e+00> : vector<1000xf32>
    %reduce_sum3A_117 = vector.multi_reduction <add>, %square3A_112, %reduce_sum3A_116 [1] : vector<1000x256xf32> to vector<1000xf32>
    %broadcast_in_dim3A_118 = vector.shape_cast %reduce_sum3A_117 : vector<1000xf32> to vector<1000x1xf32>
    %div3A_119 = vector.broadcast %sub3A_115 : f32 to vector<1000x1xf32>
    %div3A_120 = arith.divf %broadcast_in_dim3A_118, %div3A_119 : vector<1000x1xf32>
    %gt3A_121 = arith.constant 0.000000e+00 : f32
    %gt3A_122 = arith.cmpf ogt, %sub3A_115, %gt3A_121 : f32
    %jit3A_123 = arith.constant 0x7FC00000 : f32
    %broadcast_in_dim3A_124 = vector.broadcast %jit3A_123 : f32 to vector<1000x1xf32>
    %select_n3A_125 = arith.select %gt3A_122, %div3A_120, %broadcast_in_dim3A_124 : vector<1000x1xf32>
    %sub3A_126 = vector.broadcast %div3A_102 : vector<1000x1xf32> to vector<1000x256xf32>
    %sub3A_127 = arith.subf %mul3A_96, %sub3A_126 : vector<1000x256xf32>
    %add3A_128 = arith.constant 9.99999974E-6 : f32
    %add3A_129 = vector.broadcast %add3A_128 : f32 to vector<1000x1xf32>
    %add3A_130 = arith.addf %select_n3A_125, %add3A_129 : vector<1000x1xf32>
    %sqrt3A_131 = math.sqrt %add3A_130 : vector<1000x1xf32>
    %div3A_132 = vector.broadcast %sqrt3A_131 : vector<1000x1xf32> to vector<1000x256xf32>
    %div3A_133 = arith.divf %sub3A_127, %div3A_132 : vector<1000x256xf32>
    %swap3A = arith.constant 0 : index
    %swap3A_134 = arith.constant 0 : index
    %swap3A_135 = vector.load %arg7[%swap3A, %swap3A_134] : memref<1000x256xf32, #tpu.memory_space<vmem>>, vector<1000x256xf32>
    tpu.vector_store %arg7[%swap3A, %swap3A_134], %div3A_133 {strides = array<i32>} : memref<1000x256xf32, #tpu.memory_space<vmem>>, vector<1000x256xf32>,
    %get3A_136 = arith.constant 0 : index
    %get3A_137 = arith.constant 0 : index
    %get3A_138 = vector.load %arg6[%get3A_136, %get3A_137] : memref<256x256xf32, #tpu.memory_space<vmem>>, vector<256x256xf32>
    %dot_general3A_139 = arith.constant dense<0.000000e+00> : vector<1000x256xf32>
    %dot_general3A_140 = tpu.matmul %div3A_133, %get3A_138, %dot_general3A_139 {dimension_numbers = #tpu.dot_dimension_numbers<[1], [0], [0], [1], [0, 0, 1, 1], [], []>, transpose_lhs_hint = false} : vector<1000x256xf32>, vector<256x256xf32>, vector<1000x256xf32> -> vector<1000x256xf32>
    %swap3A_141 = arith.constant 0 : index
    %swap3A_142 = arith.constant 0 : index
    %swap3A_143 = vector.load %arg8[%swap3A_141, %swap3A_142] : memref<1000x256xf32, #tpu.memory_space<vmem>>, vector<1000x256xf32>
    tpu.vector_store %arg8[%swap3A_141, %swap3A_142], %dot_general3A_140 {strides = array<i32>} : memref<1000x256xf32, #tpu.memory_space<vmem>>, vector<1000x256xf32>,
    return
  }
  func.func @transform_0(%arg0: i32) -> (i32, i32) {
    %c0_i32 = arith.constant 0 : i32
    %c0_i32_0 = arith.constant 0 : i32
    return %arg0, %c0_i32 : i32, i32
  }
  func.func @transform_1(%arg0: i32) -> (i32, i32) {
    %c0_i32 = arith.constant 0 : i32
    %c0_i32_0 = arith.constant 0 : i32
    %c0_i32_1 = arith.constant 0 : i32
    return %c0_i32, %c0_i32_0 : i32, i32
  }
  func.func @transform_2(%arg0: i32) -> (i32, i32) {
    %c0_i32 = arith.constant 0 : i32
    %c0_i32_0 = arith.constant 0 : i32
    %c0_i32_1 = arith.constant 0 : i32
    return %c0_i32, %c0_i32_0 : i32, i32
  }
  func.func @transform_3(%arg0: i32) -> (i32, i32) {
    %c0_i32 = arith.constant 0 : i32
    %c0_i32_0 = arith.constant 0 : i32
    %c0_i32_1 = arith.constant 0 : i32
    return %c0_i32, %c0_i32_0 : i32, i32
  }
  func.func @transform_4(%arg0: i32) -> (i32, i32) {
    %c0_i32 = arith.constant 0 : i32
    %c0_i32_0 = arith.constant 0 : i32
    %c0_i32_1 = arith.constant 0 : i32
    return %c0_i32, %c0_i32_0 : i32, i32
  }
  func.func @transform_5(%arg0: i32) -> (i32, i32) {
    %c0_i32 = arith.constant 0 : i32
    %c0_i32_0 = arith.constant 0 : i32
    %c0_i32_1 = arith.constant 0 : i32
    return %c0_i32, %c0_i32_0 : i32, i32
  }
  func.func @transform_6(%arg0: i32) -> (i32, i32) {
    %c0_i32 = arith.constant 0 : i32
    %c0_i32_0 = arith.constant 0 : i32
    return %arg0, %c0_i32 : i32, i32
  }
  func.func @transform_7(%arg0: i32) -> (i32, i32) {
    %c0_i32 = arith.constant 0 : i32
    %c0_i32_0 = arith.constant 0 : i32
    return %arg0, %c0_i32 : i32, i32
  }
}

module attributes {stable_mosaic.version = 14 : i64} {
  func.func @_enc_body(%arg0: i32, %arg1: memref<1000x512xf32, #tpu.memory_space<vmem>>, %arg2: memref<512x512xf32, #tpu.memory_space<vmem>>, %arg3: memref<1x512xf32, #tpu.memory_space<vmem>>, %arg4: memref<512x256xf32, #tpu.memory_space<vmem>>, %arg5: memref<1x256xf32, #tpu.memory_space<vmem>>, %arg6: memref<256x256xf32, #tpu.memory_space<vmem>>, %arg7: memref<1000x256xf32, #tpu.memory_space<vmem>>, %arg8: memref<1000x256xf32, #tpu.memory_space<vmem>>) attributes {dimension_semantics = [#tpu.dimension_semantics<arbitrary>], iteration_bounds = array<i64: 4>, scalar_prefetch = 0 : i64, scratch_operands = 0 : i64, tpu.core_type = #tpu.core_type<tc>, window_params = [{transform_indices = @transform_0, window_bounds = array<i64: 1000, 512>}, {pipeline_mode = #tpu.pipeline_mode<synchronous>, transform_indices = @transform_1, window_bounds = array<i64: 512, 512>}, {pipeline_mode = #tpu.pipeline_mode<synchronous>, transform_indices = @transform_2, window_bounds = array<i64: 1, 512>}, {pipeline_mode = #tpu.pipeline_mode<synchronous>, transform_indices = @transform_3, window_bounds = array<i64: 512, 256>}, {pipeline_mode = #tpu.pipeline_mode<synchronous>, transform_indices = @transform_4, window_bounds = array<i64: 1, 256>}, {pipeline_mode = #tpu.pipeline_mode<synchronous>, transform_indices = @transform_5, window_bounds = array<i64: 256, 256>}, {transform_indices = @transform_6, window_bounds = array<i64: 1000, 256>}, {transform_indices = @transform_7, window_bounds = array<i64: 1000, 256>}]} {
    %get3A = arith.constant 0 : index
    %get3A_0 = arith.constant 0 : index
    %get3A_1 = vector.load %arg1[%get3A, %get3A_0] : memref<1000x512xf32, #tpu.memory_space<vmem>>, vector<1000x512xf32>
    %get3A_2 = arith.constant 0 : index
    %get3A_3 = arith.constant 0 : index
    %get3A_4 = vector.load %arg2[%get3A_2, %get3A_3] : memref<512x512xf32, #tpu.memory_space<vmem>>, vector<512x512xf32>
    %dot_general3A = arith.constant dense<0.000000e+00> : vector<1000x512xf32>
    %dot_general3A_5 = tpu.matmul %get3A_1, %get3A_4, %dot_general3A {dimension_numbers = #tpu.dot_dimension_numbers<[1], [0], [0], [1], [0, 0, 1, 1], [], []>, transpose_lhs_hint = false} : vector<1000x512xf32>, vector<512x512xf32>, vector<1000x512xf32> -> vector<1000x512xf32>
    %get3A_6 = arith.constant 0 : index
    %get3A_7 = arith.constant 0 : index
    %get3A_8 = vector.load %arg3[%get3A_6, %get3A_7] : memref<1x512xf32, #tpu.memory_space<vmem>>, vector<1x512xf32>
    %add3A = vector.broadcast %get3A_8 : vector<1x512xf32> to vector<1000x512xf32>
    %add3A_9 = arith.addf %dot_general3A_5, %add3A : vector<1000x512xf32>
    %max3A = arith.constant 0.000000e+00 : f32
    %max3A_10 = vector.broadcast %max3A : f32 to vector<1000x512xf32>
    %max3A_11 = arith.maximumf %add3A_9, %max3A_10 : vector<1000x512xf32>
    %mul3A = arith.constant 0.999994993 : f32
    %mul3A_12 = vector.broadcast %mul3A : f32 to vector<1000x512xf32>
    %mul3A_13 = arith.mulf %mul3A_12, %max3A_11 : vector<1000x512xf32>
    %reduce_sum3A = arith.constant dense<0.000000e+00> : vector<1000xf32>
    %reduce_sum3A_14 = vector.multi_reduction <add>, %mul3A_13, %reduce_sum3A [1] : vector<1000x512xf32> to vector<1000xf32>
    %broadcast_in_dim3A = vector.shape_cast %reduce_sum3A_14 : vector<1000xf32> to vector<1000x1xf32>
    %div3A = arith.constant 5.120000e+02 : f32
    %div3A_15 = vector.broadcast %div3A : f32 to vector<1000x1xf32>
    %div3A_16 = arith.divf %broadcast_in_dim3A, %div3A_15 : vector<1000x1xf32>
    %jit3A = arith.constant 0 : i32
    %reduce_sum3A_17 = arith.constant dense<0.000000e+00> : vector<1000xf32>
    %reduce_sum3A_18 = vector.multi_reduction <add>, %mul3A_13, %reduce_sum3A_17 [1] : vector<1000x512xf32> to vector<1000xf32>
    %broadcast_in_dim3A_19 = vector.shape_cast %reduce_sum3A_18 : vector<1000xf32> to vector<1000x1xf32>
    %div3A_20 = arith.constant 5.120000e+02 : f32
    %div3A_21 = vector.broadcast %div3A_20 : f32 to vector<1000x1xf32>
    %div3A_22 = arith.divf %broadcast_in_dim3A_19, %div3A_21 : vector<1000x1xf32>
    %sub3A = vector.broadcast %div3A_22 : vector<1000x1xf32> to vector<1000x512xf32>
    %sub3A_23 = arith.subf %mul3A_13, %sub3A : vector<1000x512xf32>
    %square3A = arith.mulf %sub3A_23, %sub3A_23 : vector<1000x512xf32>
    %convert_element_type3A = arith.sitofp %jit3A : i32 to f32
    %sub3A_24 = arith.constant 5.120000e+02 : f32
    %sub3A_25 = arith.subf %sub3A_24, %convert_element_type3A : f32
    %reduce_sum3A_26 = arith.constant dense<0.000000e+00> : vector<1000xf32>
    %reduce_sum3A_27 = vector.multi_reduction <add>, %square3A, %reduce_sum3A_26 [1] : vector<1000x512xf32> to vector<1000xf32>
    %broadcast_in_dim3A_28 = vector.shape_cast %reduce_sum3A_27 : vector<1000xf32> to vector<1000x1xf32>
    %div3A_29 = vector.broadcast %sub3A_25 : f32 to vector<1000x1xf32>
    %div3A_30 = arith.divf %broadcast_in_dim3A_28, %div3A_29 : vector<1000x1xf32>
    %gt3A = arith.constant 0.000000e+00 : f32
    %gt3A_31 = arith.cmpf ogt, %sub3A_25, %gt3A : f32
    %jit3A_32 = arith.constant 0x7FC00000 : f32
    %broadcast_in_dim3A_33 = vector.broadcast %jit3A_32 : f32 to vector<1000x1xf32>
    %select_n3A = arith.select %gt3A_31, %div3A_30, %broadcast_in_dim3A_33 : vector<1000x1xf32>
    %sub3A_34 = vector.broadcast %div3A_16 : vector<1000x1xf32> to vector<1000x512xf32>
    %sub3A_35 = arith.subf %mul3A_13, %sub3A_34 : vector<1000x512xf32>
    %add3A_36 = arith.constant 9.99999974E-6 : f32
    %add3A_37 = vector.broadcast %add3A_36 : f32 to vector<1000x1xf32>
    %add3A_38 = arith.addf %select_n3A, %add3A_37 : vector<1000x1xf32>
    %sqrt3A = math.sqrt %add3A_38 : vector<1000x1xf32>
    %div3A_39 = vector.broadcast %sqrt3A : vector<1000x1xf32> to vector<1000x512xf32>
    %div3A_40 = arith.divf %sub3A_35, %div3A_39 : vector<1000x512xf32>
    %get3A_41 = arith.constant 0 : index
    %get3A_42 = arith.constant 0 : index
    %get3A_43 = vector.load %arg4[%get3A_41, %get3A_42] : memref<512x256xf32, #tpu.memory_space<vmem>>, vector<512x256xf32>
    %dot_general3A_44 = arith.constant dense<0.000000e+00> : vector<1000x256xf32>
    %dot_general3A_45 = tpu.matmul %div3A_40, %get3A_43, %dot_general3A_44 {dimension_numbers = #tpu.dot_dimension_numbers<[1], [0], [0], [1], [0, 0, 1, 1], [], []>, transpose_lhs_hint = false} : vector<1000x512xf32>, vector<512x256xf32>, vector<1000x256xf32> -> vector<1000x256xf32>
    %get3A_46 = arith.constant 0 : index
    %get3A_47 = arith.constant 0 : index
    %get3A_48 = vector.load %arg5[%get3A_46, %get3A_47] : memref<1x256xf32, #tpu.memory_space<vmem>>, vector<1x256xf32>
    %add3A_49 = vector.broadcast %get3A_48 : vector<1x256xf32> to vector<1000x256xf32>
    %add3A_50 = arith.addf %dot_general3A_45, %add3A_49 : vector<1000x256xf32>
    %max3A_51 = arith.constant 0.000000e+00 : f32
    %max3A_52 = vector.broadcast %max3A_51 : f32 to vector<1000x256xf32>
    %max3A_53 = arith.maximumf %add3A_50, %max3A_52 : vector<1000x256xf32>
    %mul3A_54 = arith.constant 0.999994993 : f32
    %mul3A_55 = vector.broadcast %mul3A_54 : f32 to vector<1000x256xf32>
    %mul3A_56 = arith.mulf %mul3A_55, %max3A_53 : vector<1000x256xf32>
    %reduce_sum3A_57 = arith.constant dense<0.000000e+00> : vector<1000xf32>
    %reduce_sum3A_58 = vector.multi_reduction <add>, %mul3A_56, %reduce_sum3A_57 [1] : vector<1000x256xf32> to vector<1000xf32>
    %broadcast_in_dim3A_59 = vector.shape_cast %reduce_sum3A_58 : vector<1000xf32> to vector<1000x1xf32>
    %div3A_60 = arith.constant 2.560000e+02 : f32
    %div3A_61 = vector.broadcast %div3A_60 : f32 to vector<1000x1xf32>
    %div3A_62 = arith.divf %broadcast_in_dim3A_59, %div3A_61 : vector<1000x1xf32>
    %jit3A_63 = arith.constant 0 : i32
    %reduce_sum3A_64 = arith.constant dense<0.000000e+00> : vector<1000xf32>
    %reduce_sum3A_65 = vector.multi_reduction <add>, %mul3A_56, %reduce_sum3A_64 [1] : vector<1000x256xf32> to vector<1000xf32>
    %broadcast_in_dim3A_66 = vector.shape_cast %reduce_sum3A_65 : vector<1000xf32> to vector<1000x1xf32>
    %div3A_67 = arith.constant 2.560000e+02 : f32
    %div3A_68 = vector.broadcast %div3A_67 : f32 to vector<1000x1xf32>
    %div3A_69 = arith.divf %broadcast_in_dim3A_66, %div3A_68 : vector<1000x1xf32>
    %sub3A_70 = vector.broadcast %div3A_69 : vector<1000x1xf32> to vector<1000x256xf32>
    %sub3A_71 = arith.subf %mul3A_56, %sub3A_70 : vector<1000x256xf32>
    %square3A_72 = arith.mulf %sub3A_71, %sub3A_71 : vector<1000x256xf32>
    %convert_element_type3A_73 = arith.sitofp %jit3A_63 : i32 to f32
    %sub3A_74 = arith.constant 2.560000e+02 : f32
    %sub3A_75 = arith.subf %sub3A_74, %convert_element_type3A_73 : f32
    %reduce_sum3A_76 = arith.constant dense<0.000000e+00> : vector<1000xf32>
    %reduce_sum3A_77 = vector.multi_reduction <add>, %square3A_72, %reduce_sum3A_76 [1] : vector<1000x256xf32> to vector<1000xf32>
    %broadcast_in_dim3A_78 = vector.shape_cast %reduce_sum3A_77 : vector<1000xf32> to vector<1000x1xf32>
    %div3A_79 = vector.broadcast %sub3A_75 : f32 to vector<1000x1xf32>
    %div3A_80 = arith.divf %broadcast_in_dim3A_78, %div3A_79 : vector<1000x1xf32>
    %gt3A_81 = arith.constant 0.000000e+00 : f32
    %gt3A_82 = arith.cmpf ogt, %sub3A_75, %gt3A_81 : f32
    %jit3A_83 = arith.constant 0x7FC00000 : f32
    %broadcast_in_dim3A_84 = vector.broadcast %jit3A_83 : f32 to vector<1000x1xf32>
    %select_n3A_85 = arith.select %gt3A_82, %div3A_80, %broadcast_in_dim3A_84 : vector<1000x1xf32>
    %sub3A_86 = vector.broadcast %div3A_62 : vector<1000x1xf32> to vector<1000x256xf32>
    %sub3A_87 = arith.subf %mul3A_56, %sub3A_86 : vector<1000x256xf32>
    %add3A_88 = arith.constant 9.99999974E-6 : f32
    %add3A_89 = vector.broadcast %add3A_88 : f32 to vector<1000x1xf32>
    %add3A_90 = arith.addf %select_n3A_85, %add3A_89 : vector<1000x1xf32>
    %sqrt3A_91 = math.sqrt %add3A_90 : vector<1000x1xf32>
    %div3A_92 = vector.broadcast %sqrt3A_91 : vector<1000x1xf32> to vector<1000x256xf32>
    %div3A_93 = arith.divf %sub3A_87, %div3A_92 : vector<1000x256xf32>
    %mul3A_94 = arith.constant 0.999994993 : f32
    %mul3A_95 = vector.broadcast %mul3A_94 : f32 to vector<1000x256xf32>
    %mul3A_96 = arith.mulf %mul3A_95, %div3A_93 : vector<1000x256xf32>
    %reduce_sum3A_97 = arith.constant dense<0.000000e+00> : vector<1000xf32>
    %reduce_sum3A_98 = vector.multi_reduction <add>, %mul3A_96, %reduce_sum3A_97 [1] : vector<1000x256xf32> to vector<1000xf32>
    %broadcast_in_dim3A_99 = vector.shape_cast %reduce_sum3A_98 : vector<1000xf32> to vector<1000x1xf32>
    %div3A_100 = arith.constant 2.560000e+02 : f32
    %div3A_101 = vector.broadcast %div3A_100 : f32 to vector<1000x1xf32>
    %div3A_102 = arith.divf %broadcast_in_dim3A_99, %div3A_101 : vector<1000x1xf32>
    %jit3A_103 = arith.constant 0 : i32
    %reduce_sum3A_104 = arith.constant dense<0.000000e+00> : vector<1000xf32>
    %reduce_sum3A_105 = vector.multi_reduction <add>, %mul3A_96, %reduce_sum3A_104 [1] : vector<1000x256xf32> to vector<1000xf32>
    %broadcast_in_dim3A_106 = vector.shape_cast %reduce_sum3A_105 : vector<1000xf32> to vector<1000x1xf32>
    %div3A_107 = arith.constant 2.560000e+02 : f32
    %div3A_108 = vector.broadcast %div3A_107 : f32 to vector<1000x1xf32>
    %div3A_109 = arith.divf %broadcast_in_dim3A_106, %div3A_108 : vector<1000x1xf32>
    %sub3A_110 = vector.broadcast %div3A_109 : vector<1000x1xf32> to vector<1000x256xf32>
    %sub3A_111 = arith.subf %mul3A_96, %sub3A_110 : vector<1000x256xf32>
    %square3A_112 = arith.mulf %sub3A_111, %sub3A_111 : vector<1000x256xf32>
    %convert_element_type3A_113 = arith.sitofp %jit3A_103 : i32 to f32
    %sub3A_114 = arith.constant 2.560000e+02 : f32
    %sub3A_115 = arith.subf %sub3A_114, %convert_element_type3A_113 : f32
    %reduce_sum3A_116 = arith.constant dense<0.000000e+00> : vector<1000xf32>
    %reduce_sum3A_117 = vector.multi_reduction <add>, %square3A_112, %reduce_sum3A_116 [1] : vector<1000x256xf32> to vector<1000xf32>
    %broadcast_in_dim3A_118 = vector.shape_cast %reduce_sum3A_117 : vector<1000xf32> to vector<1000x1xf32>
    %div3A_119 = vector.broadcast %sub3A_115 : f32 to vector<1000x1xf32>
    %div3A_120 = arith.divf %broadcast_in_dim3A_118, %div3A_119 : vector<1000x1xf32>
    %gt3A_121 = arith.constant 0.000000e+00 : f32
    %gt3A_122 = arith.cmpf ogt, %sub3A_115, %gt3A_121 : f32
    %jit3A_123 = arith.constant 0x7FC00000 : f32
    %broadcast_in_dim3A_124 = vector.broadcast %jit3A_123 : f32 to vector<1000x1xf32>
    %select_n3A_125 = arith.select %gt3A_122, %div3A_120, %broadcast_in_dim3A_124 : vector<1000x1xf32>
    %sub3A_126 = vector.broadcast %div3A_102 : vector<1000x1xf32> to vector<1000x256xf32>
    %sub3A_127 = arith.subf %mul3A_96, %sub3A_126 : vector<1000x256xf32>
    %add3A_128 = arith.constant 9.99999974E-6 : f32
    %add3A_129 = vector.broadcast %add3A_128 : f32 to vector<1000x1xf32>
    %add3A_130 = arith.addf %select_n3A_125, %add3A_129 : vector<1000x1xf32>
    %sqrt3A_131 = math.sqrt %add3A_130 : vector<1000x1xf32>
    %div3A_132 = vector.broadcast %sqrt3A_131 : vector<1000x1xf32> to vector<1000x256xf32>
    %div3A_133 = arith.divf %sub3A_127, %div3A_132 : vector<1000x256xf32>
    %swap3A = arith.constant 0 : index
    %swap3A_134 = arith.constant 0 : index
    %swap3A_135 = vector.load %arg7[%swap3A, %swap3A_134] : memref<1000x256xf32, #tpu.memory_space<vmem>>, vector<1000x256xf32>
    tpu.vector_store %arg7[%swap3A, %swap3A_134], %div3A_133 {strides = array<i32>} : memref<1000x256xf32, #tpu.memory_space<vmem>>, vector<1000x256xf32>,
    %get3A_136 = arith.constant 0 : index
    %get3A_137 = arith.constant 0 : index
    %get3A_138 = vector.load %arg6[%get3A_136, %get3A_137] : memref<256x256xf32, #tpu.memory_space<vmem>>, vector<256x256xf32>
    %dot_general3A_139 = arith.constant dense<0.000000e+00> : vector<1000x256xf32>
    %dot_general3A_140 = tpu.matmul %div3A_133, %get3A_138, %dot_general3A_139 {dimension_numbers = #tpu.dot_dimension_numbers<[1], [0], [0], [1], [0, 0, 1, 1], [], []>, transpose_lhs_hint = false} : vector<1000x256xf32>, vector<256x256xf32>, vector<1000x256xf32> -> vector<1000x256xf32>
    %swap3A_141 = arith.constant 0 : index
    %swap3A_142 = arith.constant 0 : index
    %swap3A_143 = vector.load %arg8[%swap3A_141, %swap3A_142] : memref<1000x256xf32, #tpu.memory_space<vmem>>, vector<1000x256xf32>
    tpu.vector_store %arg8[%swap3A_141, %swap3A_142], %dot_general3A_140 {strides = array<i32>} : memref<1000x256xf32, #tpu.memory_space<vmem>>, vector<1000x256xf32>,
    return
  }
  func.func @transform_0(%arg0: i32) -> (i32, i32) {
    %c0_i32 = arith.constant 0 : i32
    %c0_i32_0 = arith.constant 0 : i32
    return %arg0, %c0_i32 : i32, i32
  }
  func.func @transform_1(%arg0: i32) -> (i32, i32) {
    %c0_i32 = arith.constant 0 : i32
    %c0_i32_0 = arith.constant 0 : i32
    %c0_i32_1 = arith.constant 0 : i32
    return %c0_i32, %c0_i32_0 : i32, i32
  }
  func.func @transform_2(%arg0: i32) -> (i32, i32) {
    %c0_i32 = arith.constant 0 : i32
    %c0_i32_0 = arith.constant 0 : i32
    %c0_i32_1 = arith.constant 0 : i32
    return %c0_i32, %c0_i32_0 : i32, i32
  }
  func.func @transform_3(%arg0: i32) -> (i32, i32) {
    %c0_i32 = arith.constant 0 : i32
    %c0_i32_0 = arith.constant 0 : i32
    %c0_i32_1 = arith.constant 0 : i32
    return %c0_i32, %c0_i32_0 : i32, i32
  }
  func.func @transform_4(%arg0: i32) -> (i32, i32) {
    %c0_i32 = arith.constant 0 : i32
    %c0_i32_0 = arith.constant 0 : i32
    %c0_i32_1 = arith.constant 0 : i32
    return %c0_i32, %c0_i32_0 : i32, i32
  }
  func.func @transform_5(%arg0: i32) -> (i32, i32) {
    %c0_i32 = arith.constant 0 : i32
    %c0_i32_0 = arith.constant 0 : i32
    %c0_i32_1 = arith.constant 0 : i32
    return %c0_i32, %c0_i32_0 : i32, i32
  }
  func.func @transform_6(%arg0: i32) -> (i32, i32) {
    %c0_i32 = arith.constant 0 : i32
    %c0_i32_0 = arith.constant 0 : i32
    return %arg0, %c0_i32 : i32, i32
  }
  func.func @transform_7(%arg0: i32) -> (i32, i32) {
    %c0_i32 = arith.constant 0 : i32
    %c0_i32_0 = arith.constant 0 : i32
    return %arg0, %c0_i32 : i32, i32
  }
}

module attributes {stable_mosaic.version = 14 : i64} {
  func.func @_prep_body(%arg0: i32, %arg1: memref<1000x256xf32, #tpu.memory_space<vmem>>, %arg2: memref<1000x1xf32, #tpu.memory_space<vmem>>, %arg3: memref<1000x1xf32, #tpu.memory_space<vmem>>, %arg4: memref<1000x128xf32, #tpu.memory_space<vmem>>, %arg5: memref<1000x128xf32, #tpu.memory_space<vmem>>, %arg6: memref<1000x1xf32, #tpu.memory_space<vmem>>) attributes {dimension_semantics = [#tpu.dimension_semantics<arbitrary>], iteration_bounds = array<i64: 10>, scalar_prefetch = 0 : i64, scratch_operands = 0 : i64, tpu.core_type = #tpu.core_type<tc>, window_params = [{transform_indices = @transform_0, window_bounds = array<i64: 1000, 256>}, {transform_indices = @transform_1, window_bounds = array<i64: 1000, 1>}, {transform_indices = @transform_2, window_bounds = array<i64: 1000, 1>}, {transform_indices = @transform_3, window_bounds = array<i64: 1000, 128>}, {transform_indices = @transform_4, window_bounds = array<i64: 1000, 128>}, {transform_indices = @transform_5, window_bounds = array<i64: 1000, 1>}]} {
    %get3A = arith.constant 0 : index
    %get3A_0 = arith.constant 0 : index
    %get3A_1 = vector.load %arg2[%get3A, %get3A_0] : memref<1000x1xf32, #tpu.memory_space<vmem>>, vector<1000x1xf32>
    %get3A_2 = arith.constant 0 : index
    %get3A_3 = arith.constant 0 : index
    %get3A_4 = vector.load %arg3[%get3A_2, %get3A_3] : memref<1000x1xf32, #tpu.memory_space<vmem>>, vector<1000x1xf32>
    %add3A = arith.addf %get3A_1, %get3A_4 : vector<1000x1xf32>
    %add3A_5 = arith.constant 1.000000e+00 : f32
    %add3A_6 = vector.broadcast %add3A_5 : f32 to vector<1000x1xf32>
    %add3A_7 = arith.addf %add3A, %add3A_6 : vector<1000x1xf32>
    %rsqrt3A = math.rsqrt %add3A_7 : vector<1000x1xf32>
    %get3A_8 = arith.constant 0 : index
    %get3A_9 = arith.constant 0 : index
    %get3A_10 = vector.load %arg1[%get3A_8, %get3A_9] : memref<1000x256xf32, #tpu.memory_space<vmem>>, vector<1000x256xf32>
    %mul3A = vector.broadcast %rsqrt3A : vector<1000x1xf32> to vector<1000x256xf32>
    %mul3A_11 = arith.mulf %get3A_10, %mul3A : vector<1000x256xf32>
    %slice3A = vector.extract_strided_slice %mul3A_11 {offsets = [0, 0], sizes = [1000, 128], strides = [1, 1]} : vector<1000x256xf32> to vector<1000x128xf32>
    %swap3A = arith.constant 0 : index
    %swap3A_12 = arith.constant 0 : index
    %swap3A_13 = vector.load %arg4[%swap3A, %swap3A_12] : memref<1000x128xf32, #tpu.memory_space<vmem>>, vector<1000x128xf32>
    tpu.vector_store %arg4[%swap3A, %swap3A_12], %slice3A {strides = array<i32>} : memref<1000x128xf32, #tpu.memory_space<vmem>>, vector<1000x128xf32>,
    %slice3A_14 = vector.extract_strided_slice %mul3A_11 {offsets = [0, 128], sizes = [1000, 128], strides = [1, 1]} : vector<1000x256xf32> to vector<1000x128xf32>
    %swap3A_15 = arith.constant 0 : index
    %swap3A_16 = arith.constant 0 : index
    %swap3A_17 = vector.load %arg5[%swap3A_15, %swap3A_16] : memref<1000x128xf32, #tpu.memory_space<vmem>>, vector<1000x128xf32>
    tpu.vector_store %arg5[%swap3A_15, %swap3A_16], %slice3A_14 {strides = array<i32>} : memref<1000x128xf32, #tpu.memory_space<vmem>>, vector<1000x128xf32>,
    %swap3A_18 = arith.constant 0 : index
    %swap3A_19 = arith.constant 0 : index
    %swap3A_20 = vector.load %arg6[%swap3A_18, %swap3A_19] : memref<1000x1xf32, #tpu.memory_space<vmem>>, vector<1000x1xf32>
    tpu.vector_store %arg6[%swap3A_18, %swap3A_19], %rsqrt3A {strides = array<i32>} : memref<1000x1xf32, #tpu.memory_space<vmem>>, vector<1000x1xf32>,
    return
  }
  func.func @transform_0(%arg0: i32) -> (i32, i32) {
    %c0_i32 = arith.constant 0 : i32
    %c0_i32_0 = arith.constant 0 : i32
    return %arg0, %c0_i32 : i32, i32
  }
  func.func @transform_1(%arg0: i32) -> (i32, i32) {
    %c0_i32 = arith.constant 0 : i32
    %c0_i32_0 = arith.constant 0 : i32
    return %arg0, %c0_i32 : i32, i32
  }
  func.func @transform_2(%arg0: i32) -> (i32, i32) {
    %c0_i32 = arith.constant 0 : i32
    %c0_i32_0 = arith.constant 0 : i32
    return %arg0, %c0_i32 : i32, i32
  }
  func.func @transform_3(%arg0: i32) -> (i32, i32) {
    %c0_i32 = arith.constant 0 : i32
    %c0_i32_0 = arith.constant 0 : i32
    return %arg0, %c0_i32 : i32, i32
  }
  func.func @transform_4(%arg0: i32) -> (i32, i32) {
    %c0_i32 = arith.constant 0 : i32
    %c0_i32_0 = arith.constant 0 : i32
    return %arg0, %c0_i32 : i32, i32
  }
  func.func @transform_5(%arg0: i32) -> (i32, i32) {
    %c0_i32 = arith.constant 0 : i32
    %c0_i32_0 = arith.constant 0 : i32
    return %arg0, %c0_i32 : i32, i32
  }
}

module attributes {stable_mosaic.version = 14 : i64} {
  func.func @_post_body(%arg0: i32, %arg1: memref<1000x128xf32, #tpu.memory_space<vmem>>, %arg2: memref<1000x128xf32, #tpu.memory_space<vmem>>, %arg3: memref<1000x1xf32, #tpu.memory_space<vmem>>, %arg4: memref<1x256xf32, #tpu.memory_space<vmem>>, %arg5: memref<1000x256xf32, #tpu.memory_space<vmem>>) attributes {dimension_semantics = [#tpu.dimension_semantics<arbitrary>], iteration_bounds = array<i64: 10>, scalar_prefetch = 0 : i64, scratch_operands = 0 : i64, tpu.core_type = #tpu.core_type<tc>, window_params = [{transform_indices = @transform_0, window_bounds = array<i64: 1000, 128>}, {transform_indices = @transform_1, window_bounds = array<i64: 1000, 128>}, {transform_indices = @transform_2, window_bounds = array<i64: 1000, 1>}, {pipeline_mode = #tpu.pipeline_mode<synchronous>, transform_indices = @transform_3, window_bounds = array<i64: 1, 256>}, {transform_indices = @transform_4, window_bounds = array<i64: 1000, 256>}]} {
    %get3A = arith.constant 0 : index
    %get3A_0 = arith.constant 0 : index
    %get3A_1 = vector.load %arg1[%get3A, %get3A_0] : memref<1000x128xf32, #tpu.memory_space<vmem>>, vector<1000x128xf32>
    %get3A_2 = arith.constant 0 : index
    %get3A_3 = arith.constant 0 : index
    %get3A_4 = vector.load %arg2[%get3A_2, %get3A_3] : memref<1000x128xf32, #tpu.memory_space<vmem>>, vector<1000x128xf32>
    %concatenate3A = tpu.concatenate %get3A_1, %get3A_4 in 1 : vector<1000x128xf32>, vector<1000x128xf32> -> vector<1000x256xf32>
    %get3A_5 = arith.constant 0 : index
    %get3A_6 = arith.constant 0 : index
    %get3A_7 = vector.load %arg3[%get3A_5, %get3A_6] : memref<1000x1xf32, #tpu.memory_space<vmem>>, vector<1000x1xf32>
    %mul3A = vector.broadcast %get3A_7 : vector<1000x1xf32> to vector<1000x256xf32>
    %mul3A_8 = arith.mulf %concatenate3A, %mul3A : vector<1000x256xf32>
    %get3A_9 = arith.constant 0 : index
    %get3A_10 = arith.constant 0 : index
    %get3A_11 = vector.load %arg4[%get3A_9, %get3A_10] : memref<1x256xf32, #tpu.memory_space<vmem>>, vector<1x256xf32>
    %add3A = vector.broadcast %get3A_11 : vector<1x256xf32> to vector<1000x256xf32>
    %add3A_12 = arith.addf %mul3A_8, %add3A : vector<1000x256xf32>
    %gt3A = arith.constant 0.000000e+00 : f32
    %gt3A_13 = vector.broadcast %gt3A : f32 to vector<1000x256xf32>
    %gt3A_14 = arith.cmpf ogt, %add3A_12, %gt3A_13 : vector<1000x256xf32>
    %exp3A = math.exp %add3A_12 : vector<1000x256xf32>
    %sub3A = arith.constant 1.000000e+00 : f32
    %sub3A_15 = vector.broadcast %sub3A : f32 to vector<1000x256xf32>
    %sub3A_16 = arith.subf %exp3A, %sub3A_15 : vector<1000x256xf32>
    %select_n3A = arith.select %gt3A_14, %add3A_12, %sub3A_16 : vector<1000x256xi1>, vector<1000x256xf32>
    %mul3A_17 = arith.constant 0.999994993 : f32
    %mul3A_18 = vector.broadcast %mul3A_17 : f32 to vector<1000x256xf32>
    %mul3A_19 = arith.mulf %mul3A_18, %select_n3A : vector<1000x256xf32>
    %reduce_sum3A = arith.constant dense<0.000000e+00> : vector<1000xf32>
    %reduce_sum3A_20 = vector.multi_reduction <add>, %mul3A_19, %reduce_sum3A [1] : vector<1000x256xf32> to vector<1000xf32>
    %broadcast_in_dim3A = vector.shape_cast %reduce_sum3A_20 : vector<1000xf32> to vector<1000x1xf32>
    %div3A = arith.constant 2.560000e+02 : f32
    %div3A_21 = vector.broadcast %div3A : f32 to vector<1000x1xf32>
    %div3A_22 = arith.divf %broadcast_in_dim3A, %div3A_21 : vector<1000x1xf32>
    %jit3A = arith.constant 0 : i32
    %reduce_sum3A_23 = arith.constant dense<0.000000e+00> : vector<1000xf32>
    %reduce_sum3A_24 = vector.multi_reduction <add>, %mul3A_19, %reduce_sum3A_23 [1] : vector<1000x256xf32> to vector<1000xf32>
    %broadcast_in_dim3A_25 = vector.shape_cast %reduce_sum3A_24 : vector<1000xf32> to vector<1000x1xf32>
    %div3A_26 = arith.constant 2.560000e+02 : f32
    %div3A_27 = vector.broadcast %div3A_26 : f32 to vector<1000x1xf32>
    %div3A_28 = arith.divf %broadcast_in_dim3A_25, %div3A_27 : vector<1000x1xf32>
    %sub3A_29 = vector.broadcast %div3A_28 : vector<1000x1xf32> to vector<1000x256xf32>
    %sub3A_30 = arith.subf %mul3A_19, %sub3A_29 : vector<1000x256xf32>
    %square3A = arith.mulf %sub3A_30, %sub3A_30 : vector<1000x256xf32>
    %convert_element_type3A = arith.sitofp %jit3A : i32 to f32
    %sub3A_31 = arith.constant 2.560000e+02 : f32
    %sub3A_32 = arith.subf %sub3A_31, %convert_element_type3A : f32
    %reduce_sum3A_33 = arith.constant dense<0.000000e+00> : vector<1000xf32>
    %reduce_sum3A_34 = vector.multi_reduction <add>, %square3A, %reduce_sum3A_33 [1] : vector<1000x256xf32> to vector<1000xf32>
    %broadcast_in_dim3A_35 = vector.shape_cast %reduce_sum3A_34 : vector<1000xf32> to vector<1000x1xf32>
    %div3A_36 = vector.broadcast %sub3A_32 : f32 to vector<1000x1xf32>
    %div3A_37 = arith.divf %broadcast_in_dim3A_35, %div3A_36 : vector<1000x1xf32>
    %gt3A_38 = arith.constant 0.000000e+00 : f32
    %gt3A_39 = arith.cmpf ogt, %sub3A_32, %gt3A_38 : f32
    %jit3A_40 = arith.constant 0x7FC00000 : f32
    %broadcast_in_dim3A_41 = vector.broadcast %jit3A_40 : f32 to vector<1000x1xf32>
    %select_n3A_42 = arith.select %gt3A_39, %div3A_37, %broadcast_in_dim3A_41 : vector<1000x1xf32>
    %sub3A_43 = vector.broadcast %div3A_22 : vector<1000x1xf32> to vector<1000x256xf32>
    %sub3A_44 = arith.subf %mul3A_19, %sub3A_43 : vector<1000x256xf32>
    %add3A_45 = arith.constant 9.99999974E-6 : f32
    %add3A_46 = vector.broadcast %add3A_45 : f32 to vector<1000x1xf32>
    %add3A_47 = arith.addf %select_n3A_42, %add3A_46 : vector<1000x1xf32>
    %sqrt3A = math.sqrt %add3A_47 : vector<1000x1xf32>
    %div3A_48 = vector.broadcast %sqrt3A : vector<1000x1xf32> to vector<1000x256xf32>
    %div3A_49 = arith.divf %sub3A_44, %div3A_48 : vector<1000x256xf32>
    %swap3A = arith.constant 0 : index
    %swap3A_50 = arith.constant 0 : index
    %swap3A_51 = vector.load %arg5[%swap3A, %swap3A_50] : memref<1000x256xf32, #tpu.memory_space<vmem>>, vector<1000x256xf32>
    tpu.vector_store %arg5[%swap3A, %swap3A_50], %div3A_49 {strides = array<i32>} : memref<1000x256xf32, #tpu.memory_space<vmem>>, vector<1000x256xf32>,
    return
  }
  func.func @transform_0(%arg0: i32) -> (i32, i32) {
    %c0_i32 = arith.constant 0 : i32
    %c0_i32_0 = arith.constant 0 : i32
    return %arg0, %c0_i32 : i32, i32
  }
  func.func @transform_1(%arg0: i32) -> (i32, i32) {
    %c0_i32 = arith.constant 0 : i32
    %c0_i32_0 = arith.constant 0 : i32
    return %arg0, %c0_i32 : i32, i32
  }
  func.func @transform_2(%arg0: i32) -> (i32, i32) {
    %c0_i32 = arith.constant 0 : i32
    %c0_i32_0 = arith.constant 0 : i32
    return %arg0, %c0_i32 : i32, i32
  }
  func.func @transform_3(%arg0: i32) -> (i32, i32) {
    %c0_i32 = arith.constant 0 : i32
    %c0_i32_0 = arith.constant 0 : i32
    %c0_i32_1 = arith.constant 0 : i32
    return %c0_i32, %c0_i32_0 : i32, i32
  }
  func.func @transform_4(%arg0: i32) -> (i32, i32) {
    %c0_i32 = arith.constant 0 : i32
    %c0_i32_0 = arith.constant 0 : i32
    return %arg0, %c0_i32 : i32, i32
  }
}

module attributes {stable_mosaic.version = 14 : i64} {
  func.func @_ban_body(%arg0: i32, %arg1: memref<1024x256xf32, #tpu.memory_space<vmem>>, %arg2: memref<1024x256xf32, #tpu.memory_space<vmem>>, %arg3: memref<1024x256xf32, #tpu.memory_space<vmem>>, %arg4: memref<1024x256xf32, #tpu.memory_space<vmem>>, %arg5: memref<256x768xf32, #tpu.memory_space<vmem>>, %arg6: memref<1x768xf32, #tpu.memory_space<vmem>>, %arg7: memref<256x768xf32, #tpu.memory_space<vmem>>, %arg8: memref<1x768xf32, #tpu.memory_space<vmem>>, %arg9: memref<768x2xf32, #tpu.memory_space<vmem>>, %arg10: memref<1x2xf32, #tpu.memory_space<vmem>>, %arg11: memref<768x256xf32, #tpu.memory_space<vmem>>, %arg12: memref<1x3xf32, #tpu.memory_space<vmem>>, %arg13: memref<256x256xf32, #tpu.memory_space<vmem>>, %arg14: memref<1x256xf32, #tpu.memory_space<vmem>>, %arg15: memref<256x128xf32, #tpu.memory_space<vmem>>, %arg16: memref<1x128xf32, #tpu.memory_space<vmem>>, %arg17: memref<128x1xf32, #tpu.memory_space<vmem>>, %arg18: memref<1x1xf32, #tpu.memory_space<vmem>>, %arg19: memref<1024x1xf32, #tpu.memory_space<vmem>>) attributes {dimension_semantics = [#tpu.dimension_semantics<arbitrary>], iteration_bounds = array<i64: 8>, scalar_prefetch = 0 : i64, scratch_operands = 0 : i64, tpu.core_type = #tpu.core_type<tc>, window_params = [{transform_indices = @transform_0, window_bounds = array<i64: 1024, 256>}, {transform_indices = @transform_1, window_bounds = array<i64: 1024, 256>}, {transform_indices = @transform_2, window_bounds = array<i64: 1024, 256>}, {transform_indices = @transform_3, window_bounds = array<i64: 1024, 256>}, {pipeline_mode = #tpu.pipeline_mode<synchronous>, transform_indices = @transform_4, window_bounds = array<i64: 256, 768>}, {pipeline_mode = #tpu.pipeline_mode<synchronous>, transform_indices = @transform_5, window_bounds = array<i64: 1, 768>}, {pipeline_mode = #tpu.pipeline_mode<synchronous>, transform_indices = @transform_6, window_bounds = array<i64: 256, 768>}, {pipeline_mode = #tpu.pipeline_mode<synchronous>, transform_indices = @transform_7, window_bounds = array<i64: 1, 768>}, {pipeline_mode = #tpu.pipeline_mode<synchronous>, transform_indices = @transform_8, window_bounds = array<i64: 768, 2>}, {pipeline_mode = #tpu.pipeline_mode<synchronous>, transform_indices = @transform_9, window_bounds = array<i64: 1, 2>}, {pipeline_mode = #tpu.pipeline_mode<synchronous>, transform_indices = @transform_10, window_bounds = array<i64: 768, 256>}, {pipeline_mode = #tpu.pipeline_mode<synchronous>, transform_indices = @transform_11, window_bounds = array<i64: 1, 3>}, {pipeline_mode = #tpu.pipeline_mode<synchronous>, transform_indices = @transform_12, window_bounds = array<i64: 256, 256>}, {pipeline_mode = #tpu.pipeline_mode<synchronous>, transform_indices = @transform_13, window_bounds = array<i64: 1, 256>}, {pipeline_mode = #tpu.pipeline_mode<synchronous>, transform_indices = @transform_14, window_bounds = array<i64: 256, 128>}, {pipeline_mode = #tpu.pipeline_mode<synchronous>, transform_indices = @transform_15, window_bounds = array<i64: 1, 128>}, {pipeline_mode = #tpu.pipeline_mode<synchronous>, transform_indices = @transform_16, window_bounds = array<i64: 128, 1>}, {pipeline_mode = #tpu.pipeline_mode<synchronous>, transform_indices = @transform_17, window_bounds = array<i64: 1, 1>}, {transform_indices = @transform_18, window_bounds = array<i64: 1024, 1>}]} {
    %get3A = arith.constant 0 : index
    %get3A_0 = arith.constant 0 : index
    %get3A_1 = vector.load %arg1[%get3A, %get3A_0] : memref<1024x256xf32, #tpu.memory_space<vmem>>, vector<1024x256xf32>
    %get3A_2 = arith.constant 0 : index
    %get3A_3 = arith.constant 0 : index
    %get3A_4 = vector.load %arg5[%get3A_2, %get3A_3] : memref<256x768xf32, #tpu.memory_space<vmem>>, vector<256x768xf32>
    %dot_general3A = arith.constant dense<0.000000e+00> : vector<1024x768xf32>
    %dot_general3A_5 = tpu.matmul %get3A_1, %get3A_4, %dot_general3A {dimension_numbers = #tpu.dot_dimension_numbers<[1], [0], [0], [1], [0, 0, 1, 1], [], []>, transpose_lhs_hint = false} : vector<1024x256xf32>, vector<256x768xf32>, vector<1024x768xf32> -> vector<1024x768xf32>
    %get3A_6 = arith.constant 0 : index
    %get3A_7 = arith.constant 0 : index
    %get3A_8 = vector.load %arg6[%get3A_6, %get3A_7] : memref<1x768xf32, #tpu.memory_space<vmem>>, vector<1x768xf32>
    %add3A = vector.broadcast %get3A_8 : vector<1x768xf32> to vector<1024x768xf32>
    %add3A_9 = arith.addf %dot_general3A_5, %add3A : vector<1024x768xf32>
    %max3A = arith.constant 0.000000e+00 : f32
    %max3A_10 = vector.broadcast %max3A : f32 to vector<1024x768xf32>
    %max3A_11 = arith.maximumf %add3A_9, %max3A_10 : vector<1024x768xf32>
    %get3A_12 = arith.constant 0 : index
    %get3A_13 = arith.constant 0 : index
    %get3A_14 = vector.load %arg2[%get3A_12, %get3A_13] : memref<1024x256xf32, #tpu.memory_space<vmem>>, vector<1024x256xf32>
    %get3A_15 = arith.constant 0 : index
    %get3A_16 = arith.constant 0 : index
    %get3A_17 = vector.load %arg7[%get3A_15, %get3A_16] : memref<256x768xf32, #tpu.memory_space<vmem>>, vector<256x768xf32>
    %dot_general3A_18 = arith.constant dense<0.000000e+00> : vector<1024x768xf32>
    %dot_general3A_19 = tpu.matmul %get3A_14, %get3A_17, %dot_general3A_18 {dimension_numbers = #tpu.dot_dimension_numbers<[1], [0], [0], [1], [0, 0, 1, 1], [], []>, transpose_lhs_hint = false} : vector<1024x256xf32>, vector<256x768xf32>, vector<1024x768xf32> -> vector<1024x768xf32>
    %get3A_20 = arith.constant 0 : index
    %get3A_21 = arith.constant 0 : index
    %get3A_22 = vector.load %arg8[%get3A_20, %get3A_21] : memref<1x768xf32, #tpu.memory_space<vmem>>, vector<1x768xf32>
    %add3A_23 = vector.broadcast %get3A_22 : vector<1x768xf32> to vector<1024x768xf32>
    %add3A_24 = arith.addf %dot_general3A_19, %add3A_23 : vector<1024x768xf32>
    %max3A_25 = arith.constant 0.000000e+00 : f32
    %max3A_26 = vector.broadcast %max3A_25 : f32 to vector<1024x768xf32>
    %max3A_27 = arith.maximumf %add3A_24, %max3A_26 : vector<1024x768xf32>
    %mul3A = arith.mulf %max3A_11, %max3A_27 : vector<1024x768xf32>
    %get3A_28 = arith.constant 0 : index
    %get3A_29 = arith.constant 0 : index
    %get3A_30 = vector.load %arg9[%get3A_28, %get3A_29] : memref<768x2xf32, #tpu.memory_space<vmem>>, vector<768x2xf32>
    %dot_general3A_31 = arith.constant dense<0.000000e+00> : vector<1024x2xf32>
    %dot_general3A_32 = tpu.matmul %mul3A, %get3A_30, %dot_general3A_31 {dimension_numbers = #tpu.dot_dimension_numbers<[1], [0], [0], [1], [0, 0, 1, 1], [], []>, transpose_lhs_hint = false} : vector<1024x768xf32>, vector<768x2xf32>, vector<1024x2xf32> -> vector<1024x2xf32>
    %get3A_33 = arith.constant 0 : index
    %get3A_34 = arith.constant 0 : index
    %get3A_35 = vector.load %arg10[%get3A_33, %get3A_34] : memref<1x2xf32, #tpu.memory_space<vmem>>, vector<1x2xf32>
    %add3A_36 = vector.broadcast %get3A_35 : vector<1x2xf32> to vector<1024x2xf32>
    %add3A_37 = arith.addf %dot_general3A_32, %add3A_36 : vector<1024x2xf32>
    %slice3A = vector.extract_strided_slice %add3A_37 {offsets = [0, 0], sizes = [1024, 1], strides = [1, 1]} : vector<1024x2xf32> to vector<1024x1xf32>
    %slice3A_38 = vector.extract_strided_slice %add3A_37 {offsets = [0, 1], sizes = [1024, 1], strides = [1, 1]} : vector<1024x2xf32> to vector<1024x1xf32>
    %add3A_39 = arith.addf %slice3A, %slice3A_38 : vector<1024x1xf32>
    %get3A_40 = arith.constant 0 : index
    %get3A_41 = arith.constant 0 : index
    %get3A_42 = vector.load %arg11[%get3A_40, %get3A_41] : memref<768x256xf32, #tpu.memory_space<vmem>>, vector<768x256xf32>
    %dot_general3A_43 = arith.constant dense<0.000000e+00> : vector<1024x256xf32>
    %dot_general3A_44 = tpu.matmul %mul3A, %get3A_42, %dot_general3A_43 {dimension_numbers = #tpu.dot_dimension_numbers<[1], [0], [0], [1], [0, 0, 1, 1], [], []>, transpose_lhs_hint = false} : vector<1024x768xf32>, vector<768x256xf32>, vector<1024x256xf32> -> vector<1024x256xf32>
    %mul3A_45 = vector.broadcast %add3A_39 : vector<1024x1xf32> to vector<1024x256xf32>
    %mul3A_46 = arith.mulf %mul3A_45, %dot_general3A_44 : vector<1024x256xf32>
    %get3A_47 = arith.constant 0 : index
    %get3A_48 = arith.constant 0 : index
    %get3A_49 = vector.load %arg12[%get3A_47, %get3A_48] : memref<1x3xf32, #tpu.memory_space<vmem>>, vector<1x3xf32>
    %reduce_max3A = vector.shape_cast %get3A_49 : vector<1x3xf32> to vector<1x1x3xf32>
    %reduce_max3A_50 = arith.constant dense<0xFF800000> : vector<1xf32>
    %reduce_max3A_51 = vector.multi_reduction <maximumf>, %reduce_max3A, %reduce_max3A_50 [1, 2] : vector<1x1x3xf32> to vector<1xf32>
    %reduce_max3A_52 = vector.shape_cast %reduce_max3A_51 : vector<1xf32> to vector<1x1x1xf32>
    %reduce_max3A_53 = vector.extract %reduce_max3A_52[0, 0, 0] : f32 from vector<1x1x1xf32>
    %sub3A = vector.broadcast %reduce_max3A_53 : f32 to vector<1x3xf32>
    %sub3A_54 = arith.subf %get3A_49, %sub3A : vector<1x3xf32>
    %exp3A = math.exp %sub3A_54 : vector<1x3xf32>
    %reduce_sum3A = vector.shape_cast %exp3A : vector<1x3xf32> to vector<1x1x3xf32>
    %reduce_sum3A_55 = arith.constant dense<0.000000e+00> : vector<1xf32>
    %reduce_sum3A_56 = vector.multi_reduction <add>, %reduce_sum3A, %reduce_sum3A_55 [1, 2] : vector<1x1x3xf32> to vector<1xf32>
    %reduce_sum3A_57 = vector.shape_cast %reduce_sum3A_56 : vector<1xf32> to vector<1x1x1xf32>
    %reduce_sum3A_58 = vector.extract %reduce_sum3A_57[0, 0, 0] : f32 from vector<1x1x1xf32>
    %div3A = vector.broadcast %reduce_sum3A_58 : f32 to vector<1x3xf32>
    %div3A_59 = arith.divf %exp3A, %div3A : vector<1x3xf32>
    %slice3A_60 = vector.extract_strided_slice %div3A_59 {offsets = [0, 0], sizes = [1, 1], strides = [1, 1]} : vector<1x3xf32> to vector<1x1xf32>
    %mul3A_61 = arith.constant 0.999994993 : f32
    %mul3A_62 = vector.broadcast %mul3A_61 : f32 to vector<1024x256xf32>
    %mul3A_63 = arith.mulf %mul3A_62, %mul3A_46 : vector<1024x256xf32>
    %mul3A_64 = vector.broadcast %slice3A_60 : vector<1x1xf32> to vector<1024x256xf32>
    %mul3A_65 = arith.mulf %mul3A_64, %mul3A_63 : vector<1024x256xf32>
    %slice3A_66 = vector.extract_strided_slice %div3A_59 {offsets = [0, 1], sizes = [1, 1], strides = [1, 1]} : vector<1x3xf32> to vector<1x1xf32>
    %get3A_67 = arith.constant 0 : index
    %get3A_68 = arith.constant 0 : index
    %get3A_69 = vector.load %arg3[%get3A_67, %get3A_68] : memref<1024x256xf32, #tpu.memory_space<vmem>>, vector<1024x256xf32>
    %mul3A_70 = vector.broadcast %slice3A_66 : vector<1x1xf32> to vector<1024x256xf32>
    %mul3A_71 = arith.mulf %mul3A_70, %get3A_69 : vector<1024x256xf32>
    %add3A_72 = arith.addf %mul3A_65, %mul3A_71 : vector<1024x256xf32>
    %slice3A_73 = vector.extract_strided_slice %div3A_59 {offsets = [0, 2], sizes = [1, 1], strides = [1, 1]} : vector<1x3xf32> to vector<1x1xf32>
    %get3A_74 = arith.constant 0 : index
    %get3A_75 = arith.constant 0 : index
    %get3A_76 = vector.load %arg4[%get3A_74, %get3A_75] : memref<1024x256xf32, #tpu.memory_space<vmem>>, vector<1024x256xf32>
    %mul3A_77 = vector.broadcast %slice3A_73 : vector<1x1xf32> to vector<1024x256xf32>
    %mul3A_78 = arith.mulf %mul3A_77, %get3A_76 : vector<1024x256xf32>
    %add3A_79 = arith.addf %add3A_72, %mul3A_78 : vector<1024x256xf32>
    %get3A_80 = arith.constant 0 : index
    %get3A_81 = arith.constant 0 : index
    %get3A_82 = vector.load %arg13[%get3A_80, %get3A_81] : memref<256x256xf32, #tpu.memory_space<vmem>>, vector<256x256xf32>
    %dot_general3A_83 = arith.constant dense<0.000000e+00> : vector<1024x256xf32>
    %dot_general3A_84 = tpu.matmul %add3A_79, %get3A_82, %dot_general3A_83 {dimension_numbers = #tpu.dot_dimension_numbers<[1], [0], [0], [1], [0, 0, 1, 1], [], []>, transpose_lhs_hint = false} : vector<1024x256xf32>, vector<256x256xf32>, vector<1024x256xf32> -> vector<1024x256xf32>
    %get3A_85 = arith.constant 0 : index
    %get3A_86 = arith.constant 0 : index
    %get3A_87 = vector.load %arg14[%get3A_85, %get3A_86] : memref<1x256xf32, #tpu.memory_space<vmem>>, vector<1x256xf32>
    %add3A_88 = vector.broadcast %get3A_87 : vector<1x256xf32> to vector<1024x256xf32>
    %add3A_89 = arith.addf %dot_general3A_84, %add3A_88 : vector<1024x256xf32>
    %max3A_90 = arith.constant 0.000000e+00 : f32
    %max3A_91 = vector.broadcast %max3A_90 : f32 to vector<1024x256xf32>
    %max3A_92 = arith.maximumf %add3A_89, %max3A_91 : vector<1024x256xf32>
    %mul3A_93 = arith.constant 0.999994993 : f32
    %mul3A_94 = vector.broadcast %mul3A_93 : f32 to vector<1024x256xf32>
    %mul3A_95 = arith.mulf %mul3A_94, %max3A_92 : vector<1024x256xf32>
    %get3A_96 = arith.constant 0 : index
    %get3A_97 = arith.constant 0 : index
    %get3A_98 = vector.load %arg15[%get3A_96, %get3A_97] : memref<256x128xf32, #tpu.memory_space<vmem>>, vector<256x128xf32>
    %dot_general3A_99 = arith.constant dense<0.000000e+00> : vector<1024x128xf32>
    %dot_general3A_100 = tpu.matmul %mul3A_95, %get3A_98, %dot_general3A_99 {dimension_numbers = #tpu.dot_dimension_numbers<[1], [0], [0], [1], [0, 0, 1, 1], [], []>, transpose_lhs_hint = false} : vector<1024x256xf32>, vector<256x128xf32>, vector<1024x128xf32> -> vector<1024x128xf32>
    %get3A_101 = arith.constant 0 : index
    %get3A_102 = arith.constant 0 : index
    %get3A_103 = vector.load %arg16[%get3A_101, %get3A_102] : memref<1x128xf32, #tpu.memory_space<vmem>>, vector<1x128xf32>
    %add3A_104 = vector.broadcast %get3A_103 : vector<1x128xf32> to vector<1024x128xf32>
    %add3A_105 = arith.addf %dot_general3A_100, %add3A_104 : vector<1024x128xf32>
    %max3A_106 = arith.constant 0.000000e+00 : f32
    %max3A_107 = vector.broadcast %max3A_106 : f32 to vector<1024x128xf32>
    %max3A_108 = arith.maximumf %add3A_105, %max3A_107 : vector<1024x128xf32>
    %mul3A_109 = arith.constant 0.999994993 : f32
    %mul3A_110 = vector.broadcast %mul3A_109 : f32 to vector<1024x128xf32>
    %mul3A_111 = arith.mulf %mul3A_110, %max3A_108 : vector<1024x128xf32>
    %get3A_112 = arith.constant 0 : index
    %get3A_113 = arith.constant 0 : index
    %get3A_114 = vector.load %arg17[%get3A_112, %get3A_113] : memref<128x1xf32, #tpu.memory_space<vmem>>, vector<128x1xf32>
    %dot_general3A_115 = arith.constant dense<0.000000e+00> : vector<1024x1xf32>
    %dot_general3A_116 = tpu.matmul %mul3A_111, %get3A_114, %dot_general3A_115 {dimension_numbers = #tpu.dot_dimension_numbers<[1], [0], [0], [1], [0, 0, 1, 1], [], []>, transpose_lhs_hint = false} : vector<1024x128xf32>, vector<128x1xf32>, vector<1024x1xf32> -> vector<1024x1xf32>
    %get3A_117 = arith.constant 0 : index
    %get3A_118 = arith.constant 0 : index
    %get3A_119 = vector.load %arg18[%get3A_117, %get3A_118] : memref<1x1xf32, #tpu.memory_space<vmem>>, vector<1x1xf32>
    %add3A_120 = vector.broadcast %get3A_119 : vector<1x1xf32> to vector<1024x1xf32>
    %add3A_121 = arith.addf %dot_general3A_116, %add3A_120 : vector<1024x1xf32>
    %neg3A = arith.constant 0.000000e+00 : f32
    %neg3A_122 = vector.broadcast %neg3A : f32 to vector<1024x1xf32>
    %neg3A_123 = arith.subf %neg3A_122, %add3A_121 : vector<1024x1xf32>
    %exp3A_124 = math.exp %neg3A_123 : vector<1024x1xf32>
    %add3A_125 = arith.constant 1.000000e+00 : f32
    %add3A_126 = vector.broadcast %add3A_125 : f32 to vector<1024x1xf32>
    %add3A_127 = arith.addf %add3A_126, %exp3A_124 : vector<1024x1xf32>
    %div3A_128 = arith.constant 1.000000e+00 : f32
    %div3A_129 = vector.broadcast %div3A_128 : f32 to vector<1024x1xf32>
    %div3A_130 = arith.divf %div3A_129, %add3A_127 : vector<1024x1xf32>
    %swap3A = arith.constant 0 : index
    %swap3A_131 = arith.constant 0 : index
    %swap3A_132 = vector.load %arg19[%swap3A, %swap3A_131] : memref<1024x1xf32, #tpu.memory_space<vmem>>, vector<1024x1xf32>
    tpu.vector_store %arg19[%swap3A, %swap3A_131], %div3A_130 {strides = array<i32>} : memref<1024x1xf32, #tpu.memory_space<vmem>>, vector<1024x1xf32>,
    return
  }
  func.func @transform_0(%arg0: i32) -> (i32, i32) {
    %c0_i32 = arith.constant 0 : i32
    %c0_i32_0 = arith.constant 0 : i32
    return %arg0, %c0_i32 : i32, i32
  }
  func.func @transform_1(%arg0: i32) -> (i32, i32) {
    %c0_i32 = arith.constant 0 : i32
    %c0_i32_0 = arith.constant 0 : i32
    return %arg0, %c0_i32 : i32, i32
  }
  func.func @transform_2(%arg0: i32) -> (i32, i32) {
    %c0_i32 = arith.constant 0 : i32
    %c0_i32_0 = arith.constant 0 : i32
    return %arg0, %c0_i32 : i32, i32
  }
  func.func @transform_3(%arg0: i32) -> (i32, i32) {
    %c0_i32 = arith.constant 0 : i32
    %c0_i32_0 = arith.constant 0 : i32
    return %arg0, %c0_i32 : i32, i32
  }
  func.func @transform_4(%arg0: i32) -> (i32, i32) {
    %c0_i32 = arith.constant 0 : i32
    %c0_i32_0 = arith.constant 0 : i32
    %c0_i32_1 = arith.constant 0 : i32
    return %c0_i32, %c0_i32_0 : i32, i32
  }
  func.func @transform_5(%arg0: i32) -> (i32, i32) {
    %c0_i32 = arith.constant 0 : i32
    %c0_i32_0 = arith.constant 0 : i32
    %c0_i32_1 = arith.constant 0 : i32
    return %c0_i32, %c0_i32_0 : i32, i32
  }
  func.func @transform_6(%arg0: i32) -> (i32, i32) {
    %c0_i32 = arith.constant 0 : i32
    %c0_i32_0 = arith.constant 0 : i32
    %c0_i32_1 = arith.constant 0 : i32
    return %c0_i32, %c0_i32_0 : i32, i32
  }
  func.func @transform_7(%arg0: i32) -> (i32, i32) {
    %c0_i32 = arith.constant 0 : i32
    %c0_i32_0 = arith.constant 0 : i32
    %c0_i32_1 = arith.constant 0 : i32
    return %c0_i32, %c0_i32_0 : i32, i32
  }
  func.func @transform_8(%arg0: i32) -> (i32, i32) {
    %c0_i32 = arith.constant 0 : i32
    %c0_i32_0 = arith.constant 0 : i32
    %c0_i32_1 = arith.constant 0 : i32
    return %c0_i32, %c0_i32_0 : i32, i32
  }
  func.func @transform_9(%arg0: i32) -> (i32, i32) {
    %c0_i32 = arith.constant 0 : i32
    %c0_i32_0 = arith.constant 0 : i32
    %c0_i32_1 = arith.constant 0 : i32
    return %c0_i32, %c0_i32_0 : i32, i32
  }
  func.func @transform_10(%arg0: i32) -> (i32, i32) {
    %c0_i32 = arith.constant 0 : i32
    %c0_i32_0 = arith.constant 0 : i32
    %c0_i32_1 = arith.constant 0 : i32
    return %c0_i32, %c0_i32_0 : i32, i32
  }
  func.func @transform_11(%arg0: i32) -> (i32, i32) {
    %c0_i32 = arith.constant 0 : i32
    %c0_i32_0 = arith.constant 0 : i32
    %c0_i32_1 = arith.constant 0 : i32
    return %c0_i32, %c0_i32_0 : i32, i32
  }
  func.func @transform_12(%arg0: i32) -> (i32, i32) {
    %c0_i32 = arith.constant 0 : i32
    %c0_i32_0 = arith.constant 0 : i32
    %c0_i32_1 = arith.constant 0 : i32
    return %c0_i32, %c0_i32_0 : i32, i32
  }
  func.func @transform_13(%arg0: i32) -> (i32, i32) {
    %c0_i32 = arith.constant 0 : i32
    %c0_i32_0 = arith.constant 0 : i32
    %c0_i32_1 = arith.constant 0 : i32
    return %c0_i32, %c0_i32_0 : i32, i32
  }
  func.func @transform_14(%arg0: i32) -> (i32, i32) {
    %c0_i32 = arith.constant 0 : i32
    %c0_i32_0 = arith.constant 0 : i32
    %c0_i32_1 = arith.constant 0 : i32
    return %c0_i32, %c0_i32_0 : i32, i32
  }
  func.func @transform_15(%arg0: i32) -> (i32, i32) {
    %c0_i32 = arith.constant 0 : i32
    %c0_i32_0 = arith.constant 0 : i32
    %c0_i32_1 = arith.constant 0 : i32
    return %c0_i32, %c0_i32_0 : i32, i32
  }
  func.func @transform_16(%arg0: i32) -> (i32, i32) {
    %c0_i32 = arith.constant 0 : i32
    %c0_i32_0 = arith.constant 0 : i32
    %c0_i32_1 = arith.constant 0 : i32
    return %c0_i32, %c0_i32_0 : i32, i32
  }
  func.func @transform_17(%arg0: i32) -> (i32, i32) {
    %c0_i32 = arith.constant 0 : i32
    %c0_i32_0 = arith.constant 0 : i32
    %c0_i32_1 = arith.constant 0 : i32
    return %c0_i32, %c0_i32_0 : i32, i32
  }
  func.func @transform_18(%arg0: i32) -> (i32, i32) {
    %c0_i32 = arith.constant 0 : i32
    %c0_i32_0 = arith.constant 0 : i32
    return %arg0, %c0_i32 : i32, i32
  }
}

</mosaic_0001>

<sc_bundles>
// kernel: kernel.11.cloned.1.call-start
scs
__scs_entry_jumppad:
0x0: {  	(pc) =	sbr.rel $0x88, $3  }
0x1: {  	(tag) =	ssettag $0x0;
	lr =	simm.s32 $0x1  }
0x2: {  	[smem:$0x3F84] =	sst lr;
	_ =	strace $0xD0000000  }
0x3: {  	_ = 	snop  }
0x4: {  	_ = 	snop  }
0x5: {  	_ = 	snop  }
0x6: {  	_ = 	snop  }
0x7: {  	_ = 	snop  }
__scs_overlays_trampoline_lowered:
0x8: {  	[smem:$0x3F93] =	sst s0  }
0x9: {  	[smem:$0x3F94] =	sst s1  }
0xa: {  	[smem:$0x3F95] =	sst s2  }
0xb: {  	[smem:$0x3F96] =	sst s3  }
0xc: {  	[smem:$0x3F97] =	sst s4  }
0xd: {  	[smem:$0x3F98] =	sst s5  }
0xe: {  	[smem:$0x3F99] =	sst s6  }
0xf: {  	[smem:$0x3F9A] =	sst s7  }
0x10: {  	[smem:$0x3F9B] =	sst s8  }
0x11: {  	[smem:$0x3F9C] =	sst s9;
	s0 =	simm.s32 @!p0 $0x0  }
0x12: {  	s1 =	sld [smem:$0x3F82];
	s0 =	simm.s32 @p0 $0x1  }
0x13: {  	[smem:$0x3F9D] =	sst s0;
	s0 =	simm.s32 @!p1 $0x0  }
0x14: {  	s2 =	sld [smem:$0x3F81];
	s0 =	simm.s32 @p1 $0x1  }
0x15: {  	[smem:$0x3F9E] =	sst s0;
	s0 =	simm.s32 @!p2 $0x0  }
0x16: {  	s3 =	sld [smem:$0x3FDB];
	s0 =	simm.s32 @p2 $0x1  }
0x17: {  	s4 =	simm.s32 $0x1BF5;
	[smem:$0x3FA0] =	sst s0  }
0x18: {  	s0 =	sld [smem:$0x3F83];
	_ =	swait.ge [sflag:s4], $0x0  }
0x19: {  	s7 =	sld [smem:$0x3F84]  }
0x1a: {  	s8 =	sadd.s32 $0xFFFFE003, lr  }
0x1b: {  	s9 =	sadd.s32 $0xFFFFFEF7, lr;
	s5 =	simm.s32 $0xFFFFFFFF;
	p2 =	slt.u32 s8, $0xFFFFF086  }
0x1c: {  	p1 =	slt.u32 s9, $0xF7A;
	s5 =	simm.s32 @!p2 $0x0  }
0x1d: {  	s5 =	simm.s32 @p1 $0x1;
	p0 =	seq.s32 s7, s2  }
0x1e: {  	s7 =	smul.u32 @!p0 $0xF7A, s2;
	p2 =	seq.s32 @!p0 s5, $0x0  }
0x1f: {  	s9 =	smul.u32 $0xF7A, s1;
	s8 =	simm.s32 @!p0 $0x1BF5;
	p2 =	por !p2, p0  }
0x20: {  	[sflag:s8] =	ssyncset.s32 @!p0 $0xFFFFF086;
	s6 =	sadd.s32 @!p0 s3, s7;
	s7 =	simm.s32 @!p0 $0x108  }
0x21: {  	s3 =	sadd.s32 s3, s9;
	s6 =	sadd.s32 @!p0 $0x88, s6;
	s7 =	simm.s32 @p2 $0x1082  }
0x22: {  	[simem:s7], [sflag:s8] =	dma.local @!p0 [hbm:s6], $0xF7A  }
0x23: {  	s9 =	sor.u32 $0xD0000000, s2;
	s6 =	simm.s32 $0x108;
	_ =	swait.ge @!p0 [sflag:s8], $0x0  }
0x24: {  	s3 =	sadd.s32 $0x88, s3;
	s6 =	simm.s32 @!p1 $0x1082;
	[sflag:s4] =	ssyncset.s32 $0xFFFFF086  }
0x25: {  	[simem:s6], [sflag:s4] =	dma.local [hbm:s3], $0xF7A  }
0x26: {  	[smem:$0x3F84] =	sst s1;
	(tag) =	ssettag s2;
	_ =	strace s9  }
0x27: {  	s1 =	sld [smem:$0x3F94]  }
0x28: {  	s2 =	sld [smem:$0x3F95]  }
0x29: {  	s4 =	sld [smem:$0x3F97]  }
0x2a: {  	p0 =	seq.s32 s5, $0x0;
	s5 =	sld [smem:$0x3F98]  }
0x2b: {  	s6 =	sld [smem:$0x3F99]  }
0x2c: {  	s7 =	sld [smem:$0x3F9A]  }
0x2d: {  	s3 =	simm.s32 $0x108;
	s8 =	sld [smem:$0x3F9B]  }
0x2e: {  	s3 =	simm.s32 @!p0 $0x1082;
	s9 =	sld [smem:$0x3F9C]  }
0x2f: {  	lr =	sadd.s32 s0, s3;
	s0 =	sld [smem:$0x3F93]  }
0x30: {  	s3 =	sld [smem:$0x3F96]  }
0x31: {  	[smem:$0x3F9F] =	sst s10  }
0x32: {  	s10 =	sld [smem:$0x3F9D];
	_ =	sdelay $0x3  }
0x33: {  	p0 =	seq.s32 s10, $0x1;
	s10 =	sld [smem:$0x3F9F];
	_ =	sdelay $0x3  }
0x34: {  	[smem:$0x3F9F] =	sst s10  }
0x35: {  	s10 =	sld [smem:$0x3F9E];
	_ =	sdelay $0x3  }
0x36: {  	p1 =	seq.s32 s10, $0x1;
	s10 =	sld [smem:$0x3F9F];
	_ =	sdelay $0x3  }
0x37: {  	[smem:$0x3F9F] =	sst s10  }
0x38: {  	s10 =	sld [smem:$0x3FA0]  }
0x39: {  	_ = 	snop;
	(pc) =	sbr.ind lr, $3  }
0x3a: {  	_ = 	snop  }
0x3b: {  	_ = 	snop  }
0x3c: {  	p2 =	seq.s32 s10, $0x1;
	s10 =	sld [smem:$0x3F9F]  }
0x3d: {  	_ =	shalt  }
0x3e: {  	_ =	shalt  }
0x3f: {  	_ =	shalt  }
0x40: {  	_ =	shalt  }
0x41: {  	_ =	shalt  }
0x42: {  	_ =	shalt  }
0x43: {  	_ =	shalt  }
0x44: {  	_ =	shalt  }
0x45: {  	_ =	shalt  }
0x46: {  	_ =	shalt  }
0x47: {  	_ =	shalt  }
0x48: {  	_ =	shalt  }
0x49: {  	_ =	shalt  }
0x4a: {  	_ =	shalt  }
0x4b: {  	_ =	shalt  }
0x4c: {  	_ =	shalt  }
0x4d: {  	_ =	shalt  }
0x4e: {  	_ =	shalt  }
0x4f: {  	_ =	shalt  }
0x50: {  	_ =	shalt  }
0x51: {  	_ =	shalt  }
0x52: {  	_ =	shalt  }
0x53: {  	_ =	shalt  }
0x54: {  	_ =	shalt  }
0x55: {  	_ =	shalt  }
0x56: {  	_ =	shalt  }
0x57: {  	_ =	shalt  }
0x58: {  	_ =	shalt  }
0x59: {  	_ =	shalt  }
0x5a: {  	_ =	shalt  }
0x5b: {  	_ =	shalt  }
0x5c: {  	_ =	shalt  }
0x5d: {  	_ =	shalt  }
0x5e: {  	_ =	shalt  }
0x5f: {  	_ =	shalt  }
0x60: {  	_ =	shalt  }
0x61: {  	_ =	shalt  }
0x62: {  	_ =	shalt  }
0x63: {  	_ =	shalt  }
0x64: {  	_ =	shalt  }
0x65: {  	_ =	shalt  }
0x66: {  	_ =	shalt  }
0x67: {  	_ =	shalt  }
0x68: {  	_ =	shalt  }
0x69: {  	_ =	shalt  }
0x6a: {  	_ =	shalt  }
0x6b: {  	_ =	shalt  }
0x6c: {  	_ =	shalt  }
0x6d: {  	_ =	shalt  }
0x6e: {  	_ =	shalt  }
0x6f: {  	_ =	shalt  }
0x70: {  	_ =	shalt  }
0x71: {  	_ =	shalt  }
0x72: {  	_ =	shalt  }
0x73: {  	_ =	shalt  }
0x74: {  	_ =	shalt  }
0x75: {  	_ =	shalt  }
0x76: {  	_ =	shalt  }
0x77: {  	_ =	shalt  }
0x78: {  	_ =	shalt  }
0x79: {  	_ =	shalt  }
0x7a: {  	_ =	shalt  }
0x7b: {  	_ =	shalt  }
0x7c: {  	_ =	shalt  }
0x7d: {  	_ =	shalt  }
0x7e: {  	_ =	shalt  }
0x7f: {  	_ =	shalt  }
0x80: {  	_ =	shalt  }
0x81: {  	_ =	shalt  }
0x82: {  	_ =	shalt  }
0x83: {  	_ =	shalt  }
0x84: {  	_ =	shalt  }
0x85: {  	_ =	shalt  }
0x86: {  	_ =	shalt  }
0x87: {  	_ =	shalt  }
.Lfunc_end0:
.L_simem_size_0:
called_computation_lowered:
.L_overlay_start_0:
0x88: {  	s2 =	sld [smem:$0x3FD9]  }
0x89: {  	s3 =	sld [smem:$0x3FFE];
	_ =	sdelay $0x1  }
0x8a: {  	s1 =	srdreg.scid  }
0x8b: {  	s0 =	sand.u32 $0x1, s1  }
0x8c: {  	s16 =	sshll.u32 s0, $0xA;
	s2 =	sadd.s32 s3, s2  }
0x8d: {  	s2 =	sadd.s32 s2, s16  }
0x8e: {  	[smem:$0x3FAB] =	sst s2  }
0x8f: {  	_ = 	snop  }
0x90: {  	(tm) =	ssettm $0x1  }
0x91: {  	s17 =	sld [smem:$0x3FFB];
	_ =	sdelay $0x3  }
0x92: {  	_ =	strace s17  }
0x93: {  	s2 =	sld [smem:$0x3FFC];
	_ =	sdelay $0x3  }
0x94: {  	_ =	strace s2  }
0x95: {  	s2 =	sld [smem:$0x3FFD];
	_ =	sdelay $0x3  }
0x96: {  	_ =	strace s2  }
0x97: {  	_ =	strace $0x8FFFFFFF  }
0x98: {  	s18 =	sld [smem:$0x3FDB];
	_ =	sdelay $0x1  }
0x99: {  	s19 =	simm.s32 $_scs_section_size  }
0x9a: {  	s4 =	simm.s32 $_size__tile_overlayer_lowered;
	s5 =	simm.s32 $_tile_overlayer_lowered  }
0x9b: {  	s22 =	simm.s32 $0x1BFF;
	s21 =	sshll.u32 s5, $0x1;
	s2 =	sadd.s32 s19, s18  }
0x9c: {  	s6 =	simm.s32 $0x0;
	s20 =	sshll.u32 s4, $0x1;
	s4 =	sadd.s32 s21, s2  }
0x9d: {  	[timem:s6], [sflag:s22] =	dma.local [hbm:s4], s20  }
0x9e: {  	_ =	swait.ge [sflag:s22], s20  }
0x9f: {  	s3 =	ssub.s32 $0x0, s20;
	[sflag:s22] =	ssyncset.done $0x0  }
0xa0: {  	[sflag:s22] =	ssyncadd.s32 s3;
	_ =	sdelay $0x1  }
0xa1: {  	s23 =	simm.s32 $0x1B8B  }
0xa2: {  	_ =	swait.ge [sflag:s23], $0x1  }
0xa3: {  	[sflag:s23] =	ssyncset.done $0x0  }
0xa4: {  	s25 =	simm.s32 $0x1B8E;
	s24 =	sld [smem:$0x3FFE];
	[sflag:s23] =	ssyncadd.s32 $0xFFFFFFFF  }
0xa5: {  	s26 =	simm.s32 $execute0_lowered;
	[smem:$0x3FD2] =	sst s25  }
0xa6: {  	s4 =	sshll.u32 s26, $0x1;
	_ =	strace $0x80000046;
	[dreg:$0x1] =	wrdreg $0xFFFFFFFF  }
0xa7: {  	s28 =	simm.s32 $_size_execute0_lowered;
	s2 =	sadd.s32 s2, s4;
	[dreg:$0x0] =	wrdreg $0x0  }
0xa8: {  	s4 =	sshll.u32 s28, $0x1;
	[dreg:$0x2] =	wrdreg s2  }
0xa9: {  	[dreg:$0x3] =	wrdreg s4  }
0xaa: {  	[dreg:$0x4] =	wrdreg $0xC0  }
0xab: {  	_ =	task [dreg:s6], $0x5FFFF  }
0xac: {  	[dreg:$0x1] =	wrdreg $0xFFFFFFFF  }
0xad: {  	[dreg:$0x0] =	wrdreg $0x60  }
0xae: {  	[dreg:$0x2] =	wrdreg s24  }
0xaf: {  	[dreg:$0x3] =	wrdreg $0x81000  }
0xb0: {  	[dreg:$0x4] =	wrdreg $0x9  }
0xb1: {  	_ =	task.clear_ibuf [dreg:s6], $0x5FFFF;
	_ =	strace $0x90000046  }
0xb2: {  	s29 =	simm.s32 $0x9;
	_ =	strace $0x80000048  }
0xb3: {  	_ =	swait.ge [sflag:s29], $0x1  }
0xb4: {  	[sflag:s29] =	ssyncadd.s32 $0xFFFFFFFF  }
0xb5: {  	_ =	strace $0x90000048  }
0xb6: {  	_ =	sfence  }
0xb7: {  	s30 =	sld [smem:$0x0];
	_ =	sdelay $0x2  }
0xb8: {  	s31 =	sshll.u32 s1, $0xD;
	s1 =	sshrl.u32 s1, $0x2  }
0xb9: {  	s3 =	sand.u32 $0x4000, s31;
	s1 =	sadd.s32 s1, s30  }
0xba: {  	s0 =	sor.u32 s3, s0;
	s1 =	sshll.u32 s1, $0x11  }
0xbb: {  	s0 =	sor.u32 s1, s0  }
0xbc: {  	s0 =	sadd.s32 $0x8F2B, s0  }
0xbd: {  	[sflag:s0] =	ssyncadd.remote.s32 $0x1  }
0xbe: {  	_ =	sfence.sel $0xFFFF  }
0xbf: {  	[dreg:$0x0] =	wrdreg $0xFFFFFFFF;
	(pc) =	sbr.abs _section_cstart, $3  }
0xc0: {  	[dreg:$0x1] =	wrdreg $0xFFFFFFFF  }
0xc1: {  	_ =	task.clear_ibuf [dreg:s6], $0x2FFFF;
	_ =	strace $0x9FFFFFFF  }
0xc2: {  	(tm) =	ssettm $0x7FFFFFFF  }
0xc3: {  	_ =	shalt  }
tec
execute0_lowered:
.L_overlay_start_1:
0x0: {  	(tag) =	ssettag $0x1  }
0x1: {  	s5 =	rddreg [dreg:$0x0]  }
0x2: {  	s2 =	rddreg [dreg:$0x1]  }
0x3: {  	s0 =	rddreg [dreg:$0x2]  }
0x4: {  	s1 =	stileid.u32;
	s4 =	srdreg.scid;
	s3 =	simm.s32 $0x0  }
0x5: {  	s18 =	simm.s32 $0x4100;
	s19 =	simm.s32 $0x100;
	s20 =	simm.s32 $0x1  }
0x6: {  	s21 =	simm.s32 $0x0;
	s6 =	smul.u32 $0x2800, s1;
	s9 =	sand.u32 $0x1, s4  }
0x7: {  	[smem:$0x7FF] =	sst s3;
	s4 =	sadd.s32 $0x5C00, s5;
	s12 =	smul.u32 $0x50000, s1  }
0x8: {  	s11 =	sadd.s32 $0xFC00, s5;
	s29 =	sshll.u32 s1, $0x6;
	s17 =	smul.u32 $0x14000, s1  }
0x9: {  	s7 =	smul.u32 $0x28000, s9;
	_ =	strace $0x80000047;
	s24 =	ssub.s32 $0x2, s9  }
0xa: {  	s10 =	sshll.u32 s9, $0x4;
	s16 =	smul.u32 $0x140000, s9;
	s8 =	sadd.s32 s6, s5  }
0xb: {  	s25 =	sshrl.u32 s24, $0x1;
	s10 =	sor.u32 s1, s10;
	s26 =	sshrl.u32 s12, $0x2  }
0xc: {  	s6 =	sadd.s32 s6, s7;
	s14 =	ssub.s32 s24, s25;
	s28 =	smul.u32 $0x14000, s10  }
0xd: {  	s15 =	sadd.s32 s26, s2;
	s13 =	sadd.s32 s6, s5;
	s5 =	smul.u32 $0x1400, s10  }
0xe: {  	s7 =	sor.u32 $0x1C02, s29;
	s16 =	sadd.s32 s16, s11;
	s10 =	smul.u32 $0xA0000, s10  }
0xf: {  	s6 =	sadd.s32 $0x28FC00, s8;
	s16 =	sadd.s32 s17, s16;
	s15 =	sshrl.u32 s15, $0x3  }
0x10: {  	s17 =	simm.s32 $0x80;
	s30 =	sshrl.u32 s5, $0x3;
	s31 =	sshrl.u32 s10, $0x3  }
0x11: {  	s9 =	sadd.s32 s11, s28;
	s8 =	sadd.s32 s4, s30;
	s12 =	sadd.s32 s11, s31  }
0x12: {  	s10 =	sadd.s32 $0x270, s8;
	s11 =	sadd.s32 $0x13800, s12;
	s12 =	sadd.s32 $0x2B7C00, s13  }
0x13: {  	s13 =	smax.u32 s14, $0x1;
	s14 =	sadd.s32 $0x1000, s16;
	s16 =	simm.s32 $0x2  }
.LBB2_1:
0x14: {  	[spmem:s15], [sflag:s7] =	dma.local [hbm:s6], $0x2800  }
0x15: {  	_ =	swait.ge [sflag:s16], $0x2800  }
0x16: {  	[sflag:s16] =	ssyncset.done $0x0  }
0x17: {  	[sflag:s16] =	ssyncadd.s32 $0xFFFFD800  }
0x18: {  	[tilespmem:s3], [sflag:$0x2] =	stream.linear.gather [hbm4b:s8+s3], $0x80, $0x38;
	[tilespmem:$0xA900] =	vst v63  }
0x19: {  	_ =	swait.ge [sflag:s16], $0x80  }
0x1a: {  	s22 =	simm.s32 $0x0;
	[sflag:s16] =	ssyncset.done $0x0  }
0x1b: {  	s23 =	simm.s32 $0x80;
	s22 =	sand.u32 $0x1C00, s22;
	[sflag:s16] =	ssyncadd.s32 $0xFFFFFF80  }
0x1c: {  	[tilespmem:s19], [sflag:$0x2] =	stream.linear.gather [hbm4b:s9+s3], $0x4000, $0x38;
	[tilespmem:$0xA900] =	vst v63  }
0x1d: {  	s23 =	sand.u32 $0x380, s23;
	s22 =	sadd.s32 s5, s22;
	_ =	swait.ge [sflag:s16], $0x4000  }
0x1e: {  	s22 =	sor.u32 s22, s23;
	[sflag:s16] =	ssyncset.done $0x0  }
0x1f: {  	s22 =	sshrl.u32 s22, $0x3;
	[sflag:s16] =	ssyncadd.s32 $0xFFFFC000  }
0x20: {  	s22 =	sadd.s32 s4, s22;
	[bflag:$0x0] =	sbarrier.arrive $0xFFFF  }
0x21: {  	[tilespmem:s17], [sflag:$0x1] =	stream.linear.gather [hbm4b:s22+s3], $0x80, $0x38;
	[tilespmem:$0xA900] =	vst v63  }
0x22: {  	s28 =	sadd.s32 $0xFFFFF800, s14  }
0x23: {  	[tilespmem:s18], [sflag:$0x1] =	stream.linear.gather [hbm4b:s28+s3], $0x4000, $0x38;
	[tilespmem:$0xA900] =	vst v63  }
0x24: {  	_ = 	snop  }
0x25: {  	[spmem:s2] =	stream.indirect.scatter.add.f32 [tilespmem:s19], [sflag:$0x2], $0x10, s3, s17, $0xb8;
	[tilespmem:$0xA900] =	vst v63  }
0x26: {  	_ =	swait.ge [sflag:s16], $0x800  }
0x27: {  	[sflag:s16] =	ssyncset.done $0x0  }
0x28: {  	[sflag:s16] =	ssyncadd.s32 $0xFFFFF800  }
0x29: {  	_ =	swait.ge [sflag:s20], $0x80  }
0x2a: {  	s29 =	sand.u32 $0x3C00, s19;
	[sflag:s20] =	ssyncset.done $0x0  }
0x2b: {  	s30 =	sand.u32 $0x300, s19;
	s22 =	sadd.s32 s5, s29;
	[sflag:s20] =	ssyncadd.s32 $0xFFFFFF80  }
0x2c: {  	s22 =	sor.u32 s30, s22;
	_ =	swait.ge [sflag:s20], $0x4000  }
0x2d: {  	s22 =	sshrl.u32 s22, $0x3;
	[sflag:s20] =	ssyncset.done $0x0  }
0x2e: {  	s22 =	sadd.s32 s4, s22;
	[sflag:s20] =	ssyncadd.s32 $0xFFFFC000  }
0x2f: {  	[tilespmem:s3], [sflag:$0x1] =	stream.linear.gather [hbm4b:s22+s3], $0x80, $0x38;
	[tilespmem:$0xA900] =	vst v63  }
0x30: {  	_ = 	snop  }
0x31: {  	[tilespmem:s19], [sflag:$0x1] =	stream.linear.gather [hbm4b:s14+s3], $0x4000, $0x38;
	[tilespmem:$0xA900] =	vst v63  }
0x32: {  	_ = 	snop  }
0x33: {  	[spmem:s2] =	stream.indirect.scatter.add.f32 [tilespmem:s18], [sflag:$0x2], $0x10, s17, s17, $0xb8;
	[tilespmem:$0xA900] =	vst v63  }
0x34: {  	_ =	swait.ge [sflag:s16], $0x800  }
0x35: {  	[sflag:s16] =	ssyncset.done $0x0  }
0x36: {  	s31 =	simm.s32 $0x100;
	[sflag:s16] =	ssyncadd.s32 $0xFFFFF800  }
0x37: {  	s24 =	simm.s32 $0x180;
	s23 =	sand.u32 $0x1C00, s31;
	_ =	swait.ge [sflag:s20], $0x80  }
0x38: {  	s24 =	sand.u32 $0x380, s24;
	s23 =	sadd.s32 s5, s23;
	[sflag:s20] =	ssyncset.done $0x0  }
0x39: {  	s23 =	sor.u32 s23, s24;
	[sflag:s20] =	ssyncadd.s32 $0xFFFFFF80  }
0x3a: {  	s25 =	simm.s32 $0x300;
	s26 =	sshrl.u32 s23, $0x3;
	_ =	swait.ge [sflag:s20], $0x4000  }
0x3b: {  	s23 =	sadd.s32 $0x1000, s14;
	s22 =	simm.s32 $0x200;
	[sflag:s20] =	ssyncset.done $0x0  }
.LBB2_2:
0x3c: {  	s26 =	sadd.s32 s4, s26  }
0x3d: {  	[sflag:s20] =	ssyncadd.s32 $0xFFFFC000;
	s28 =	smov.u32 s25;
	s24 =	sadd.s32 $0x100, s25  }
0x3e: {  	[tilespmem:s17], [sflag:$0x1] =	stream.linear.gather [hbm4b:s26+s3], $0x80, $0x38;
	[tilespmem:$0xA900] =	vst v63  }
0x3f: {  	p0 =	sne.s32 s25, $0x1300;
	s25 =	sadd.s32 $0xFFFFF800, s23  }
0x40: {  	[tilespmem:s18], [sflag:$0x1] =	stream.linear.gather [hbm4b:s25+s3], $0x4000, $0x38;
	[tilespmem:$0xA900] =	vst v63  }
0x41: {  	_ = 	snop  }
0x42: {  	[spmem:s2] =	stream.indirect.scatter.add.f32 [tilespmem:s19], [sflag:$0x2], $0x10, s3, s17, $0xb8;
	[tilespmem:$0xA900] =	vst v63  }
0x43: {  	_ =	swait.ge [sflag:s16], $0x800  }
0x44: {  	[sflag:s16] =	ssyncset.done $0x0  }
0x45: {  	[sflag:s16] =	ssyncadd.s32 $0xFFFFF800  }
0x46: {  	_ =	swait.ge [sflag:s20], $0x80  }
0x47: {  	s25 =	sand.u32 $0x3C00, s22;
	[sflag:s20] =	ssyncset.done $0x0  }
0x48: {  	s22 =	sand.u32 $0x300, s22;
	s25 =	sadd.s32 s5, s25;
	[sflag:s20] =	ssyncadd.s32 $0xFFFFFF80  }
0x49: {  	s25 =	sor.u32 s22, s25;
	s22 =	smov.u32 s28;
	_ =	swait.ge [sflag:s20], $0x4000  }
0x4a: {  	s25 =	sshrl.u32 s25, $0x3;
	[sflag:s20] =	ssyncset.done $0x0  }
0x4b: {  	s25 =	sadd.s32 s4, s25;
	[sflag:s20] =	ssyncadd.s32 $0xFFFFC000  }
0x4c: {  	[tilespmem:s3], [sflag:$0x1] =	stream.linear.gather [hbm4b:s25+s3], $0x80, $0x38;
	[tilespmem:$0xA900] =	vst v63  }
0x4d: {  	_ = 	snop  }
0x4e: {  	[tilespmem:s19], [sflag:$0x1] =	stream.linear.gather [hbm4b:s23+s3], $0x4000, $0x38;
	[tilespmem:$0xA900] =	vst v63  }
0x4f: {  	_ = 	snop  }
0x50: {  	[spmem:s2] =	stream.indirect.scatter.add.f32 [tilespmem:s18], [sflag:$0x2], $0x10, s17, s17, $0xb8;
	[tilespmem:$0xA900] =	vst v63  }
0x51: {  	_ =	swait.ge [sflag:s16], $0x800  }
0x52: {  	[sflag:s16] =	ssyncset.done $0x0  }
0x53: {  	[sflag:s16] =	ssyncadd.s32 $0xFFFFF800  }
.Ltmp0:
0x54: {  	s25 =	sadd.s32 $0xFFFFFF00, s22;
	_ =	swait.ge [sflag:s20], $0x80;
	(pc) =	sbr.rel @p0 .LBB2_2-.Ltmp0, $4  }
0x55: {  	s26 =	sadd.s32 $0xFFFFFF80, s22;
	s25 =	sand.u32 $0x1C00, s25;
	[sflag:s20] =	ssyncset.done $0x0  }
0x56: {  	s26 =	sand.u32 $0x380, s26;
	s25 =	sadd.s32 s5, s25;
	[sflag:s20] =	ssyncadd.s32 $0xFFFFFF80  }
0x57: {  	s23 =	sadd.s32 $0x1000, s23;
	s25 =	sor.u32 s25, s26;
	_ =	swait.ge [sflag:s20], $0x4000  }
0x58: {  	s26 =	sshrl.u32 s25, $0x3;
	s25 =	smov.u32 s24;
	[sflag:s20] =	ssyncset.done $0x0  }
0x59: {  	s24 =	sadd.s32 s4, s26;
	[sflag:s20] =	ssyncadd.s32 $0xFFFFC000  }
0x5a: {  	[tilespmem:s17], [sflag:$0x1] =	stream.linear.gather [hbm4b:s24+s3], $0x80, $0x38;
	[tilespmem:$0xA900] =	vst v63  }
0x5b: {  	s29 =	sadd.s32 $0xFFFFF800, s23  }
0x5c: {  	[tilespmem:s18], [sflag:$0x1] =	stream.linear.gather [hbm4b:s29+s3], $0x4000, $0x38;
	[tilespmem:$0xA900] =	vst v63  }
0x5d: {  	_ = 	snop  }
0x5e: {  	[spmem:s2] =	stream.indirect.scatter.add.f32 [tilespmem:s19], [sflag:$0x2], $0x10, s3, s17, $0xb8;
	[tilespmem:$0xA900] =	vst v63  }
0x5f: {  	_ =	swait.ge [sflag:s16], $0x800  }
0x60: {  	[sflag:s16] =	ssyncset.done $0x0  }
0x61: {  	[sflag:s16] =	ssyncadd.s32 $0xFFFFF800  }
0x62: {  	_ =	swait.ge [sflag:s20], $0x80  }
0x63: {  	s30 =	sand.u32 $0x3C00, s22;
	[sflag:s20] =	ssyncset.done $0x0  }
0x64: {  	s31 =	sand.u32 $0x300, s22;
	s24 =	sadd.s32 s5, s30;
	[sflag:s20] =	ssyncadd.s32 $0xFFFFFF80  }
0x65: {  	s22 =	sor.u32 s31, s24;
	_ =	swait.ge [sflag:s20], $0x4000  }
0x66: {  	s22 =	sshrl.u32 s22, $0x3;
	[sflag:s20] =	ssyncset.done $0x0  }
0x67: {  	s22 =	sadd.s32 s4, s22;
	[sflag:s20] =	ssyncadd.s32 $0xFFFFC000  }
0x68: {  	[tilespmem:s3], [sflag:$0x1] =	stream.linear.gather [hbm4b:s22+s3], $0x80, $0x38;
	[tilespmem:$0xA900] =	vst v63  }
0x69: {  	_ = 	snop  }
0x6a: {  	[tilespmem:s19], [sflag:$0x1] =	stream.linear.gather [hbm4b:s23+s3], $0x4000, $0x38;
	[tilespmem:$0xA900] =	vst v63  }
0x6b: {  	_ = 	snop  }
0x6c: {  	[spmem:s2] =	stream.indirect.scatter.add.f32 [tilespmem:s18], [sflag:$0x2], $0x10, s17, s17, $0xb8;
	[tilespmem:$0xA900] =	vst v63  }
0x6d: {  	_ =	swait.ge [sflag:s16], $0x800  }
0x6e: {  	[sflag:s16] =	ssyncset.done $0x0  }
0x6f: {  	[sflag:s16] =	ssyncadd.s32 $0xFFFFF800  }
0x70: {  	_ =	swait.ge [sflag:s20], $0x80  }
0x71: {  	[sflag:s20] =	ssyncset.done $0x0  }
0x72: {  	[sflag:s20] =	ssyncadd.s32 $0xFFFFFF80  }
0x73: {  	_ =	swait.ge [sflag:s20], $0x4000  }
0x74: {  	[sflag:s20] =	ssyncset.done $0x0  }
0x75: {  	[sflag:s20] =	ssyncadd.s32 $0xFFFFC000  }
0x76: {  	[tilespmem:s17], [sflag:$0x1] =	stream.linear.gather [hbm4b:s10+s3], $0x80, $0x38;
	[tilespmem:$0xA900] =	vst v63  }
0x77: {  	_ = 	snop  }
0x78: {  	[tilespmem:s18], [sflag:$0x1] =	stream.linear.gather [hbm4b:s11+s3], $0x4000, $0x38;
	[tilespmem:$0xA900] =	vst v63  }
0x79: {  	_ = 	snop  }
0x7a: {  	[spmem:s2] =	stream.indirect.scatter.add.f32 [tilespmem:s19], [sflag:$0x2], $0x10, s3, s17, $0xb8;
	[tilespmem:$0xA900] =	vst v63  }
0x7b: {  	_ =	swait.ge [sflag:s16], $0x800  }
0x7c: {  	[sflag:s16] =	ssyncset.done $0x0  }
0x7d: {  	[sflag:s16] =	ssyncadd.s32 $0xFFFFF800  }
0x7e: {  	_ =	swait.ge [sflag:s20], $0x80  }
0x7f: {  	[sflag:s20] =	ssyncset.done $0x0  }
0x80: {  	[sflag:s20] =	ssyncadd.s32 $0xFFFFFF80  }
0x81: {  	_ =	swait.ge [sflag:s20], $0x4000  }
0x82: {  	[sflag:s20] =	ssyncset.done $0x0  }
0x83: {  	[sflag:s20] =	ssyncadd.s32 $0xFFFFC000  }
0x84: {  	[spmem:s2] =	stream.indirect.scatter.add.f32 [tilespmem:s18], [sflag:$0x2], $0x10, s17, s17, $0xb8;
	[tilespmem:$0xA900] =	vst v63  }
0x85: {  	_ =	swait.ge [sflag:s16], $0x800  }
0x86: {  	s21 =	sadd.s32 $0x1, s21;
	[sflag:s16] =	ssyncset.done $0x0  }
0x87: {  	p0 =	sne.s32 s21, s13;
	[sflag:s16] =	ssyncadd.s32 $0xFFFFF800  }
.Ltmp1:
0x88: {  	[bflag:$0x0] =	sbarrier.arrive $0xFFFF;
	(pc) =	sbr.rel @p0 .LBB2_1-.Ltmp1, $4  }
0x89: {  	[hbm:s12], [sflag:s7] =	dma.local [spmem:s15], $0x2800  }
0x8a: {  	_ =	swait.ge [sflag:s16], $0x2800  }
0x8b: {  	[sflag:s16] =	ssyncset.done $0x0  }
0x8c: {  	[sflag:s16] =	ssyncadd.s32 $0xFFFFD800  }
0x8d: {  	_ =	sfence.sel $0x180000  }
0x8e: {  	[bflag:$0x0] =	sbarrier.arrive $0xFFFF  }
0x8f: {  	p0 =	sne.s32 s1, $0x0;
	_ =	strace $0x90000047  }
0x90: {  	s0 =	sadd.s32 @!p0 $0x100000, s0;
	[bflag:$0x2] =	sbarrier.arrive $0xFFFF  }
0x91: {  	[sflag:s0] =	ssyncadd.tile.s32 @!p0 $0x1;
	_ =	shalt  }
.Lfunc_end2:
_tile_overlayer_lowered:
.L_overlay_start_2:
0x92: {  	(tag) =	ssettag $0x2  }
0x93: {  	s0 =	rddreg [dreg:$0x0];
	s2 =	stileid.u32  }
0x94: {  	s1 =	rddreg [dreg:$0x1];
	p0 =	sne.s32 s2, $0x0  }
0x95: {  	s3 =	rddreg [dreg:$0x2];
	[bflag:$0x3] =	sbarrier.arrive $0xFFFF;
	s2 =	simm.s32 @!p0 $0x1C02  }
0x96: {  	[timem:s3], [sflag:s2] =	dma.local @!p0 [hbm:s0], s1  }
0x97: {  	s0 =	simm.s32 @!p0 $0x2  }
0x98: {  	_ =	swait.ge @!p0 [sflag:s0], s1  }
0x99: {  	s1 =	ssub.s32 @!p0 $0x0, s1;
	[sflag:s0] =	ssyncset.done @!p0 $0x0  }
0x9a: {  	[sflag:s0] =	ssyncadd.s32 @!p0 s1  }
0x9b: {  	[bflag:$0x3] =	sbarrier.arrive $0xFFFF  }
0x9c: {  	_ =	shalt  }

// kernel: kernel.14.cloned.1.call-start
scs
__scs_entry_jumppad:
0x0: {  	(pc) =	sbr.rel $0x88, $3  }
0x1: {  	(tag) =	ssettag $0x0;
	lr =	simm.s32 $0x1  }
0x2: {  	[smem:$0x3F84] =	sst lr;
	_ =	strace $0xD0000000  }
0x3: {  	_ = 	snop  }
0x4: {  	_ = 	snop  }
0x5: {  	_ = 	snop  }
0x6: {  	_ = 	snop  }
0x7: {  	_ = 	snop  }
__scs_overlays_trampoline_lowered:
0x8: {  	[smem:$0x3F93] =	sst s0  }
0x9: {  	[smem:$0x3F94] =	sst s1  }
0xa: {  	[smem:$0x3F95] =	sst s2  }
0xb: {  	[smem:$0x3F96] =	sst s3  }
0xc: {  	[smem:$0x3F97] =	sst s4  }
0xd: {  	[smem:$0x3F98] =	sst s5  }
0xe: {  	[smem:$0x3F99] =	sst s6  }
0xf: {  	[smem:$0x3F9A] =	sst s7  }
0x10: {  	[smem:$0x3F9B] =	sst s8  }
0x11: {  	[smem:$0x3F9C] =	sst s9;
	s0 =	simm.s32 @!p0 $0x0  }
0x12: {  	s1 =	sld [smem:$0x3F82];
	s0 =	simm.s32 @p0 $0x1  }
0x13: {  	[smem:$0x3F9D] =	sst s0;
	s0 =	simm.s32 @!p1 $0x0  }
0x14: {  	s2 =	sld [smem:$0x3F81];
	s0 =	simm.s32 @p1 $0x1  }
0x15: {  	[smem:$0x3F9E] =	sst s0;
	s0 =	simm.s32 @!p2 $0x0  }
0x16: {  	s3 =	sld [smem:$0x3FDB];
	s0 =	simm.s32 @p2 $0x1  }
0x17: {  	s4 =	simm.s32 $0x1BF5;
	[smem:$0x3FA0] =	sst s0  }
0x18: {  	s0 =	sld [smem:$0x3F83];
	_ =	swait.ge [sflag:s4], $0x0  }
0x19: {  	s7 =	sld [smem:$0x3F84]  }
0x1a: {  	s8 =	sadd.s32 $0xFFFFE003, lr  }
0x1b: {  	s9 =	sadd.s32 $0xFFFFFEF7, lr;
	s5 =	simm.s32 $0xFFFFFFFF;
	p2 =	slt.u32 s8, $0xFFFFF086  }
0x1c: {  	p1 =	slt.u32 s9, $0xF7A;
	s5 =	simm.s32 @!p2 $0x0  }
0x1d: {  	s5 =	simm.s32 @p1 $0x1;
	p0 =	seq.s32 s7, s2  }
0x1e: {  	s7 =	smul.u32 @!p0 $0xF7A, s2;
	p2 =	seq.s32 @!p0 s5, $0x0  }
0x1f: {  	s9 =	smul.u32 $0xF7A, s1;
	s8 =	simm.s32 @!p0 $0x1BF5;
	p2 =	por !p2, p0  }
0x20: {  	[sflag:s8] =	ssyncset.s32 @!p0 $0xFFFFF086;
	s6 =	sadd.s32 @!p0 s3, s7;
	s7 =	simm.s32 @!p0 $0x108  }
0x21: {  	s3 =	sadd.s32 s3, s9;
	s6 =	sadd.s32 @!p0 $0x88, s6;
	s7 =	simm.s32 @p2 $0x1082  }
0x22: {  	[simem:s7], [sflag:s8] =	dma.local @!p0 [hbm:s6], $0xF7A  }
0x23: {  	s9 =	sor.u32 $0xD0000000, s2;
	s6 =	simm.s32 $0x108;
	_ =	swait.ge @!p0 [sflag:s8], $0x0  }
0x24: {  	s3 =	sadd.s32 $0x88, s3;
	s6 =	simm.s32 @!p1 $0x1082;
	[sflag:s4] =	ssyncset.s32 $0xFFFFF086  }
0x25: {  	[simem:s6], [sflag:s4] =	dma.local [hbm:s3], $0xF7A  }
0x26: {  	[smem:$0x3F84] =	sst s1;
	(tag) =	ssettag s2;
	_ =	strace s9  }
0x27: {  	s1 =	sld [smem:$0x3F94]  }
0x28: {  	s2 =	sld [smem:$0x3F95]  }
0x29: {  	s4 =	sld [smem:$0x3F97]  }
0x2a: {  	p0 =	seq.s32 s5, $0x0;
	s5 =	sld [smem:$0x3F98]  }
0x2b: {  	s6 =	sld [smem:$0x3F99]  }
0x2c: {  	s7 =	sld [smem:$0x3F9A]  }
0x2d: {  	s3 =	simm.s32 $0x108;
	s8 =	sld [smem:$0x3F9B]  }
0x2e: {  	s3 =	simm.s32 @!p0 $0x1082;
	s9 =	sld [smem:$0x3F9C]  }
0x2f: {  	lr =	sadd.s32 s0, s3;
	s0 =	sld [smem:$0x3F93]  }
0x30: {  	s3 =	sld [smem:$0x3F96]  }
0x31: {  	[smem:$0x3F9F] =	sst s10  }
0x32: {  	s10 =	sld [smem:$0x3F9D];
	_ =	sdelay $0x3  }
0x33: {  	p0 =	seq.s32 s10, $0x1;
	s10 =	sld [smem:$0x3F9F];
	_ =	sdelay $0x3  }
0x34: {  	[smem:$0x3F9F] =	sst s10  }
0x35: {  	s10 =	sld [smem:$0x3F9E];
	_ =	sdelay $0x3  }
0x36: {  	p1 =	seq.s32 s10, $0x1;
	s10 =	sld [smem:$0x3F9F];
	_ =	sdelay $0x3  }
0x37: {  	[smem:$0x3F9F] =	sst s10  }
0x38: {  	s10 =	sld [smem:$0x3FA0]  }
0x39: {  	_ = 	snop;
	(pc) =	sbr.ind lr, $3  }
0x3a: {  	_ = 	snop  }
0x3b: {  	_ = 	snop  }
0x3c: {  	p2 =	seq.s32 s10, $0x1;
	s10 =	sld [smem:$0x3F9F]  }
0x3d: {  	_ =	shalt  }
0x3e: {  	_ =	shalt  }
0x3f: {  	_ =	shalt  }
0x40: {  	_ =	shalt  }
0x41: {  	_ =	shalt  }
0x42: {  	_ =	shalt  }
0x43: {  	_ =	shalt  }
0x44: {  	_ =	shalt  }
0x45: {  	_ =	shalt  }
0x46: {  	_ =	shalt  }
0x47: {  	_ =	shalt  }
0x48: {  	_ =	shalt  }
0x49: {  	_ =	shalt  }
0x4a: {  	_ =	shalt  }
0x4b: {  	_ =	shalt  }
0x4c: {  	_ =	shalt  }
0x4d: {  	_ =	shalt  }
0x4e: {  	_ =	shalt  }
0x4f: {  	_ =	shalt  }
0x50: {  	_ =	shalt  }
0x51: {  	_ =	shalt  }
0x52: {  	_ =	shalt  }
0x53: {  	_ =	shalt  }
0x54: {  	_ =	shalt  }
0x55: {  	_ =	shalt  }
0x56: {  	_ =	shalt  }
0x57: {  	_ =	shalt  }
0x58: {  	_ =	shalt  }
0x59: {  	_ =	shalt  }
0x5a: {  	_ =	shalt  }
0x5b: {  	_ =	shalt  }
0x5c: {  	_ =	shalt  }
0x5d: {  	_ =	shalt  }
0x5e: {  	_ =	shalt  }
0x5f: {  	_ =	shalt  }
0x60: {  	_ =	shalt  }
0x61: {  	_ =	shalt  }
0x62: {  	_ =	shalt  }
0x63: {  	_ =	shalt  }
0x64: {  	_ =	shalt  }
0x65: {  	_ =	shalt  }
0x66: {  	_ =	shalt  }
0x67: {  	_ =	shalt  }
0x68: {  	_ =	shalt  }
0x69: {  	_ =	shalt  }
0x6a: {  	_ =	shalt  }
0x6b: {  	_ =	shalt  }
0x6c: {  	_ =	shalt  }
0x6d: {  	_ =	shalt  }
0x6e: {  	_ =	shalt  }
0x6f: {  	_ =	shalt  }
0x70: {  	_ =	shalt  }
0x71: {  	_ =	shalt  }
0x72: {  	_ =	shalt  }
0x73: {  	_ =	shalt  }
0x74: {  	_ =	shalt  }
0x75: {  	_ =	shalt  }
0x76: {  	_ =	shalt  }
0x77: {  	_ =	shalt  }
0x78: {  	_ =	shalt  }
0x79: {  	_ =	shalt  }
0x7a: {  	_ =	shalt  }
0x7b: {  	_ =	shalt  }
0x7c: {  	_ =	shalt  }
0x7d: {  	_ =	shalt  }
0x7e: {  	_ =	shalt  }
0x7f: {  	_ =	shalt  }
0x80: {  	_ =	shalt  }
0x81: {  	_ =	shalt  }
0x82: {  	_ =	shalt  }
0x83: {  	_ =	shalt  }
0x84: {  	_ =	shalt  }
0x85: {  	_ =	shalt  }
0x86: {  	_ =	shalt  }
0x87: {  	_ =	shalt  }
.Lfunc_end0:
.L_simem_size_0:
called_computation.1_lowered:
.L_overlay_start_0:
0x88: {  	s2 =	sld [smem:$0x3FD9]  }
0x89: {  	s3 =	sld [smem:$0x3FFE];
	_ =	sdelay $0x1  }
0x8a: {  	s1 =	srdreg.scid  }
0x8b: {  	s0 =	sand.u32 $0x1, s1  }
0x8c: {  	s17 =	sshll.u32 s0, $0xA;
	s2 =	sadd.s32 s3, s2  }
0x8d: {  	s2 =	sadd.s32 s2, s17  }
0x8e: {  	[smem:$0x3FAB] =	sst s2  }
0x8f: {  	_ = 	snop  }
0x90: {  	(tm) =	ssettm $0x1  }
0x91: {  	s18 =	sld [smem:$0x3FFB];
	_ =	sdelay $0x3  }
0x92: {  	_ =	strace s18  }
0x93: {  	s2 =	sld [smem:$0x3FFC];
	_ =	sdelay $0x3  }
0x94: {  	_ =	strace s2  }
0x95: {  	s2 =	sld [smem:$0x3FFD];
	_ =	sdelay $0x3  }
0x96: {  	_ =	strace s2  }
0x97: {  	_ =	strace $0x8FFFFFFF  }
0x98: {  	s19 =	sld [smem:$0x3FDB];
	_ =	sdelay $0x1  }
0x99: {  	s20 =	simm.s32 $_scs_section_size  }
0x9a: {  	s4 =	simm.s32 $_size__tile_overlayer_lowered;
	s5 =	simm.s32 $_tile_overlayer_lowered  }
0x9b: {  	s6 =	simm.s32 $0x1BFF;
	s21 =	sshll.u32 s5, $0x1;
	s3 =	sadd.s32 s20, s19  }
0x9c: {  	s22 =	simm.s32 $0x0;
	s4 =	sshll.u32 s4, $0x1;
	s5 =	sadd.s32 s21, s3  }
0x9d: {  	[timem:s22], [sflag:s6] =	dma.local [hbm:s5], s4  }
0x9e: {  	_ =	swait.ge [sflag:s6], s4  }
0x9f: {  	s4 =	ssub.s32 $0x0, s4;
	[sflag:s6] =	ssyncset.done $0x0  }
0xa0: {  	[sflag:s6] =	ssyncadd.s32 s4;
	_ =	sdelay $0x1  }
0xa1: {  	s23 =	simm.s32 $0x1B8B  }
0xa2: {  	_ =	swait.ge [sflag:s23], $0x1  }
0xa3: {  	[sflag:s23] =	ssyncset.done $0x0  }
0xa4: {  	[sflag:s23] =	ssyncadd.s32 $0xFFFFFFFF  }
0xa5: {  	s4 =	sld [smem:$0x0]  }
0xa6: {  	s5 =	sand.u32 $0xFFFFFFFE, s1  }
0xa7: {  	p0 =	sne.s32 s1, s5  }
0xa8: {  	s5 =	sshll.u32 @p0 s5, $0xE  }
0xa9: {  	s5 =	sadd.s32 @p0 $0x11B8D, s5;
	s6 =	sshll.u32 @p0 s4, $0x11  }
0xaa: {  	s5 =	sor.u32 @p0 s6, s5  }
0xab: {  	[sflag:s5] =	ssyncadd.remote.s32 @p0 $0x1;
	_ =	sdelay $0x1  }
0xac: {  	s5 =	simm.s32 @p0 $0x1B8D  }
0xad: {  	_ =	swait.eq @p0 [sflag:s5], $0x1  }
0xae: {  	[sflag:s5] =	ssyncadd.s32 @p0 $0xFFFFFFFF  }
0xaf: {  	s6 =	sshll.u32 @!p0 s1, $0xE  }
0xb0: {  	s6 =	sor.u32 @!p0 $0x4000, s6;
	s5 =	simm.s32 @!p0 $0x1B8D  }
0xb1: {  	s4 =	sshll.u32 @!p0 s4, $0x11;
	s6 =	sadd.s32 @!p0 $0x11B8D, s6;
	_ =	swait.eq @!p0 [sflag:s5], $0x1  }
0xb2: {  	s4 =	sor.u32 @!p0 s4, s6;
	[sflag:s5] =	ssyncadd.s32 @!p0 $0xFFFFFFFF  }
0xb3: {  	s25 =	simm.s32 $0x1B8E;
	s24 =	sld [smem:$0x3FFE];
	[sflag:s4] =	ssyncadd.remote.s32 @!p0 $0x1  }
0xb4: {  	s26 =	simm.s32 $execute0_lowered;
	[smem:$0x3FD2] =	sst s25  }
0xb5: {  	s5 =	sshll.u32 s26, $0x1;
	_ =	strace $0x8000004C;
	[dreg:$0x1] =	wrdreg $0xFFFFFFFF  }
0xb6: {  	s28 =	simm.s32 $_size_execute0_lowered;
	s3 =	sadd.s32 s3, s5;
	[dreg:$0x0] =	wrdreg $0x0  }
0xb7: {  	s5 =	sshll.u32 s28, $0x1;
	[dreg:$0x2] =	wrdreg s3  }
0xb8: {  	[dreg:$0x3] =	wrdreg s5  }
0xb9: {  	[dreg:$0x4] =	wrdreg $0xC0  }
0xba: {  	_ =	task [dreg:s22], $0x5FFFF  }
0xbb: {  	[dreg:$0x1] =	wrdreg $0xFFFFFFFF  }
0xbc: {  	[dreg:$0x0] =	wrdreg $0x60  }
0xbd: {  	[dreg:$0x2] =	wrdreg s24  }
0xbe: {  	[dreg:$0x3] =	wrdreg $0x9  }
0xbf: {  	_ =	task.clear_ibuf [dreg:s22], $0x4FFFF;
	_ =	strace $0x9000004C  }
0xc0: {  	s29 =	simm.s32 $0x9;
	_ =	strace $0x8000004E  }
0xc1: {  	_ =	swait.ge [sflag:s29], $0x1  }
0xc2: {  	[sflag:s29] =	ssyncadd.s32 $0xFFFFFFFF  }
0xc3: {  	_ =	strace $0x9000004E  }
0xc4: {  	_ =	sfence  }
0xc5: {  	s30 =	sld [smem:$0x0];
	_ =	sdelay $0x2  }
0xc6: {  	s31 =	sshll.u32 s1, $0xD;
	s1 =	sshrl.u32 s1, $0x2  }
0xc7: {  	s4 =	sand.u32 $0x4000, s31;
	s1 =	sadd.s32 s1, s30  }
0xc8: {  	s0 =	sor.u32 s4, s0;
	s1 =	sshll.u32 s1, $0x11  }
0xc9: {  	s0 =	sor.u32 s1, s0  }
0xca: {  	s0 =	sadd.s32 $0x8F2B, s0  }
0xcb: {  	[sflag:s0] =	ssyncadd.remote.s32 $0x1  }
0xcc: {  	_ =	sfence.sel $0xFFFF  }
0xcd: {  	[dreg:$0x0] =	wrdreg $0xFFFFFFFF;
	(pc) =	sbr.abs _section_cstart, $3  }
0xce: {  	[dreg:$0x1] =	wrdreg $0xFFFFFFFF  }
0xcf: {  	_ =	task.clear_ibuf [dreg:s22], $0x2FFFF;
	_ =	strace $0x9FFFFFFF  }
0xd0: {  	(tm) =	ssettm $0x7FFFFFFF  }
0xd1: {  	_ =	shalt  }
tec
execute0_lowered:
.L_overlay_start_1:
0x0: {  	(tag) =	ssettag $0x1  }
0x1: {  	s0 =	rddreg [dreg:$0x0];
	s2 =	simm.s32 $0x0;
	s3 =	srdreg.scid  }
0x2: {  	s1 =	stileid.u32;
	s14 =	simm.s32 $0x100;
	s15 =	simm.s32 $0x900  }
0x3: {  	s16 =	simm.s32 $0x1100;
	s17 =	simm.s32 $0x1900;
	s18 =	simm.s32 $0x2100  }
0x4: {  	s19 =	simm.s32 $0x2900;
	s20 =	simm.s32 $0x3100;
	s21 =	simm.s32 $0x3900  }
0x5: {  	s22 =	simm.s32 $0x4100;
	s28 =	simm.s32 $0x6900;
	s29 =	simm.s32 $0x7100  }
0x6: {  	s30 =	simm.s32 $0x7900;
	s31 =	simm.s32 $0x1;
	[smem:$0x7FF] =	sst s2  }
0x7: {  	s4 =	sand.u32 $0x1, s3;
	s5 =	sshll.u32 s1, $0xA;
	s3 =	sadd.s32 $0x396C00, s0  }
0x8: {  	s8 =	sadd.s32 $0x348A00, s0;
	s0 =	sadd.s32 $0xAFC00, s0;
	s6 =	sshll.u32 s4, $0x9  }
0x9: {  	_ =	strace $0x8000004D;
	s4 =	ssub.s32 $0x2, s4;
	s9 =	sor.u32 s6, s5  }
0xa: {  	s23 =	sshrl.u32 s4, $0x1;
	s5 =	sshrl.u32 s9, $0x3;
	s7 =	sor.u32 $0x80, s9  }
0xb: {  	s11 =	ssub.s32 s4, s23;
	s25 =	sshll.u32 s9, $0x5;
	s10 =	sor.u32 $0x100, s9  }
0xc: {  	s9 =	sor.u32 $0x180, s9;
	s23 =	simm.s32 $0x4900;
	s5 =	sadd.s32 s8, s5  }
0xd: {  	s24 =	sshrl.u32 s7, $0x3;
	s26 =	sshrl.u32 s10, $0x3;
	s7 =	sshll.u32 s7, $0x5  }
0xe: {  	s12 =	sshrl.u32 s9, $0x3;
	s10 =	sshll.u32 s10, $0x5;
	s13 =	sshll.u32 s9, $0x5  }
0xf: {  	s11 =	smax.u32 s11, $0x1;
	[dreg:$0x2] =	wrdreg s5;
	s4 =	sadd.s32 s8, s24  }
0x10: {  	s5 =	sadd.s32 s0, s25;
	s6 =	sadd.s32 s8, s26;
	s7 =	sadd.s32 s0, s7  }
0x11: {  	v2 =	vlaneseq.u32;
	s8 =	sadd.s32 s8, s12;
	s9 =	sadd.s32 s0, s10;
	s10 =	sadd.s32 s0, s13  }
0x12: {  	vm0 =	vmmov $0xffff;
	v1 =	vshrl.u32 v2, $0x3;
	s12 =	simm.s32 $0x3;
	s13 =	simm.s32 $0x80;
	s24 =	simm.s32 $0x5100  }
0x13: {  	v0 =	vand.u32 $0x7, v2;
	v2 =	vor.u32 $0x8, v2;
	v1 =	vmul.u32 $0x8, v1;
	s25 =	simm.s32 $0x5900;
	s26 =	simm.s32 $0x6100;
	s0 =	simm.s32 $0x2  }
.LBB2_1:
0x14: {  	s1 =	rddreg [dreg:$0x2]  }
0x15: {  	[tilespmem:s2], [sflag:$0x3] =	stream.linear.gather [hbm4b:s1+s2], $0x80, $0x38;
	[tilespmem:$0x8100] =	vst v63  }
0x16: {  	_ =	swait.ge [sflag:s12], $0x80  }
0x17: {  	[sflag:s12] =	ssyncset.done $0x0  }
0x18: {  	[sflag:s12] =	ssyncadd.s32 $0xFFFFFF80  }
0x19: {  	[tilespmem:s13], [sflag:$0x2] =	stream.linear.gather [hbm4b:s4+s2], $0x80, $0x38;
	[tilespmem:$0x8100] =	vst v63  }
0x1a: {  	v3 =	vld [tilespmem:$0x0];
	_ =	sdelay $0x4  }
0x1b: {  	v4 =	vshll.u32 v3, $0x1  }
0x1c: {  	v3 =	vand.u32 $0x7, v3;
	v4 =	vand.u32 $0xFFFFFFF0, v4  }
0x1d: {  	v3 =	vor.u32 v3, v4  }
0x1e: {  	v4 =	vperm.xlane v3, v0;
	_ =	sdelay $0x1  }
0x1f: {  	v3 =	vperm.xlane v3, v2;
	v4 =	vadd.s32 v1, v4;
	_ =	sdelay $0x1  }
0x20: {  	v3 =	vadd.s32 v1, v3;
	_ =	sdelay $0x2  }
0x21: {  	[tilespmem:s14], [sflag:$0x1] =	stream.indirect_vreg.gather [hbm4b:s3+s2], $0x80, v4, vm0, $0xb8;
	[tilespmem:$0x8100] =	vst v63  }
0x22: {  	_ = 	snop  }
0x23: {  	[tilespmem:s15], [sflag:$0x1] =	stream.indirect_vreg.gather [hbm4b:s3+s2], $0x80, v3, vm0, $0xb8;
	[tilespmem:$0x8100] =	vst v63  }
0x24: {  	v3 =	vld [tilespmem:$0x10];
	_ =	sdelay $0x4  }
0x25: {  	v33 =	vshll.u32 v3, $0x1  }
0x26: {  	v3 =	vand.u32 $0x7, v3;
	v4 =	vand.u32 $0xFFFFFFF0, v33  }
0x27: {  	v3 =	vor.u32 v3, v4  }
0x28: {  	v4 =	vperm.xlane v3, v0;
	_ =	sdelay $0x1  }
0x29: {  	v3 =	vperm.xlane v3, v2;
	v4 =	vadd.s32 v1, v4;
	_ =	sdelay $0x1  }
0x2a: {  	v3 =	vadd.s32 v1, v3;
	_ =	sdelay $0x2  }
0x2b: {  	[tilespmem:s16], [sflag:$0x1] =	stream.indirect_vreg.gather [hbm4b:s3+s2], $0x80, v4, vm0, $0xb8;
	[tilespmem:$0x8100] =	vst v63  }
0x2c: {  	_ = 	snop  }
0x2d: {  	[tilespmem:s17], [sflag:$0x1] =	stream.indirect_vreg.gather [hbm4b:s3+s2], $0x80, v3, vm0, $0xb8;
	[tilespmem:$0x8100] =	vst v63  }
0x2e: {  	v3 =	vld [tilespmem:$0x20];
	_ =	sdelay $0x4  }
0x2f: {  	v34 =	vshll.u32 v3, $0x1  }
0x30: {  	v3 =	vand.u32 $0x7, v3;
	v4 =	vand.u32 $0xFFFFFFF0, v34  }
0x31: {  	v3 =	vor.u32 v3, v4  }
0x32: {  	v4 =	vperm.xlane v3, v0;
	_ =	sdelay $0x1  }
0x33: {  	v3 =	vperm.xlane v3, v2;
	v4 =	vadd.s32 v1, v4;
	_ =	sdelay $0x1  }
0x34: {  	v3 =	vadd.s32 v1, v3;
	_ =	sdelay $0x2  }
0x35: {  	[tilespmem:s18], [sflag:$0x1] =	stream.indirect_vreg.gather [hbm4b:s3+s2], $0x80, v4, vm0, $0xb8;
	[tilespmem:$0x8100] =	vst v63  }
0x36: {  	_ = 	snop  }
0x37: {  	[tilespmem:s19], [sflag:$0x1] =	stream.indirect_vreg.gather [hbm4b:s3+s2], $0x80, v3, vm0, $0xb8;
	[tilespmem:$0x8100] =	vst v63  }
0x38: {  	v3 =	vld [tilespmem:$0x30];
	_ =	sdelay $0x4  }
0x39: {  	v35 =	vshll.u32 v3, $0x1  }
0x3a: {  	v3 =	vand.u32 $0x7, v3;
	v4 =	vand.u32 $0xFFFFFFF0, v35  }
0x3b: {  	v3 =	vor.u32 v3, v4  }
0x3c: {  	v4 =	vperm.xlane v3, v0;
	_ =	sdelay $0x1  }
0x3d: {  	v3 =	vperm.xlane v3, v2;
	v4 =	vadd.s32 v1, v4;
	_ =	sdelay $0x1  }
0x3e: {  	v3 =	vadd.s32 v1, v3;
	_ =	sdelay $0x2  }
0x3f: {  	[tilespmem:s20], [sflag:$0x1] =	stream.indirect_vreg.gather [hbm4b:s3+s2], $0x80, v4, vm0, $0xb8;
	[tilespmem:$0x8100] =	vst v63  }
0x40: {  	_ = 	snop  }
0x41: {  	[tilespmem:s21], [sflag:$0x1] =	stream.indirect_vreg.gather [hbm4b:s3+s2], $0x80, v3, vm0, $0xb8;
	[tilespmem:$0x8100] =	vst v63  }
0x42: {  	v3 =	vld [tilespmem:$0x40];
	_ =	sdelay $0x4  }
0x43: {  	v36 =	vshll.u32 v3, $0x1  }
0x44: {  	v3 =	vand.u32 $0x7, v3;
	v4 =	vand.u32 $0xFFFFFFF0, v36  }
0x45: {  	v3 =	vor.u32 v3, v4  }
0x46: {  	v4 =	vperm.xlane v3, v0;
	_ =	sdelay $0x1  }
0x47: {  	v3 =	vperm.xlane v3, v2;
	v4 =	vadd.s32 v1, v4;
	_ =	sdelay $0x1  }
0x48: {  	v3 =	vadd.s32 v1, v3;
	_ =	sdelay $0x2  }
0x49: {  	[tilespmem:s22], [sflag:$0x1] =	stream.indirect_vreg.gather [hbm4b:s3+s2], $0x80, v4, vm0, $0xb8;
	[tilespmem:$0x8100] =	vst v63  }
0x4a: {  	_ = 	snop  }
0x4b: {  	[tilespmem:s23], [sflag:$0x1] =	stream.indirect_vreg.gather [hbm4b:s3+s2], $0x80, v3, vm0, $0xb8;
	[tilespmem:$0x8100] =	vst v63  }
0x4c: {  	v3 =	vld [tilespmem:$0x50];
	_ =	sdelay $0x4  }
0x4d: {  	v37 =	vshll.u32 v3, $0x1  }
0x4e: {  	v3 =	vand.u32 $0x7, v3;
	v4 =	vand.u32 $0xFFFFFFF0, v37  }
0x4f: {  	v3 =	vor.u32 v3, v4  }
0x50: {  	v4 =	vperm.xlane v3, v0;
	_ =	sdelay $0x1  }
0x51: {  	v3 =	vperm.xlane v3, v2;
	v4 =	vadd.s32 v1, v4;
	_ =	sdelay $0x1  }
0x52: {  	v3 =	vadd.s32 v1, v3;
	_ =	sdelay $0x2  }
0x53: {  	[tilespmem:s24], [sflag:$0x1] =	stream.indirect_vreg.gather [hbm4b:s3+s2], $0x80, v4, vm0, $0xb8;
	[tilespmem:$0x8100] =	vst v63  }
0x54: {  	_ = 	snop  }
0x55: {  	[tilespmem:s25], [sflag:$0x1] =	stream.indirect_vreg.gather [hbm4b:s3+s2], $0x80, v3, vm0, $0xb8;
	[tilespmem:$0x8100] =	vst v63  }
0x56: {  	v3 =	vld [tilespmem:$0x60];
	_ =	sdelay $0x4  }
0x57: {  	v38 =	vshll.u32 v3, $0x1  }
0x58: {  	v3 =	vand.u32 $0x7, v3;
	v4 =	vand.u32 $0xFFFFFFF0, v38  }
0x59: {  	v3 =	vor.u32 v3, v4  }
0x5a: {  	v4 =	vperm.xlane v3, v0;
	_ =	sdelay $0x1  }
0x5b: {  	v3 =	vperm.xlane v3, v2;
	v4 =	vadd.s32 v1, v4;
	_ =	sdelay $0x1  }
0x5c: {  	v3 =	vadd.s32 v1, v3;
	_ =	sdelay $0x2  }
0x5d: {  	[tilespmem:s26], [sflag:$0x1] =	stream.indirect_vreg.gather [hbm4b:s3+s2], $0x80, v4, vm0, $0xb8;
	[tilespmem:$0x8100] =	vst v63  }
0x5e: {  	_ = 	snop  }
0x5f: {  	[tilespmem:s28], [sflag:$0x1] =	stream.indirect_vreg.gather [hbm4b:s3+s2], $0x80, v3, vm0, $0xb8;
	[tilespmem:$0x8100] =	vst v63  }
0x60: {  	v3 =	vld [tilespmem:$0x70];
	_ =	sdelay $0x4  }
0x61: {  	v39 =	vshll.u32 v3, $0x1  }
0x62: {  	v3 =	vand.u32 $0x7, v3;
	v4 =	vand.u32 $0xFFFFFFF0, v39  }
0x63: {  	v3 =	vor.u32 v3, v4  }
0x64: {  	v4 =	vperm.xlane v3, v0;
	_ =	sdelay $0x1  }
0x65: {  	v3 =	vperm.xlane v3, v2;
	v4 =	vadd.s32 v1, v4;
	_ =	sdelay $0x1  }
0x66: {  	v3 =	vadd.s32 v1, v3;
	_ =	sdelay $0x2  }
0x67: {  	[tilespmem:s29], [sflag:$0x1] =	stream.indirect_vreg.gather [hbm4b:s3+s2], $0x80, v4, vm0, $0xb8;
	[tilespmem:$0x8100] =	vst v63  }
0x68: {  	_ = 	snop  }
0x69: {  	[tilespmem:s30], [sflag:$0x1] =	stream.indirect_vreg.gather [hbm4b:s3+s2], $0x80, v3, vm0, $0xb8;
	[tilespmem:$0x8100] =	vst v63  }
0x6a: {  	_ =	swait.ge [sflag:s31], $0x8000  }
0x6b: {  	[sflag:s31] =	ssyncset.done $0x0  }
0x6c: {  	[sflag:s31] =	ssyncadd.s32 $0xFFFF8000  }
0x6d: {  	[hbm4b:s5+s2] =	stream.linear.scatter [tilespmem:s14], [sflag:$0x3], $0x8000, $0x38;
	[tilespmem:$0x8100] =	vst v63  }
0x6e: {  	_ =	swait.ge [sflag:s12], $0x8000  }
0x6f: {  	[sflag:s12] =	ssyncset.done $0x0  }
0x70: {  	[sflag:s12] =	ssyncadd.s32 $0xFFFF8000  }
0x71: {  	_ =	swait.ge [sflag:s0], $0x80  }
0x72: {  	[sflag:s0] =	ssyncset.done $0x0  }
0x73: {  	[sflag:s0] =	ssyncadd.s32 $0xFFFFFF80  }
0x74: {  	[tilespmem:s2], [sflag:$0x2] =	stream.linear.gather [hbm4b:s6+s2], $0x80, $0x38;
	[tilespmem:$0x8100] =	vst v63  }
0x75: {  	v3 =	vld [tilespmem:$0x80];
	_ =	sdelay $0x4  }
0x76: {  	v40 =	vshll.u32 v3, $0x1  }
0x77: {  	v3 =	vand.u32 $0x7, v3;
	v4 =	vand.u32 $0xFFFFFFF0, v40  }
0x78: {  	v3 =	vor.u32 v3, v4  }
0x79: {  	v4 =	vperm.xlane v3, v0;
	_ =	sdelay $0x1  }
0x7a: {  	v3 =	vperm.xlane v3, v2;
	v4 =	vadd.s32 v1, v4;
	_ =	sdelay $0x1  }
0x7b: {  	v3 =	vadd.s32 v1, v3;
	_ =	sdelay $0x2  }
0x7c: {  	[tilespmem:s14], [sflag:$0x1] =	stream.indirect_vreg.gather [hbm4b:s3+s2], $0x80, v4, vm0, $0xb8;
	[tilespmem:$0x8100] =	vst v63  }
0x7d: {  	_ = 	snop  }
0x7e: {  	[tilespmem:s15], [sflag:$0x1] =	stream.indirect_vreg.gather [hbm4b:s3+s2], $0x80, v3, vm0, $0xb8;
	[tilespmem:$0x8100] =	vst v63  }
0x7f: {  	v3 =	vld [tilespmem:$0x90];
	_ =	sdelay $0x4  }
0x80: {  	v41 =	vshll.u32 v3, $0x1  }
0x81: {  	v3 =	vand.u32 $0x7, v3;
	v4 =	vand.u32 $0xFFFFFFF0, v41  }
0x82: {  	v3 =	vor.u32 v3, v4  }
0x83: {  	v4 =	vperm.xlane v3, v0;
	_ =	sdelay $0x1  }
0x84: {  	v3 =	vperm.xlane v3, v2;
	v4 =	vadd.s32 v1, v4;
	_ =	sdelay $0x1  }
0x85: {  	v3 =	vadd.s32 v1, v3;
	_ =	sdelay $0x2  }
0x86: {  	[tilespmem:s16], [sflag:$0x1] =	stream.indirect_vreg.gather [hbm4b:s3+s2], $0x80, v4, vm0, $0xb8;
	[tilespmem:$0x8100] =	vst v63  }
0x87: {  	_ = 	snop  }
0x88: {  	[tilespmem:s17], [sflag:$0x1] =	stream.indirect_vreg.gather [hbm4b:s3+s2], $0x80, v3, vm0, $0xb8;
	[tilespmem:$0x8100] =	vst v63  }
0x89: {  	v3 =	vld [tilespmem:$0xA0];
	_ =	sdelay $0x4  }
0x8a: {  	v42 =	vshll.u32 v3, $0x1  }
0x8b: {  	v3 =	vand.u32 $0x7, v3;
	v4 =	vand.u32 $0xFFFFFFF0, v42  }
0x8c: {  	v3 =	vor.u32 v3, v4  }
0x8d: {  	v4 =	vperm.xlane v3, v0;
	_ =	sdelay $0x1  }
0x8e: {  	v3 =	vperm.xlane v3, v2;
	v4 =	vadd.s32 v1, v4;
	_ =	sdelay $0x1  }
0x8f: {  	v3 =	vadd.s32 v1, v3;
	_ =	sdelay $0x2  }
0x90: {  	[tilespmem:s18], [sflag:$0x1] =	stream.indirect_vreg.gather [hbm4b:s3+s2], $0x80, v4, vm0, $0xb8;
	[tilespmem:$0x8100] =	vst v63  }
0x91: {  	_ = 	snop  }
0x92: {  	[tilespmem:s19], [sflag:$0x1] =	stream.indirect_vreg.gather [hbm4b:s3+s2], $0x80, v3, vm0, $0xb8;
	[tilespmem:$0x8100] =	vst v63  }
0x93: {  	v3 =	vld [tilespmem:$0xB0];
	_ =	sdelay $0x4  }
0x94: {  	v43 =	vshll.u32 v3, $0x1  }
0x95: {  	v3 =	vand.u32 $0x7, v3;
	v4 =	vand.u32 $0xFFFFFFF0, v43  }
0x96: {  	v3 =	vor.u32 v3, v4  }
0x97: {  	v4 =	vperm.xlane v3, v0;
	_ =	sdelay $0x1  }
0x98: {  	v3 =	vperm.xlane v3, v2;
	v4 =	vadd.s32 v1, v4;
	_ =	sdelay $0x1  }
0x99: {  	v3 =	vadd.s32 v1, v3;
	_ =	sdelay $0x2  }
0x9a: {  	[tilespmem:s20], [sflag:$0x1] =	stream.indirect_vreg.gather [hbm4b:s3+s2], $0x80, v4, vm0, $0xb8;
	[tilespmem:$0x8100] =	vst v63  }
0x9b: {  	_ = 	snop  }
0x9c: {  	[tilespmem:s21], [sflag:$0x1] =	stream.indirect_vreg.gather [hbm4b:s3+s2], $0x80, v3, vm0, $0xb8;
	[tilespmem:$0x8100] =	vst v63  }
0x9d: {  	v3 =	vld [tilespmem:$0xC0];
	_ =	sdelay $0x4  }
0x9e: {  	v44 =	vshll.u32 v3, $0x1  }
0x9f: {  	v3 =	vand.u32 $0x7, v3;
	v4 =	vand.u32 $0xFFFFFFF0, v44  }
0xa0: {  	v3 =	vor.u32 v3, v4  }
0xa1: {  	v4 =	vperm.xlane v3, v0;
	_ =	sdelay $0x1  }
0xa2: {  	v3 =	vperm.xlane v3, v2;
	v4 =	vadd.s32 v1, v4;
	_ =	sdelay $0x1  }
0xa3: {  	v3 =	vadd.s32 v1, v3;
	_ =	sdelay $0x2  }
0xa4: {  	[tilespmem:s22], [sflag:$0x1] =	stream.indirect_vreg.gather [hbm4b:s3+s2], $0x80, v4, vm0, $0xb8;
	[tilespmem:$0x8100] =	vst v63  }
0xa5: {  	_ = 	snop  }
0xa6: {  	[tilespmem:s23], [sflag:$0x1] =	stream.indirect_vreg.gather [hbm4b:s3+s2], $0x80, v3, vm0, $0xb8;
	[tilespmem:$0x8100] =	vst v63  }
0xa7: {  	v3 =	vld [tilespmem:$0xD0];
	_ =	sdelay $0x4  }
0xa8: {  	v45 =	vshll.u32 v3, $0x1  }
0xa9: {  	v3 =	vand.u32 $0x7, v3;
	v4 =	vand.u32 $0xFFFFFFF0, v45  }
0xaa: {  	v3 =	vor.u32 v3, v4  }
0xab: {  	v4 =	vperm.xlane v3, v0;
	_ =	sdelay $0x1  }
0xac: {  	v3 =	vperm.xlane v3, v2;
	v4 =	vadd.s32 v1, v4;
	_ =	sdelay $0x1  }
0xad: {  	v3 =	vadd.s32 v1, v3;
	_ =	sdelay $0x2  }
0xae: {  	[tilespmem:s24], [sflag:$0x1] =	stream.indirect_vreg.gather [hbm4b:s3+s2], $0x80, v4, vm0, $0xb8;
	[tilespmem:$0x8100] =	vst v63  }
0xaf: {  	_ = 	snop  }
0xb0: {  	[tilespmem:s25], [sflag:$0x1] =	stream.indirect_vreg.gather [hbm4b:s3+s2], $0x80, v3, vm0, $0xb8;
	[tilespmem:$0x8100] =	vst v63  }
0xb1: {  	v3 =	vld [tilespmem:$0xE0];
	_ =	sdelay $0x4  }
0xb2: {  	v46 =	vshll.u32 v3, $0x1  }
0xb3: {  	v3 =	vand.u32 $0x7, v3;
	v4 =	vand.u32 $0xFFFFFFF0, v46  }
0xb4: {  	v3 =	vor.u32 v3, v4  }
0xb5: {  	v4 =	vperm.xlane v3, v0;
	_ =	sdelay $0x1  }
0xb6: {  	v3 =	vperm.xlane v3, v2;
	v4 =	vadd.s32 v1, v4;
	_ =	sdelay $0x1  }
0xb7: {  	v3 =	vadd.s32 v1, v3;
	_ =	sdelay $0x2  }
0xb8: {  	[tilespmem:s26], [sflag:$0x1] =	stream.indirect_vreg.gather [hbm4b:s3+s2], $0x80, v4, vm0, $0xb8;
	[tilespmem:$0x8100] =	vst v63  }
0xb9: {  	_ = 	snop  }
0xba: {  	[tilespmem:s28], [sflag:$0x1] =	stream.indirect_vreg.gather [hbm4b:s3+s2], $0x80, v3, vm0, $0xb8;
	[tilespmem:$0x8100] =	vst v63  }
0xbb: {  	v3 =	vld [tilespmem:$0xF0];
	_ =	sdelay $0x4  }
0xbc: {  	v47 =	vshll.u32 v3, $0x1  }
0xbd: {  	v3 =	vand.u32 $0x7, v3;
	v4 =	vand.u32 $0xFFFFFFF0, v47  }
0xbe: {  	v3 =	vor.u32 v3, v4  }
0xbf: {  	v4 =	vperm.xlane v3, v0;
	_ =	sdelay $0x1  }
0xc0: {  	v3 =	vperm.xlane v3, v2;
	v4 =	vadd.s32 v1, v4;
	_ =	sdelay $0x1  }
0xc1: {  	v3 =	vadd.s32 v1, v3;
	_ =	sdelay $0x2  }
0xc2: {  	[tilespmem:s29], [sflag:$0x1] =	stream.indirect_vreg.gather [hbm4b:s3+s2], $0x80, v4, vm0, $0xb8;
	[tilespmem:$0x8100] =	vst v63  }
0xc3: {  	_ = 	snop  }
0xc4: {  	[tilespmem:s30], [sflag:$0x1] =	stream.indirect_vreg.gather [hbm4b:s3+s2], $0x80, v3, vm0, $0xb8;
	[tilespmem:$0x8100] =	vst v63  }
0xc5: {  	_ =	swait.ge [sflag:s31], $0x8000  }
0xc6: {  	[sflag:s31] =	ssyncset.done $0x0  }
0xc7: {  	[sflag:s31] =	ssyncadd.s32 $0xFFFF8000  }
0xc8: {  	[hbm4b:s7+s2] =	stream.linear.scatter [tilespmem:s14], [sflag:$0x3], $0x8000, $0x38;
	[tilespmem:$0x8100] =	vst v63  }
0xc9: {  	_ =	swait.ge [sflag:s12], $0x8000  }
0xca: {  	[sflag:s12] =	ssyncset.done $0x0  }
0xcb: {  	[sflag:s12] =	ssyncadd.s32 $0xFFFF8000  }
0xcc: {  	_ =	swait.ge [sflag:s0], $0x80  }
0xcd: {  	[sflag:s0] =	ssyncset.done $0x0  }
0xce: {  	[sflag:s0] =	ssyncadd.s32 $0xFFFFFF80  }
0xcf: {  	[tilespmem:s13], [sflag:$0x2] =	stream.linear.gather [hbm4b:s8+s2], $0x80, $0x38;
	[tilespmem:$0x8100] =	vst v63  }
0xd0: {  	v3 =	vld [tilespmem:$0x0];
	_ =	sdelay $0x4  }
0xd1: {  	v48 =	vshll.u32 v3, $0x1  }
0xd2: {  	v3 =	vand.u32 $0x7, v3;
	v4 =	vand.u32 $0xFFFFFFF0, v48  }
0xd3: {  	v3 =	vor.u32 v3, v4  }
0xd4: {  	v4 =	vperm.xlane v3, v0;
	_ =	sdelay $0x1  }
0xd5: {  	v3 =	vperm.xlane v3, v2;
	v4 =	vadd.s32 v1, v4;
	_ =	sdelay $0x1  }
0xd6: {  	v3 =	vadd.s32 v1, v3;
	_ =	sdelay $0x2  }
0xd7: {  	[tilespmem:s14], [sflag:$0x1] =	stream.indirect_vreg.gather [hbm4b:s3+s2], $0x80, v4, vm0, $0xb8;
	[tilespmem:$0x8100] =	vst v63  }
0xd8: {  	_ = 	snop  }
0xd9: {  	[tilespmem:s15], [sflag:$0x1] =	stream.indirect_vreg.gather [hbm4b:s3+s2], $0x80, v3, vm0, $0xb8;
	[tilespmem:$0x8100] =	vst v63  }
0xda: {  	v3 =	vld [tilespmem:$0x10];
	_ =	sdelay $0x4  }
0xdb: {  	v49 =	vshll.u32 v3, $0x1  }
0xdc: {  	v3 =	vand.u32 $0x7, v3;
	v4 =	vand.u32 $0xFFFFFFF0, v49  }
0xdd: {  	v3 =	vor.u32 v3, v4  }
0xde: {  	v4 =	vperm.xlane v3, v0;
	_ =	sdelay $0x1  }
0xdf: {  	v3 =	vperm.xlane v3, v2;
	v4 =	vadd.s32 v1, v4;
	_ =	sdelay $0x1  }
0xe0: {  	v3 =	vadd.s32 v1, v3;
	_ =	sdelay $0x2  }
0xe1: {  	[tilespmem:s16], [sflag:$0x1] =	stream.indirect_vreg.gather [hbm4b:s3+s2], $0x80, v4, vm0, $0xb8;
	[tilespmem:$0x8100] =	vst v63  }
0xe2: {  	_ = 	snop  }
0xe3: {  	[tilespmem:s17], [sflag:$0x1] =	stream.indirect_vreg.gather [hbm4b:s3+s2], $0x80, v3, vm0, $0xb8;
	[tilespmem:$0x8100] =	vst v63  }
0xe4: {  	v3 =	vld [tilespmem:$0x20];
	_ =	sdelay $0x4  }
0xe5: {  	v50 =	vshll.u32 v3, $0x1  }
0xe6: {  	v3 =	vand.u32 $0x7, v3;
	v4 =	vand.u32 $0xFFFFFFF0, v50  }
0xe7: {  	v3 =	vor.u32 v3, v4  }
0xe8: {  	v4 =	vperm.xlane v3, v0;
	_ =	sdelay $0x1  }
0xe9: {  	v3 =	vperm.xlane v3, v2;
	v4 =	vadd.s32 v1, v4;
	_ =	sdelay $0x1  }
0xea: {  	v3 =	vadd.s32 v1, v3;
	_ =	sdelay $0x2  }
0xeb: {  	[tilespmem:s18], [sflag:$0x1] =	stream.indirect_vreg.gather [hbm4b:s3+s2], $0x80, v4, vm0, $0xb8;
	[tilespmem:$0x8100] =	vst v63  }
0xec: {  	_ = 	snop  }
0xed: {  	[tilespmem:s19], [sflag:$0x1] =	stream.indirect_vreg.gather [hbm4b:s3+s2], $0x80, v3, vm0, $0xb8;
	[tilespmem:$0x8100] =	vst v63  }
0xee: {  	v3 =	vld [tilespmem:$0x30];
	_ =	sdelay $0x4  }
0xef: {  	v51 =	vshll.u32 v3, $0x1  }
0xf0: {  	v3 =	vand.u32 $0x7, v3;
	v4 =	vand.u32 $0xFFFFFFF0, v51  }
0xf1: {  	v3 =	vor.u32 v3, v4  }
0xf2: {  	v4 =	vperm.xlane v3, v0;
	_ =	sdelay $0x1  }
0xf3: {  	v3 =	vperm.xlane v3, v2;
	v4 =	vadd.s32 v1, v4;
	_ =	sdelay $0x1  }
0xf4: {  	v3 =	vadd.s32 v1, v3;
	_ =	sdelay $0x2  }
0xf5: {  	[tilespmem:s20], [sflag:$0x1] =	stream.indirect_vreg.gather [hbm4b:s3+s2], $0x80, v4, vm0, $0xb8;
	[tilespmem:$0x8100] =	vst v63  }
0xf6: {  	_ = 	snop  }
0xf7: {  	[tilespmem:s21], [sflag:$0x1] =	stream.indirect_vreg.gather [hbm4b:s3+s2], $0x80, v3, vm0, $0xb8;
	[tilespmem:$0x8100] =	vst v63  }
0xf8: {  	v3 =	vld [tilespmem:$0x40];
	_ =	sdelay $0x4  }
0xf9: {  	v52 =	vshll.u32 v3, $0x1  }
0xfa: {  	v3 =	vand.u32 $0x7, v3;
	v4 =	vand.u32 $0xFFFFFFF0, v52  }
0xfb: {  	v3 =	vor.u32 v3, v4  }
0xfc: {  	v4 =	vperm.xlane v3, v0;
	_ =	sdelay $0x1  }
0xfd: {  	v3 =	vperm.xlane v3, v2;
	v4 =	vadd.s32 v1, v4;
	_ =	sdelay $0x1  }
0xfe: {  	v3 =	vadd.s32 v1, v3;
	_ =	sdelay $0x2  }
0xff: {  	[tilespmem:s22], [sflag:$0x1] =	stream.indirect_vreg.gather [hbm4b:s3+s2], $0x80, v4, vm0, $0xb8;
	[tilespmem:$0x8100] =	vst v63  }
0x100: {  	_ = 	snop  }
0x101: {  	[tilespmem:s23], [sflag:$0x1] =	stream.indirect_vreg.gather [hbm4b:s3+s2], $0x80, v3, vm0, $0xb8;
	[tilespmem:$0x8100] =	vst v63  }
0x102: {  	v3 =	vld [tilespmem:$0x50];
	_ =	sdelay $0x4  }
0x103: {  	v53 =	vshll.u32 v3, $0x1  }
0x104: {  	v3 =	vand.u32 $0x7, v3;
	v4 =	vand.u32 $0xFFFFFFF0, v53  }
0x105: {  	v3 =	vor.u32 v3, v4  }
0x106: {  	v4 =	vperm.xlane v3, v0;
	_ =	sdelay $0x1  }
0x107: {  	v3 =	vperm.xlane v3, v2;
	v4 =	vadd.s32 v1, v4;
	_ =	sdelay $0x1  }
0x108: {  	v3 =	vadd.s32 v1, v3;
	_ =	sdelay $0x2  }
0x109: {  	[tilespmem:s24], [sflag:$0x1] =	stream.indirect_vreg.gather [hbm4b:s3+s2], $0x80, v4, vm0, $0xb8;
	[tilespmem:$0x8100] =	vst v63  }
0x10a: {  	_ = 	snop  }
0x10b: {  	[tilespmem:s25], [sflag:$0x1] =	stream.indirect_vreg.gather [hbm4b:s3+s2], $0x80, v3, vm0, $0xb8;
	[tilespmem:$0x8100] =	vst v63  }
0x10c: {  	v3 =	vld [tilespmem:$0x60];
	_ =	sdelay $0x4  }
0x10d: {  	v54 =	vshll.u32 v3, $0x1  }
0x10e: {  	v3 =	vand.u32 $0x7, v3;
	v4 =	vand.u32 $0xFFFFFFF0, v54  }
0x10f: {  	v3 =	vor.u32 v3, v4  }
0x110: {  	v4 =	vperm.xlane v3, v0;
	_ =	sdelay $0x1  }
0x111: {  	v3 =	vperm.xlane v3, v2;
	v4 =	vadd.s32 v1, v4;
	_ =	sdelay $0x1  }
0x112: {  	v3 =	vadd.s32 v1, v3;
	_ =	sdelay $0x2  }
0x113: {  	[tilespmem:s26], [sflag:$0x1] =	stream.indirect_vreg.gather [hbm4b:s3+s2], $0x80, v4, vm0, $0xb8;
	[tilespmem:$0x8100] =	vst v63  }
0x114: {  	_ = 	snop  }
0x115: {  	[tilespmem:s28], [sflag:$0x1] =	stream.indirect_vreg.gather [hbm4b:s3+s2], $0x80, v3, vm0, $0xb8;
	[tilespmem:$0x8100] =	vst v63  }
0x116: {  	v3 =	vld [tilespmem:$0x70];
	_ =	sdelay $0x4  }
0x117: {  	v55 =	vshll.u32 v3, $0x1  }
0x118: {  	v3 =	vand.u32 $0x7, v3;
	v4 =	vand.u32 $0xFFFFFFF0, v55  }
0x119: {  	v3 =	vor.u32 v3, v4  }
0x11a: {  	v4 =	vperm.xlane v3, v0;
	_ =	sdelay $0x1  }
0x11b: {  	v3 =	vperm.xlane v3, v2;
	v4 =	vadd.s32 v1, v4;
	_ =	sdelay $0x1  }
0x11c: {  	v3 =	vadd.s32 v1, v3;
	_ =	sdelay $0x2  }
0x11d: {  	[tilespmem:s29], [sflag:$0x1] =	stream.indirect_vreg.gather [hbm4b:s3+s2], $0x80, v4, vm0, $0xb8;
	[tilespmem:$0x8100] =	vst v63  }
0x11e: {  	_ = 	snop  }
0x11f: {  	[tilespmem:s30], [sflag:$0x1] =	stream.indirect_vreg.gather [hbm4b:s3+s2], $0x80, v3, vm0, $0xb8;
	[tilespmem:$0x8100] =	vst v63  }
0x120: {  	_ =	swait.ge [sflag:s31], $0x8000  }
0x121: {  	[sflag:s31] =	ssyncset.done $0x0  }
0x122: {  	[sflag:s31] =	ssyncadd.s32 $0xFFFF8000  }
0x123: {  	[hbm4b:s9+s2] =	stream.linear.scatter [tilespmem:s14], [sflag:$0x3], $0x8000, $0x38;
	[tilespmem:$0x8100] =	vst v63  }
0x124: {  	_ =	swait.ge [sflag:s12], $0x8000  }
0x125: {  	[sflag:s12] =	ssyncset.done $0x0  }
0x126: {  	[sflag:s12] =	ssyncadd.s32 $0xFFFF8000  }
0x127: {  	_ =	swait.ge [sflag:s0], $0x80  }
0x128: {  	[sflag:s0] =	ssyncset.done $0x0  }
0x129: {  	[sflag:s0] =	ssyncadd.s32 $0xFFFFFF80  }
0x12a: {  	v3 =	vld [tilespmem:$0x80];
	_ =	sdelay $0x4  }
0x12b: {  	v56 =	vshll.u32 v3, $0x1  }
0x12c: {  	v3 =	vand.u32 $0x7, v3;
	v4 =	vand.u32 $0xFFFFFFF0, v56  }
0x12d: {  	v3 =	vor.u32 v3, v4  }
0x12e: {  	v4 =	vperm.xlane v3, v0;
	_ =	sdelay $0x1  }
0x12f: {  	v3 =	vperm.xlane v3, v2;
	v4 =	vadd.s32 v1, v4;
	_ =	sdelay $0x1  }
0x130: {  	v3 =	vadd.s32 v1, v3;
	_ =	sdelay $0x2  }
0x131: {  	[tilespmem:s14], [sflag:$0x1] =	stream.indirect_vreg.gather [hbm4b:s3+s2], $0x80, v4, vm0, $0xb8;
	[tilespmem:$0x8100] =	vst v63  }
0x132: {  	_ = 	snop  }
0x133: {  	[tilespmem:s15], [sflag:$0x1] =	stream.indirect_vreg.gather [hbm4b:s3+s2], $0x80, v3, vm0, $0xb8;
	[tilespmem:$0x8100] =	vst v63  }
0x134: {  	v3 =	vld [tilespmem:$0x90];
	_ =	sdelay $0x4  }
0x135: {  	v57 =	vshll.u32 v3, $0x1  }
0x136: {  	v3 =	vand.u32 $0x7, v3;
	v4 =	vand.u32 $0xFFFFFFF0, v57  }
0x137: {  	v3 =	vor.u32 v3, v4  }
0x138: {  	v4 =	vperm.xlane v3, v0;
	_ =	sdelay $0x1  }
0x139: {  	v3 =	vperm.xlane v3, v2;
	v4 =	vadd.s32 v1, v4;
	_ =	sdelay $0x1  }
0x13a: {  	v3 =	vadd.s32 v1, v3;
	_ =	sdelay $0x2  }
0x13b: {  	[tilespmem:s16], [sflag:$0x1] =	stream.indirect_vreg.gather [hbm4b:s3+s2], $0x80, v4, vm0, $0xb8;
	[tilespmem:$0x8100] =	vst v63  }
0x13c: {  	_ = 	snop  }
0x13d: {  	[tilespmem:s17], [sflag:$0x1] =	stream.indirect_vreg.gather [hbm4b:s3+s2], $0x80, v3, vm0, $0xb8;
	[tilespmem:$0x8100] =	vst v63  }
0x13e: {  	v3 =	vld [tilespmem:$0xA0];
	_ =	sdelay $0x4  }
0x13f: {  	v58 =	vshll.u32 v3, $0x1  }
0x140: {  	v3 =	vand.u32 $0x7, v3;
	v4 =	vand.u32 $0xFFFFFFF0, v58  }
0x141: {  	v3 =	vor.u32 v3, v4  }
0x142: {  	v4 =	vperm.xlane v3, v0;
	_ =	sdelay $0x1  }
0x143: {  	v3 =	vperm.xlane v3, v2;
	v4 =	vadd.s32 v1, v4;
	_ =	sdelay $0x1  }
0x144: {  	v3 =	vadd.s32 v1, v3;
	_ =	sdelay $0x2  }
0x145: {  	[tilespmem:s18], [sflag:$0x1] =	stream.indirect_vreg.gather [hbm4b:s3+s2], $0x80, v4, vm0, $0xb8;
	[tilespmem:$0x8100] =	vst v63  }
0x146: {  	_ = 	snop  }
0x147: {  	[tilespmem:s19], [sflag:$0x1] =	stream.indirect_vreg.gather [hbm4b:s3+s2], $0x80, v3, vm0, $0xb8;
	[tilespmem:$0x8100] =	vst v63  }
0x148: {  	v3 =	vld [tilespmem:$0xB0];
	_ =	sdelay $0x4  }
0x149: {  	v59 =	vshll.u32 v3, $0x1  }
0x14a: {  	v3 =	vand.u32 $0x7, v3;
	v4 =	vand.u32 $0xFFFFFFF0, v59  }
0x14b: {  	v3 =	vor.u32 v3, v4  }
0x14c: {  	v4 =	vperm.xlane v3, v0;
	_ =	sdelay $0x1  }
0x14d: {  	v3 =	vperm.xlane v3, v2;
	v4 =	vadd.s32 v1, v4;
	_ =	sdelay $0x1  }
0x14e: {  	v3 =	vadd.s32 v1, v3;
	_ =	sdelay $0x2  }
0x14f: {  	[tilespmem:s20], [sflag:$0x1] =	stream.indirect_vreg.gather [hbm4b:s3+s2], $0x80, v4, vm0, $0xb8;
	[tilespmem:$0x8100] =	vst v63  }
0x150: {  	_ = 	snop  }
0x151: {  	[tilespmem:s21], [sflag:$0x1] =	stream.indirect_vreg.gather [hbm4b:s3+s2], $0x80, v3, vm0, $0xb8;
	[tilespmem:$0x8100] =	vst v63  }
0x152: {  	v3 =	vld [tilespmem:$0xC0];
	_ =	sdelay $0x4  }
0x153: {  	v60 =	vshll.u32 v3, $0x1  }
0x154: {  	v3 =	vand.u32 $0x7, v3;
	v4 =	vand.u32 $0xFFFFFFF0, v60  }
0x155: {  	v3 =	vor.u32 v3, v4  }
0x156: {  	v4 =	vperm.xlane v3, v0;
	_ =	sdelay $0x1  }
0x157: {  	v3 =	vperm.xlane v3, v2;
	v4 =	vadd.s32 v1, v4;
	_ =	sdelay $0x1  }
0x158: {  	v3 =	vadd.s32 v1, v3;
	_ =	sdelay $0x2  }
0x159: {  	[tilespmem:s22], [sflag:$0x1] =	stream.indirect_vreg.gather [hbm4b:s3+s2], $0x80, v4, vm0, $0xb8;
	[tilespmem:$0x8100] =	vst v63  }
0x15a: {  	_ = 	snop  }
0x15b: {  	[tilespmem:s23], [sflag:$0x1] =	stream.indirect_vreg.gather [hbm4b:s3+s2], $0x80, v3, vm0, $0xb8;
	[tilespmem:$0x8100] =	vst v63  }
0x15c: {  	v3 =	vld [tilespmem:$0xD0];
	_ =	sdelay $0x4  }
0x15d: {  	v61 =	vshll.u32 v3, $0x1  }
0x15e: {  	v3 =	vand.u32 $0x7, v3;
	v4 =	vand.u32 $0xFFFFFFF0, v61  }
0x15f: {  	v3 =	vor.u32 v3, v4  }
0x160: {  	v4 =	vperm.xlane v3, v0;
	_ =	sdelay $0x1  }
0x161: {  	v3 =	vperm.xlane v3, v2;
	v4 =	vadd.s32 v1, v4;
	_ =	sdelay $0x1  }
0x162: {  	v3 =	vadd.s32 v1, v3;
	_ =	sdelay $0x2  }
0x163: {  	[tilespmem:s24], [sflag:$0x1] =	stream.indirect_vreg.gather [hbm4b:s3+s2], $0x80, v4, vm0, $0xb8;
	[tilespmem:$0x8100] =	vst v63  }
0x164: {  	_ = 	snop  }
0x165: {  	[tilespmem:s25], [sflag:$0x1] =	stream.indirect_vreg.gather [hbm4b:s3+s2], $0x80, v3, vm0, $0xb8;
	[tilespmem:$0x8100] =	vst v63  }
0x166: {  	v3 =	vld [tilespmem:$0xE0];
	_ =	sdelay $0x4  }
0x167: {  	v62 =	vshll.u32 v3, $0x1  }
0x168: {  	v3 =	vand.u32 $0x7, v3;
	v4 =	vand.u32 $0xFFFFFFF0, v62  }
0x169: {  	v3 =	vor.u32 v3, v4  }
0x16a: {  	v4 =	vperm.xlane v3, v0;
	_ =	sdelay $0x1  }
0x16b: {  	v3 =	vperm.xlane v3, v2;
	v4 =	vadd.s32 v1, v4;
	_ =	sdelay $0x1  }
0x16c: {  	v3 =	vadd.s32 v1, v3;
	_ =	sdelay $0x2  }
0x16d: {  	[tilespmem:s26], [sflag:$0x1] =	stream.indirect_vreg.gather [hbm4b:s3+s2], $0x80, v4, vm0, $0xb8;
	[tilespmem:$0x8100] =	vst v63  }
0x16e: {  	_ = 	snop  }
0x16f: {  	[tilespmem:s28], [sflag:$0x1] =	stream.indirect_vreg.gather [hbm4b:s3+s2], $0x80, v3, vm0, $0xb8;
	[tilespmem:$0x8100] =	vst v63  }
0x170: {  	v3 =	vld [tilespmem:$0xF0];
	_ =	sdelay $0x4  }
0x171: {  	v63 =	vshll.u32 v3, $0x1  }
0x172: {  	v3 =	vand.u32 $0x7, v3;
	v4 =	vand.u32 $0xFFFFFFF0, v63  }
0x173: {  	v3 =	vor.u32 v3, v4  }
0x174: {  	v4 =	vperm.xlane v3, v0;
	_ =	sdelay $0x1  }
0x175: {  	v3 =	vperm.xlane v3, v2;
	v4 =	vadd.s32 v1, v4;
	_ =	sdelay $0x1  }
0x176: {  	v3 =	vadd.s32 v1, v3;
	_ =	sdelay $0x2  }
0x177: {  	[tilespmem:s29], [sflag:$0x1] =	stream.indirect_vreg.gather [hbm4b:s3+s2], $0x80, v4, vm0, $0xb8;
	[tilespmem:$0x8100] =	vst v63  }
0x178: {  	_ = 	snop  }
0x179: {  	[tilespmem:s30], [sflag:$0x1] =	stream.indirect_vreg.gather [hbm4b:s3+s2], $0x80, v3, vm0, $0xb8;
	[tilespmem:$0x8100] =	vst v63  }
0x17a: {  	_ =	swait.ge [sflag:s31], $0x8000  }
0x17b: {  	p0 =	sne.s32 s11, $0x1;
	[sflag:s31] =	ssyncset.done $0x0  }
.Ltmp0:
0x17c: {  	[sflag:s31] =	ssyncadd.s32 $0xFFFF8000;
	(pc) =	sbr.rel @p0 .LBB2_1-.Ltmp0, $4  }
0x17d: {  	[hbm4b:s10+s2] =	stream.linear.scatter [tilespmem:s14], [sflag:$0x3], $0x8000, $0x38;
	[tilespmem:$0x8100] =	vst v63  }
0x17e: {  	_ =	swait.ge [sflag:s12], $0x8000  }
0x17f: {  	[sflag:s12] =	ssyncset.done $0x0  }
0x180: {  	s11 =	sadd.s32 $0xFFFFFFFF, s11;
	[sflag:s12] =	ssyncadd.s32 $0xFFFF8000  }
0x181: {  	_ =	sfence.sel $0x180000  }
0x182: {  	[bflag:$0x0] =	sbarrier.arrive $0xFFFF  }
0x183: {  	_ =	strace $0x9000004D  }
0x184: {  	s0 =	stileid.u32;
	[bflag:$0x2] =	sbarrier.arrive $0xFFFF  }
0x185: {  	p0 =	sne.s32 s0, $0x0;
	s0 =	rddreg [dreg:$0x1]  }
0x186: {  	s0 =	sadd.s32 @!p0 $0x100000, s0  }
0x187: {  	[sflag:s0] =	ssyncadd.tile.s32 @!p0 $0x1;
	_ =	shalt  }
.Lfunc_end2:
_tile_overlayer_lowered:
.L_overlay_start_2:
0x188: {  	(tag) =	ssettag $0x2  }
0x189: {  	s0 =	rddreg [dreg:$0x0];
	s2 =	stileid.u32  }
0x18a: {  	s1 =	rddreg [dreg:$0x1];
	p0 =	sne.s32 s2, $0x0  }
0x18b: {  	s3 =	rddreg [dreg:$0x2];
	[bflag:$0x3] =	sbarrier.arrive $0xFFFF;
	s2 =	simm.s32 @!p0 $0x1C03  }
0x18c: {  	[timem:s3], [sflag:s2] =	dma.local @!p0 [hbm:s0], s1  }
0x18d: {  	s0 =	simm.s32 @!p0 $0x3  }
0x18e: {  	_ =	swait.ge @!p0 [sflag:s0], s1  }
0x18f: {  	s1 =	ssub.s32 @!p0 $0x0, s1;
	[sflag:s0] =	ssyncset.done @!p0 $0x0  }
0x190: {  	[sflag:s0] =	ssyncadd.s32 @!p0 s1  }
0x191: {  	[bflag:$0x3] =	sbarrier.arrive $0xFFFF  }
0x192: {  	_ =	shalt  }

// kernel: kernel.17.cloned.1.call-start
scs
__scs_entry_jumppad:
0x0: {  	(pc) =	sbr.rel $0x88, $3  }
0x1: {  	(tag) =	ssettag $0x0;
	lr =	simm.s32 $0x1  }
0x2: {  	[smem:$0x3F84] =	sst lr;
	_ =	strace $0xD0000000  }
0x3: {  	_ = 	snop  }
0x4: {  	_ = 	snop  }
0x5: {  	_ = 	snop  }
0x6: {  	_ = 	snop  }
0x7: {  	_ = 	snop  }
__scs_overlays_trampoline_lowered:
0x8: {  	[smem:$0x3F93] =	sst s0  }
0x9: {  	[smem:$0x3F94] =	sst s1  }
0xa: {  	[smem:$0x3F95] =	sst s2  }
0xb: {  	[smem:$0x3F96] =	sst s3  }
0xc: {  	[smem:$0x3F97] =	sst s4  }
0xd: {  	[smem:$0x3F98] =	sst s5  }
0xe: {  	[smem:$0x3F99] =	sst s6  }
0xf: {  	[smem:$0x3F9A] =	sst s7  }
0x10: {  	[smem:$0x3F9B] =	sst s8  }
0x11: {  	[smem:$0x3F9C] =	sst s9;
	s0 =	simm.s32 @!p0 $0x0  }
0x12: {  	s1 =	sld [smem:$0x3F82];
	s0 =	simm.s32 @p0 $0x1  }
0x13: {  	[smem:$0x3F9D] =	sst s0;
	s0 =	simm.s32 @!p1 $0x0  }
0x14: {  	s2 =	sld [smem:$0x3F81];
	s0 =	simm.s32 @p1 $0x1  }
0x15: {  	[smem:$0x3F9E] =	sst s0;
	s0 =	simm.s32 @!p2 $0x0  }
0x16: {  	s3 =	sld [smem:$0x3FDB];
	s0 =	simm.s32 @p2 $0x1  }
0x17: {  	s4 =	simm.s32 $0x1BF5;
	[smem:$0x3FA0] =	sst s0  }
0x18: {  	s0 =	sld [smem:$0x3F83];
	_ =	swait.ge [sflag:s4], $0x0  }
0x19: {  	s7 =	sld [smem:$0x3F84]  }
0x1a: {  	s8 =	sadd.s32 $0xFFFFE003, lr  }
0x1b: {  	s9 =	sadd.s32 $0xFFFFFEF7, lr;
	s5 =	simm.s32 $0xFFFFFFFF;
	p2 =	slt.u32 s8, $0xFFFFF086  }
0x1c: {  	p1 =	slt.u32 s9, $0xF7A;
	s5 =	simm.s32 @!p2 $0x0  }
0x1d: {  	s5 =	simm.s32 @p1 $0x1;
	p0 =	seq.s32 s7, s2  }
0x1e: {  	s7 =	smul.u32 @!p0 $0xF7A, s2;
	p2 =	seq.s32 @!p0 s5, $0x0  }
0x1f: {  	s9 =	smul.u32 $0xF7A, s1;
	s8 =	simm.s32 @!p0 $0x1BF5;
	p2 =	por !p2, p0  }
0x20: {  	[sflag:s8] =	ssyncset.s32 @!p0 $0xFFFFF086;
	s6 =	sadd.s32 @!p0 s3, s7;
	s7 =	simm.s32 @!p0 $0x108  }
0x21: {  	s3 =	sadd.s32 s3, s9;
	s6 =	sadd.s32 @!p0 $0x88, s6;
	s7 =	simm.s32 @p2 $0x1082  }
0x22: {  	[simem:s7], [sflag:s8] =	dma.local @!p0 [hbm:s6], $0xF7A  }
0x23: {  	s9 =	sor.u32 $0xD0000000, s2;
	s6 =	simm.s32 $0x108;
	_ =	swait.ge @!p0 [sflag:s8], $0x0  }
0x24: {  	s3 =	sadd.s32 $0x88, s3;
	s6 =	simm.s32 @!p1 $0x1082;
	[sflag:s4] =	ssyncset.s32 $0xFFFFF086  }
0x25: {  	[simem:s6], [sflag:s4] =	dma.local [hbm:s3], $0xF7A  }
0x26: {  	[smem:$0x3F84] =	sst s1;
	(tag) =	ssettag s2;
	_ =	strace s9  }
0x27: {  	s1 =	sld [smem:$0x3F94]  }
0x28: {  	s2 =	sld [smem:$0x3F95]  }
0x29: {  	s4 =	sld [smem:$0x3F97]  }
0x2a: {  	p0 =	seq.s32 s5, $0x0;
	s5 =	sld [smem:$0x3F98]  }
0x2b: {  	s6 =	sld [smem:$0x3F99]  }
0x2c: {  	s7 =	sld [smem:$0x3F9A]  }
0x2d: {  	s3 =	simm.s32 $0x108;
	s8 =	sld [smem:$0x3F9B]  }
0x2e: {  	s3 =	simm.s32 @!p0 $0x1082;
	s9 =	sld [smem:$0x3F9C]  }
0x2f: {  	lr =	sadd.s32 s0, s3;
	s0 =	sld [smem:$0x3F93]  }
0x30: {  	s3 =	sld [smem:$0x3F96]  }
0x31: {  	[smem:$0x3F9F] =	sst s10  }
0x32: {  	s10 =	sld [smem:$0x3F9D];
	_ =	sdelay $0x3  }
0x33: {  	p0 =	seq.s32 s10, $0x1;
	s10 =	sld [smem:$0x3F9F];
	_ =	sdelay $0x3  }
0x34: {  	[smem:$0x3F9F] =	sst s10  }
0x35: {  	s10 =	sld [smem:$0x3F9E];
	_ =	sdelay $0x3  }
0x36: {  	p1 =	seq.s32 s10, $0x1;
	s10 =	sld [smem:$0x3F9F];
	_ =	sdelay $0x3  }
0x37: {  	[smem:$0x3F9F] =	sst s10  }
0x38: {  	s10 =	sld [smem:$0x3FA0]  }
0x39: {  	_ = 	snop;
	(pc) =	sbr.ind lr, $3  }
0x3a: {  	_ = 	snop  }
0x3b: {  	_ = 	snop  }
0x3c: {  	p2 =	seq.s32 s10, $0x1;
	s10 =	sld [smem:$0x3F9F]  }
0x3d: {  	_ =	shalt  }
0x3e: {  	_ =	shalt  }
0x3f: {  	_ =	shalt  }
0x40: {  	_ =	shalt  }
0x41: {  	_ =	shalt  }
0x42: {  	_ =	shalt  }
0x43: {  	_ =	shalt  }
0x44: {  	_ =	shalt  }
0x45: {  	_ =	shalt  }
0x46: {  	_ =	shalt  }
0x47: {  	_ =	shalt  }
0x48: {  	_ =	shalt  }
0x49: {  	_ =	shalt  }
0x4a: {  	_ =	shalt  }
0x4b: {  	_ =	shalt  }
0x4c: {  	_ =	shalt  }
0x4d: {  	_ =	shalt  }
0x4e: {  	_ =	shalt  }
0x4f: {  	_ =	shalt  }
0x50: {  	_ =	shalt  }
0x51: {  	_ =	shalt  }
0x52: {  	_ =	shalt  }
0x53: {  	_ =	shalt  }
0x54: {  	_ =	shalt  }
0x55: {  	_ =	shalt  }
0x56: {  	_ =	shalt  }
0x57: {  	_ =	shalt  }
0x58: {  	_ =	shalt  }
0x59: {  	_ =	shalt  }
0x5a: {  	_ =	shalt  }
0x5b: {  	_ =	shalt  }
0x5c: {  	_ =	shalt  }
0x5d: {  	_ =	shalt  }
0x5e: {  	_ =	shalt  }
0x5f: {  	_ =	shalt  }
0x60: {  	_ =	shalt  }
0x61: {  	_ =	shalt  }
0x62: {  	_ =	shalt  }
0x63: {  	_ =	shalt  }
0x64: {  	_ =	shalt  }
0x65: {  	_ =	shalt  }
0x66: {  	_ =	shalt  }
0x67: {  	_ =	shalt  }
0x68: {  	_ =	shalt  }
0x69: {  	_ =	shalt  }
0x6a: {  	_ =	shalt  }
0x6b: {  	_ =	shalt  }
0x6c: {  	_ =	shalt  }
0x6d: {  	_ =	shalt  }
0x6e: {  	_ =	shalt  }
0x6f: {  	_ =	shalt  }
0x70: {  	_ =	shalt  }
0x71: {  	_ =	shalt  }
0x72: {  	_ =	shalt  }
0x73: {  	_ =	shalt  }
0x74: {  	_ =	shalt  }
0x75: {  	_ =	shalt  }
0x76: {  	_ =	shalt  }
0x77: {  	_ =	shalt  }
0x78: {  	_ =	shalt  }
0x79: {  	_ =	shalt  }
0x7a: {  	_ =	shalt  }
0x7b: {  	_ =	shalt  }
0x7c: {  	_ =	shalt  }
0x7d: {  	_ =	shalt  }
0x7e: {  	_ =	shalt  }
0x7f: {  	_ =	shalt  }
0x80: {  	_ =	shalt  }
0x81: {  	_ =	shalt  }
0x82: {  	_ =	shalt  }
0x83: {  	_ =	shalt  }
0x84: {  	_ =	shalt  }
0x85: {  	_ =	shalt  }
0x86: {  	_ =	shalt  }
0x87: {  	_ =	shalt  }
.Lfunc_end0:
.L_simem_size_0:
called_computation.2_lowered:
.L_overlay_start_0:
0x88: {  	s2 =	sld [smem:$0x3FD9]  }
0x89: {  	s3 =	sld [smem:$0x3FFE];
	_ =	sdelay $0x1  }
0x8a: {  	s1 =	srdreg.scid  }
0x8b: {  	s0 =	sand.u32 $0x1, s1  }
0x8c: {  	s16 =	sshll.u32 s0, $0xA;
	s2 =	sadd.s32 s3, s2  }
0x8d: {  	s2 =	sadd.s32 s2, s16  }
0x8e: {  	[smem:$0x3FAB] =	sst s2  }
0x8f: {  	_ = 	snop  }
0x90: {  	(tm) =	ssettm $0x1  }
0x91: {  	s17 =	sld [smem:$0x3FFB];
	_ =	sdelay $0x3  }
0x92: {  	_ =	strace s17  }
0x93: {  	s2 =	sld [smem:$0x3FFC];
	_ =	sdelay $0x3  }
0x94: {  	_ =	strace s2  }
0x95: {  	s2 =	sld [smem:$0x3FFD];
	_ =	sdelay $0x3  }
0x96: {  	_ =	strace s2  }
0x97: {  	_ =	strace $0x8FFFFFFF  }
0x98: {  	s18 =	sld [smem:$0x3FDB];
	_ =	sdelay $0x1  }
0x99: {  	s19 =	simm.s32 $_scs_section_size  }
0x9a: {  	s4 =	simm.s32 $_size__tile_overlayer_lowered;
	s5 =	simm.s32 $_tile_overlayer_lowered  }
0x9b: {  	s22 =	simm.s32 $0x1BFF;
	s21 =	sshll.u32 s5, $0x1;
	s2 =	sadd.s32 s19, s18  }
0x9c: {  	s6 =	simm.s32 $0x0;
	s20 =	sshll.u32 s4, $0x1;
	s4 =	sadd.s32 s21, s2  }
0x9d: {  	[timem:s6], [sflag:s22] =	dma.local [hbm:s4], s20  }
0x9e: {  	_ =	swait.ge [sflag:s22], s20  }
0x9f: {  	s3 =	ssub.s32 $0x0, s20;
	[sflag:s22] =	ssyncset.done $0x0  }
0xa0: {  	[sflag:s22] =	ssyncadd.s32 s3;
	_ =	sdelay $0x1  }
0xa1: {  	s23 =	simm.s32 $0x1B8B  }
0xa2: {  	_ =	swait.ge [sflag:s23], $0x1  }
0xa3: {  	[sflag:s23] =	ssyncset.done $0x0  }
0xa4: {  	s25 =	simm.s32 $0x1B8E;
	s24 =	sld [smem:$0x3FFE];
	[sflag:s23] =	ssyncadd.s32 $0xFFFFFFFF  }
0xa5: {  	s26 =	simm.s32 $execute0_lowered;
	[smem:$0x3FD2] =	sst s25  }
0xa6: {  	s4 =	sshll.u32 s26, $0x1;
	_ =	strace $0x80000049;
	[dreg:$0x1] =	wrdreg $0xFFFFFFFF  }
0xa7: {  	s28 =	simm.s32 $_size_execute0_lowered;
	s2 =	sadd.s32 s2, s4;
	[dreg:$0x0] =	wrdreg $0x0  }
0xa8: {  	s4 =	sshll.u32 s28, $0x1;
	[dreg:$0x2] =	wrdreg s2  }
0xa9: {  	[dreg:$0x3] =	wrdreg s4  }
0xaa: {  	[dreg:$0x4] =	wrdreg $0xC0  }
0xab: {  	_ =	task [dreg:s6], $0x5FFFF  }
0xac: {  	[dreg:$0x1] =	wrdreg $0xFFFFFFFF  }
0xad: {  	[dreg:$0x0] =	wrdreg $0x60  }
0xae: {  	[dreg:$0x2] =	wrdreg s24  }
0xaf: {  	[dreg:$0x3] =	wrdreg $0xAA000  }
0xb0: {  	[dreg:$0x4] =	wrdreg $0xA  }
0xb1: {  	_ =	task.clear_ibuf [dreg:s6], $0x5FFFF;
	_ =	strace $0x90000049  }
0xb2: {  	s29 =	simm.s32 $0xA;
	_ =	strace $0x8000004B  }
0xb3: {  	_ =	swait.ge [sflag:s29], $0x1  }
0xb4: {  	[sflag:s29] =	ssyncadd.s32 $0xFFFFFFFF  }
0xb5: {  	_ =	strace $0x9000004B  }
0xb6: {  	_ =	sfence  }
0xb7: {  	s30 =	sld [smem:$0x0];
	_ =	sdelay $0x2  }
0xb8: {  	s31 =	sshll.u32 s1, $0xD;
	s1 =	sshrl.u32 s1, $0x2  }
0xb9: {  	s3 =	sand.u32 $0x4000, s31;
	s1 =	sadd.s32 s1, s30  }
0xba: {  	s0 =	sor.u32 s3, s0;
	s1 =	sshll.u32 s1, $0x11  }
0xbb: {  	s0 =	sor.u32 s1, s0  }
0xbc: {  	s0 =	sadd.s32 $0x8F2B, s0  }
0xbd: {  	[sflag:s0] =	ssyncadd.remote.s32 $0x1  }
0xbe: {  	_ =	sfence.sel $0xFFFF  }
0xbf: {  	[dreg:$0x0] =	wrdreg $0xFFFFFFFF;
	(pc) =	sbr.abs _section_cstart, $3  }
0xc0: {  	[dreg:$0x1] =	wrdreg $0xFFFFFFFF  }
0xc1: {  	_ =	task.clear_ibuf [dreg:s6], $0x2FFFF;
	_ =	strace $0x9FFFFFFF  }
0xc2: {  	(tm) =	ssettm $0x7FFFFFFF  }
0xc3: {  	_ =	shalt  }
tec
execute0_lowered:
.L_overlay_start_1:
0x0: {  	(tag) =	ssettag $0x1  }
0x1: {  	s0 =	srdreg.scid;
	s1 =	rddreg [dreg:$0x0]  }
0x2: {  	s11 =	stileid.u32;
	s3 =	rddreg [dreg:$0x1]  }
0x3: {  	s5 =	simm.s32 $0x0;
	s0 =	sand.u32 $0x1, s0;
	s2 =	smul.u32 $0x2800, s11  }
0x4: {  	[smem:$0x7FF] =	sst s5;
	s5 =	sadd.s32 $0xFC00, s1;
	s10 =	smul.u32 $0x280, s11  }
0x5: {  	s6 =	sadd.s32 $0x5C00, s1;
	s7 =	sadd.s32 $0xAC00, s1;
	s11 =	smul.u32 $0x50000, s11  }
0x6: {  	s4 =	smul.u32 $0x28000, s0;
	_ =	strace $0x8000004A;
	s8 =	ssub.s32 $0x2, s0  }
0x7: {  	s0 =	smul.u32 $0x2800, s0;
	s9 =	sshrl.u32 s8, $0x1;
	s26 =	sshrl.u32 s2, $0x3  }
0x8: {  	s11 =	sshrl.u32 s11, $0x2;
	s16 =	sadd.s32 $0x80, s10;
	s19 =	sadd.s32 $0x100, s10  }
0x9: {  	s21 =	sadd.s32 $0x180, s10;
	s4 =	sadd.s32 s2, s4;
	s8 =	ssub.s32 s8, s9  }
0xa: {  	s28 =	sadd.s32 $0x4E0, s26;
	s29 =	sadd.s32 $0x4F0, s26;
	s13 =	sadd.s32 s11, s3  }
0xb: {  	s20 =	sshll.u32 s19, $0x7;
	s22 =	sshll.u32 s21, $0x7;
	s23 =	sadd.s32 s0, s21  }
0xc: {  	s4 =	sshrl.u32 s4, $0x3;
	s12 =	sadd.s32 s7, s28;
	[dreg:$0x8] =	wrdreg s13  }
0xd: {  	s9 =	sadd.s32 s7, s29;
	s8 =	smax.u32 s8, $0x1;
	[dreg:$0x4] =	wrdreg s12  }
0xe: {  	s4 =	sadd.s32 s4, s1;
	s1 =	sadd.s32 $0x5FC00, s1;
	[dreg:$0x6] =	wrdreg s9  }
0xf: {  	s12 =	sadd.s32 s0, s10;
	[dreg:$0xa] =	wrdreg s8;
	s8 =	sadd.s32 s0, s16  }
0x10: {  	s9 =	sadd.s32 s20, s3;
	s10 =	sadd.s32 $0x200, s10;
	s4 =	sadd.s32 $0x33EA00, s4  }
0x11: {  	s14 =	sshll.u32 s12, $0x4;
	s18 =	sshll.u32 s8, $0x4;
	[dreg:$0xd] =	wrdreg s9  }
0x12: {  	s8 =	sadd.s32 s0, s19;
	s9 =	sadd.s32 s22, s3;
	[dreg:$0x3] =	wrdreg s4  }
0x13: {  	s0 =	sadd.s32 s0, s10;
	s4 =	sadd.s32 s6, s28;
	[dreg:$0xe] =	wrdreg s9  }
0x14: {  	s10 =	sshll.u32 s10, $0x7;
	s15 =	sadd.s32 s1, s14;
	[dreg:$0x5] =	wrdreg s4  }
0x15: {  	s10 =	sadd.s32 s10, s3;
	[dreg:$0x9] =	wrdreg s15  }
0x16: {  	s24 =	sadd.s32 s5, s18;
	[dreg:$0xf] =	wrdreg s10  }
0x17: {  	s8 =	sshll.u32 s8, $0x4;
	s4 =	sadd.s32 s6, s29;
	[dreg:$0x10] =	wrdreg s24  }
0x18: {  	s30 =	simm.s32 $0x3;
	s25 =	sadd.s32 s5, s8;
	[dreg:$0x7] =	wrdreg s4  }
0x19: {  	s9 =	sshll.u32 s23, $0x4;
	s26 =	sadd.s32 s1, s8;
	[dreg:$0x12] =	wrdreg s25  }
0x1a: {  	s31 =	simm.s32 $0x80;
	s28 =	sadd.s32 s5, s9;
	[dreg:$0x13] =	wrdreg s26  }
0x1b: {  	s17 =	sshll.u32 s16, $0x7;
	s29 =	sadd.s32 s1, s9;
	[dreg:$0x14] =	wrdreg s28  }
0x1c: {  	s11 =	simm.s32 $0x6800;
	s4 =	sadd.s32 s5, s14;
	[dreg:$0x15] =	wrdreg s29  }
0x1d: {  	s13 =	simm.s32 $0x0;
	[dreg:$0xb] =	wrdreg s4;
	s4 =	sadd.s32 s17, s3  }
0x1e: {  	s0 =	sshll.u32 s0, $0x4;
	[dreg:$0xc] =	wrdreg s4;
	s4 =	sadd.s32 s1, s18  }
0x1f: {  	s12 =	simm.s32 $0x2;
	s1 =	sadd.s32 s1, s0;
	[dreg:$0x11] =	wrdreg s4  }
0x20: {  	s8 =	simm.s32 $0xA980;
	s0 =	sadd.s32 s5, s0;
	[dreg:$0x16] =	wrdreg s1  }
0x21: {  	s9 =	simm.s32 $0xA900;
	s10 =	simm.s32 $0xA880;
	[dreg:$0x17] =	wrdreg s0  }
0x22: {  	s1 =	simm.s32 $0xA800;
	s4 =	simm.s32 $0x2800;
	s0 =	simm.s32 $0x1  }
.LBB2_1:
0x23: {  	s14 =	simm.s32 $0x0;
	s15 =	rddreg [dreg:$0x3]  }
0x24: {  	[tilespmem:s14], [sflag:$0x3] =	stream.linear.gather [hbm4b:s15+s14], $0x2800, $0x38;
	[tilespmem:$0x1EA00] =	vst v63  }
0x25: {  	s18 =	stileid.u32;
	_ =	swait.ge [sflag:s30], $0x2800  }
0x26: {  	s14 =	sshll.u32 s18, $0x6;
	s19 =	rddreg [dreg:$0x8]  }
0x27: {  	[sflag:s30] =	ssyncset.done $0x0;
	s20 =	rddreg [dreg:$0xb];
	s16 =	sshrl.u32 s19, $0x3  }
0x28: {  	s14 =	sor.u32 $0x1C03, s14;
	[sflag:s30] =	ssyncadd.s32 $0xFFFFD800;
	[dreg:$0x18] =	wrdreg s16  }
0x29: {  	[spmem:s16], [sflag:s14] =	dma.local [hbm:s20], $0x800  }
0x2a: {  	_ =	swait.ge [sflag:s30], $0x800  }
0x2b: {  	[sflag:s30] =	ssyncset.done $0x0;
	s21 =	rddreg [dreg:$0xc]  }
0x2c: {  	s22 =	rddreg [dreg:$0x10];
	[sflag:s30] =	ssyncadd.s32 $0xFFFFF800;
	s16 =	sshrl.u32 s21, $0x3  }
0x2d: {  	[spmem:s16], [sflag:s14] =	dma.local [hbm:s22], $0x800  }
0x2e: {  	_ =	swait.ge [sflag:s30], $0x800  }
0x2f: {  	[sflag:s30] =	ssyncset.done $0x0;
	s23 =	rddreg [dreg:$0xd]  }
0x30: {  	s24 =	rddreg [dreg:$0x12];
	[sflag:s30] =	ssyncadd.s32 $0xFFFFF800;
	s17 =	sshrl.u32 s23, $0x3  }
0x31: {  	[spmem:s17], [sflag:s14] =	dma.local [hbm:s24], $0x800  }
0x32: {  	_ =	swait.ge [sflag:s30], $0x800  }
0x33: {  	[sflag:s30] =	ssyncset.done $0x0;
	s25 =	rddreg [dreg:$0xe]  }
0x34: {  	s26 =	rddreg [dreg:$0x14];
	[sflag:s30] =	ssyncadd.s32 $0xFFFFF800;
	s18 =	sshrl.u32 s25, $0x3  }
0x35: {  	[spmem:s18], [sflag:s14] =	dma.local [hbm:s26], $0x800  }
0x36: {  	_ =	swait.ge [sflag:s30], $0x800  }
0x37: {  	[sflag:s30] =	ssyncset.done $0x0;
	s28 =	rddreg [dreg:$0xf]  }
0x38: {  	s29 =	rddreg [dreg:$0x17];
	[sflag:s30] =	ssyncadd.s32 $0xFFFFF800;
	s19 =	sshrl.u32 s28, $0x3  }
0x39: {  	[spmem:s19], [sflag:s14] =	dma.local [hbm:s29], $0x800  }
0x3a: {  	_ =	swait.ge [sflag:s30], $0x800  }
0x3b: {  	[sflag:s30] =	ssyncset.done $0x0  }
0x3c: {  	[sflag:s30] =	ssyncadd.s32 $0xFFFFF800  }
0x3d: {  	v0 =	vld [tilespmem:$0x0]  }
0x3e: {  	v1 =	vld [tilespmem:$0x10]  }
0x3f: {  	v2 =	vld [tilespmem:$0x20]  }
0x40: {  	v3 =	vld [tilespmem:$0x30]  }
0x41: {  	v4 =	vld [tilespmem:$0x40]  }
0x42: {  	v61 =	vld [tilespmem:$0x50];
	[tilespmem:$0xA800] =	vst v0  }
0x43: {  	v62 =	vld [tilespmem:$0x60];
	[tilespmem:$0xA810] =	vst v1  }
0x44: {  	v63 =	vld [tilespmem:$0x70];
	[tilespmem:$0xA820] =	vst v2  }
0x45: {  	[tilespmem:$0xA830] =	vst v3  }
0x46: {  	[tilespmem:$0xA840] =	vst v4  }
0x47: {  	[tilespmem:$0xA850] =	vst v61  }
0x48: {  	[tilespmem:$0xA860] =	vst v62  }
0x49: {  	[tilespmem:$0xA870] =	vst v63  }
0x4a: {  	[tilespmem:s4], [sflag:$0x1] =	stream.indirect.gather [hbm4b:s5+s31], $0x80, s1, s31, $0xb8;
	[tilespmem:$0x1EA00] =	vst v63  }
0x4b: {  	_ =	swait.ge [sflag:s0], $0x4000  }
0x4c: {  	[sflag:s0] =	ssyncset.done $0x0  }
0x4d: {  	[sflag:s0] =	ssyncadd.s32 $0xFFFFC000  }
0x4e: {  	s20 =	simm.s32 $0x0;
	[bflag:$0x0] =	sbarrier.arrive $0xFFFF  }
.LBB2_2:
0x4f: {  	s21 =	sshll.u32 s20, $0x8  }
0x50: {  	s22 =	sand.u32 $0x3C00, s21  }
0x51: {  	s23 =	sand.u32 $0x300, s21;
	s22 =	sadd.s32 s2, s22  }
0x52: {  	s23 =	sor.u32 s23, s22  }
0x53: {  	s23 =	sshrl.u32 s23, $0x3  }
0x54: {  	s24 =	simm.s32 $0x0;
	s25 =	sadd.s32 s7, s23  }
0x55: {  	[tilespmem:s8], [sflag:$0x2] =	stream.linear.gather [hbm4b:s25+s24], $0x80, $0x38;
	[tilespmem:$0x1EA00] =	vst v63  }
0x56: {  	s23 =	sadd.s32 s6, s23  }
0x57: {  	[tilespmem:s9], [sflag:$0x2] =	stream.linear.gather [hbm4b:s23+s24], $0x80, $0x38;
	[tilespmem:$0x1EA00] =	vst v63  }
0x58: {  	v0 =	vld [tilespmem:s21+$0x80];
	_ =	sdelay $0x4  }
0x59: {  	[tilespmem:$0xA880] =	vst v0  }
0x5a: {  	v0 =	vld [tilespmem:s21+$0x90];
	_ =	sdelay $0x4  }
0x5b: {  	[tilespmem:$0xA890] =	vst v0  }
0x5c: {  	v0 =	vld [tilespmem:s21+$0xA0];
	_ =	sdelay $0x4  }
0x5d: {  	[tilespmem:$0xA8A0] =	vst v0  }
0x5e: {  	v0 =	vld [tilespmem:s21+$0xB0];
	_ =	sdelay $0x4  }
0x5f: {  	[tilespmem:$0xA8B0] =	vst v0  }
0x60: {  	v0 =	vld [tilespmem:s21+$0xC0];
	_ =	sdelay $0x4  }
0x61: {  	[tilespmem:$0xA8C0] =	vst v0  }
0x62: {  	v0 =	vld [tilespmem:s21+$0xD0];
	_ =	sdelay $0x4  }
0x63: {  	[tilespmem:$0xA8D0] =	vst v0  }
0x64: {  	v0 =	vld [tilespmem:s21+$0xE0];
	_ =	sdelay $0x4  }
0x65: {  	[tilespmem:$0xA8E0] =	vst v0  }
0x66: {  	v0 =	vld [tilespmem:s21+$0xF0];
	_ =	sdelay $0x2  }
0x67: {  	v1 =	vmov s24  }
0x68: {  	v1 =	vand.u32 $0xFFFFFFFC, v1  }
0x69: {  	[tilespmem:$0xA8F0] =	vst v0;
	v0 =	vbroadcast v1, $0x0  }
0x6a: {  	[tilespmem:s11], [sflag:$0x1] =	stream.indirect.gather [hbm4b:s5+s31], $0x80, s10, s31, $0xb8;
	[tilespmem:$0x1EA00] =	vst v63  }
0x6b: {  	_ =	swait.ge [sflag:s12], $0x80  }
0x6c: {  	[sflag:s12] =	ssyncset.done $0x0  }
0x6d: {  	s23 =	simm.s32 $0x2900;
	[sflag:s12] =	ssyncadd.s32 $0xFFFFFF80  }
0x6e: {  	v1 =	vld [tilespmem:s23+$0xFFFFFF70]  }
0x6f: {  	v0 =	vld.idx.msk [tilespmem:v0+s8+$0x0], $0xffff  }
0x70: {  	v2 =	vld [tilespmem:s23+$0xFFFFFF00]  }
0x71: {  	v3 =	vld [tilespmem:s23+$0xFFFFFF20]  }
0x72: {  	v4 =	vld [tilespmem:s23+$0xFFFFFF50]  }
0x73: {  	v5 =	vld [tilespmem:s23+$0xFFFFFF40]  }
0x74: {  	v6 =	vld [tilespmem:s23+$0xFFFFFF60];
	v1 =	vmul.f32 v1, v0  }
0x75: {  	s26 =	simm.s32 $0x1;
	v7 =	vld [tilespmem:s23+$0xFFFFFF30];
	v2 =	vmul.f32 v2, v0  }
0x76: {  	v8 =	vld [tilespmem:s23+$0xFFFFFF10];
	v3 =	vmul.f32 v3, v0;
	[tilespmem:s23+$0xFFFFFF70] =	vst v1;
	v1 =	vmov s26  }
0x77: {  	v4 =	vmul.f32 v4, v0;
	[tilespmem:s23+$0xFFFFFF00] =	vst v2;
	v1 =	vand.u32 $0xFFFFFFFD, v1  }
0x78: {  	v2 =	vmul.f32 v5, v0;
	[tilespmem:s23+$0xFFFFFF20] =	vst v3;
	v1 =	vbroadcast v1, $0x0  }
0x79: {  	v3 =	vmul.f32 v6, v0;
	[tilespmem:s23+$0xFFFFFF50] =	vst v4  }
0x7a: {  	v4 =	vmul.f32 v7, v0;
	[tilespmem:s23+$0xFFFFFF40] =	vst v2  }
0x7b: {  	v0 =	vmul.f32 v8, v0;
	[tilespmem:s23+$0xFFFFFF60] =	vst v3  }
0x7c: {  	[tilespmem:s23+$0xFFFFFF30] =	vst v4  }
0x7d: {  	[tilespmem:s23+$0xFFFFFF10] =	vst v0;
	v0 =	vld [tilespmem:s23+$0xFFFFFF90]  }
0x7e: {  	v2 =	vld.idx.msk [tilespmem:v1+s8+$0x0], $0xffff  }
0x7f: {  	v1 =	vld [tilespmem:s23+$0xFFFFFFA0]  }
0x80: {  	v3 =	vld [tilespmem:s23+$0xFFFFFF80]  }
0x81: {  	v4 =	vld [tilespmem:s23+$0xFFFFFFB0]  }
0x82: {  	v5 =	vld [tilespmem:s23+$0xFFFFFFC0]  }
0x83: {  	v6 =	vld [tilespmem:s23+$0xFFFFFFD0];
	v0 =	vmul.f32 v0, v2  }
0x84: {  	s29 =	simm.s32 $0x2;
	v7 =	vld [tilespmem:s23+$0xFFFFFFF0];
	v1 =	vmul.f32 v1, v2  }
0x85: {  	v8 =	vld [tilespmem:s23+$0xFFFFFFE0];
	v3 =	vmul.f32 v3, v2;
	[tilespmem:s23+$0xFFFFFF90] =	vst v0;
	v0 =	vmov s29  }
0x86: {  	v4 =	vmul.f32 v4, v2;
	[tilespmem:s23+$0xFFFFFFA0] =	vst v1;
	v0 =	vand.u32 $0xFFFFFFFE, v0  }
0x87: {  	v1 =	vmul.f32 v5, v2;
	[tilespmem:s23+$0xFFFFFF80] =	vst v3;
	v5 =	vld [tilespmem:s23+$0x60];
	v9 =	vbroadcast v0, $0x0  }
0x88: {  	v3 =	vmul.f32 v6, v2;
	[tilespmem:s23+$0xFFFFFFB0] =	vst v4;
	v6 =	vld [tilespmem:s23+$0x0]  }
0x89: {  	v4 =	vmul.f32 v7, v2;
	v0 =	vld [tilespmem:s23+$0x20];
	[tilespmem:s23+$0xFFFFFFC0] =	vst v1  }
0x8a: {  	v2 =	vmul.f32 v8, v2;
	v1 =	vld [tilespmem:s23+$0x30];
	[tilespmem:s23+$0xFFFFFFD0] =	vst v3  }
0x8b: {  	[tilespmem:s23+$0xFFFFFFF0] =	vst v4;
	v3 =	vld [tilespmem:s23+$0x40]  }
0x8c: {  	[tilespmem:s23+$0xFFFFFFE0] =	vst v2;
	v4 =	vld [tilespmem:s23+$0x10]  }
0x8d: {  	s28 =	simm.s32 $0x2900;
	s25 =	sor.u32 $0x80, s21;
	s26 =	simm.s32 $0x4;
	v2 =	vld.idx.msk [tilespmem:v9+s8+$0x0], $0xffff  }
.LBB2_3:
0x8e: {  	p0 =	slt.u32 s26, $0x7C  }
0x8f: {  	v7 =	vld [tilespmem:s23+$0x50];
	s28 =	sadd.s32 $0x200, s28;
	s29 =	smov.u32 s26;
	s26 =	sadd.s32 $0x4, s26  }
0x90: {  	v8 =	vld [tilespmem:s23+$0x70];
	_ =	sdelay $0x1  }
0x91: {  	v5 =	vmul.f32 v5, v2;
	v6 =	vmul.f32 v6, v2  }
0x92: {  	v3 =	vmul.f32 v3, v2;
	v4 =	vmul.f32 v4, v2  }
0x93: {  	v0 =	vmul.f32 v0, v2;
	v1 =	vmul.f32 v1, v2;
	[tilespmem:s23+$0x60] =	vst v5  }
0x94: {  	[tilespmem:s23+$0x40] =	vst v3;
	v3 =	vmul.f32 v7, v2;
	v2 =	vmul.f32 v8, v2  }
0x95: {  	s15 =	sadd.s32 $0x3, s24;
	s24 =	smov.u32 s29;
	[tilespmem:s23+$0x20] =	vst v0;
	v5 =	vld [tilespmem:s23+$0x80]  }
0x96: {  	v0 =	vld [tilespmem:s28+$0x20];
	[tilespmem:s23+$0x0] =	vst v6;
	v6 =	vmov s15  }
0x97: {  	[tilespmem:s23+$0x50] =	vst v3;
	v3 =	vld [tilespmem:s23+$0xE0]  }
0x98: {  	[tilespmem:s23+$0x30] =	vst v1;
	v7 =	vld [tilespmem:s23+$0xC0]  }
0x99: {  	v1 =	vld [tilespmem:s28+$0x30];
	[tilespmem:s23+$0x10] =	vst v4  }
0x9a: {  	[tilespmem:s23+$0x70] =	vst v2;
	v2 =	vld [tilespmem:s23+$0xA0]  }
0x9b: {  	v4 =	vld.idx.msk [tilespmem:v6+s8+$0x0], $0xffff  }
0x9c: {  	v6 =	vld [tilespmem:s23+$0x90]  }
0x9d: {  	v8 =	vld [tilespmem:s23+$0xB0]  }
0x9e: {  	v9 =	vld [tilespmem:s23+$0xD0]  }
0x9f: {  	v10 =	vld [tilespmem:s23+$0xF0];
	_ =	sdelay $0x1  }
0xa0: {  	v5 =	vmul.f32 v5, v4;
	v6 =	vmul.f32 v6, v4  }
0xa1: {  	v2 =	vmul.f32 v2, v4;
	v8 =	vmul.f32 v8, v4  }
0xa2: {  	v11 =	vmov s24;
	[tilespmem:s23+$0x80] =	vst v5;
	v5 =	vmul.f32 v7, v4;
	v7 =	vmul.f32 v9, v4  }
0xa3: {  	v9 =	vand.u32 $0xFFFFFFFC, v11;
	[tilespmem:s23+$0xA0] =	vst v2;
	v2 =	vmul.f32 v3, v4;
	v3 =	vmul.f32 v10, v4  }
0xa4: {  	v4 =	vbroadcast v9, $0x0;
	[tilespmem:s23+$0xC0] =	vst v5  }
0xa5: {  	[tilespmem:s23+$0xF0] =	vst v3  }
0xa6: {  	v3 =	vld [tilespmem:s28+$0xFFFFFF40];
	[tilespmem:s23+$0xE0] =	vst v2  }
0xa7: {  	v2 =	vld [tilespmem:s28+$0xFFFFFF50];
	[tilespmem:s23+$0x90] =	vst v6  }
0xa8: {  	v5 =	vld [tilespmem:s28+$0xFFFFFF60];
	[tilespmem:s23+$0xB0] =	vst v8  }
0xa9: {  	v6 =	vld [tilespmem:s28+$0xFFFFFF70];
	[tilespmem:s23+$0xD0] =	vst v7;
	s23 =	smov.u32 s28  }
0xaa: {  	v4 =	vld.idx.msk [tilespmem:v4+s8+$0x0], $0xffff  }
0xab: {  	v7 =	vld [tilespmem:s28+$0xFFFFFF00]  }
0xac: {  	v8 =	vld [tilespmem:s28+$0xFFFFFF20]  }
0xad: {  	v9 =	vld [tilespmem:s28+$0xFFFFFF10]  }
0xae: {  	v10 =	vld [tilespmem:s28+$0xFFFFFF30];
	_ =	sdelay $0x1  }
0xaf: {  	v6 =	vmul.f32 v6, v4;
	v7 =	vmul.f32 v7, v4  }
0xb0: {  	s15 =	sadd.s32 $0x1, s24;
	v5 =	vmul.f32 v5, v4;
	v8 =	vmul.f32 v8, v4  }
0xb1: {  	v2 =	vmul.f32 v2, v4;
	v9 =	vmul.f32 v9, v4;
	[tilespmem:s28+$0xFFFFFF70] =	vst v6;
	v6 =	vmov s15  }
0xb2: {  	v3 =	vmul.f32 v3, v4;
	[tilespmem:s28+$0xFFFFFF00] =	vst v7;
	v7 =	vmul.f32 v10, v4;
	v4 =	vand.u32 $0xFFFFFFFD, v6  }
0xb3: {  	[tilespmem:s28+$0xFFFFFF20] =	vst v8;
	v4 =	vbroadcast v4, $0x0  }
0xb4: {  	[tilespmem:s28+$0xFFFFFF50] =	vst v2  }
0xb5: {  	[tilespmem:s28+$0xFFFFFF40] =	vst v3;
	v2 =	vld [tilespmem:s28+$0xFFFFFFF0]  }
0xb6: {  	[tilespmem:s28+$0xFFFFFF60] =	vst v5;
	v3 =	vld [tilespmem:s28+$0xFFFFFFC0]  }
0xb7: {  	[tilespmem:s28+$0xFFFFFF30] =	vst v7;
	v5 =	vld [tilespmem:s28+$0xFFFFFFD0]  }
0xb8: {  	[tilespmem:s28+$0xFFFFFF10] =	vst v9;
	v6 =	vld [tilespmem:s28+$0xFFFFFF90]  }
0xb9: {  	v4 =	vld.idx.msk [tilespmem:v4+s8+$0x0], $0xffff  }
0xba: {  	v7 =	vld [tilespmem:s28+$0xFFFFFF80]  }
0xbb: {  	v8 =	vld [tilespmem:s28+$0xFFFFFFA0]  }
0xbc: {  	v9 =	vld [tilespmem:s28+$0xFFFFFFB0]  }
0xbd: {  	v10 =	vld [tilespmem:s28+$0xFFFFFFE0];
	_ =	sdelay $0x1  }
0xbe: {  	v6 =	vmul.f32 v6, v4;
	v7 =	vmul.f32 v7, v4  }
0xbf: {  	s15 =	sadd.s32 $0x2, s24;
	v5 =	vmul.f32 v5, v4;
	v8 =	vmul.f32 v8, v4  }
0xc0: {  	v3 =	vmul.f32 v3, v4;
	[tilespmem:s28+$0xFFFFFF90] =	vst v6;
	v6 =	vmul.f32 v9, v4;
	v9 =	vmov s15  }
0xc1: {  	v2 =	vmul.f32 v2, v4;
	[tilespmem:s28+$0xFFFFFFA0] =	vst v8;
	v8 =	vmul.f32 v10, v4;
	v4 =	vand.u32 $0xFFFFFFFE, v9  }
0xc2: {  	[tilespmem:s28+$0xFFFFFF80] =	vst v7;
	v4 =	vbroadcast v4, $0x0  }
0xc3: {  	[tilespmem:s28+$0xFFFFFFB0] =	vst v6  }
0xc4: {  	[tilespmem:s28+$0xFFFFFFC0] =	vst v3  }
0xc5: {  	[tilespmem:s28+$0xFFFFFFD0] =	vst v5  }
.Ltmp0:
0xc6: {  	[tilespmem:s28+$0xFFFFFFF0] =	vst v2;
	v3 =	vld [tilespmem:s28+$0x40];
	(pc) =	sbr.rel @p0 .LBB2_3-.Ltmp0, $4  }
0xc7: {  	[tilespmem:s28+$0xFFFFFFE0] =	vst v8;
	v5 =	vld [tilespmem:s28+$0x60]  }
0xc8: {  	v2 =	vld.idx.msk [tilespmem:v4+s8+$0x0], $0xffff  }
0xc9: {  	v6 =	vld [tilespmem:s28+$0x0]  }
0xca: {  	v4 =	vld [tilespmem:s28+$0x10]  }
0xcb: {  	_ =	sdelay $0x1  }
0xcc: {  	v5 =	vmul.f32 v5, v2  }
0xcd: {  	v7 =	vld [tilespmem:s23+$0x50];
	v3 =	vmul.f32 v3, v2  }
0xce: {  	v8 =	vld [tilespmem:s23+$0x70];
	v0 =	vmul.f32 v0, v2;
	[tilespmem:s23+$0x60] =	vst v5  }
0xcf: {  	v5 =	vmul.f32 v6, v2;
	[tilespmem:s23+$0x40] =	vst v3  }
0xd0: {  	s15 =	sadd.s32 $0x3, s24;
	[tilespmem:s23+$0x20] =	vst v0;
	v0 =	vmul.f32 v1, v2  }
0xd1: {  	v4 =	vmul.f32 v4, v2;
	[tilespmem:s23+$0x0] =	vst v5;
	v5 =	vmov s15  }
0xd2: {  	v3 =	vmul.f32 v7, v2;
	[tilespmem:s23+$0x30] =	vst v0  }
0xd3: {  	v2 =	vmul.f32 v8, v2;
	[tilespmem:s23+$0x10] =	vst v4  }
0xd4: {  	[tilespmem:s23+$0x50] =	vst v3  }
0xd5: {  	v1 =	vld [tilespmem:s23+$0x80];
	[tilespmem:s23+$0x70] =	vst v2  }
0xd6: {  	v0 =	vld.idx.msk [tilespmem:v5+s8+$0x0], $0xffff  }
0xd7: {  	v2 =	vld [tilespmem:s23+$0xA0]  }
0xd8: {  	v3 =	vld [tilespmem:s23+$0xC0]  }
0xd9: {  	v4 =	vld [tilespmem:s23+$0xF0]  }
0xda: {  	v5 =	vld [tilespmem:s23+$0xE0]  }
0xdb: {  	v6 =	vld [tilespmem:s23+$0x90];
	v1 =	vmul.f32 v1, v0  }
0xdc: {  	v7 =	vld [tilespmem:s23+$0xB0];
	v2 =	vmul.f32 v2, v0  }
0xdd: {  	v8 =	vld [tilespmem:s23+$0xD0];
	[tilespmem:s23+$0x80] =	vst v1;
	v1 =	vmul.f32 v3, v0  }
0xde: {  	[tilespmem:s23+$0xA0] =	vst v2;
	v2 =	vmul.f32 v4, v0  }
0xdf: {  	v3 =	vmul.f32 v5, v0;
	[tilespmem:s23+$0xC0] =	vst v1  }
0xe0: {  	v1 =	vmul.f32 v6, v0;
	[tilespmem:s23+$0xF0] =	vst v2  }
0xe1: {  	v2 =	vmul.f32 v7, v0;
	[tilespmem:s23+$0xE0] =	vst v3  }
0xe2: {  	v0 =	vmul.f32 v8, v0;
	[tilespmem:s23+$0x90] =	vst v1  }
0xe3: {  	[tilespmem:s23+$0xB0] =	vst v2  }
0xe4: {  	[tilespmem:s23+$0xD0] =	vst v0  }
0xe5: {  	_ =	swait.ge [sflag:s0], $0x4000  }
0xe6: {  	[sflag:s0] =	ssyncset.done $0x0  }
0xe7: {  	[sflag:s0] =	ssyncadd.s32 $0xFFFFC000  }
0xe8: {  	_ =	swait.ge [sflag:s12], $0x80  }
0xe9: {  	[sflag:s12] =	ssyncset.done $0x0  }
0xea: {  	s25 =	sand.u32 $0x380, s25;
	[sflag:s12] =	ssyncadd.s32 $0xFFFFFF80  }
0xeb: {  	[spmem:s3] =	stream.indirect.scatter.add.f32 [tilespmem:s4], [sflag:$0x3], $0x80, s9, s31, $0xb8;
	[tilespmem:$0x1EA00] =	vst v63  }
0xec: {  	s15 =	sor.u32 s25, s22;
	_ =	swait.ge [sflag:s30], $0x4000  }
0xed: {  	s15 =	sshrl.u32 s15, $0x3;
	[sflag:s30] =	ssyncset.done $0x0  }
0xee: {  	s22 =	simm.s32 $0x0;
	s26 =	sadd.s32 s7, s15;
	[sflag:s30] =	ssyncadd.s32 $0xFFFFC000  }
0xef: {  	[tilespmem:s8], [sflag:$0x2] =	stream.linear.gather [hbm4b:s26+s22], $0x80, $0x38;
	[tilespmem:$0x1EA00] =	vst v63  }
0xf0: {  	s15 =	sadd.s32 s6, s15  }
0xf1: {  	[tilespmem:s9], [sflag:$0x2] =	stream.linear.gather [hbm4b:s15+s22], $0x80, $0x38;
	[tilespmem:$0x1EA00] =	vst v63  }
0xf2: {  	v0 =	vld [tilespmem:s21+$0x100];
	_ =	sdelay $0x4  }
0xf3: {  	[tilespmem:$0xA800] =	vst v0  }
0xf4: {  	v0 =	vld [tilespmem:s21+$0x110];
	_ =	sdelay $0x4  }
0xf5: {  	[tilespmem:$0xA810] =	vst v0  }
0xf6: {  	v0 =	vld [tilespmem:s21+$0x120];
	_ =	sdelay $0x4  }
0xf7: {  	[tilespmem:$0xA820] =	vst v0  }
0xf8: {  	v0 =	vld [tilespmem:s21+$0x130];
	_ =	sdelay $0x4  }
0xf9: {  	[tilespmem:$0xA830] =	vst v0  }
0xfa: {  	v0 =	vld [tilespmem:s21+$0x140];
	_ =	sdelay $0x4  }
0xfb: {  	[tilespmem:$0xA840] =	vst v0  }
0xfc: {  	v0 =	vld [tilespmem:s21+$0x150];
	_ =	sdelay $0x4  }
0xfd: {  	[tilespmem:$0xA850] =	vst v0  }
0xfe: {  	v0 =	vld [tilespmem:s21+$0x160];
	_ =	sdelay $0x4  }
0xff: {  	[tilespmem:$0xA860] =	vst v0  }
0x100: {  	v0 =	vld [tilespmem:s21+$0x170];
	_ =	sdelay $0x2  }
0x101: {  	v1 =	vmov s22  }
0x102: {  	v1 =	vand.u32 $0xFFFFFFFC, v1  }
0x103: {  	[tilespmem:$0xA870] =	vst v0;
	v0 =	vbroadcast v1, $0x0  }
0x104: {  	[tilespmem:s4], [sflag:$0x1] =	stream.indirect.gather [hbm4b:s5+s31], $0x80, s1, s31, $0xb8;
	[tilespmem:$0x1EA00] =	vst v63  }
0x105: {  	_ =	swait.ge [sflag:s12], $0x80  }
0x106: {  	[sflag:s12] =	ssyncset.done $0x0  }
0x107: {  	s21 =	simm.s32 $0x6900;
	[sflag:s12] =	ssyncadd.s32 $0xFFFFFF80  }
0x108: {  	v1 =	vld [tilespmem:s21+$0xFFFFFF70]  }
0x109: {  	v0 =	vld.idx.msk [tilespmem:v0+s8+$0x0], $0xffff  }
0x10a: {  	v2 =	vld [tilespmem:s21+$0xFFFFFF00]  }
0x10b: {  	v3 =	vld [tilespmem:s21+$0xFFFFFF20]  }
0x10c: {  	v4 =	vld [tilespmem:s21+$0xFFFFFF50]  }
0x10d: {  	v5 =	vld [tilespmem:s21+$0xFFFFFF40]  }
0x10e: {  	v6 =	vld [tilespmem:s21+$0xFFFFFF60];
	v1 =	vmul.f32 v1, v0  }
0x10f: {  	s28 =	simm.s32 $0x1;
	v7 =	vld [tilespmem:s21+$0xFFFFFF30];
	v2 =	vmul.f32 v2, v0  }
0x110: {  	v8 =	vld [tilespmem:s21+$0xFFFFFF10];
	v3 =	vmul.f32 v3, v0;
	[tilespmem:s21+$0xFFFFFF70] =	vst v1;
	v1 =	vmov s28  }
0x111: {  	v4 =	vmul.f32 v4, v0;
	[tilespmem:s21+$0xFFFFFF00] =	vst v2;
	v1 =	vand.u32 $0xFFFFFFFD, v1  }
0x112: {  	v2 =	vmul.f32 v5, v0;
	[tilespmem:s21+$0xFFFFFF20] =	vst v3;
	v1 =	vbroadcast v1, $0x0  }
0x113: {  	v3 =	vmul.f32 v6, v0;
	[tilespmem:s21+$0xFFFFFF50] =	vst v4  }
0x114: {  	v4 =	vmul.f32 v7, v0;
	[tilespmem:s21+$0xFFFFFF40] =	vst v2  }
0x115: {  	v0 =	vmul.f32 v8, v0;
	[tilespmem:s21+$0xFFFFFF60] =	vst v3  }
0x116: {  	[tilespmem:s21+$0xFFFFFF30] =	vst v4  }
0x117: {  	[tilespmem:s21+$0xFFFFFF10] =	vst v0;
	v0 =	vld [tilespmem:s21+$0xFFFFFF90]  }
0x118: {  	v2 =	vld.idx.msk [tilespmem:v1+s8+$0x0], $0xffff  }
0x119: {  	v1 =	vld [tilespmem:s21+$0xFFFFFFA0]  }
0x11a: {  	v3 =	vld [tilespmem:s21+$0xFFFFFF80]  }
0x11b: {  	v4 =	vld [tilespmem:s21+$0xFFFFFFB0]  }
0x11c: {  	v5 =	vld [tilespmem:s21+$0xFFFFFFC0]  }
0x11d: {  	v6 =	vld [tilespmem:s21+$0xFFFFFFD0];
	v0 =	vmul.f32 v0, v2  }
0x11e: {  	s29 =	simm.s32 $0x2;
	v7 =	vld [tilespmem:s21+$0xFFFFFFF0];
	v1 =	vmul.f32 v1, v2  }
0x11f: {  	v8 =	vld [tilespmem:s21+$0xFFFFFFE0];
	v3 =	vmul.f32 v3, v2;
	[tilespmem:s21+$0xFFFFFF90] =	vst v0;
	v0 =	vmov s29  }
0x120: {  	v4 =	vmul.f32 v4, v2;
	[tilespmem:s21+$0xFFFFFFA0] =	vst v1;
	v0 =	vand.u32 $0xFFFFFFFE, v0  }
0x121: {  	v1 =	vmul.f32 v5, v2;
	[tilespmem:s21+$0xFFFFFF80] =	vst v3;
	v5 =	vld [tilespmem:s21+$0x60];
	v9 =	vbroadcast v0, $0x0  }
0x122: {  	v3 =	vmul.f32 v6, v2;
	[tilespmem:s21+$0xFFFFFFB0] =	vst v4;
	v6 =	vld [tilespmem:s21+$0x0]  }
0x123: {  	v4 =	vmul.f32 v7, v2;
	v0 =	vld [tilespmem:s21+$0x20];
	[tilespmem:s21+$0xFFFFFFC0] =	vst v1  }
0x124: {  	v2 =	vmul.f32 v8, v2;
	v1 =	vld [tilespmem:s21+$0x30];
	[tilespmem:s21+$0xFFFFFFD0] =	vst v3  }
0x125: {  	[tilespmem:s21+$0xFFFFFFF0] =	vst v4;
	v3 =	vld [tilespmem:s21+$0x40]  }
0x126: {  	[tilespmem:s21+$0xFFFFFFE0] =	vst v2;
	v4 =	vld [tilespmem:s21+$0x10]  }
0x127: {  	s24 =	simm.s32 $0x6900;
	s23 =	simm.s32 $0x4;
	v2 =	vld.idx.msk [tilespmem:v9+s8+$0x0], $0xffff  }
.LBB2_5:
0x128: {  	p0 =	slt.u32 s23, $0x7C  }
0x129: {  	v7 =	vld [tilespmem:s21+$0x50];
	s24 =	sadd.s32 $0x200, s24;
	s15 =	smov.u32 s23;
	s23 =	sadd.s32 $0x4, s23  }
0x12a: {  	v8 =	vld [tilespmem:s21+$0x70];
	_ =	sdelay $0x1  }
0x12b: {  	v5 =	vmul.f32 v5, v2;
	v6 =	vmul.f32 v6, v2  }
0x12c: {  	v3 =	vmul.f32 v3, v2;
	v4 =	vmul.f32 v4, v2  }
0x12d: {  	v0 =	vmul.f32 v0, v2;
	v1 =	vmul.f32 v1, v2;
	[tilespmem:s21+$0x60] =	vst v5  }
0x12e: {  	[tilespmem:s21+$0x40] =	vst v3;
	v3 =	vmul.f32 v7, v2;
	v2 =	vmul.f32 v8, v2  }
0x12f: {  	s25 =	sadd.s32 $0x3, s22;
	s22 =	smov.u32 s15;
	[tilespmem:s21+$0x20] =	vst v0;
	v5 =	vld [tilespmem:s21+$0x80]  }
0x130: {  	v0 =	vld [tilespmem:s24+$0x20];
	[tilespmem:s21+$0x0] =	vst v6;
	v6 =	vmov s25  }
0x131: {  	[tilespmem:s21+$0x50] =	vst v3;
	v3 =	vld [tilespmem:s21+$0xE0]  }
0x132: {  	[tilespmem:s21+$0x30] =	vst v1;
	v7 =	vld [tilespmem:s21+$0xC0]  }
0x133: {  	v1 =	vld [tilespmem:s24+$0x30];
	[tilespmem:s21+$0x10] =	vst v4  }
0x134: {  	[tilespmem:s21+$0x70] =	vst v2;
	v2 =	vld [tilespmem:s21+$0xA0]  }
0x135: {  	v4 =	vld.idx.msk [tilespmem:v6+s8+$0x0], $0xffff  }
0x136: {  	v6 =	vld [tilespmem:s21+$0x90]  }
0x137: {  	v8 =	vld [tilespmem:s21+$0xB0]  }
0x138: {  	v9 =	vld [tilespmem:s21+$0xD0]  }
0x139: {  	v10 =	vld [tilespmem:s21+$0xF0];
	_ =	sdelay $0x1  }
0x13a: {  	v5 =	vmul.f32 v5, v4;
	v6 =	vmul.f32 v6, v4  }
0x13b: {  	v2 =	vmul.f32 v2, v4;
	v8 =	vmul.f32 v8, v4  }
0x13c: {  	v11 =	vmov s22;
	[tilespmem:s21+$0x80] =	vst v5;
	v5 =	vmul.f32 v7, v4;
	v7 =	vmul.f32 v9, v4  }
0x13d: {  	v9 =	vand.u32 $0xFFFFFFFC, v11;
	[tilespmem:s21+$0xA0] =	vst v2;
	v2 =	vmul.f32 v3, v4;
	v3 =	vmul.f32 v10, v4  }
0x13e: {  	v4 =	vbroadcast v9, $0x0;
	[tilespmem:s21+$0xC0] =	vst v5  }
0x13f: {  	[tilespmem:s21+$0xF0] =	vst v3  }
0x140: {  	v3 =	vld [tilespmem:s24+$0xFFFFFF40];
	[tilespmem:s21+$0xE0] =	vst v2  }
0x141: {  	v2 =	vld [tilespmem:s24+$0xFFFFFF50];
	[tilespmem:s21+$0x90] =	vst v6  }
0x142: {  	v5 =	vld [tilespmem:s24+$0xFFFFFF60];
	[tilespmem:s21+$0xB0] =	vst v8  }
0x143: {  	v6 =	vld [tilespmem:s24+$0xFFFFFF70];
	[tilespmem:s21+$0xD0] =	vst v7;
	s21 =	smov.u32 s24  }
0x144: {  	v4 =	vld.idx.msk [tilespmem:v4+s8+$0x0], $0xffff  }
0x145: {  	v7 =	vld [tilespmem:s24+$0xFFFFFF00]  }
0x146: {  	v8 =	vld [tilespmem:s24+$0xFFFFFF20]  }
0x147: {  	v9 =	vld [tilespmem:s24+$0xFFFFFF10]  }
0x148: {  	v10 =	vld [tilespmem:s24+$0xFFFFFF30];
	_ =	sdelay $0x1  }
0x149: {  	v6 =	vmul.f32 v6, v4;
	v7 =	vmul.f32 v7, v4  }
0x14a: {  	s15 =	sadd.s32 $0x1, s22;
	v5 =	vmul.f32 v5, v4;
	v8 =	vmul.f32 v8, v4  }
0x14b: {  	v2 =	vmul.f32 v2, v4;
	v9 =	vmul.f32 v9, v4;
	[tilespmem:s24+$0xFFFFFF70] =	vst v6;
	v6 =	vmov s15  }
0x14c: {  	v3 =	vmul.f32 v3, v4;
	[tilespmem:s24+$0xFFFFFF00] =	vst v7;
	v7 =	vmul.f32 v10, v4;
	v4 =	vand.u32 $0xFFFFFFFD, v6  }
0x14d: {  	[tilespmem:s24+$0xFFFFFF20] =	vst v8;
	v4 =	vbroadcast v4, $0x0  }
0x14e: {  	[tilespmem:s24+$0xFFFFFF50] =	vst v2  }
0x14f: {  	[tilespmem:s24+$0xFFFFFF40] =	vst v3;
	v2 =	vld [tilespmem:s24+$0xFFFFFFF0]  }
0x150: {  	[tilespmem:s24+$0xFFFFFF60] =	vst v5;
	v3 =	vld [tilespmem:s24+$0xFFFFFFC0]  }
0x151: {  	[tilespmem:s24+$0xFFFFFF30] =	vst v7;
	v5 =	vld [tilespmem:s24+$0xFFFFFFD0]  }
0x152: {  	[tilespmem:s24+$0xFFFFFF10] =	vst v9;
	v6 =	vld [tilespmem:s24+$0xFFFFFF90]  }
0x153: {  	v4 =	vld.idx.msk [tilespmem:v4+s8+$0x0], $0xffff  }
0x154: {  	v7 =	vld [tilespmem:s24+$0xFFFFFF80]  }
0x155: {  	v8 =	vld [tilespmem:s24+$0xFFFFFFA0]  }
0x156: {  	v9 =	vld [tilespmem:s24+$0xFFFFFFB0]  }
0x157: {  	v10 =	vld [tilespmem:s24+$0xFFFFFFE0];
	_ =	sdelay $0x1  }
0x158: {  	v6 =	vmul.f32 v6, v4;
	v7 =	vmul.f32 v7, v4  }
0x159: {  	s15 =	sadd.s32 $0x2, s22;
	v5 =	vmul.f32 v5, v4;
	v8 =	vmul.f32 v8, v4  }
0x15a: {  	v3 =	vmul.f32 v3, v4;
	[tilespmem:s24+$0xFFFFFF90] =	vst v6;
	v6 =	vmul.f32 v9, v4;
	v9 =	vmov s15  }
0x15b: {  	v2 =	vmul.f32 v2, v4;
	[tilespmem:s24+$0xFFFFFFA0] =	vst v8;
	v8 =	vmul.f32 v10, v4;
	v4 =	vand.u32 $0xFFFFFFFE, v9  }
0x15c: {  	[tilespmem:s24+$0xFFFFFF80] =	vst v7;
	v4 =	vbroadcast v4, $0x0  }
0x15d: {  	[tilespmem:s24+$0xFFFFFFB0] =	vst v6  }
0x15e: {  	[tilespmem:s24+$0xFFFFFFC0] =	vst v3  }
0x15f: {  	[tilespmem:s24+$0xFFFFFFD0] =	vst v5  }
.Ltmp1:
0x160: {  	[tilespmem:s24+$0xFFFFFFF0] =	vst v2;
	v3 =	vld [tilespmem:s24+$0x40];
	(pc) =	sbr.rel @p0 .LBB2_5-.Ltmp1, $4  }
0x161: {  	[tilespmem:s24+$0xFFFFFFE0] =	vst v8;
	v5 =	vld [tilespmem:s24+$0x60]  }
0x162: {  	v2 =	vld.idx.msk [tilespmem:v4+s8+$0x0], $0xffff  }
0x163: {  	v6 =	vld [tilespmem:s24+$0x0]  }
0x164: {  	v4 =	vld [tilespmem:s24+$0x10]  }
0x165: {  	_ =	sdelay $0x1  }
0x166: {  	v5 =	vmul.f32 v5, v2  }
0x167: {  	v7 =	vld [tilespmem:s21+$0x50];
	v3 =	vmul.f32 v3, v2  }
0x168: {  	v8 =	vld [tilespmem:s21+$0x70];
	v0 =	vmul.f32 v0, v2;
	[tilespmem:s21+$0x60] =	vst v5  }
0x169: {  	v48 =	vmul.f32 v1, v2;
	[tilespmem:s21+$0x40] =	vst v3  }
0x16a: {  	s15 =	sadd.s32 $0x3, s22;
	v46 =	vmul.f32 v6, v2;
	[tilespmem:s21+$0x20] =	vst v0  }
0x16b: {  	v50 =	vmov s15;
	v4 =	vmul.f32 v4, v2;
	[tilespmem:s21+$0x30] =	vst v48  }
0x16c: {  	v47 =	vmul.f32 v7, v2;
	[tilespmem:s21+$0x0] =	vst v46  }
0x16d: {  	v51 =	vmul.f32 v8, v2;
	[tilespmem:s21+$0x10] =	vst v4  }
0x16e: {  	[tilespmem:s21+$0x50] =	vst v47  }
0x16f: {  	v49 =	vld [tilespmem:s21+$0x80];
	[tilespmem:s21+$0x70] =	vst v51  }
0x170: {  	v0 =	vld.idx.msk [tilespmem:v50+s8+$0x0], $0xffff  }
0x171: {  	v52 =	vld [tilespmem:s21+$0xA0]  }
0x172: {  	v53 =	vld [tilespmem:s21+$0xC0]  }
0x173: {  	v54 =	vld [tilespmem:s21+$0xF0]  }
0x174: {  	v55 =	vld [tilespmem:s21+$0xE0]  }
0x175: {  	v56 =	vld [tilespmem:s21+$0x90];
	v1 =	vmul.f32 v49, v0  }
0x176: {  	v57 =	vld [tilespmem:s21+$0xB0];
	v2 =	vmul.f32 v52, v0  }
0x177: {  	v58 =	vld [tilespmem:s21+$0xD0];
	v59 =	vmul.f32 v53, v0;
	[tilespmem:s21+$0x80] =	vst v1  }
0x178: {  	v60 =	vmul.f32 v54, v0;
	[tilespmem:s21+$0xA0] =	vst v2  }
0x179: {  	v61 =	vmul.f32 v55, v0;
	[tilespmem:s21+$0xC0] =	vst v59  }
0x17a: {  	v62 =	vmul.f32 v56, v0;
	[tilespmem:s21+$0xF0] =	vst v60  }
0x17b: {  	v63 =	vmul.f32 v57, v0;
	[tilespmem:s21+$0xE0] =	vst v61  }
0x17c: {  	v0 =	vmul.f32 v58, v0;
	[tilespmem:s21+$0x90] =	vst v62  }
0x17d: {  	[tilespmem:s21+$0xB0] =	vst v63  }
0x17e: {  	[tilespmem:s21+$0xD0] =	vst v0  }
0x17f: {  	_ =	swait.ge [sflag:s0], $0x4000  }
0x180: {  	[sflag:s0] =	ssyncset.done $0x0  }
0x181: {  	[sflag:s0] =	ssyncadd.s32 $0xFFFFC000  }
0x182: {  	s20 =	sadd.s32 $0x1, s20;
	_ =	swait.ge [sflag:s12], $0x80  }
0x183: {  	p0 =	sne.s32 s20, $0x27;
	[sflag:s12] =	ssyncset.done $0x0  }
.Ltmp2:
0x184: {  	[sflag:s12] =	ssyncadd.s32 $0xFFFFFF80;
	(pc) =	sbr.rel @p0 .LBB2_2-.Ltmp2, $4  }
0x185: {  	[spmem:s3] =	stream.indirect.scatter.add.f32 [tilespmem:s11], [sflag:$0x3], $0x80, s9, s31, $0xb8;
	[tilespmem:$0x1EA00] =	vst v63  }
0x186: {  	_ =	swait.ge [sflag:s30], $0x4000  }
0x187: {  	[sflag:s30] =	ssyncset.done $0x0  }
0x188: {  	[sflag:s30] =	ssyncadd.s32 $0xFFFFC000  }
0x189: {  	s21 =	simm.s32 $0x0;
	s15 =	rddreg [dreg:$0x4]  }
0x18a: {  	[tilespmem:s8], [sflag:$0x2] =	stream.linear.gather [hbm4b:s15+s21], $0x80, $0x38;
	[tilespmem:$0x1EA00] =	vst v63  }
0x18b: {  	s26 =	rddreg [dreg:$0x5]  }
0x18c: {  	[tilespmem:s9], [sflag:$0x2] =	stream.linear.gather [hbm4b:s26+s21], $0x80, $0x38;
	[tilespmem:$0x1EA00] =	vst v63  }
0x18d: {  	v0 =	vld [tilespmem:$0x2780]  }
0x18e: {  	v1 =	vld [tilespmem:$0x2790]  }
0x18f: {  	v2 =	vld [tilespmem:$0x27A0]  }
0x190: {  	v3 =	vld [tilespmem:$0x27B0]  }
0x191: {  	v4 =	vld [tilespmem:$0x27C0]  }
0x192: {  	[tilespmem:$0xA880] =	vst v0;
	v0 =	vld [tilespmem:$0x27D0]  }
0x193: {  	[tilespmem:$0xA890] =	vst v1;
	v1 =	vld [tilespmem:$0x27E0]  }
0x194: {  	[tilespmem:$0xA8A0] =	vst v2;
	v2 =	vld [tilespmem:$0x27F0]  }
0x195: {  	[tilespmem:$0xA8B0] =	vst v3  }
0x196: {  	[tilespmem:$0xA8C0] =	vst v4  }
0x197: {  	[tilespmem:$0xA8D0] =	vst v0;
	v0 =	vmov s21  }
0x198: {  	[tilespmem:$0xA8E0] =	vst v1;
	v0 =	vand.u32 $0xFFFFFFFC, v0  }
0x199: {  	[tilespmem:$0xA8F0] =	vst v2;
	v0 =	vbroadcast v0, $0x0  }
0x19a: {  	[tilespmem:s11], [sflag:$0x1] =	stream.indirect.gather [hbm4b:s5+s31], $0x80, s10, s31, $0xb8;
	[tilespmem:$0x1EA00] =	vst v63  }
0x19b: {  	_ =	swait.ge [sflag:s12], $0x80  }
0x19c: {  	[sflag:s12] =	ssyncset.done $0x0  }
0x19d: {  	s20 =	simm.s32 $0x2900;
	[sflag:s12] =	ssyncadd.s32 $0xFFFFFF80  }
0x19e: {  	v1 =	vld [tilespmem:s20+$0xFFFFFF70]  }
0x19f: {  	v0 =	vld.idx.msk [tilespmem:v0+s8+$0x0], $0xffff  }
0x1a0: {  	v2 =	vld [tilespmem:s20+$0xFFFFFF00]  }
0x1a1: {  	v3 =	vld [tilespmem:s20+$0xFFFFFF20]  }
0x1a2: {  	v4 =	vld [tilespmem:s20+$0xFFFFFF50]  }
0x1a3: {  	v5 =	vld [tilespmem:s20+$0xFFFFFF40]  }
0x1a4: {  	v6 =	vld [tilespmem:s20+$0xFFFFFF60];
	v1 =	vmul.f32 v1, v0  }
0x1a5: {  	s28 =	simm.s32 $0x1;
	v7 =	vld [tilespmem:s20+$0xFFFFFF30];
	v2 =	vmul.f32 v2, v0  }
0x1a6: {  	v8 =	vld [tilespmem:s20+$0xFFFFFF10];
	v3 =	vmul.f32 v3, v0;
	[tilespmem:s20+$0xFFFFFF70] =	vst v1;
	v1 =	vmov s28  }
0x1a7: {  	v4 =	vmul.f32 v4, v0;
	[tilespmem:s20+$0xFFFFFF00] =	vst v2;
	v1 =	vand.u32 $0xFFFFFFFD, v1  }
0x1a8: {  	v2 =	vmul.f32 v5, v0;
	[tilespmem:s20+$0xFFFFFF20] =	vst v3;
	v1 =	vbroadcast v1, $0x0  }
0x1a9: {  	v3 =	vmul.f32 v6, v0;
	[tilespmem:s20+$0xFFFFFF50] =	vst v4  }
0x1aa: {  	v4 =	vmul.f32 v7, v0;
	[tilespmem:s20+$0xFFFFFF40] =	vst v2  }
0x1ab: {  	v0 =	vmul.f32 v8, v0;
	[tilespmem:s20+$0xFFFFFF60] =	vst v3  }
0x1ac: {  	[tilespmem:s20+$0xFFFFFF30] =	vst v4  }
0x1ad: {  	[tilespmem:s20+$0xFFFFFF10] =	vst v0;
	v0 =	vld [tilespmem:s20+$0xFFFFFF90]  }
0x1ae: {  	v2 =	vld.idx.msk [tilespmem:v1+s8+$0x0], $0xffff  }
0x1af: {  	v1 =	vld [tilespmem:s20+$0xFFFFFFA0]  }
0x1b0: {  	v3 =	vld [tilespmem:s20+$0xFFFFFF80]  }
0x1b1: {  	v4 =	vld [tilespmem:s20+$0xFFFFFFB0]  }
0x1b2: {  	v5 =	vld [tilespmem:s20+$0xFFFFFFC0]  }
0x1b3: {  	v6 =	vld [tilespmem:s20+$0xFFFFFFD0];
	v0 =	vmul.f32 v0, v2  }
0x1b4: {  	s29 =	simm.s32 $0x2;
	v7 =	vld [tilespmem:s20+$0xFFFFFFF0];
	v1 =	vmul.f32 v1, v2  }
0x1b5: {  	v8 =	vld [tilespmem:s20+$0xFFFFFFE0];
	v3 =	vmul.f32 v3, v2;
	[tilespmem:s20+$0xFFFFFF90] =	vst v0;
	v0 =	vmov s29  }
0x1b6: {  	v4 =	vmul.f32 v4, v2;
	[tilespmem:s20+$0xFFFFFFA0] =	vst v1;
	v0 =	vand.u32 $0xFFFFFFFE, v0  }
0x1b7: {  	v1 =	vmul.f32 v5, v2;
	[tilespmem:s20+$0xFFFFFF80] =	vst v3;
	v5 =	vld [tilespmem:s20+$0x60];
	v9 =	vbroadcast v0, $0x0  }
0x1b8: {  	v3 =	vmul.f32 v6, v2;
	[tilespmem:s20+$0xFFFFFFB0] =	vst v4;
	v6 =	vld [tilespmem:s20+$0x0]  }
0x1b9: {  	v4 =	vmul.f32 v7, v2;
	v0 =	vld [tilespmem:s20+$0x20];
	[tilespmem:s20+$0xFFFFFFC0] =	vst v1  }
0x1ba: {  	v2 =	vmul.f32 v8, v2;
	v1 =	vld [tilespmem:s20+$0x30];
	[tilespmem:s20+$0xFFFFFFD0] =	vst v3  }
0x1bb: {  	[tilespmem:s20+$0xFFFFFFF0] =	vst v4;
	v3 =	vld [tilespmem:s20+$0x40]  }
0x1bc: {  	[tilespmem:s20+$0xFFFFFFE0] =	vst v2;
	v4 =	vld [tilespmem:s20+$0x10]  }
0x1bd: {  	s22 =	simm.s32 $0x4;
	s23 =	simm.s32 $0x2900;
	v2 =	vld.idx.msk [tilespmem:v9+s8+$0x0], $0xffff  }
.LBB2_8:
0x1be: {  	p0 =	slt.u32 s22, $0x7C  }
0x1bf: {  	v7 =	vld [tilespmem:s20+$0x50];
	s23 =	sadd.s32 $0x200, s23;
	s15 =	smov.u32 s22;
	s22 =	sadd.s32 $0x4, s22  }
0x1c0: {  	v8 =	vld [tilespmem:s20+$0x70];
	_ =	sdelay $0x1  }
0x1c1: {  	v5 =	vmul.f32 v5, v2;
	v6 =	vmul.f32 v6, v2  }
0x1c2: {  	v3 =	vmul.f32 v3, v2;
	v4 =	vmul.f32 v4, v2  }
0x1c3: {  	v0 =	vmul.f32 v0, v2;
	v1 =	vmul.f32 v1, v2;
	[tilespmem:s20+$0x60] =	vst v5  }
0x1c4: {  	[tilespmem:s20+$0x40] =	vst v3;
	v3 =	vmul.f32 v7, v2;
	v2 =	vmul.f32 v8, v2  }
0x1c5: {  	s24 =	sadd.s32 $0x3, s21;
	s21 =	smov.u32 s15;
	[tilespmem:s20+$0x20] =	vst v0;
	v5 =	vld [tilespmem:s20+$0x80]  }
0x1c6: {  	v0 =	vld [tilespmem:s23+$0x20];
	[tilespmem:s20+$0x0] =	vst v6;
	v6 =	vmov s24  }
0x1c7: {  	[tilespmem:s20+$0x50] =	vst v3;
	v3 =	vld [tilespmem:s20+$0xE0]  }
0x1c8: {  	[tilespmem:s20+$0x30] =	vst v1;
	v7 =	vld [tilespmem:s20+$0xC0]  }
0x1c9: {  	v1 =	vld [tilespmem:s23+$0x30];
	[tilespmem:s20+$0x10] =	vst v4  }
0x1ca: {  	[tilespmem:s20+$0x70] =	vst v2;
	v2 =	vld [tilespmem:s20+$0xA0]  }
0x1cb: {  	v4 =	vld.idx.msk [tilespmem:v6+s8+$0x0], $0xffff  }
0x1cc: {  	v6 =	vld [tilespmem:s20+$0x90]  }
0x1cd: {  	v8 =	vld [tilespmem:s20+$0xB0]  }
0x1ce: {  	v9 =	vld [tilespmem:s20+$0xD0]  }
0x1cf: {  	v10 =	vld [tilespmem:s20+$0xF0];
	_ =	sdelay $0x1  }
0x1d0: {  	v5 =	vmul.f32 v5, v4;
	v6 =	vmul.f32 v6, v4  }
0x1d1: {  	v2 =	vmul.f32 v2, v4;
	v8 =	vmul.f32 v8, v4  }
0x1d2: {  	v11 =	vmov s21;
	[tilespmem:s20+$0x80] =	vst v5;
	v5 =	vmul.f32 v7, v4;
	v7 =	vmul.f32 v9, v4  }
0x1d3: {  	v9 =	vand.u32 $0xFFFFFFFC, v11;
	[tilespmem:s20+$0xA0] =	vst v2;
	v2 =	vmul.f32 v3, v4;
	v3 =	vmul.f32 v10, v4  }
0x1d4: {  	v4 =	vbroadcast v9, $0x0;
	[tilespmem:s20+$0xC0] =	vst v5  }
0x1d5: {  	[tilespmem:s20+$0xF0] =	vst v3  }
0x1d6: {  	v3 =	vld [tilespmem:s23+$0xFFFFFF40];
	[tilespmem:s20+$0xE0] =	vst v2  }
0x1d7: {  	v2 =	vld [tilespmem:s23+$0xFFFFFF50];
	[tilespmem:s20+$0x90] =	vst v6  }
0x1d8: {  	v5 =	vld [tilespmem:s23+$0xFFFFFF60];
	[tilespmem:s20+$0xB0] =	vst v8  }
0x1d9: {  	v6 =	vld [tilespmem:s23+$0xFFFFFF70];
	[tilespmem:s20+$0xD0] =	vst v7;
	s20 =	smov.u32 s23  }
0x1da: {  	v4 =	vld.idx.msk [tilespmem:v4+s8+$0x0], $0xffff  }
0x1db: {  	v7 =	vld [tilespmem:s23+$0xFFFFFF00]  }
0x1dc: {  	v8 =	vld [tilespmem:s23+$0xFFFFFF20]  }
0x1dd: {  	v9 =	vld [tilespmem:s23+$0xFFFFFF10]  }
0x1de: {  	v10 =	vld [tilespmem:s23+$0xFFFFFF30];
	_ =	sdelay $0x1  }
0x1df: {  	v6 =	vmul.f32 v6, v4;
	v7 =	vmul.f32 v7, v4  }
0x1e0: {  	s15 =	sadd.s32 $0x1, s21;
	v5 =	vmul.f32 v5, v4;
	v8 =	vmul.f32 v8, v4  }
0x1e1: {  	v2 =	vmul.f32 v2, v4;
	v9 =	vmul.f32 v9, v4;
	[tilespmem:s23+$0xFFFFFF70] =	vst v6;
	v6 =	vmov s15  }
0x1e2: {  	v3 =	vmul.f32 v3, v4;
	[tilespmem:s23+$0xFFFFFF00] =	vst v7;
	v7 =	vmul.f32 v10, v4;
	v4 =	vand.u32 $0xFFFFFFFD, v6  }
0x1e3: {  	[tilespmem:s23+$0xFFFFFF20] =	vst v8;
	v4 =	vbroadcast v4, $0x0  }
0x1e4: {  	[tilespmem:s23+$0xFFFFFF50] =	vst v2  }
0x1e5: {  	[tilespmem:s23+$0xFFFFFF40] =	vst v3;
	v2 =	vld [tilespmem:s23+$0xFFFFFFF0]  }
0x1e6: {  	[tilespmem:s23+$0xFFFFFF60] =	vst v5;
	v3 =	vld [tilespmem:s23+$0xFFFFFFC0]  }
0x1e7: {  	[tilespmem:s23+$0xFFFFFF30] =	vst v7;
	v5 =	vld [tilespmem:s23+$0xFFFFFFD0]  }
0x1e8: {  	[tilespmem:s23+$0xFFFFFF10] =	vst v9;
	v6 =	vld [tilespmem:s23+$0xFFFFFF90]  }
0x1e9: {  	v4 =	vld.idx.msk [tilespmem:v4+s8+$0x0], $0xffff  }
0x1ea: {  	v7 =	vld [tilespmem:s23+$0xFFFFFF80]  }
0x1eb: {  	v8 =	vld [tilespmem:s23+$0xFFFFFFA0]  }
0x1ec: {  	v9 =	vld [tilespmem:s23+$0xFFFFFFB0]  }
0x1ed: {  	v10 =	vld [tilespmem:s23+$0xFFFFFFE0];
	_ =	sdelay $0x1  }
0x1ee: {  	v6 =	vmul.f32 v6, v4;
	v7 =	vmul.f32 v7, v4  }
0x1ef: {  	s15 =	sadd.s32 $0x2, s21;
	v5 =	vmul.f32 v5, v4;
	v8 =	vmul.f32 v8, v4  }
0x1f0: {  	v3 =	vmul.f32 v3, v4;
	[tilespmem:s23+$0xFFFFFF90] =	vst v6;
	v6 =	vmul.f32 v9, v4;
	v9 =	vmov s15  }
0x1f1: {  	v2 =	vmul.f32 v2, v4;
	[tilespmem:s23+$0xFFFFFFA0] =	vst v8;
	v8 =	vmul.f32 v10, v4;
	v4 =	vand.u32 $0xFFFFFFFE, v9  }
0x1f2: {  	[tilespmem:s23+$0xFFFFFF80] =	vst v7;
	v4 =	vbroadcast v4, $0x0  }
0x1f3: {  	[tilespmem:s23+$0xFFFFFFB0] =	vst v6  }
0x1f4: {  	[tilespmem:s23+$0xFFFFFFC0] =	vst v3  }
0x1f5: {  	[tilespmem:s23+$0xFFFFFFD0] =	vst v5  }
.Ltmp3:
0x1f6: {  	[tilespmem:s23+$0xFFFFFFF0] =	vst v2;
	v3 =	vld [tilespmem:s23+$0x40];
	(pc) =	sbr.rel @p0 .LBB2_8-.Ltmp3, $4  }
0x1f7: {  	[tilespmem:s23+$0xFFFFFFE0] =	vst v8;
	v5 =	vld [tilespmem:s23+$0x60]  }
0x1f8: {  	v2 =	vld.idx.msk [tilespmem:v4+s8+$0x0], $0xffff  }
0x1f9: {  	v6 =	vld [tilespmem:s23+$0x0]  }
0x1fa: {  	v4 =	vld [tilespmem:s23+$0x10]  }
0x1fb: {  	_ =	sdelay $0x1  }
0x1fc: {  	v5 =	vmul.f32 v5, v2  }
0x1fd: {  	v7 =	vld [tilespmem:s20+$0x50];
	v3 =	vmul.f32 v3, v2  }
0x1fe: {  	v8 =	vld [tilespmem:s20+$0x70];
	v0 =	vmul.f32 v0, v2;
	[tilespmem:s20+$0x60] =	vst v5  }
0x1ff: {  	v5 =	vmul.f32 v6, v2;
	[tilespmem:s20+$0x40] =	vst v3  }
0x200: {  	s15 =	sadd.s32 $0x3, s21;
	[tilespmem:s20+$0x20] =	vst v0;
	v0 =	vmul.f32 v1, v2  }
0x201: {  	v4 =	vmul.f32 v4, v2;
	[tilespmem:s20+$0x0] =	vst v5;
	v5 =	vmov s15  }
0x202: {  	v3 =	vmul.f32 v7, v2;
	[tilespmem:s20+$0x30] =	vst v0  }
0x203: {  	v2 =	vmul.f32 v8, v2;
	[tilespmem:s20+$0x10] =	vst v4  }
0x204: {  	[tilespmem:s20+$0x50] =	vst v3  }
0x205: {  	v1 =	vld [tilespmem:s20+$0x80];
	[tilespmem:s20+$0x70] =	vst v2  }
0x206: {  	v0 =	vld.idx.msk [tilespmem:v5+s8+$0x0], $0xffff  }
0x207: {  	v2 =	vld [tilespmem:s20+$0xA0]  }
0x208: {  	v3 =	vld [tilespmem:s20+$0xC0]  }
0x209: {  	v4 =	vld [tilespmem:s20+$0xF0]  }
0x20a: {  	v5 =	vld [tilespmem:s20+$0xE0]  }
0x20b: {  	v6 =	vld [tilespmem:s20+$0x90];
	v1 =	vmul.f32 v1, v0  }
0x20c: {  	v7 =	vld [tilespmem:s20+$0xB0];
	v2 =	vmul.f32 v2, v0  }
0x20d: {  	v8 =	vld [tilespmem:s20+$0xD0];
	[tilespmem:s20+$0x80] =	vst v1;
	v1 =	vmul.f32 v3, v0  }
0x20e: {  	[tilespmem:s20+$0xA0] =	vst v2;
	v2 =	vmul.f32 v4, v0  }
0x20f: {  	v3 =	vmul.f32 v5, v0;
	[tilespmem:s20+$0xC0] =	vst v1  }
0x210: {  	v1 =	vmul.f32 v6, v0;
	[tilespmem:s20+$0xF0] =	vst v2  }
0x211: {  	v2 =	vmul.f32 v7, v0;
	[tilespmem:s20+$0xE0] =	vst v3  }
0x212: {  	v0 =	vmul.f32 v8, v0;
	[tilespmem:s20+$0x90] =	vst v1  }
0x213: {  	[tilespmem:s20+$0xB0] =	vst v2  }
0x214: {  	[tilespmem:s20+$0xD0] =	vst v0  }
0x215: {  	_ =	swait.ge [sflag:s0], $0x4000  }
0x216: {  	[sflag:s0] =	ssyncset.done $0x0  }
0x217: {  	[sflag:s0] =	ssyncadd.s32 $0xFFFFC000  }
0x218: {  	_ =	swait.ge [sflag:s12], $0x80  }
0x219: {  	[sflag:s12] =	ssyncset.done $0x0  }
0x21a: {  	[sflag:s12] =	ssyncadd.s32 $0xFFFFFF80  }
0x21b: {  	[spmem:s3] =	stream.indirect.scatter.add.f32 [tilespmem:s4], [sflag:$0x3], $0x80, s9, s31, $0xb8;
	[tilespmem:$0x1EA00] =	vst v63  }
0x21c: {  	_ =	swait.ge [sflag:s30], $0x4000  }
0x21d: {  	s21 =	simm.s32 $0x0;
	[sflag:s30] =	ssyncset.done $0x0  }
0x21e: {  	v0 =	vmov s21;
	s25 =	rddreg [dreg:$0x6];
	[sflag:s30] =	ssyncadd.s32 $0xFFFFC000  }
0x21f: {  	v0 =	vand.u32 $0xFFFFFFFC, v0;
	[tilespmem:s8], [sflag:$0x2] =	stream.linear.gather [hbm4b:s25+s21], $0x80, $0x38;
	[tilespmem:$0x1EA00] =	vst v63  }
0x220: {  	v0 =	vbroadcast v0, $0x0;
	s26 =	rddreg [dreg:$0x7]  }
0x221: {  	[tilespmem:s9], [sflag:$0x2] =	stream.linear.gather [hbm4b:s26+s21], $0x80, $0x38;
	[tilespmem:$0x1EA00] =	vst v63  }
0x222: {  	_ =	swait.ge [sflag:s12], $0x80  }
0x223: {  	[sflag:s12] =	ssyncset.done $0x0  }
0x224: {  	s20 =	simm.s32 $0x6900;
	[sflag:s12] =	ssyncadd.s32 $0xFFFFFF80  }
0x225: {  	v1 =	vld [tilespmem:s20+$0xFFFFFF70]  }
0x226: {  	v0 =	vld.idx.msk [tilespmem:v0+s8+$0x0], $0xffff  }
0x227: {  	v2 =	vld [tilespmem:s20+$0xFFFFFF00]  }
0x228: {  	v3 =	vld [tilespmem:s20+$0xFFFFFF20]  }
0x229: {  	v4 =	vld [tilespmem:s20+$0xFFFFFF50]  }
0x22a: {  	v5 =	vld [tilespmem:s20+$0xFFFFFF40]  }
0x22b: {  	v6 =	vld [tilespmem:s20+$0xFFFFFF60];
	v1 =	vmul.f32 v1, v0  }
0x22c: {  	s28 =	simm.s32 $0x1;
	v7 =	vld [tilespmem:s20+$0xFFFFFF30];
	v2 =	vmul.f32 v2, v0  }
0x22d: {  	v8 =	vld [tilespmem:s20+$0xFFFFFF10];
	v3 =	vmul.f32 v3, v0;
	[tilespmem:s20+$0xFFFFFF70] =	vst v1;
	v1 =	vmov s28  }
0x22e: {  	v4 =	vmul.f32 v4, v0;
	[tilespmem:s20+$0xFFFFFF00] =	vst v2;
	v1 =	vand.u32 $0xFFFFFFFD, v1  }
0x22f: {  	v2 =	vmul.f32 v5, v0;
	[tilespmem:s20+$0xFFFFFF20] =	vst v3;
	v1 =	vbroadcast v1, $0x0  }
0x230: {  	v3 =	vmul.f32 v6, v0;
	[tilespmem:s20+$0xFFFFFF50] =	vst v4  }
0x231: {  	v4 =	vmul.f32 v7, v0;
	[tilespmem:s20+$0xFFFFFF40] =	vst v2  }
0x232: {  	v0 =	vmul.f32 v8, v0;
	[tilespmem:s20+$0xFFFFFF60] =	vst v3  }
0x233: {  	[tilespmem:s20+$0xFFFFFF30] =	vst v4  }
0x234: {  	[tilespmem:s20+$0xFFFFFF10] =	vst v0;
	v0 =	vld [tilespmem:s20+$0xFFFFFF90]  }
0x235: {  	v2 =	vld.idx.msk [tilespmem:v1+s8+$0x0], $0xffff  }
0x236: {  	v1 =	vld [tilespmem:s20+$0xFFFFFFA0]  }
0x237: {  	v3 =	vld [tilespmem:s20+$0xFFFFFF80]  }
0x238: {  	v4 =	vld [tilespmem:s20+$0xFFFFFFB0]  }
0x239: {  	v5 =	vld [tilespmem:s20+$0xFFFFFFC0]  }
0x23a: {  	v6 =	vld [tilespmem:s20+$0xFFFFFFD0];
	v0 =	vmul.f32 v0, v2  }
0x23b: {  	s29 =	simm.s32 $0x2;
	v7 =	vld [tilespmem:s20+$0xFFFFFFF0];
	v1 =	vmul.f32 v1, v2  }
0x23c: {  	v8 =	vld [tilespmem:s20+$0xFFFFFFE0];
	v3 =	vmul.f32 v3, v2;
	[tilespmem:s20+$0xFFFFFF90] =	vst v0;
	v0 =	vmov s29  }
0x23d: {  	v4 =	vmul.f32 v4, v2;
	[tilespmem:s20+$0xFFFFFFA0] =	vst v1;
	v0 =	vand.u32 $0xFFFFFFFE, v0  }
0x23e: {  	v1 =	vmul.f32 v5, v2;
	[tilespmem:s20+$0xFFFFFF80] =	vst v3;
	v5 =	vld [tilespmem:s20+$0x60];
	v9 =	vbroadcast v0, $0x0  }
0x23f: {  	v3 =	vmul.f32 v6, v2;
	[tilespmem:s20+$0xFFFFFFB0] =	vst v4;
	v6 =	vld [tilespmem:s20+$0x0]  }
0x240: {  	v4 =	vmul.f32 v7, v2;
	v0 =	vld [tilespmem:s20+$0x20];
	[tilespmem:s20+$0xFFFFFFC0] =	vst v1  }
0x241: {  	v2 =	vmul.f32 v8, v2;
	v1 =	vld [tilespmem:s20+$0x30];
	[tilespmem:s20+$0xFFFFFFD0] =	vst v3  }
0x242: {  	[tilespmem:s20+$0xFFFFFFF0] =	vst v4;
	v3 =	vld [tilespmem:s20+$0x40]  }
0x243: {  	[tilespmem:s20+$0xFFFFFFE0] =	vst v2;
	v4 =	vld [tilespmem:s20+$0x10]  }
0x244: {  	s22 =	simm.s32 $0x4;
	s23 =	simm.s32 $0x6900;
	v2 =	vld.idx.msk [tilespmem:v9+s8+$0x0], $0xffff  }
.LBB2_10:
0x245: {  	p0 =	slt.u32 s22, $0x7C  }
0x246: {  	v7 =	vld [tilespmem:s20+$0x50];
	s23 =	sadd.s32 $0x200, s23;
	s15 =	smov.u32 s22;
	s22 =	sadd.s32 $0x4, s22  }
0x247: {  	v8 =	vld [tilespmem:s20+$0x70];
	_ =	sdelay $0x1  }
0x248: {  	v5 =	vmul.f32 v5, v2;
	v6 =	vmul.f32 v6, v2  }
0x249: {  	v3 =	vmul.f32 v3, v2;
	v4 =	vmul.f32 v4, v2  }
0x24a: {  	v0 =	vmul.f32 v0, v2;
	v1 =	vmul.f32 v1, v2;
	[tilespmem:s20+$0x60] =	vst v5  }
0x24b: {  	[tilespmem:s20+$0x40] =	vst v3;
	v3 =	vmul.f32 v7, v2;
	v2 =	vmul.f32 v8, v2  }
0x24c: {  	s24 =	sadd.s32 $0x3, s21;
	s21 =	smov.u32 s15;
	[tilespmem:s20+$0x20] =	vst v0;
	v5 =	vld [tilespmem:s20+$0x80]  }
0x24d: {  	v0 =	vld [tilespmem:s23+$0x20];
	[tilespmem:s20+$0x0] =	vst v6;
	v6 =	vmov s24  }
0x24e: {  	[tilespmem:s20+$0x50] =	vst v3;
	v3 =	vld [tilespmem:s20+$0xE0]  }
0x24f: {  	[tilespmem:s20+$0x30] =	vst v1;
	v7 =	vld [tilespmem:s20+$0xC0]  }
0x250: {  	v1 =	vld [tilespmem:s23+$0x30];
	[tilespmem:s20+$0x10] =	vst v4  }
0x251: {  	[tilespmem:s20+$0x70] =	vst v2;
	v2 =	vld [tilespmem:s20+$0xA0]  }
0x252: {  	v4 =	vld.idx.msk [tilespmem:v6+s8+$0x0], $0xffff  }
0x253: {  	v6 =	vld [tilespmem:s20+$0x90]  }
0x254: {  	v8 =	vld [tilespmem:s20+$0xB0]  }
0x255: {  	v9 =	vld [tilespmem:s20+$0xD0]  }
0x256: {  	v10 =	vld [tilespmem:s20+$0xF0];
	_ =	sdelay $0x1  }
0x257: {  	v5 =	vmul.f32 v5, v4;
	v6 =	vmul.f32 v6, v4  }
0x258: {  	v2 =	vmul.f32 v2, v4;
	v8 =	vmul.f32 v8, v4  }
0x259: {  	v11 =	vmov s21;
	[tilespmem:s20+$0x80] =	vst v5;
	v5 =	vmul.f32 v7, v4;
	v7 =	vmul.f32 v9, v4  }
0x25a: {  	v9 =	vand.u32 $0xFFFFFFFC, v11;
	[tilespmem:s20+$0xA0] =	vst v2;
	v2 =	vmul.f32 v3, v4;
	v3 =	vmul.f32 v10, v4  }
0x25b: {  	v4 =	vbroadcast v9, $0x0;
	[tilespmem:s20+$0xC0] =	vst v5  }
0x25c: {  	[tilespmem:s20+$0xF0] =	vst v3  }
0x25d: {  	v3 =	vld [tilespmem:s23+$0xFFFFFF40];
	[tilespmem:s20+$0xE0] =	vst v2  }
0x25e: {  	v2 =	vld [tilespmem:s23+$0xFFFFFF50];
	[tilespmem:s20+$0x90] =	vst v6  }
0x25f: {  	v5 =	vld [tilespmem:s23+$0xFFFFFF60];
	[tilespmem:s20+$0xB0] =	vst v8  }
0x260: {  	v6 =	vld [tilespmem:s23+$0xFFFFFF70];
	[tilespmem:s20+$0xD0] =	vst v7;
	s20 =	smov.u32 s23  }
0x261: {  	v4 =	vld.idx.msk [tilespmem:v4+s8+$0x0], $0xffff  }
0x262: {  	v7 =	vld [tilespmem:s23+$0xFFFFFF00]  }
0x263: {  	v8 =	vld [tilespmem:s23+$0xFFFFFF20]  }
0x264: {  	v9 =	vld [tilespmem:s23+$0xFFFFFF10]  }
0x265: {  	v10 =	vld [tilespmem:s23+$0xFFFFFF30];
	_ =	sdelay $0x1  }
0x266: {  	v6 =	vmul.f32 v6, v4;
	v7 =	vmul.f32 v7, v4  }
0x267: {  	s15 =	sadd.s32 $0x1, s21;
	v5 =	vmul.f32 v5, v4;
	v8 =	vmul.f32 v8, v4  }
0x268: {  	v2 =	vmul.f32 v2, v4;
	v9 =	vmul.f32 v9, v4;
	[tilespmem:s23+$0xFFFFFF70] =	vst v6;
	v6 =	vmov s15  }
0x269: {  	v3 =	vmul.f32 v3, v4;
	[tilespmem:s23+$0xFFFFFF00] =	vst v7;
	v7 =	vmul.f32 v10, v4;
	v4 =	vand.u32 $0xFFFFFFFD, v6  }
0x26a: {  	[tilespmem:s23+$0xFFFFFF20] =	vst v8;
	v4 =	vbroadcast v4, $0x0  }
0x26b: {  	[tilespmem:s23+$0xFFFFFF50] =	vst v2  }
0x26c: {  	[tilespmem:s23+$0xFFFFFF40] =	vst v3;
	v2 =	vld [tilespmem:s23+$0xFFFFFFF0]  }
0x26d: {  	[tilespmem:s23+$0xFFFFFF60] =	vst v5;
	v3 =	vld [tilespmem:s23+$0xFFFFFFC0]  }
0x26e: {  	[tilespmem:s23+$0xFFFFFF30] =	vst v7;
	v5 =	vld [tilespmem:s23+$0xFFFFFFD0]  }
0x26f: {  	[tilespmem:s23+$0xFFFFFF10] =	vst v9;
	v6 =	vld [tilespmem:s23+$0xFFFFFF90]  }
0x270: {  	v4 =	vld.idx.msk [tilespmem:v4+s8+$0x0], $0xffff  }
0x271: {  	v7 =	vld [tilespmem:s23+$0xFFFFFF80]  }
0x272: {  	v8 =	vld [tilespmem:s23+$0xFFFFFFA0]  }
0x273: {  	v9 =	vld [tilespmem:s23+$0xFFFFFFB0]  }
0x274: {  	v10 =	vld [tilespmem:s23+$0xFFFFFFE0];
	_ =	sdelay $0x1  }
0x275: {  	v6 =	vmul.f32 v6, v4;
	v7 =	vmul.f32 v7, v4  }
0x276: {  	s15 =	sadd.s32 $0x2, s21;
	v5 =	vmul.f32 v5, v4;
	v8 =	vmul.f32 v8, v4  }
0x277: {  	v3 =	vmul.f32 v3, v4;
	[tilespmem:s23+$0xFFFFFF90] =	vst v6;
	v6 =	vmul.f32 v9, v4;
	v9 =	vmov s15  }
0x278: {  	v2 =	vmul.f32 v2, v4;
	[tilespmem:s23+$0xFFFFFFA0] =	vst v8;
	v8 =	vmul.f32 v10, v4;
	v4 =	vand.u32 $0xFFFFFFFE, v9  }
0x279: {  	[tilespmem:s23+$0xFFFFFF80] =	vst v7;
	v4 =	vbroadcast v4, $0x0  }
0x27a: {  	[tilespmem:s23+$0xFFFFFFB0] =	vst v6  }
0x27b: {  	[tilespmem:s23+$0xFFFFFFC0] =	vst v3  }
0x27c: {  	[tilespmem:s23+$0xFFFFFFD0] =	vst v5  }
.Ltmp4:
0x27d: {  	[tilespmem:s23+$0xFFFFFFF0] =	vst v2;
	v3 =	vld [tilespmem:s23+$0x40];
	(pc) =	sbr.rel @p0 .LBB2_10-.Ltmp4, $4  }
0x27e: {  	[tilespmem:s23+$0xFFFFFFE0] =	vst v8;
	v5 =	vld [tilespmem:s23+$0x60]  }
0x27f: {  	v2 =	vld.idx.msk [tilespmem:v4+s8+$0x0], $0xffff  }
0x280: {  	v6 =	vld [tilespmem:s23+$0x0]  }
0x281: {  	v4 =	vld [tilespmem:s23+$0x10]  }
0x282: {  	_ =	sdelay $0x1  }
0x283: {  	v5 =	vmul.f32 v5, v2  }
0x284: {  	v7 =	vld [tilespmem:s20+$0x50];
	v3 =	vmul.f32 v3, v2  }
0x285: {  	v8 =	vld [tilespmem:s20+$0x70];
	v0 =	vmul.f32 v0, v2;
	[tilespmem:s20+$0x60] =	vst v5  }
0x286: {  	v48 =	vmul.f32 v1, v2;
	[tilespmem:s20+$0x40] =	vst v3  }
0x287: {  	s15 =	sadd.s32 $0x3, s21;
	v46 =	vmul.f32 v6, v2;
	[tilespmem:s20+$0x20] =	vst v0  }
0x288: {  	v50 =	vmov s15;
	v4 =	vmul.f32 v4, v2;
	[tilespmem:s20+$0x30] =	vst v48  }
0x289: {  	v47 =	vmul.f32 v7, v2;
	[tilespmem:s20+$0x0] =	vst v46  }
0x28a: {  	v51 =	vmul.f32 v8, v2;
	[tilespmem:s20+$0x10] =	vst v4  }
0x28b: {  	[tilespmem:s20+$0x50] =	vst v47  }
0x28c: {  	v49 =	vld [tilespmem:s20+$0x80];
	[tilespmem:s20+$0x70] =	vst v51  }
0x28d: {  	v0 =	vld.idx.msk [tilespmem:v50+s8+$0x0], $0xffff  }
0x28e: {  	v52 =	vld [tilespmem:s20+$0xA0]  }
0x28f: {  	v53 =	vld [tilespmem:s20+$0xC0]  }
0x290: {  	v54 =	vld [tilespmem:s20+$0xF0]  }
0x291: {  	v55 =	vld [tilespmem:s20+$0xE0]  }
0x292: {  	v56 =	vld [tilespmem:s20+$0x90];
	v1 =	vmul.f32 v49, v0  }
0x293: {  	v57 =	vld [tilespmem:s20+$0xB0];
	v2 =	vmul.f32 v52, v0  }
0x294: {  	v58 =	vld [tilespmem:s20+$0xD0];
	v59 =	vmul.f32 v53, v0;
	[tilespmem:s20+$0x80] =	vst v1  }
0x295: {  	v60 =	vmul.f32 v54, v0;
	[tilespmem:s20+$0xA0] =	vst v2  }
0x296: {  	v61 =	vmul.f32 v55, v0;
	[tilespmem:s20+$0xC0] =	vst v59  }
0x297: {  	v62 =	vmul.f32 v56, v0;
	[tilespmem:s20+$0xF0] =	vst v60  }
0x298: {  	v63 =	vmul.f32 v57, v0;
	[tilespmem:s20+$0xE0] =	vst v61  }
0x299: {  	v0 =	vmul.f32 v58, v0;
	[tilespmem:s20+$0x90] =	vst v62  }
0x29a: {  	[tilespmem:s20+$0xB0] =	vst v63  }
0x29b: {  	[tilespmem:s20+$0xD0] =	vst v0  }
0x29c: {  	_ =	swait.ge [sflag:s12], $0x80  }
0x29d: {  	[sflag:s12] =	ssyncset.done $0x0  }
0x29e: {  	[sflag:s12] =	ssyncadd.s32 $0xFFFFFF80  }
0x29f: {  	[spmem:s3] =	stream.indirect.scatter.add.f32 [tilespmem:s11], [sflag:$0x3], $0x80, s9, s31, $0xb8;
	[tilespmem:$0x1EA00] =	vst v63  }
0x2a0: {  	_ =	swait.ge [sflag:s30], $0x4000  }
0x2a1: {  	[sflag:s30] =	ssyncset.done $0x0  }
0x2a2: {  	[sflag:s30] =	ssyncadd.s32 $0xFFFFC000  }
0x2a3: {  	[bflag:$0x0] =	sbarrier.arrive $0xFFFF  }
0x2a4: {  	s22 =	rddreg [dreg:$0x9]  }
0x2a5: {  	s23 =	rddreg [dreg:$0x18]  }
0x2a6: {  	[hbm:s22], [sflag:s14] =	dma.local [spmem:s23], $0x800  }
0x2a7: {  	_ =	swait.ge [sflag:s30], $0x800  }
0x2a8: {  	[sflag:s30] =	ssyncset.done $0x0  }
0x2a9: {  	s24 =	rddreg [dreg:$0x11];
	[sflag:s30] =	ssyncadd.s32 $0xFFFFF800  }
0x2aa: {  	[hbm:s24], [sflag:s14] =	dma.local [spmem:s16], $0x800  }
0x2ab: {  	_ =	swait.ge [sflag:s30], $0x800  }
0x2ac: {  	[sflag:s30] =	ssyncset.done $0x0  }
0x2ad: {  	s25 =	rddreg [dreg:$0x13];
	[sflag:s30] =	ssyncadd.s32 $0xFFFFF800  }
0x2ae: {  	[hbm:s25], [sflag:s14] =	dma.local [spmem:s17], $0x800  }
0x2af: {  	_ =	swait.ge [sflag:s30], $0x800  }
0x2b0: {  	[sflag:s30] =	ssyncset.done $0x0  }
0x2b1: {  	s26 =	rddreg [dreg:$0x15];
	[sflag:s30] =	ssyncadd.s32 $0xFFFFF800  }
0x2b2: {  	[hbm:s26], [sflag:s14] =	dma.local [spmem:s18], $0x800  }
0x2b3: {  	_ =	swait.ge [sflag:s30], $0x800  }
0x2b4: {  	[sflag:s30] =	ssyncset.done $0x0  }
0x2b5: {  	s28 =	rddreg [dreg:$0x16];
	[sflag:s30] =	ssyncadd.s32 $0xFFFFF800  }
0x2b6: {  	[hbm:s28], [sflag:s14] =	dma.local [spmem:s19], $0x800  }
0x2b7: {  	_ =	swait.ge [sflag:s30], $0x800  }
0x2b8: {  	s13 =	sadd.s32 $0x1, s13;
	s29 =	rddreg [dreg:$0xa]  }
0x2b9: {  	p0 =	sne.s32 s13, s29  }
.Ltmp5:
0x2ba: {  	_ = 	snop;
	(pc) =	sbr.rel @p0 .LBB2_1-.Ltmp5, $3  }
0x2bb: {  	_ =	sdelay $0x1  }
0x2bc: {  	[sflag:s30] =	ssyncset.done $0x0  }
0x2bd: {  	[sflag:s30] =	ssyncadd.s32 $0xFFFFF800  }
0x2be: {  	_ =	sfence.sel $0x180000  }
0x2bf: {  	[bflag:$0x0] =	sbarrier.arrive $0xFFFF  }
0x2c0: {  	_ =	strace $0x9000004A  }
0x2c1: {  	s0 =	stileid.u32;
	[bflag:$0x2] =	sbarrier.arrive $0xFFFF  }
0x2c2: {  	p0 =	sne.s32 s0, $0x0;
	s0 =	rddreg [dreg:$0x2]  }
0x2c3: {  	s0 =	sadd.s32 @!p0 $0x100000, s0  }
0x2c4: {  	[sflag:s0] =	ssyncadd.tile.s32 @!p0 $0x1;
	_ =	shalt  }
.Lfunc_end2:
_tile_overlayer_lowered:
.L_overlay_start_2:
0x2c5: {  	(tag) =	ssettag $0x2  }
0x2c6: {  	s0 =	rddreg [dreg:$0x0];
	s2 =	stileid.u32  }
0x2c7: {  	s1 =	rddreg [dreg:$0x1];
	p0 =	sne.s32 s2, $0x0  }
0x2c8: {  	s3 =	rddreg [dreg:$0x2];
	[bflag:$0x3] =	sbarrier.arrive $0xFFFF;
	s2 =	simm.s32 @!p0 $0x1C03  }
0x2c9: {  	[timem:s3], [sflag:s2] =	dma.local @!p0 [hbm:s0], s1  }
0x2ca: {  	s0 =	simm.s32 @!p0 $0x3  }
0x2cb: {  	_ =	swait.ge @!p0 [sflag:s0], s1  }
0x2cc: {  	s1 =	ssub.s32 @!p0 $0x0, s1;
	[sflag:s0] =	ssyncset.done @!p0 $0x0  }
0x2cd: {  	[sflag:s0] =	ssyncadd.s32 @!p0 s1  }
0x2ce: {  	[bflag:$0x3] =	sbarrier.arrive $0xFFFF  }
0x2cf: {  	_ =	shalt  }

// kernel: kernel.20.cloned.1.call-start
scs
__scs_entry_jumppad:
0x0: {  	(pc) =	sbr.rel $0x88, $3  }
0x1: {  	(tag) =	ssettag $0x0;
	lr =	simm.s32 $0x1  }
0x2: {  	[smem:$0x3F84] =	sst lr;
	_ =	strace $0xD0000000  }
0x3: {  	_ = 	snop  }
0x4: {  	_ = 	snop  }
0x5: {  	_ = 	snop  }
0x6: {  	_ = 	snop  }
0x7: {  	_ = 	snop  }
__scs_overlays_trampoline_lowered:
0x8: {  	[smem:$0x3F93] =	sst s0  }
0x9: {  	[smem:$0x3F94] =	sst s1  }
0xa: {  	[smem:$0x3F95] =	sst s2  }
0xb: {  	[smem:$0x3F96] =	sst s3  }
0xc: {  	[smem:$0x3F97] =	sst s4  }
0xd: {  	[smem:$0x3F98] =	sst s5  }
0xe: {  	[smem:$0x3F99] =	sst s6  }
0xf: {  	[smem:$0x3F9A] =	sst s7  }
0x10: {  	[smem:$0x3F9B] =	sst s8  }
0x11: {  	[smem:$0x3F9C] =	sst s9;
	s0 =	simm.s32 @!p0 $0x0  }
0x12: {  	s1 =	sld [smem:$0x3F82];
	s0 =	simm.s32 @p0 $0x1  }
0x13: {  	[smem:$0x3F9D] =	sst s0;
	s0 =	simm.s32 @!p1 $0x0  }
0x14: {  	s2 =	sld [smem:$0x3F81];
	s0 =	simm.s32 @p1 $0x1  }
0x15: {  	[smem:$0x3F9E] =	sst s0;
	s0 =	simm.s32 @!p2 $0x0  }
0x16: {  	s3 =	sld [smem:$0x3FDB];
	s0 =	simm.s32 @p2 $0x1  }
0x17: {  	s4 =	simm.s32 $0x1BF5;
	[smem:$0x3FA0] =	sst s0  }
0x18: {  	s0 =	sld [smem:$0x3F83];
	_ =	swait.ge [sflag:s4], $0x0  }
0x19: {  	s7 =	sld [smem:$0x3F84]  }
0x1a: {  	s8 =	sadd.s32 $0xFFFFE003, lr  }
0x1b: {  	s9 =	sadd.s32 $0xFFFFFEF7, lr;
	s5 =	simm.s32 $0xFFFFFFFF;
	p2 =	slt.u32 s8, $0xFFFFF086  }
0x1c: {  	p1 =	slt.u32 s9, $0xF7A;
	s5 =	simm.s32 @!p2 $0x0  }
0x1d: {  	s5 =	simm.s32 @p1 $0x1;
	p0 =	seq.s32 s7, s2  }
0x1e: {  	s7 =	smul.u32 @!p0 $0xF7A, s2;
	p2 =	seq.s32 @!p0 s5, $0x0  }
0x1f: {  	s9 =	smul.u32 $0xF7A, s1;
	s8 =	simm.s32 @!p0 $0x1BF5;
	p2 =	por !p2, p0  }
0x20: {  	[sflag:s8] =	ssyncset.s32 @!p0 $0xFFFFF086;
	s6 =	sadd.s32 @!p0 s3, s7;
	s7 =	simm.s32 @!p0 $0x108  }
0x21: {  	s3 =	sadd.s32 s3, s9;
	s6 =	sadd.s32 @!p0 $0x88, s6;
	s7 =	simm.s32 @p2 $0x1082  }
0x22: {  	[simem:s7], [sflag:s8] =	dma.local @!p0 [hbm:s6], $0xF7A  }
0x23: {  	s9 =	sor.u32 $0xD0000000, s2;
	s6 =	simm.s32 $0x108;
	_ =	swait.ge @!p0 [sflag:s8], $0x0  }
0x24: {  	s3 =	sadd.s32 $0x88, s3;
	s6 =	simm.s32 @!p1 $0x1082;
	[sflag:s4] =	ssyncset.s32 $0xFFFFF086  }
0x25: {  	[simem:s6], [sflag:s4] =	dma.local [hbm:s3], $0xF7A  }
0x26: {  	[smem:$0x3F84] =	sst s1;
	(tag) =	ssettag s2;
	_ =	strace s9  }
0x27: {  	s1 =	sld [smem:$0x3F94]  }
0x28: {  	s2 =	sld [smem:$0x3F95]  }
0x29: {  	s4 =	sld [smem:$0x3F97]  }
0x2a: {  	p0 =	seq.s32 s5, $0x0;
	s5 =	sld [smem:$0x3F98]  }
0x2b: {  	s6 =	sld [smem:$0x3F99]  }
0x2c: {  	s7 =	sld [smem:$0x3F9A]  }
0x2d: {  	s3 =	simm.s32 $0x108;
	s8 =	sld [smem:$0x3F9B]  }
0x2e: {  	s3 =	simm.s32 @!p0 $0x1082;
	s9 =	sld [smem:$0x3F9C]  }
0x2f: {  	lr =	sadd.s32 s0, s3;
	s0 =	sld [smem:$0x3F93]  }
0x30: {  	s3 =	sld [smem:$0x3F96]  }
0x31: {  	[smem:$0x3F9F] =	sst s10  }
0x32: {  	s10 =	sld [smem:$0x3F9D];
	_ =	sdelay $0x3  }
0x33: {  	p0 =	seq.s32 s10, $0x1;
	s10 =	sld [smem:$0x3F9F];
	_ =	sdelay $0x3  }
0x34: {  	[smem:$0x3F9F] =	sst s10  }
0x35: {  	s10 =	sld [smem:$0x3F9E];
	_ =	sdelay $0x3  }
0x36: {  	p1 =	seq.s32 s10, $0x1;
	s10 =	sld [smem:$0x3F9F];
	_ =	sdelay $0x3  }
0x37: {  	[smem:$0x3F9F] =	sst s10  }
0x38: {  	s10 =	sld [smem:$0x3FA0]  }
0x39: {  	_ = 	snop;
	(pc) =	sbr.ind lr, $3  }
0x3a: {  	_ = 	snop  }
0x3b: {  	_ = 	snop  }
0x3c: {  	p2 =	seq.s32 s10, $0x1;
	s10 =	sld [smem:$0x3F9F]  }
0x3d: {  	_ =	shalt  }
0x3e: {  	_ =	shalt  }
0x3f: {  	_ =	shalt  }
0x40: {  	_ =	shalt  }
0x41: {  	_ =	shalt  }
0x42: {  	_ =	shalt  }
0x43: {  	_ =	shalt  }
0x44: {  	_ =	shalt  }
0x45: {  	_ =	shalt  }
0x46: {  	_ =	shalt  }
0x47: {  	_ =	shalt  }
0x48: {  	_ =	shalt  }
0x49: {  	_ =	shalt  }
0x4a: {  	_ =	shalt  }
0x4b: {  	_ =	shalt  }
0x4c: {  	_ =	shalt  }
0x4d: {  	_ =	shalt  }
0x4e: {  	_ =	shalt  }
0x4f: {  	_ =	shalt  }
0x50: {  	_ =	shalt  }
0x51: {  	_ =	shalt  }
0x52: {  	_ =	shalt  }
0x53: {  	_ =	shalt  }
0x54: {  	_ =	shalt  }
0x55: {  	_ =	shalt  }
0x56: {  	_ =	shalt  }
0x57: {  	_ =	shalt  }
0x58: {  	_ =	shalt  }
0x59: {  	_ =	shalt  }
0x5a: {  	_ =	shalt  }
0x5b: {  	_ =	shalt  }
0x5c: {  	_ =	shalt  }
0x5d: {  	_ =	shalt  }
0x5e: {  	_ =	shalt  }
0x5f: {  	_ =	shalt  }
0x60: {  	_ =	shalt  }
0x61: {  	_ =	shalt  }
0x62: {  	_ =	shalt  }
0x63: {  	_ =	shalt  }
0x64: {  	_ =	shalt  }
0x65: {  	_ =	shalt  }
0x66: {  	_ =	shalt  }
0x67: {  	_ =	shalt  }
0x68: {  	_ =	shalt  }
0x69: {  	_ =	shalt  }
0x6a: {  	_ =	shalt  }
0x6b: {  	_ =	shalt  }
0x6c: {  	_ =	shalt  }
0x6d: {  	_ =	shalt  }
0x6e: {  	_ =	shalt  }
0x6f: {  	_ =	shalt  }
0x70: {  	_ =	shalt  }
0x71: {  	_ =	shalt  }
0x72: {  	_ =	shalt  }
0x73: {  	_ =	shalt  }
0x74: {  	_ =	shalt  }
0x75: {  	_ =	shalt  }
0x76: {  	_ =	shalt  }
0x77: {  	_ =	shalt  }
0x78: {  	_ =	shalt  }
0x79: {  	_ =	shalt  }
0x7a: {  	_ =	shalt  }
0x7b: {  	_ =	shalt  }
0x7c: {  	_ =	shalt  }
0x7d: {  	_ =	shalt  }
0x7e: {  	_ =	shalt  }
0x7f: {  	_ =	shalt  }
0x80: {  	_ =	shalt  }
0x81: {  	_ =	shalt  }
0x82: {  	_ =	shalt  }
0x83: {  	_ =	shalt  }
0x84: {  	_ =	shalt  }
0x85: {  	_ =	shalt  }
0x86: {  	_ =	shalt  }
0x87: {  	_ =	shalt  }
.Lfunc_end0:
.L_simem_size_0:
called_computation.3_lowered:
.L_overlay_start_0:
0x88: {  	s2 =	sld [smem:$0x3FD9]  }
0x89: {  	s3 =	sld [smem:$0x3FFE];
	_ =	sdelay $0x1  }
0x8a: {  	s1 =	srdreg.scid  }
0x8b: {  	s0 =	sand.u32 $0x1, s1  }
0x8c: {  	s17 =	sshll.u32 s0, $0xA;
	s2 =	sadd.s32 s3, s2  }
0x8d: {  	s2 =	sadd.s32 s2, s17  }
0x8e: {  	[smem:$0x3FAB] =	sst s2  }
0x8f: {  	_ = 	snop  }
0x90: {  	(tm) =	ssettm $0x1  }
0x91: {  	s18 =	sld [smem:$0x3FFB];
	_ =	sdelay $0x3  }
0x92: {  	_ =	strace s18  }
0x93: {  	s2 =	sld [smem:$0x3FFC];
	_ =	sdelay $0x3  }
0x94: {  	_ =	strace s2  }
0x95: {  	s2 =	sld [smem:$0x3FFD];
	_ =	sdelay $0x3  }
0x96: {  	_ =	strace s2  }
0x97: {  	_ =	strace $0x8FFFFFFF  }
0x98: {  	s19 =	sld [smem:$0x3FDB];
	_ =	sdelay $0x1  }
0x99: {  	s20 =	simm.s32 $_scs_section_size  }
0x9a: {  	s4 =	simm.s32 $_size__tile_overlayer_lowered;
	s5 =	simm.s32 $_tile_overlayer_lowered  }
0x9b: {  	s6 =	simm.s32 $0x1BFF;
	s21 =	sshll.u32 s5, $0x1;
	s3 =	sadd.s32 s20, s19  }
0x9c: {  	s22 =	simm.s32 $0x0;
	s4 =	sshll.u32 s4, $0x1;
	s5 =	sadd.s32 s21, s3  }
0x9d: {  	[timem:s22], [sflag:s6] =	dma.local [hbm:s5], s4  }
0x9e: {  	_ =	swait.ge [sflag:s6], s4  }
0x9f: {  	s4 =	ssub.s32 $0x0, s4;
	[sflag:s6] =	ssyncset.done $0x0  }
0xa0: {  	[sflag:s6] =	ssyncadd.s32 s4;
	_ =	sdelay $0x1  }
0xa1: {  	s23 =	simm.s32 $0x1B8B  }
0xa2: {  	_ =	swait.ge [sflag:s23], $0x1  }
0xa3: {  	[sflag:s23] =	ssyncset.done $0x0  }
0xa4: {  	[sflag:s23] =	ssyncadd.s32 $0xFFFFFFFF  }
0xa5: {  	s4 =	sld [smem:$0x0]  }
0xa6: {  	s5 =	sand.u32 $0xFFFFFFFE, s1  }
0xa7: {  	p0 =	sne.s32 s1, s5  }
0xa8: {  	s5 =	sshll.u32 @p0 s5, $0xE  }
0xa9: {  	s5 =	sadd.s32 @p0 $0x11B8D, s5;
	s6 =	sshll.u32 @p0 s4, $0x11  }
0xaa: {  	s5 =	sor.u32 @p0 s6, s5  }
0xab: {  	[sflag:s5] =	ssyncadd.remote.s32 @p0 $0x1;
	_ =	sdelay $0x1  }
0xac: {  	s5 =	simm.s32 @p0 $0x1B8D  }
0xad: {  	_ =	swait.eq @p0 [sflag:s5], $0x1  }
0xae: {  	[sflag:s5] =	ssyncadd.s32 @p0 $0xFFFFFFFF  }
0xaf: {  	s6 =	sshll.u32 @!p0 s1, $0xE  }
0xb0: {  	s6 =	sor.u32 @!p0 $0x4000, s6;
	s5 =	simm.s32 @!p0 $0x1B8D  }
0xb1: {  	s4 =	sshll.u32 @!p0 s4, $0x11;
	s6 =	sadd.s32 @!p0 $0x11B8D, s6;
	_ =	swait.eq @!p0 [sflag:s5], $0x1  }
0xb2: {  	s4 =	sor.u32 @!p0 s4, s6;
	[sflag:s5] =	ssyncadd.s32 @!p0 $0xFFFFFFFF  }
0xb3: {  	s25 =	simm.s32 $0x1B8E;
	s24 =	sld [smem:$0x3FFE];
	[sflag:s4] =	ssyncadd.remote.s32 @!p0 $0x1  }
0xb4: {  	s26 =	simm.s32 $execute0_lowered;
	[smem:$0x3FD2] =	sst s25  }
0xb5: {  	s5 =	sshll.u32 s26, $0x1;
	_ =	strace $0x8000004F;
	[dreg:$0x1] =	wrdreg $0xFFFFFFFF  }
0xb6: {  	s28 =	simm.s32 $_size_execute0_lowered;
	s3 =	sadd.s32 s3, s5;
	[dreg:$0x0] =	wrdreg $0x0  }
0xb7: {  	s5 =	sshll.u32 s28, $0x1;
	[dreg:$0x2] =	wrdreg s3  }
0xb8: {  	[dreg:$0x3] =	wrdreg s5  }
0xb9: {  	[dreg:$0x4] =	wrdreg $0xC0  }
0xba: {  	_ =	task [dreg:s22], $0x5FFFF  }
0xbb: {  	[dreg:$0x1] =	wrdreg $0xFFFFFFFF  }
0xbc: {  	[dreg:$0x0] =	wrdreg $0x60  }
0xbd: {  	[dreg:$0x2] =	wrdreg s24  }
0xbe: {  	[dreg:$0x3] =	wrdreg $0xA  }
0xbf: {  	_ =	task.clear_ibuf [dreg:s22], $0x4FFFF;
	_ =	strace $0x9000004F  }
0xc0: {  	s29 =	simm.s32 $0xA;
	_ =	strace $0x80000051  }
0xc1: {  	_ =	swait.ge [sflag:s29], $0x1  }
0xc2: {  	[sflag:s29] =	ssyncadd.s32 $0xFFFFFFFF  }
0xc3: {  	_ =	strace $0x90000051  }
0xc4: {  	_ =	sfence  }
0xc5: {  	s30 =	sld [smem:$0x0];
	_ =	sdelay $0x2  }
0xc6: {  	s31 =	sshll.u32 s1, $0xD;
	s1 =	sshrl.u32 s1, $0x2  }
0xc7: {  	s4 =	sand.u32 $0x4000, s31;
	s1 =	sadd.s32 s1, s30  }
0xc8: {  	s0 =	sor.u32 s4, s0;
	s1 =	sshll.u32 s1, $0x11  }
0xc9: {  	s0 =	sor.u32 s1, s0  }
0xca: {  	s0 =	sadd.s32 $0x8F2B, s0  }
0xcb: {  	[sflag:s0] =	ssyncadd.remote.s32 $0x1  }
0xcc: {  	_ =	sfence.sel $0xFFFF  }
0xcd: {  	[dreg:$0x0] =	wrdreg $0xFFFFFFFF;
	(pc) =	sbr.abs _section_cstart, $3  }
0xce: {  	[dreg:$0x1] =	wrdreg $0xFFFFFFFF  }
0xcf: {  	_ =	task.clear_ibuf [dreg:s22], $0x2FFFF;
	_ =	strace $0x9FFFFFFF  }
0xd0: {  	(tm) =	ssettm $0x7FFFFFFF  }
0xd1: {  	_ =	shalt  }
tec
execute0_lowered:
.L_overlay_start_1:
0x0: {  	(tag) =	ssettag $0x1  }
0x1: {  	s0 =	rddreg [dreg:$0x0];
	s2 =	simm.s32 $0x0;
	s3 =	srdreg.scid  }
0x2: {  	s1 =	stileid.u32;
	s14 =	simm.s32 $0x100;
	s15 =	simm.s32 $0x900  }
0x3: {  	s16 =	simm.s32 $0x1100;
	s17 =	simm.s32 $0x1900;
	s18 =	simm.s32 $0x2100  }
0x4: {  	s19 =	simm.s32 $0x2900;
	s20 =	simm.s32 $0x3100;
	s21 =	simm.s32 $0x3900  }
0x5: {  	s22 =	simm.s32 $0x4100;
	s28 =	simm.s32 $0x6900;
	s29 =	simm.s32 $0x7100  }
0x6: {  	s30 =	simm.s32 $0x7900;
	s31 =	simm.s32 $0x1;
	[smem:$0x7FF] =	sst s2  }
0x7: {  	s4 =	sand.u32 $0x1, s3;
	s5 =	sshll.u32 s1, $0xA;
	s8 =	sadd.s32 $0x348A00, s0  }
0x8: {  	s3 =	sadd.s32 $0x5C00, s0;
	s0 =	sadd.s32 $0x12FC00, s0;
	s6 =	sshll.u32 s4, $0x9  }
0x9: {  	_ =	strace $0x80000050;
	s4 =	ssub.s32 $0x2, s4;
	s9 =	sor.u32 s6, s5  }
0xa: {  	s23 =	sshrl.u32 s4, $0x1;
	s5 =	sshrl.u32 s9, $0x3;
	s7 =	sor.u32 $0x80, s9  }
0xb: {  	s11 =	ssub.s32 s4, s23;
	s25 =	sshll.u32 s9, $0x5;
	s10 =	sor.u32 $0x100, s9  }
0xc: {  	s9 =	sor.u32 $0x180, s9;
	s23 =	simm.s32 $0x4900;
	s5 =	sadd.s32 s8, s5  }
0xd: {  	s24 =	sshrl.u32 s7, $0x3;
	s26 =	sshrl.u32 s10, $0x3;
	s7 =	sshll.u32 s7, $0x5  }
0xe: {  	s12 =	sshrl.u32 s9, $0x3;
	s10 =	sshll.u32 s10, $0x5;
	s13 =	sshll.u32 s9, $0x5  }
0xf: {  	s11 =	smax.u32 s11, $0x1;
	[dreg:$0x2] =	wrdreg s5;
	s4 =	sadd.s32 s8, s24  }
0x10: {  	s5 =	sadd.s32 s0, s25;
	s6 =	sadd.s32 s8, s26;
	s7 =	sadd.s32 s0, s7  }
0x11: {  	v2 =	vlaneseq.u32;
	s8 =	sadd.s32 s8, s12;
	s9 =	sadd.s32 s0, s10;
	s10 =	sadd.s32 s0, s13  }
0x12: {  	vm0 =	vmmov $0xffff;
	v1 =	vshrl.u32 v2, $0x3;
	s12 =	simm.s32 $0x3;
	s13 =	simm.s32 $0x80;
	s24 =	simm.s32 $0x5100  }
0x13: {  	v0 =	vand.u32 $0x7, v2;
	v2 =	vor.u32 $0x8, v2;
	v1 =	vmul.u32 $0x8, v1;
	s25 =	simm.s32 $0x5900;
	s26 =	simm.s32 $0x6100;
	s0 =	simm.s32 $0x2  }
.LBB2_1:
0x14: {  	s1 =	rddreg [dreg:$0x2]  }
0x15: {  	[tilespmem:s2], [sflag:$0x3] =	stream.linear.gather [hbm4b:s1+s2], $0x80, $0x38;
	[tilespmem:$0x8100] =	vst v63  }
0x16: {  	_ =	swait.ge [sflag:s12], $0x80  }
0x17: {  	[sflag:s12] =	ssyncset.done $0x0  }
0x18: {  	[sflag:s12] =	ssyncadd.s32 $0xFFFFFF80  }
0x19: {  	[tilespmem:s13], [sflag:$0x2] =	stream.linear.gather [hbm4b:s4+s2], $0x80, $0x38;
	[tilespmem:$0x8100] =	vst v63  }
0x1a: {  	v3 =	vld [tilespmem:$0x0];
	_ =	sdelay $0x4  }
0x1b: {  	v4 =	vshll.u32 v3, $0x1  }
0x1c: {  	v3 =	vand.u32 $0x7, v3;
	v4 =	vand.u32 $0xFFFFFFF0, v4  }
0x1d: {  	v3 =	vor.u32 v3, v4  }
0x1e: {  	v4 =	vperm.xlane v3, v0;
	_ =	sdelay $0x1  }
0x1f: {  	v3 =	vperm.xlane v3, v2;
	v4 =	vadd.s32 v1, v4;
	_ =	sdelay $0x1  }
0x20: {  	v3 =	vadd.s32 v1, v3;
	_ =	sdelay $0x2  }
0x21: {  	[tilespmem:s14], [sflag:$0x1] =	stream.indirect_vreg.gather [hbm4b:s3+s2], $0x80, v4, vm0, $0xb8;
	[tilespmem:$0x8100] =	vst v63  }
0x22: {  	_ = 	snop  }
0x23: {  	[tilespmem:s15], [sflag:$0x1] =	stream.indirect_vreg.gather [hbm4b:s3+s2], $0x80, v3, vm0, $0xb8;
	[tilespmem:$0x8100] =	vst v63  }
0x24: {  	v3 =	vld [tilespmem:$0x10];
	_ =	sdelay $0x4  }
0x25: {  	v33 =	vshll.u32 v3, $0x1  }
0x26: {  	v3 =	vand.u32 $0x7, v3;
	v4 =	vand.u32 $0xFFFFFFF0, v33  }
0x27: {  	v3 =	vor.u32 v3, v4  }
0x28: {  	v4 =	vperm.xlane v3, v0;
	_ =	sdelay $0x1  }
0x29: {  	v3 =	vperm.xlane v3, v2;
	v4 =	vadd.s32 v1, v4;
	_ =	sdelay $0x1  }
0x2a: {  	v3 =	vadd.s32 v1, v3;
	_ =	sdelay $0x2  }
0x2b: {  	[tilespmem:s16], [sflag:$0x1] =	stream.indirect_vreg.gather [hbm4b:s3+s2], $0x80, v4, vm0, $0xb8;
	[tilespmem:$0x8100] =	vst v63  }
0x2c: {  	_ = 	snop  }
0x2d: {  	[tilespmem:s17], [sflag:$0x1] =	stream.indirect_vreg.gather [hbm4b:s3+s2], $0x80, v3, vm0, $0xb8;
	[tilespmem:$0x8100] =	vst v63  }
0x2e: {  	v3 =	vld [tilespmem:$0x20];
	_ =	sdelay $0x4  }
0x2f: {  	v34 =	vshll.u32 v3, $0x1  }
0x30: {  	v3 =	vand.u32 $0x7, v3;
	v4 =	vand.u32 $0xFFFFFFF0, v34  }
0x31: {  	v3 =	vor.u32 v3, v4  }
0x32: {  	v4 =	vperm.xlane v3, v0;
	_ =	sdelay $0x1  }
0x33: {  	v3 =	vperm.xlane v3, v2;
	v4 =	vadd.s32 v1, v4;
	_ =	sdelay $0x1  }
0x34: {  	v3 =	vadd.s32 v1, v3;
	_ =	sdelay $0x2  }
0x35: {  	[tilespmem:s18], [sflag:$0x1] =	stream.indirect_vreg.gather [hbm4b:s3+s2], $0x80, v4, vm0, $0xb8;
	[tilespmem:$0x8100] =	vst v63  }
0x36: {  	_ = 	snop  }
0x37: {  	[tilespmem:s19], [sflag:$0x1] =	stream.indirect_vreg.gather [hbm4b:s3+s2], $0x80, v3, vm0, $0xb8;
	[tilespmem:$0x8100] =	vst v63  }
0x38: {  	v3 =	vld [tilespmem:$0x30];
	_ =	sdelay $0x4  }
0x39: {  	v35 =	vshll.u32 v3, $0x1  }
0x3a: {  	v3 =	vand.u32 $0x7, v3;
	v4 =	vand.u32 $0xFFFFFFF0, v35  }
0x3b: {  	v3 =	vor.u32 v3, v4  }
0x3c: {  	v4 =	vperm.xlane v3, v0;
	_ =	sdelay $0x1  }
0x3d: {  	v3 =	vperm.xlane v3, v2;
	v4 =	vadd.s32 v1, v4;
	_ =	sdelay $0x1  }
0x3e: {  	v3 =	vadd.s32 v1, v3;
	_ =	sdelay $0x2  }
0x3f: {  	[tilespmem:s20], [sflag:$0x1] =	stream.indirect_vreg.gather [hbm4b:s3+s2], $0x80, v4, vm0, $0xb8;
	[tilespmem:$0x8100] =	vst v63  }
0x40: {  	_ = 	snop  }
0x41: {  	[tilespmem:s21], [sflag:$0x1] =	stream.indirect_vreg.gather [hbm4b:s3+s2], $0x80, v3, vm0, $0xb8;
	[tilespmem:$0x8100] =	vst v63  }
0x42: {  	v3 =	vld [tilespmem:$0x40];
	_ =	sdelay $0x4  }
0x43: {  	v36 =	vshll.u32 v3, $0x1  }
0x44: {  	v3 =	vand.u32 $0x7, v3;
	v4 =	vand.u32 $0xFFFFFFF0, v36  }
0x45: {  	v3 =	vor.u32 v3, v4  }
0x46: {  	v4 =	vperm.xlane v3, v0;
	_ =	sdelay $0x1  }
0x47: {  	v3 =	vperm.xlane v3, v2;
	v4 =	vadd.s32 v1, v4;
	_ =	sdelay $0x1  }
0x48: {  	v3 =	vadd.s32 v1, v3;
	_ =	sdelay $0x2  }
0x49: {  	[tilespmem:s22], [sflag:$0x1] =	stream.indirect_vreg.gather [hbm4b:s3+s2], $0x80, v4, vm0, $0xb8;
	[tilespmem:$0x8100] =	vst v63  }
0x4a: {  	_ = 	snop  }
0x4b: {  	[tilespmem:s23], [sflag:$0x1] =	stream.indirect_vreg.gather [hbm4b:s3+s2], $0x80, v3, vm0, $0xb8;
	[tilespmem:$0x8100] =	vst v63  }
0x4c: {  	v3 =	vld [tilespmem:$0x50];
	_ =	sdelay $0x4  }
0x4d: {  	v37 =	vshll.u32 v3, $0x1  }
0x4e: {  	v3 =	vand.u32 $0x7, v3;
	v4 =	vand.u32 $0xFFFFFFF0, v37  }
0x4f: {  	v3 =	vor.u32 v3, v4  }
0x50: {  	v4 =	vperm.xlane v3, v0;
	_ =	sdelay $0x1  }
0x51: {  	v3 =	vperm.xlane v3, v2;
	v4 =	vadd.s32 v1, v4;
	_ =	sdelay $0x1  }
0x52: {  	v3 =	vadd.s32 v1, v3;
	_ =	sdelay $0x2  }
0x53: {  	[tilespmem:s24], [sflag:$0x1] =	stream.indirect_vreg.gather [hbm4b:s3+s2], $0x80, v4, vm0, $0xb8;
	[tilespmem:$0x8100] =	vst v63  }
0x54: {  	_ = 	snop  }
0x55: {  	[tilespmem:s25], [sflag:$0x1] =	stream.indirect_vreg.gather [hbm4b:s3+s2], $0x80, v3, vm0, $0xb8;
	[tilespmem:$0x8100] =	vst v63  }
0x56: {  	v3 =	vld [tilespmem:$0x60];
	_ =	sdelay $0x4  }
0x57: {  	v38 =	vshll.u32 v3, $0x1  }
0x58: {  	v3 =	vand.u32 $0x7, v3;
	v4 =	vand.u32 $0xFFFFFFF0, v38  }
0x59: {  	v3 =	vor.u32 v3, v4  }
0x5a: {  	v4 =	vperm.xlane v3, v0;
	_ =	sdelay $0x1  }
0x5b: {  	v3 =	vperm.xlane v3, v2;
	v4 =	vadd.s32 v1, v4;
	_ =	sdelay $0x1  }
0x5c: {  	v3 =	vadd.s32 v1, v3;
	_ =	sdelay $0x2  }
0x5d: {  	[tilespmem:s26], [sflag:$0x1] =	stream.indirect_vreg.gather [hbm4b:s3+s2], $0x80, v4, vm0, $0xb8;
	[tilespmem:$0x8100] =	vst v63  }
0x5e: {  	_ = 	snop  }
0x5f: {  	[tilespmem:s28], [sflag:$0x1] =	stream.indirect_vreg.gather [hbm4b:s3+s2], $0x80, v3, vm0, $0xb8;
	[tilespmem:$0x8100] =	vst v63  }
0x60: {  	v3 =	vld [tilespmem:$0x70];
	_ =	sdelay $0x4  }
0x61: {  	v39 =	vshll.u32 v3, $0x1  }
0x62: {  	v3 =	vand.u32 $0x7, v3;
	v4 =	vand.u32 $0xFFFFFFF0, v39  }
0x63: {  	v3 =	vor.u32 v3, v4  }
0x64: {  	v4 =	vperm.xlane v3, v0;
	_ =	sdelay $0x1  }
0x65: {  	v3 =	vperm.xlane v3, v2;
	v4 =	vadd.s32 v1, v4;
	_ =	sdelay $0x1  }
0x66: {  	v3 =	vadd.s32 v1, v3;
	_ =	sdelay $0x2  }
0x67: {  	[tilespmem:s29], [sflag:$0x1] =	stream.indirect_vreg.gather [hbm4b:s3+s2], $0x80, v4, vm0, $0xb8;
	[tilespmem:$0x8100] =	vst v63  }
0x68: {  	_ = 	snop  }
0x69: {  	[tilespmem:s30], [sflag:$0x1] =	stream.indirect_vreg.gather [hbm4b:s3+s2], $0x80, v3, vm0, $0xb8;
	[tilespmem:$0x8100] =	vst v63  }
0x6a: {  	_ =	swait.ge [sflag:s31], $0x8000  }
0x6b: {  	[sflag:s31] =	ssyncset.done $0x0  }
0x6c: {  	[sflag:s31] =	ssyncadd.s32 $0xFFFF8000  }
0x6d: {  	[hbm4b:s5+s2] =	stream.linear.scatter [tilespmem:s14], [sflag:$0x3], $0x8000, $0x38;
	[tilespmem:$0x8100] =	vst v63  }
0x6e: {  	_ =	swait.ge [sflag:s12], $0x8000  }
0x6f: {  	[sflag:s12] =	ssyncset.done $0x0  }
0x70: {  	[sflag:s12] =	ssyncadd.s32 $0xFFFF8000  }
0x71: {  	_ =	swait.ge [sflag:s0], $0x80  }
0x72: {  	[sflag:s0] =	ssyncset.done $0x0  }
0x73: {  	[sflag:s0] =	ssyncadd.s32 $0xFFFFFF80  }
0x74: {  	[tilespmem:s2], [sflag:$0x2] =	stream.linear.gather [hbm4b:s6+s2], $0x80, $0x38;
	[tilespmem:$0x8100] =	vst v63  }
0x75: {  	v3 =	vld [tilespmem:$0x80];
	_ =	sdelay $0x4  }
0x76: {  	v40 =	vshll.u32 v3, $0x1  }
0x77: {  	v3 =	vand.u32 $0x7, v3;
	v4 =	vand.u32 $0xFFFFFFF0, v40  }
0x78: {  	v3 =	vor.u32 v3, v4  }
0x79: {  	v4 =	vperm.xlane v3, v0;
	_ =	sdelay $0x1  }
0x7a: {  	v3 =	vperm.xlane v3, v2;
	v4 =	vadd.s32 v1, v4;
	_ =	sdelay $0x1  }
0x7b: {  	v3 =	vadd.s32 v1, v3;
	_ =	sdelay $0x2  }
0x7c: {  	[tilespmem:s14], [sflag:$0x1] =	stream.indirect_vreg.gather [hbm4b:s3+s2], $0x80, v4, vm0, $0xb8;
	[tilespmem:$0x8100] =	vst v63  }
0x7d: {  	_ = 	snop  }
0x7e: {  	[tilespmem:s15], [sflag:$0x1] =	stream.indirect_vreg.gather [hbm4b:s3+s2], $0x80, v3, vm0, $0xb8;
	[tilespmem:$0x8100] =	vst v63  }
0x7f: {  	v3 =	vld [tilespmem:$0x90];
	_ =	sdelay $0x4  }
0x80: {  	v41 =	vshll.u32 v3, $0x1  }
0x81: {  	v3 =	vand.u32 $0x7, v3;
	v4 =	vand.u32 $0xFFFFFFF0, v41  }
0x82: {  	v3 =	vor.u32 v3, v4  }
0x83: {  	v4 =	vperm.xlane v3, v0;
	_ =	sdelay $0x1  }
0x84: {  	v3 =	vperm.xlane v3, v2;
	v4 =	vadd.s32 v1, v4;
	_ =	sdelay $0x1  }
0x85: {  	v3 =	vadd.s32 v1, v3;
	_ =	sdelay $0x2  }
0x86: {  	[tilespmem:s16], [sflag:$0x1] =	stream.indirect_vreg.gather [hbm4b:s3+s2], $0x80, v4, vm0, $0xb8;
	[tilespmem:$0x8100] =	vst v63  }
0x87: {  	_ = 	snop  }
0x88: {  	[tilespmem:s17], [sflag:$0x1] =	stream.indirect_vreg.gather [hbm4b:s3+s2], $0x80, v3, vm0, $0xb8;
	[tilespmem:$0x8100] =	vst v63  }
0x89: {  	v3 =	vld [tilespmem:$0xA0];
	_ =	sdelay $0x4  }
0x8a: {  	v42 =	vshll.u32 v3, $0x1  }
0x8b: {  	v3 =	vand.u32 $0x7, v3;
	v4 =	vand.u32 $0xFFFFFFF0, v42  }
0x8c: {  	v3 =	vor.u32 v3, v4  }
0x8d: {  	v4 =	vperm.xlane v3, v0;
	_ =	sdelay $0x1  }
0x8e: {  	v3 =	vperm.xlane v3, v2;
	v4 =	vadd.s32 v1, v4;
	_ =	sdelay $0x1  }
0x8f: {  	v3 =	vadd.s32 v1, v3;
	_ =	sdelay $0x2  }
0x90: {  	[tilespmem:s18], [sflag:$0x1] =	stream.indirect_vreg.gather [hbm4b:s3+s2], $0x80, v4, vm0, $0xb8;
	[tilespmem:$0x8100] =	vst v63  }
0x91: {  	_ = 	snop  }
0x92: {  	[tilespmem:s19], [sflag:$0x1] =	stream.indirect_vreg.gather [hbm4b:s3+s2], $0x80, v3, vm0, $0xb8;
	[tilespmem:$0x8100] =	vst v63  }
0x93: {  	v3 =	vld [tilespmem:$0xB0];
	_ =	sdelay $0x4  }
0x94: {  	v43 =	vshll.u32 v3, $0x1  }
0x95: {  	v3 =	vand.u32 $0x7, v3;
	v4 =	vand.u32 $0xFFFFFFF0, v43  }
0x96: {  	v3 =	vor.u32 v3, v4  }
0x97: {  	v4 =	vperm.xlane v3, v0;
	_ =	sdelay $0x1  }
0x98: {  	v3 =	vperm.xlane v3, v2;
	v4 =	vadd.s32 v1, v4;
	_ =	sdelay $0x1  }
0x99: {  	v3 =	vadd.s32 v1, v3;
	_ =	sdelay $0x2  }
0x9a: {  	[tilespmem:s20], [sflag:$0x1] =	stream.indirect_vreg.gather [hbm4b:s3+s2], $0x80, v4, vm0, $0xb8;
	[tilespmem:$0x8100] =	vst v63  }
0x9b: {  	_ = 	snop  }
0x9c: {  	[tilespmem:s21], [sflag:$0x1] =	stream.indirect_vreg.gather [hbm4b:s3+s2], $0x80, v3, vm0, $0xb8;
	[tilespmem:$0x8100] =	vst v63  }
0x9d: {  	v3 =	vld [tilespmem:$0xC0];
	_ =	sdelay $0x4  }
0x9e: {  	v44 =	vshll.u32 v3, $0x1  }
0x9f: {  	v3 =	vand.u32 $0x7, v3;
	v4 =	vand.u32 $0xFFFFFFF0, v44  }
0xa0: {  	v3 =	vor.u32 v3, v4  }
0xa1: {  	v4 =	vperm.xlane v3, v0;
	_ =	sdelay $0x1  }
0xa2: {  	v3 =	vperm.xlane v3, v2;
	v4 =	vadd.s32 v1, v4;
	_ =	sdelay $0x1  }
0xa3: {  	v3 =	vadd.s32 v1, v3;
	_ =	sdelay $0x2  }
0xa4: {  	[tilespmem:s22], [sflag:$0x1] =	stream.indirect_vreg.gather [hbm4b:s3+s2], $0x80, v4, vm0, $0xb8;
	[tilespmem:$0x8100] =	vst v63  }
0xa5: {  	_ = 	snop  }
0xa6: {  	[tilespmem:s23], [sflag:$0x1] =	stream.indirect_vreg.gather [hbm4b:s3+s2], $0x80, v3, vm0, $0xb8;
	[tilespmem:$0x8100] =	vst v63  }
0xa7: {  	v3 =	vld [tilespmem:$0xD0];
	_ =	sdelay $0x4  }
0xa8: {  	v45 =	vshll.u32 v3, $0x1  }
0xa9: {  	v3 =	vand.u32 $0x7, v3;
	v4 =	vand.u32 $0xFFFFFFF0, v45  }
0xaa: {  	v3 =	vor.u32 v3, v4  }
0xab: {  	v4 =	vperm.xlane v3, v0;
	_ =	sdelay $0x1  }
0xac: {  	v3 =	vperm.xlane v3, v2;
	v4 =	vadd.s32 v1, v4;
	_ =	sdelay $0x1  }
0xad: {  	v3 =	vadd.s32 v1, v3;
	_ =	sdelay $0x2  }
0xae: {  	[tilespmem:s24], [sflag:$0x1] =	stream.indirect_vreg.gather [hbm4b:s3+s2], $0x80, v4, vm0, $0xb8;
	[tilespmem:$0x8100] =	vst v63  }
0xaf: {  	_ = 	snop  }
0xb0: {  	[tilespmem:s25], [sflag:$0x1] =	stream.indirect_vreg.gather [hbm4b:s3+s2], $0x80, v3, vm0, $0xb8;
	[tilespmem:$0x8100] =	vst v63  }
0xb1: {  	v3 =	vld [tilespmem:$0xE0];
	_ =	sdelay $0x4  }
0xb2: {  	v46 =	vshll.u32 v3, $0x1  }
0xb3: {  	v3 =	vand.u32 $0x7, v3;
	v4 =	vand.u32 $0xFFFFFFF0, v46  }
0xb4: {  	v3 =	vor.u32 v3, v4  }
0xb5: {  	v4 =	vperm.xlane v3, v0;
	_ =	sdelay $0x1  }
0xb6: {  	v3 =	vperm.xlane v3, v2;
	v4 =	vadd.s32 v1, v4;
	_ =	sdelay $0x1  }
0xb7: {  	v3 =	vadd.s32 v1, v3;
	_ =	sdelay $0x2  }
0xb8: {  	[tilespmem:s26], [sflag:$0x1] =	stream.indirect_vreg.gather [hbm4b:s3+s2], $0x80, v4, vm0, $0xb8;
	[tilespmem:$0x8100] =	vst v63  }
0xb9: {  	_ = 	snop  }
0xba: {  	[tilespmem:s28], [sflag:$0x1] =	stream.indirect_vreg.gather [hbm4b:s3+s2], $0x80, v3, vm0, $0xb8;
	[tilespmem:$0x8100] =	vst v63  }
0xbb: {  	v3 =	vld [tilespmem:$0xF0];
	_ =	sdelay $0x4  }
0xbc: {  	v47 =	vshll.u32 v3, $0x1  }
0xbd: {  	v3 =	vand.u32 $0x7, v3;
	v4 =	vand.u32 $0xFFFFFFF0, v47  }
0xbe: {  	v3 =	vor.u32 v3, v4  }
0xbf: {  	v4 =	vperm.xlane v3, v0;
	_ =	sdelay $0x1  }
0xc0: {  	v3 =	vperm.xlane v3, v2;
	v4 =	vadd.s32 v1, v4;
	_ =	sdelay $0x1  }
0xc1: {  	v3 =	vadd.s32 v1, v3;
	_ =	sdelay $0x2  }
0xc2: {  	[tilespmem:s29], [sflag:$0x1] =	stream.indirect_vreg.gather [hbm4b:s3+s2], $0x80, v4, vm0, $0xb8;
	[tilespmem:$0x8100] =	vst v63  }
0xc3: {  	_ = 	snop  }
0xc4: {  	[tilespmem:s30], [sflag:$0x1] =	stream.indirect_vreg.gather [hbm4b:s3+s2], $0x80, v3, vm0, $0xb8;
	[tilespmem:$0x8100] =	vst v63  }
0xc5: {  	_ =	swait.ge [sflag:s31], $0x8000  }
0xc6: {  	[sflag:s31] =	ssyncset.done $0x0  }
0xc7: {  	[sflag:s31] =	ssyncadd.s32 $0xFFFF8000  }
0xc8: {  	[hbm4b:s7+s2] =	stream.linear.scatter [tilespmem:s14], [sflag:$0x3], $0x8000, $0x38;
	[tilespmem:$0x8100] =	vst v63  }
0xc9: {  	_ =	swait.ge [sflag:s12], $0x8000  }
0xca: {  	[sflag:s12] =	ssyncset.done $0x0  }
0xcb: {  	[sflag:s12] =	ssyncadd.s32 $0xFFFF8000  }
0xcc: {  	_ =	swait.ge [sflag:s0], $0x80  }
0xcd: {  	[sflag:s0] =	ssyncset.done $0x0  }
0xce: {  	[sflag:s0] =	ssyncadd.s32 $0xFFFFFF80  }
0xcf: {  	[tilespmem:s13], [sflag:$0x2] =	stream.linear.gather [hbm4b:s8+s2], $0x80, $0x38;
	[tilespmem:$0x8100] =	vst v63  }
0xd0: {  	v3 =	vld [tilespmem:$0x0];
	_ =	sdelay $0x4  }
0xd1: {  	v48 =	vshll.u32 v3, $0x1  }
0xd2: {  	v3 =	vand.u32 $0x7, v3;
	v4 =	vand.u32 $0xFFFFFFF0, v48  }
0xd3: {  	v3 =	vor.u32 v3, v4  }
0xd4: {  	v4 =	vperm.xlane v3, v0;
	_ =	sdelay $0x1  }
0xd5: {  	v3 =	vperm.xlane v3, v2;
	v4 =	vadd.s32 v1, v4;
	_ =	sdelay $0x1  }
0xd6: {  	v3 =	vadd.s32 v1, v3;
	_ =	sdelay $0x2  }
0xd7: {  	[tilespmem:s14], [sflag:$0x1] =	stream.indirect_vreg.gather [hbm4b:s3+s2], $0x80, v4, vm0, $0xb8;
	[tilespmem:$0x8100] =	vst v63  }
0xd8: {  	_ = 	snop  }
0xd9: {  	[tilespmem:s15], [sflag:$0x1] =	stream.indirect_vreg.gather [hbm4b:s3+s2], $0x80, v3, vm0, $0xb8;
	[tilespmem:$0x8100] =	vst v63  }
0xda: {  	v3 =	vld [tilespmem:$0x10];
	_ =	sdelay $0x4  }
0xdb: {  	v49 =	vshll.u32 v3, $0x1  }
0xdc: {  	v3 =	vand.u32 $0x7, v3;
	v4 =	vand.u32 $0xFFFFFFF0, v49  }
0xdd: {  	v3 =	vor.u32 v3, v4  }
0xde: {  	v4 =	vperm.xlane v3, v0;
	_ =	sdelay $0x1  }
0xdf: {  	v3 =	vperm.xlane v3, v2;
	v4 =	vadd.s32 v1, v4;
	_ =	sdelay $0x1  }
0xe0: {  	v3 =	vadd.s32 v1, v3;
	_ =	sdelay $0x2  }
0xe1: {  	[tilespmem:s16], [sflag:$0x1] =	stream.indirect_vreg.gather [hbm4b:s3+s2], $0x80, v4, vm0, $0xb8;
	[tilespmem:$0x8100] =	vst v63  }
0xe2: {  	_ = 	snop  }
0xe3: {  	[tilespmem:s17], [sflag:$0x1] =	stream.indirect_vreg.gather [hbm4b:s3+s2], $0x80, v3, vm0, $0xb8;
	[tilespmem:$0x8100] =	vst v63  }
0xe4: {  	v3 =	vld [tilespmem:$0x20];
	_ =	sdelay $0x4  }
0xe5: {  	v50 =	vshll.u32 v3, $0x1  }
0xe6: {  	v3 =	vand.u32 $0x7, v3;
	v4 =	vand.u32 $0xFFFFFFF0, v50  }
0xe7: {  	v3 =	vor.u32 v3, v4  }
0xe8: {  	v4 =	vperm.xlane v3, v0;
	_ =	sdelay $0x1  }
0xe9: {  	v3 =	vperm.xlane v3, v2;
	v4 =	vadd.s32 v1, v4;
	_ =	sdelay $0x1  }
0xea: {  	v3 =	vadd.s32 v1, v3;
	_ =	sdelay $0x2  }
0xeb: {  	[tilespmem:s18], [sflag:$0x1] =	stream.indirect_vreg.gather [hbm4b:s3+s2], $0x80, v4, vm0, $0xb8;
	[tilespmem:$0x8100] =	vst v63  }
0xec: {  	_ = 	snop  }
0xed: {  	[tilespmem:s19], [sflag:$0x1] =	stream.indirect_vreg.gather [hbm4b:s3+s2], $0x80, v3, vm0, $0xb8;
	[tilespmem:$0x8100] =	vst v63  }
0xee: {  	v3 =	vld [tilespmem:$0x30];
	_ =	sdelay $0x4  }
0xef: {  	v51 =	vshll.u32 v3, $0x1  }
0xf0: {  	v3 =	vand.u32 $0x7, v3;
	v4 =	vand.u32 $0xFFFFFFF0, v51  }
0xf1: {  	v3 =	vor.u32 v3, v4  }
0xf2: {  	v4 =	vperm.xlane v3, v0;
	_ =	sdelay $0x1  }
0xf3: {  	v3 =	vperm.xlane v3, v2;
	v4 =	vadd.s32 v1, v4;
	_ =	sdelay $0x1  }
0xf4: {  	v3 =	vadd.s32 v1, v3;
	_ =	sdelay $0x2  }
0xf5: {  	[tilespmem:s20], [sflag:$0x1] =	stream.indirect_vreg.gather [hbm4b:s3+s2], $0x80, v4, vm0, $0xb8;
	[tilespmem:$0x8100] =	vst v63  }
0xf6: {  	_ = 	snop  }
0xf7: {  	[tilespmem:s21], [sflag:$0x1] =	stream.indirect_vreg.gather [hbm4b:s3+s2], $0x80, v3, vm0, $0xb8;
	[tilespmem:$0x8100] =	vst v63  }
0xf8: {  	v3 =	vld [tilespmem:$0x40];
	_ =	sdelay $0x4  }
0xf9: {  	v52 =	vshll.u32 v3, $0x1  }
0xfa: {  	v3 =	vand.u32 $0x7, v3;
	v4 =	vand.u32 $0xFFFFFFF0, v52  }
0xfb: {  	v3 =	vor.u32 v3, v4  }
0xfc: {  	v4 =	vperm.xlane v3, v0;
	_ =	sdelay $0x1  }
0xfd: {  	v3 =	vperm.xlane v3, v2;
	v4 =	vadd.s32 v1, v4;
	_ =	sdelay $0x1  }
0xfe: {  	v3 =	vadd.s32 v1, v3;
	_ =	sdelay $0x2  }
0xff: {  	[tilespmem:s22], [sflag:$0x1] =	stream.indirect_vreg.gather [hbm4b:s3+s2], $0x80, v4, vm0, $0xb8;
	[tilespmem:$0x8100] =	vst v63  }
0x100: {  	_ = 	snop  }
0x101: {  	[tilespmem:s23], [sflag:$0x1] =	stream.indirect_vreg.gather [hbm4b:s3+s2], $0x80, v3, vm0, $0xb8;
	[tilespmem:$0x8100] =	vst v63  }
0x102: {  	v3 =	vld [tilespmem:$0x50];
	_ =	sdelay $0x4  }
0x103: {  	v53 =	vshll.u32 v3, $0x1  }
0x104: {  	v3 =	vand.u32 $0x7, v3;
	v4 =	vand.u32 $0xFFFFFFF0, v53  }
0x105: {  	v3 =	vor.u32 v3, v4  }
0x106: {  	v4 =	vperm.xlane v3, v0;
	_ =	sdelay $0x1  }
0x107: {  	v3 =	vperm.xlane v3, v2;
	v4 =	vadd.s32 v1, v4;
	_ =	sdelay $0x1  }
0x108: {  	v3 =	vadd.s32 v1, v3;
	_ =	sdelay $0x2  }
0x109: {  	[tilespmem:s24], [sflag:$0x1] =	stream.indirect_vreg.gather [hbm4b:s3+s2], $0x80, v4, vm0, $0xb8;
	[tilespmem:$0x8100] =	vst v63  }
0x10a: {  	_ = 	snop  }
0x10b: {  	[tilespmem:s25], [sflag:$0x1] =	stream.indirect_vreg.gather [hbm4b:s3+s2], $0x80, v3, vm0, $0xb8;
	[tilespmem:$0x8100] =	vst v63  }
0x10c: {  	v3 =	vld [tilespmem:$0x60];
	_ =	sdelay $0x4  }
0x10d: {  	v54 =	vshll.u32 v3, $0x1  }
0x10e: {  	v3 =	vand.u32 $0x7, v3;
	v4 =	vand.u32 $0xFFFFFFF0, v54  }
0x10f: {  	v3 =	vor.u32 v3, v4  }
0x110: {  	v4 =	vperm.xlane v3, v0;
	_ =	sdelay $0x1  }
0x111: {  	v3 =	vperm.xlane v3, v2;
	v4 =	vadd.s32 v1, v4;
	_ =	sdelay $0x1  }
0x112: {  	v3 =	vadd.s32 v1, v3;
	_ =	sdelay $0x2  }
0x113: {  	[tilespmem:s26], [sflag:$0x1] =	stream.indirect_vreg.gather [hbm4b:s3+s2], $0x80, v4, vm0, $0xb8;
	[tilespmem:$0x8100] =	vst v63  }
0x114: {  	_ = 	snop  }
0x115: {  	[tilespmem:s28], [sflag:$0x1] =	stream.indirect_vreg.gather [hbm4b:s3+s2], $0x80, v3, vm0, $0xb8;
	[tilespmem:$0x8100] =	vst v63  }
0x116: {  	v3 =	vld [tilespmem:$0x70];
	_ =	sdelay $0x4  }
0x117: {  	v55 =	vshll.u32 v3, $0x1  }
0x118: {  	v3 =	vand.u32 $0x7, v3;
	v4 =	vand.u32 $0xFFFFFFF0, v55  }
0x119: {  	v3 =	vor.u32 v3, v4  }
0x11a: {  	v4 =	vperm.xlane v3, v0;
	_ =	sdelay $0x1  }
0x11b: {  	v3 =	vperm.xlane v3, v2;
	v4 =	vadd.s32 v1, v4;
	_ =	sdelay $0x1  }
0x11c: {  	v3 =	vadd.s32 v1, v3;
	_ =	sdelay $0x2  }
0x11d: {  	[tilespmem:s29], [sflag:$0x1] =	stream.indirect_vreg.gather [hbm4b:s3+s2], $0x80, v4, vm0, $0xb8;
	[tilespmem:$0x8100] =	vst v63  }
0x11e: {  	_ = 	snop  }
0x11f: {  	[tilespmem:s30], [sflag:$0x1] =	stream.indirect_vreg.gather [hbm4b:s3+s2], $0x80, v3, vm0, $0xb8;
	[tilespmem:$0x8100] =	vst v63  }
0x120: {  	_ =	swait.ge [sflag:s31], $0x8000  }
0x121: {  	[sflag:s31] =	ssyncset.done $0x0  }
0x122: {  	[sflag:s31] =	ssyncadd.s32 $0xFFFF8000  }
0x123: {  	[hbm4b:s9+s2] =	stream.linear.scatter [tilespmem:s14], [sflag:$0x3], $0x8000, $0x38;
	[tilespmem:$0x8100] =	vst v63  }
0x124: {  	_ =	swait.ge [sflag:s12], $0x8000  }
0x125: {  	[sflag:s12] =	ssyncset.done $0x0  }
0x126: {  	[sflag:s12] =	ssyncadd.s32 $0xFFFF8000  }
0x127: {  	_ =	swait.ge [sflag:s0], $0x80  }
0x128: {  	[sflag:s0] =	ssyncset.done $0x0  }
0x129: {  	[sflag:s0] =	ssyncadd.s32 $0xFFFFFF80  }
0x12a: {  	v3 =	vld [tilespmem:$0x80];
	_ =	sdelay $0x4  }
0x12b: {  	v56 =	vshll.u32 v3, $0x1  }
0x12c: {  	v3 =	vand.u32 $0x7, v3;
	v4 =	vand.u32 $0xFFFFFFF0, v56  }
0x12d: {  	v3 =	vor.u32 v3, v4  }
0x12e: {  	v4 =	vperm.xlane v3, v0;
	_ =	sdelay $0x1  }
0x12f: {  	v3 =	vperm.xlane v3, v2;
	v4 =	vadd.s32 v1, v4;
	_ =	sdelay $0x1  }
0x130: {  	v3 =	vadd.s32 v1, v3;
	_ =	sdelay $0x2  }
0x131: {  	[tilespmem:s14], [sflag:$0x1] =	stream.indirect_vreg.gather [hbm4b:s3+s2], $0x80, v4, vm0, $0xb8;
	[tilespmem:$0x8100] =	vst v63  }
0x132: {  	_ = 	snop  }
0x133: {  	[tilespmem:s15], [sflag:$0x1] =	stream.indirect_vreg.gather [hbm4b:s3+s2], $0x80, v3, vm0, $0xb8;
	[tilespmem:$0x8100] =	vst v63  }
0x134: {  	v3 =	vld [tilespmem:$0x90];
	_ =	sdelay $0x4  }
0x135: {  	v57 =	vshll.u32 v3, $0x1  }
0x136: {  	v3 =	vand.u32 $0x7, v3;
	v4 =	vand.u32 $0xFFFFFFF0, v57  }
0x137: {  	v3 =	vor.u32 v3, v4  }
0x138: {  	v4 =	vperm.xlane v3, v0;
	_ =	sdelay $0x1  }
0x139: {  	v3 =	vperm.xlane v3, v2;
	v4 =	vadd.s32 v1, v4;
	_ =	sdelay $0x1  }
0x13a: {  	v3 =	vadd.s32 v1, v3;
	_ =	sdelay $0x2  }
0x13b: {  	[tilespmem:s16], [sflag:$0x1] =	stream.indirect_vreg.gather [hbm4b:s3+s2], $0x80, v4, vm0, $0xb8;
	[tilespmem:$0x8100] =	vst v63  }
0x13c: {  	_ = 	snop  }
0x13d: {  	[tilespmem:s17], [sflag:$0x1] =	stream.indirect_vreg.gather [hbm4b:s3+s2], $0x80, v3, vm0, $0xb8;
	[tilespmem:$0x8100] =	vst v63  }
0x13e: {  	v3 =	vld [tilespmem:$0xA0];
	_ =	sdelay $0x4  }
0x13f: {  	v58 =	vshll.u32 v3, $0x1  }
0x140: {  	v3 =	vand.u32 $0x7, v3;
	v4 =	vand.u32 $0xFFFFFFF0, v58  }
0x141: {  	v3 =	vor.u32 v3, v4  }
0x142: {  	v4 =	vperm.xlane v3, v0;
	_ =	sdelay $0x1  }
0x143: {  	v3 =	vperm.xlane v3, v2;
	v4 =	vadd.s32 v1, v4;
	_ =	sdelay $0x1  }
0x144: {  	v3 =	vadd.s32 v1, v3;
	_ =	sdelay $0x2  }
0x145: {  	[tilespmem:s18], [sflag:$0x1] =	stream.indirect_vreg.gather [hbm4b:s3+s2], $0x80, v4, vm0, $0xb8;
	[tilespmem:$0x8100] =	vst v63  }
0x146: {  	_ = 	snop  }
0x147: {  	[tilespmem:s19], [sflag:$0x1] =	stream.indirect_vreg.gather [hbm4b:s3+s2], $0x80, v3, vm0, $0xb8;
	[tilespmem:$0x8100] =	vst v63  }
0x148: {  	v3 =	vld [tilespmem:$0xB0];
	_ =	sdelay $0x4  }
0x149: {  	v59 =	vshll.u32 v3, $0x1  }
0x14a: {  	v3 =	vand.u32 $0x7, v3;
	v4 =	vand.u32 $0xFFFFFFF0, v59  }
0x14b: {  	v3 =	vor.u32 v3, v4  }
0x14c: {  	v4 =	vperm.xlane v3, v0;
	_ =	sdelay $0x1  }
0x14d: {  	v3 =	vperm.xlane v3, v2;
	v4 =	vadd.s32 v1, v4;
	_ =	sdelay $0x1  }
0x14e: {  	v3 =	vadd.s32 v1, v3;
	_ =	sdelay $0x2  }
0x14f: {  	[tilespmem:s20], [sflag:$0x1] =	stream.indirect_vreg.gather [hbm4b:s3+s2], $0x80, v4, vm0, $0xb8;
	[tilespmem:$0x8100] =	vst v63  }
0x150: {  	_ = 	snop  }
0x151: {  	[tilespmem:s21], [sflag:$0x1] =	stream.indirect_vreg.gather [hbm4b:s3+s2], $0x80, v3, vm0, $0xb8;
	[tilespmem:$0x8100] =	vst v63  }
0x152: {  	v3 =	vld [tilespmem:$0xC0];
	_ =	sdelay $0x4  }
0x153: {  	v60 =	vshll.u32 v3, $0x1  }
0x154: {  	v3 =	vand.u32 $0x7, v3;
	v4 =	vand.u32 $0xFFFFFFF0, v60  }
0x155: {  	v3 =	vor.u32 v3, v4  }
0x156: {  	v4 =	vperm.xlane v3, v0;
	_ =	sdelay $0x1  }
0x157: {  	v3 =	vperm.xlane v3, v2;
	v4 =	vadd.s32 v1, v4;
	_ =	sdelay $0x1  }
0x158: {  	v3 =	vadd.s32 v1, v3;
	_ =	sdelay $0x2  }
0x159: {  	[tilespmem:s22], [sflag:$0x1] =	stream.indirect_vreg.gather [hbm4b:s3+s2], $0x80, v4, vm0, $0xb8;
	[tilespmem:$0x8100] =	vst v63  }
0x15a: {  	_ = 	snop  }
0x15b: {  	[tilespmem:s23], [sflag:$0x1] =	stream.indirect_vreg.gather [hbm4b:s3+s2], $0x80, v3, vm0, $0xb8;
	[tilespmem:$0x8100] =	vst v63  }
0x15c: {  	v3 =	vld [tilespmem:$0xD0];
	_ =	sdelay $0x4  }
0x15d: {  	v61 =	vshll.u32 v3, $0x1  }
0x15e: {  	v3 =	vand.u32 $0x7, v3;
	v4 =	vand.u32 $0xFFFFFFF0, v61  }
0x15f: {  	v3 =	vor.u32 v3, v4  }
0x160: {  	v4 =	vperm.xlane v3, v0;
	_ =	sdelay $0x1  }
0x161: {  	v3 =	vperm.xlane v3, v2;
	v4 =	vadd.s32 v1, v4;
	_ =	sdelay $0x1  }
0x162: {  	v3 =	vadd.s32 v1, v3;
	_ =	sdelay $0x2  }
0x163: {  	[tilespmem:s24], [sflag:$0x1] =	stream.indirect_vreg.gather [hbm4b:s3+s2], $0x80, v4, vm0, $0xb8;
	[tilespmem:$0x8100] =	vst v63  }
0x164: {  	_ = 	snop  }
0x165: {  	[tilespmem:s25], [sflag:$0x1] =	stream.indirect_vreg.gather [hbm4b:s3+s2], $0x80, v3, vm0, $0xb8;
	[tilespmem:$0x8100] =	vst v63  }
0x166: {  	v3 =	vld [tilespmem:$0xE0];
	_ =	sdelay $0x4  }
0x167: {  	v62 =	vshll.u32 v3, $0x1  }
0x168: {  	v3 =	vand.u32 $0x7, v3;
	v4 =	vand.u32 $0xFFFFFFF0, v62  }
0x169: {  	v3 =	vor.u32 v3, v4  }
0x16a: {  	v4 =	vperm.xlane v3, v0;
	_ =	sdelay $0x1  }
0x16b: {  	v3 =	vperm.xlane v3, v2;
	v4 =	vadd.s32 v1, v4;
	_ =	sdelay $0x1  }
0x16c: {  	v3 =	vadd.s32 v1, v3;
	_ =	sdelay $0x2  }
0x16d: {  	[tilespmem:s26], [sflag:$0x1] =	stream.indirect_vreg.gather [hbm4b:s3+s2], $0x80, v4, vm0, $0xb8;
	[tilespmem:$0x8100] =	vst v63  }
0x16e: {  	_ = 	snop  }
0x16f: {  	[tilespmem:s28], [sflag:$0x1] =	stream.indirect_vreg.gather [hbm4b:s3+s2], $0x80, v3, vm0, $0xb8;
	[tilespmem:$0x8100] =	vst v63  }
0x170: {  	v3 =	vld [tilespmem:$0xF0];
	_ =	sdelay $0x4  }
0x171: {  	v63 =	vshll.u32 v3, $0x1  }
0x172: {  	v3 =	vand.u32 $0x7, v3;
	v4 =	vand.u32 $0xFFFFFFF0, v63  }
0x173: {  	v3 =	vor.u32 v3, v4  }
0x174: {  	v4 =	vperm.xlane v3, v0;
	_ =	sdelay $0x1  }
0x175: {  	v3 =	vperm.xlane v3, v2;
	v4 =	vadd.s32 v1, v4;
	_ =	sdelay $0x1  }
0x176: {  	v3 =	vadd.s32 v1, v3;
	_ =	sdelay $0x2  }
0x177: {  	[tilespmem:s29], [sflag:$0x1] =	stream.indirect_vreg.gather [hbm4b:s3+s2], $0x80, v4, vm0, $0xb8;
	[tilespmem:$0x8100] =	vst v63  }
0x178: {  	_ = 	snop  }
0x179: {  	[tilespmem:s30], [sflag:$0x1] =	stream.indirect_vreg.gather [hbm4b:s3+s2], $0x80, v3, vm0, $0xb8;
	[tilespmem:$0x8100] =	vst v63  }
0x17a: {  	_ =	swait.ge [sflag:s31], $0x8000  }
0x17b: {  	p0 =	sne.s32 s11, $0x1;
	[sflag:s31] =	ssyncset.done $0x0  }
.Ltmp0:
0x17c: {  	[sflag:s31] =	ssyncadd.s32 $0xFFFF8000;
	(pc) =	sbr.rel @p0 .LBB2_1-.Ltmp0, $4  }
0x17d: {  	[hbm4b:s10+s2] =	stream.linear.scatter [tilespmem:s14], [sflag:$0x3], $0x8000, $0x38;
	[tilespmem:$0x8100] =	vst v63  }
0x17e: {  	_ =	swait.ge [sflag:s12], $0x8000  }
0x17f: {  	[sflag:s12] =	ssyncset.done $0x0  }
0x180: {  	s11 =	sadd.s32 $0xFFFFFFFF, s11;
	[sflag:s12] =	ssyncadd.s32 $0xFFFF8000  }
0x181: {  	_ =	sfence.sel $0x180000  }
0x182: {  	[bflag:$0x0] =	sbarrier.arrive $0xFFFF  }
0x183: {  	_ =	strace $0x90000050  }
0x184: {  	s0 =	stileid.u32;
	[bflag:$0x2] =	sbarrier.arrive $0xFFFF  }
0x185: {  	p0 =	sne.s32 s0, $0x0;
	s0 =	rddreg [dreg:$0x1]  }
0x186: {  	s0 =	sadd.s32 @!p0 $0x100000, s0  }
0x187: {  	[sflag:s0] =	ssyncadd.tile.s32 @!p0 $0x1;
	_ =	shalt  }
.Lfunc_end2:
_tile_overlayer_lowered:
.L_overlay_start_2:
0x188: {  	(tag) =	ssettag $0x2  }
0x189: {  	s0 =	rddreg [dreg:$0x0];
	s2 =	stileid.u32  }
0x18a: {  	s1 =	rddreg [dreg:$0x1];
	p0 =	sne.s32 s2, $0x0  }
0x18b: {  	s3 =	rddreg [dreg:$0x2];
	[bflag:$0x3] =	sbarrier.arrive $0xFFFF;
	s2 =	simm.s32 @!p0 $0x1C03  }
0x18c: {  	[timem:s3], [sflag:s2] =	dma.local @!p0 [hbm:s0], s1  }
0x18d: {  	s0 =	simm.s32 @!p0 $0x3  }
0x18e: {  	_ =	swait.ge @!p0 [sflag:s0], s1  }
0x18f: {  	s1 =	ssub.s32 @!p0 $0x0, s1;
	[sflag:s0] =	ssyncset.done @!p0 $0x0  }
0x190: {  	[sflag:s0] =	ssyncadd.s32 @!p0 s1  }
0x191: {  	[bflag:$0x3] =	sbarrier.arrive $0xFFFF  }
0x192: {  	_ =	shalt  }

</sc_bundles>
